<compile_context>
chip_gen: v7x
topology: tpu7x:2x2x1
jax: 0.10.2.dev20260603
libtpu: 0.0.44.dev20260713+nightly
codegen_flags: <defaults>
</compile_context>

<pallas_src>
import functools

import jax
import jax.numpy as jnp
from jax import lax
from jax.experimental import pallas as pl
from jax.experimental.pallas import tpu as pltpu
from jax.experimental.pallas import tpu_sc as plsc

N = 10000
NP = 10240
E = 160000
D = 256
HALF = 128
C_OUT = 8
BLK = 256
NBLK = NP // BLK
NSUB = 16
CH = 125
NPH = 2
CPW = E // (NSUB * CH)
RPS = NP // NSUB


def _sc_degrees_body(e_ref, ones_ref, z_ref, deg_ref, idxs_v, ones_v, deg_sh):
    c = lax.axis_index("c")
    s = lax.axis_index("s")
    pltpu.sync_copy(z_ref, deg_sh.at[pl.ds(s * RPS, RPS)])
    pltpu.sync_copy(ones_ref, ones_v)
    pltpu.sync_copy(e_ref.at[c * NSUB + s], idxs_v)
    plsc.subcore_barrier()

    def chunk(g, carry):
        pltpu.sync_copy(ones_v, deg_sh.at[idxs_v.at[g]], add=True)
        return carry

    lax.fori_loop(0, CPW, chunk, 0)
    plsc.subcore_barrier()
    sl = pl.ds(s * RPS, RPS)
    pltpu.sync_copy(deg_sh.at[sl], deg_ref.at[c].at[sl])


def _sc_segsum_body(e_ref, p0_ref, p1_ref, z_ref, out0_ref, out1_ref,
                    sidx_v, didx_v, rows0_v, rows1_v, agg_sh, sem0, sem1):
    c = lax.axis_index("c")
    s = lax.axis_index("s")
    pltpu.sync_copy(z_ref, agg_sh.at[pl.ds(s * RPS, RPS)])
    plsc.subcore_barrier()
    PH = CPW // NPH

    def run(p_ref):
        def gather(g, rows, sem):
            gw = jnp.where(g < PH, g, 0)
            pltpu.async_copy(p_ref.at[sidx_v.at[gw]], rows, sem)

        def gwait(g, rows, sem):
            gw = jnp.where(g < PH, g, 0)
            pltpu.make_async_copy(p_ref.at[sidx_v.at[gw]], rows, sem).wait()

        def scat(g, rows):
            pltpu.sync_copy(rows, agg_sh.at[didx_v.at[g]], add=True)

        def pair(k, carry):
            g = 2 * k
            gather(g + 1, rows1_v, sem1)
            gwait(g, rows0_v, sem0)
            scat(g, rows0_v)
            gather(g + 2, rows0_v, sem0)
            gwait(g + 1, rows1_v, sem1)
            scat(g + 1, rows1_v)
            return carry

        for ph in range(NPH):
            pltpu.sync_copy(e_ref.at[s, pl.ds(ph * PH, PH)], sidx_v)
            pltpu.sync_copy(e_ref.at[NSUB + s, pl.ds(ph * PH, PH)], didx_v)
            gather(0, rows0_v, sem0)
            lax.fori_loop(0, PH // 2, pair, 0)
            gwait(PH, rows0_v, sem0)

    pl.when(c == 0)(lambda: run(p0_ref))
    pl.when(c == 1)(lambda: run(p1_ref))
    plsc.subcore_barrier()
    sl = pl.ds(s * RPS, RPS)
    pl.when(c == 0)(lambda: pltpu.sync_copy(agg_sh.at[sl], out0_ref.at[sl]))
    pl.when(c == 1)(lambda: pltpu.sync_copy(agg_sh.at[sl], out1_ref.at[sl]))


@functools.cache
def _sc_kernels():
    mesh = plsc.VectorSubcoreMesh(core_axis_name="c", subcore_axis_name="s")
    degrees = pl.kernel(
        _sc_degrees_body,
        mesh=mesh,
        out_type=jax.ShapeDtypeStruct((2, NP, HALF), jnp.float32),
        scratch_types=[
            pltpu.VMEM((CPW, CH), jnp.int32),
            pltpu.VMEM((CH, HALF), jnp.float32),
            pltpu.VMEM_SHARED((NP, HALF), jnp.float32),
        ],
    )
    segsum = pl.kernel(
        _sc_segsum_body,
        mesh=mesh,
        out_type=[
            jax.ShapeDtypeStruct((NP, HALF), jnp.float32),
            jax.ShapeDtypeStruct((NP, HALF), jnp.float32),
        ],
        scratch_types=[
            pltpu.VMEM((CPW // NPH, CH), jnp.int32),
            pltpu.VMEM((CPW // NPH, CH), jnp.int32),
            pltpu.VMEM((CH, HALF), jnp.float32),
            pltpu.VMEM((CH, HALF), jnp.float32),
            pltpu.VMEM_SHARED((NP, HALF), jnp.float32),
            pltpu.SemaphoreType.DMA,
            pltpu.SemaphoreType.DMA,
        ],
    )
    return degrees, segsum



def _norm_col(deg_ref):
    d = deg_ref[:, 0:1]
    return jnp.where(d > 0.0, 1.0 / jnp.sqrt(jnp.maximum(d, 1.0)), 0.0)


def _dot(a, b):
    return lax.dot_general(a, b, (((1,), (0,)), ((), ())),
                           precision=lax.Precision.HIGHEST,
                           preferred_element_type=jnp.float32)


def _mm1_body(x_ref, dego_ref, w_ref, out0_ref, out1_ref):
    ns = _norm_col(dego_ref)
    p = _dot(x_ref[...] * ns, w_ref[...])
    out0_ref[...] = p[:, :HALF]
    out1_ref[...] = p[:, HALF:]


def _mm2_body(a0_ref, a1_ref, degi_ref, dego_ref, b_ref, w_ref, out0_ref, out1_ref):
    nd = _norm_col(degi_ref)
    ns = _norm_col(dego_ref)
    h0 = jnp.tanh(a0_ref[...] * nd + b_ref[0:1, :]) * ns
    h1 = jnp.tanh(a1_ref[...] * nd + b_ref[1:2, :]) * ns
    w = w_ref[...]
    p = _dot(h0, w[:HALF, :]) + _dot(h1, w[HALF:, :])
    out0_ref[...] = p[:, :HALF]
    out1_ref[...] = p[:, HALF:]


def _final_body(a0_ref, a1_ref, degi_ref, b_ref, wc_ref, bc_ref, out_ref, acc_ref):
    i = pl.program_id(0)
    nd = _norm_col(degi_ref)
    h0 = jnp.tanh(a0_ref[...] * nd + b_ref[0:1, :])
    h1 = jnp.tanh(a1_ref[...] * nd + b_ref[1:2, :])
    row = lax.broadcasted_iota(jnp.int32, (BLK, 1), 0) + i * BLK
    m = (row < N).astype(jnp.float32)
    s0 = jnp.sum(h0 * m, axis=0, keepdims=True)
    s1 = jnp.sum(h1 * m, axis=0, keepdims=True)

    @pl.when(i == 0)
    def _():
        acc_ref[...] = jnp.zeros_like(acc_ref)

    acc_ref[0:1, :] += s0
    acc_ref[1:2, :] += s1

    @pl.when(i == NBLK - 1)
    def _():
        hg0 = jnp.tanh(acc_ref[0:1, :] * (1.0 / N))
        hg1 = jnp.tanh(acc_ref[1:2, :] * (1.0 / N))
        out_ref[...] = _dot(hg0, wc_ref[0, :, :]) + _dot(hg1, wc_ref[1, :, :]) + bc_ref[...]


def _mm1(x_pad, dego, W0):
    return pl.pallas_call(
        _mm1_body,
        grid=(NBLK,),
        in_specs=[
            pl.BlockSpec((BLK, D), lambda i: (i, 0)),
            pl.BlockSpec((BLK, HALF), lambda i: (i, 0)),
            pl.BlockSpec((D, D), lambda i: (0, 0)),
        ],
        out_specs=[pl.BlockSpec((BLK, HALF), lambda i: (i, 0))] * 2,
        out_shape=[jax.ShapeDtypeStruct((NP, HALF), jnp.float32)] * 2,
    )(x_pad, dego, W0)


def _mm2(a0, a1, degi, dego, br, W):
    return pl.pallas_call(
        _mm2_body,
        grid=(NBLK,),
        in_specs=[
            pl.BlockSpec((BLK, HALF), lambda i: (i, 0)),
            pl.BlockSpec((BLK, HALF), lambda i: (i, 0)),
            pl.BlockSpec((BLK, HALF), lambda i: (i, 0)),
            pl.BlockSpec((BLK, HALF), lambda i: (i, 0)),
            pl.BlockSpec((2, HALF), lambda i: (0, 0)),
            pl.BlockSpec((D, D), lambda i: (0, 0)),
        ],
        out_specs=[pl.BlockSpec((BLK, HALF), lambda i: (i, 0))] * 2,
        out_shape=[jax.ShapeDtypeStruct((NP, HALF), jnp.float32)] * 2,
    )(a0, a1, degi, dego, br, W)


def _final(a0, a1, degi, br, wc_r, bc_r):
    return pl.pallas_call(
        _final_body,
        grid=(NBLK,),
        in_specs=[
            pl.BlockSpec((BLK, HALF), lambda i: (i, 0)),
            pl.BlockSpec((BLK, HALF), lambda i: (i, 0)),
            pl.BlockSpec((BLK, HALF), lambda i: (i, 0)),
            pl.BlockSpec((2, HALF), lambda i: (0, 0)),
            pl.BlockSpec((2, HALF, HALF), lambda i: (0, 0, 0)),
            pl.BlockSpec((1, HALF), lambda i: (0, 0)),
        ],
        out_specs=pl.BlockSpec((1, HALF), lambda i: (0, 0)),
        out_shape=jax.ShapeDtypeStruct((1, HALF), jnp.float32),
        scratch_shapes=[pltpu.VMEM((2, HALF), jnp.float32)],
    )(a0, a1, degi, br, wc_r, bc_r)



def kernel(x, edge_index, W0, b0, W1, b1, W2, b2, Wc, bc):
    x_pad = jnp.pad(x, ((0, NP - N), (0, 0)))
    e32 = edge_index.reshape(2 * NSUB, CPW, CH)

    ones128 = jnp.ones((CH, HALF), jnp.float32)
    z128 = jnp.zeros((RPS, HALF), jnp.float32)

    sc_degrees, sc_segsum = _sc_kernels()
    deg2 = sc_degrees(e32, ones128, z128)
    dego, degi = deg2[0], deg2[1]

    b0r = b0.reshape(2, HALF)
    b1r = b1.reshape(2, HALF)
    b2r = b2.reshape(2, HALF)
    wc_r = jnp.pad(Wc, ((0, 0), (0, HALF - C_OUT))).reshape(2, HALF, HALF)
    bc_r = jnp.pad(bc, (0, HALF - C_OUT)).reshape(1, HALF)

    p0, p1 = _mm1(x_pad, dego, W0)
    a0, a1 = sc_segsum(e32, p0, p1, z128)
    p0, p1 = _mm2(a0, a1, degi, dego, b0r, W1)
    a0, a1 = sc_segsum(e32, p0, p1, z128)
    p0, p1 = _mm2(a0, a1, degi, dego, b1r, W2)
    a0, a1 = sc_segsum(e32, p0, p1, z128)

    out = _final(a0, a1, degi, b2r, wc_r, bc_r)
    return out[:, :C_OUT]

# --- scband reference (transcript-rebuilt; emitter-appended) ---
"""Pipeline reference for scband-gcnpool-78245714198775 (READ-ONLY COPY).

The authoritative reference and input builder live on the scoring server;
editing this copy changes nothing except your own understanding.
"""

import jax, jax.numpy as jnp
import numpy as np

N = 10000
E = 160000
D = 256
H = 256
C = 8

def setup_inputs(seed: int = 0) -> dict:
    key = jax.random.key(seed)
    ks = jax.random.split(key, 12)
    x = jax.random.normal(ks[0], (N, D), dtype=jnp.float32)
    edge_index = jax.random.randint(ks[1], (2, E), 0, N, dtype=jnp.int32)
    W0 = jax.random.normal(ks[2], (D, H), dtype=jnp.float32) * 0.05
    b0 = jnp.zeros((H,), dtype=jnp.float32)
    W1 = jax.random.normal(ks[3], (H, H), dtype=jnp.float32) * 0.05
    b1 = jnp.zeros((H,), dtype=jnp.float32)
    W2 = jax.random.normal(ks[4], (H, H), dtype=jnp.float32) * 0.05
    b2 = jnp.zeros((H,), dtype=jnp.float32)
    Wc = jax.random.normal(ks[5], (H, C), dtype=jnp.float32) * 0.05
    bc = jnp.zeros((C,), dtype=jnp.float32)
    return {"x": x, "edge_index": edge_index, "W0": W0, "b0": b0, "W1": W1, "b1": b1, "W2": W2, "b2": b2, "Wc": Wc, "bc": bc}


def reference(x, edge_index, W0, b0, W1, b1, W2, b2, Wc, bc):
    # DGL GraphConv with norm='both': h' = D_in^{-1/2} A D_out^{-1/2} X W + b
    src = edge_index[0]
    dst = edge_index[1]
    n = x.shape[0]
    deg_out = jnp.zeros((n,), jnp.float32).at[src].add(1.0)
    deg_in = jnp.zeros((n,), jnp.float32).at[dst].add(1.0)
    norm_src = jnp.where(deg_out > 0, 1.0 / jnp.sqrt(jnp.maximum(deg_out, 1.0)), 0.0)
    norm_dst = jnp.where(deg_in > 0, 1.0 / jnp.sqrt(jnp.maximum(deg_in, 1.0)), 0.0)

    def gcn_layer(h, W, b):
        hs = h * norm_src[:, None]
        hs = hs @ W
        agg = jnp.zeros((n, W.shape[1]), h.dtype).at[dst].add(hs[src])
        agg = agg * norm_dst[:, None]
        return jnp.tanh(agg + b)

    h = gcn_layer(x, W0, b0)
    h = gcn_layer(h, W1, b1)
    h = gcn_layer(h, W2, b2)
    # dgl.mean_nodes over a single batched graph -> [1, H]
    hg = jnp.mean(h, axis=0, keepdims=True)
    hg = jnp.tanh(hg)
    logits = hg @ Wc + bc
    return logits

if __name__ == "__main__":
    import jax
    _d = setup_inputs()
    print(jax.jit(kernel)(*tuple(_d.values())))

</pallas_src>

<mosaic_0001>
#map = affine_map<(d0, d1) -> (0, 0, 0)>
#map1 = affine_map<(d0, d1) -> (0, 0)>
module attributes {stable_mosaic.version = 14 : i64} {
  func.func @_sc_degrees_body(%arg0: i32, %arg1: i32, %arg2: memref<32x80x125xi32, #tpu.memory_space<hbm>>, %arg3: memref<125x128xf32, #tpu.memory_space<hbm>>, %arg4: memref<640x128xf32, #tpu.memory_space<hbm>>, %arg5: memref<2x10240x128xf32, #tpu.memory_space<hbm>>, %arg6: memref<80x125xi32, #tpu.memory_space<vmem>>, %arg7: memref<125x128xf32, #tpu.memory_space<vmem>>, %arg8: memref<10240x128xf32, #tpu.memory_space<vmem_shared>>) attributes {dimension_semantics = [#tpu.dimension_semantics<core_parallel>, #tpu.dimension_semantics<subcore_parallel>], iteration_bounds = array<i64: 2, 16>, scalar_prefetch = 0 : i64, scratch_operands = 3 : i64, tpu.core_type = #tpu.core_type<sc_vector_subcore>, window_params = [{transform_indices = #map}, {transform_indices = #map1}, {transform_indices = #map1}, {transform_indices = #map}]} {
    %mul3A = arith.constant 640 : i32
    %mul3A_0 = arith.muli %arg1, %mul3A : i32
    "tpu.region"() ({
      %run_scoped3A = tpu.sem_alloc : memref<!tpu.dma_semaphore, #tpu.memory_space<semaphore_mem>>
      %dma_start3A = arith.constant 0 : i32
      %dma_start3A_11 = tpu.memref_slice %arg8[%mul3A_0, %dma_start3A] : memref<10240x128xf32, #tpu.memory_space<vmem_shared>> -> memref<640x128xf32, #tpu.memory_space<vmem_shared>>
      tpu.enqueue_dma source(%arg4 : memref<640x128xf32, #tpu.memory_space<hbm>>) target(%dma_start3A_11 : memref<640x128xf32, #tpu.memory_space<vmem_shared>>) target_semaphore(%run_scoped3A : memref<!tpu.dma_semaphore, #tpu.memory_space<semaphore_mem>>)
      %dma_wait3A = arith.constant 0 : i32
      %dma_wait3A_12 = tpu.memref_slice %arg8[%mul3A_0, %dma_wait3A] : memref<10240x128xf32, #tpu.memory_space<vmem_shared>> -> memref<640x128xf32, #tpu.memory_space<vmem_shared>>
      tpu.wait_dma2 semaphore(%run_scoped3A : memref<!tpu.dma_semaphore, #tpu.memory_space<semaphore_mem>>) src(%arg4 : memref<640x128xf32, #tpu.memory_space<hbm>>) dst(%dma_wait3A_12 : memref<640x128xf32, #tpu.memory_space<vmem_shared>>)
      tpu.yield
    }) : () -> ()
    "tpu.region"() ({
      %run_scoped3A = tpu.sem_alloc : memref<!tpu.dma_semaphore, #tpu.memory_space<semaphore_mem>>
      tpu.enqueue_dma source(%arg3 : memref<125x128xf32, #tpu.memory_space<hbm>>) target(%arg7 : memref<125x128xf32, #tpu.memory_space<vmem>>) target_semaphore(%run_scoped3A : memref<!tpu.dma_semaphore, #tpu.memory_space<semaphore_mem>>)
      tpu.wait_dma2 semaphore(%run_scoped3A : memref<!tpu.dma_semaphore, #tpu.memory_space<semaphore_mem>>) src(%arg3 : memref<125x128xf32, #tpu.memory_space<hbm>>) dst(%arg7 : memref<125x128xf32, #tpu.memory_space<vmem>>)
      tpu.yield
    }) : () -> ()
    %mul3A_1 = arith.constant 16 : i32
    %mul3A_2 = arith.muli %arg0, %mul3A_1 : i32
    %add3A = arith.addi %mul3A_2, %arg1 : i32
    "tpu.region"() ({
      %run_scoped3A = tpu.sem_alloc : memref<!tpu.dma_semaphore, #tpu.memory_space<semaphore_mem>>
      %dma_start3A = arith.constant 0 : i32
      %dma_start3A_11 = arith.constant 0 : i32
      %dma_start3A_12 = tpu.memref_slice %arg2[%add3A, %dma_start3A, %dma_start3A_11] : memref<32x80x125xi32, #tpu.memory_space<hbm>> -> memref<1x80x125xi32, #tpu.memory_space<hbm>>
      %dma_start3A_13 = tpu.memref_squeeze %dma_start3A_12 : memref<1x80x125xi32, #tpu.memory_space<hbm>> -> memref<80x125xi32, #tpu.memory_space<hbm>>
      %dma_start3A_14 = arith.constant 0 : i32
      %dma_start3A_15 = arith.constant 0 : i32
      %dma_start3A_16 = tpu.memref_slice %arg2[%add3A, %dma_start3A_14, %dma_start3A_15] : memref<32x80x125xi32, #tpu.memory_space<hbm>> -> memref<1x80x125xi32, #tpu.memory_space<hbm>>
      %dma_start3A_17 = tpu.memref_squeeze %dma_start3A_16 : memref<1x80x125xi32, #tpu.memory_space<hbm>> -> memref<80x125xi32, #tpu.memory_space<hbm>>
      tpu.enqueue_dma source(%dma_start3A_17 : memref<80x125xi32, #tpu.memory_space<hbm>>) target(%arg6 : memref<80x125xi32, #tpu.memory_space<vmem>>) target_semaphore(%run_scoped3A : memref<!tpu.dma_semaphore, #tpu.memory_space<semaphore_mem>>)
      %dma_wait3A = arith.constant 0 : i32
      %dma_wait3A_18 = arith.constant 0 : i32
      %dma_wait3A_19 = tpu.memref_slice %arg2[%add3A, %dma_wait3A, %dma_wait3A_18] : memref<32x80x125xi32, #tpu.memory_space<hbm>> -> memref<1x80x125xi32, #tpu.memory_space<hbm>>
      %dma_wait3A_20 = tpu.memref_squeeze %dma_wait3A_19 : memref<1x80x125xi32, #tpu.memory_space<hbm>> -> memref<80x125xi32, #tpu.memory_space<hbm>>
      %dma_wait3A_21 = arith.constant 0 : i32
      %dma_wait3A_22 = arith.constant 0 : i32
      %dma_wait3A_23 = tpu.memref_slice %arg2[%add3A, %dma_wait3A_21, %dma_wait3A_22] : memref<32x80x125xi32, #tpu.memory_space<hbm>> -> memref<1x80x125xi32, #tpu.memory_space<hbm>>
      %dma_wait3A_24 = tpu.memref_squeeze %dma_wait3A_23 : memref<1x80x125xi32, #tpu.memory_space<hbm>> -> memref<80x125xi32, #tpu.memory_space<hbm>>
      tpu.wait_dma2 semaphore(%run_scoped3A : memref<!tpu.dma_semaphore, #tpu.memory_space<semaphore_mem>>) src(%dma_wait3A_24 : memref<80x125xi32, #tpu.memory_space<hbm>>) dst(%arg6 : memref<80x125xi32, #tpu.memory_space<vmem>>)
      tpu.yield
    }) : () -> ()
    %barrier3A = arith.constant 0 : index
    tpu.barrier barrier_id(%barrier3A)
    %scan3A = arith.constant 0 : i32
    %scan3A_3 = arith.constant 0 : i32
    %scan3A_4 = arith.constant 80 : i32
    %scan3A_5 = arith.addi %scan3A_3, %scan3A_4 : i32
    %scan3A_6 = arith.constant 1 : i32
    scf.for %scan3A_11 = %scan3A_3 to %scan3A_5 step %scan3A_6  : i32 {
      "tpu.region"() ({
        %run_scoped3A = tpu.sem_alloc : memref<!tpu.dma_semaphore, #tpu.memory_space<semaphore_mem>>
        %dma_start3A = arith.constant 0 : i32
        %dma_start3A_12 = tpu.memref_slice %arg6[%scan3A_11, %dma_start3A] : memref<80x125xi32, #tpu.memory_space<vmem>> -> memref<1x125xi32, #tpu.memory_space<vmem>>
        %dma_start3A_13 = tpu.memref_squeeze %dma_start3A_12 : memref<1x125xi32, #tpu.memory_space<vmem>> -> memref<125xi32, #tpu.memory_space<vmem>>
        %dma_start3A_14 = arith.constant 0 : i32
        %dma_start3A_15 = arith.constant 0 : i32
        %dma_start3A_16 = tpu.memref_slice %arg8[%dma_start3A_14, %dma_start3A_15] : memref<10240x128xf32, #tpu.memory_space<vmem_shared>> -> memref<10240x128xf32, #tpu.memory_space<vmem_shared>>
        tpu.enqueue_indirect_dma source(%arg7 : memref<125x128xf32, #tpu.memory_space<vmem>>) target(%dma_start3A_16 : memref<10240x128xf32, #tpu.memory_space<vmem_shared>>) offsets(%dma_start3A_13 : memref<125xi32, #tpu.memory_space<vmem>>) semaphore(%run_scoped3A : memref<!tpu.dma_semaphore, #tpu.memory_space<semaphore_mem>>) {add = true}
        %dma_wait3A = arith.constant 0 : i32
        %dma_wait3A_17 = tpu.memref_slice %arg6[%scan3A_11, %dma_wait3A] : memref<80x125xi32, #tpu.memory_space<vmem>> -> memref<1x125xi32, #tpu.memory_space<vmem>>
        %dma_wait3A_18 = tpu.memref_squeeze %dma_wait3A_17 : memref<1x125xi32, #tpu.memory_space<vmem>> -> memref<125xi32, #tpu.memory_space<vmem>>
        %dma_wait3A_19 = arith.constant 0 : i32
        %dma_wait3A_20 = arith.constant 0 : i32
        %dma_wait3A_21 = tpu.memref_slice %arg8[%dma_wait3A_19, %dma_wait3A_20] : memref<10240x128xf32, #tpu.memory_space<vmem_shared>> -> memref<10240x128xf32, #tpu.memory_space<vmem_shared>>
        tpu.wait_indirect_dma semaphore(%run_scoped3A : memref<!tpu.dma_semaphore, #tpu.memory_space<semaphore_mem>>) src(%arg7 : memref<125x128xf32, #tpu.memory_space<vmem>>) dst(%dma_wait3A_21 : memref<10240x128xf32, #tpu.memory_space<vmem_shared>>)
        tpu.yield
      }) : () -> ()
    }
    %scan3A_7 = arith.constant 80 : i32
    %barrier3A_8 = arith.constant 0 : index
    tpu.barrier barrier_id(%barrier3A_8)
    %mul3A_9 = arith.constant 640 : i32
    %mul3A_10 = arith.muli %arg1, %mul3A_9 : i32
    "tpu.region"() ({
      %run_scoped3A = tpu.sem_alloc : memref<!tpu.dma_semaphore, #tpu.memory_space<semaphore_mem>>
      %dma_start3A = arith.constant 0 : i32
      %dma_start3A_11 = arith.constant 0 : i32
      %dma_start3A_12 = tpu.memref_slice %arg5[%arg0, %dma_start3A, %dma_start3A_11] : memref<2x10240x128xf32, #tpu.memory_space<hbm>> -> memref<1x10240x128xf32, #tpu.memory_space<hbm>>
      %dma_start3A_13 = tpu.memref_squeeze %dma_start3A_12 : memref<1x10240x128xf32, #tpu.memory_space<hbm>> -> memref<10240x128xf32, #tpu.memory_space<hbm>>
      %dma_start3A_14 = arith.constant 0 : i32
      %dma_start3A_15 = tpu.memref_slice %dma_start3A_13[%mul3A_10, %dma_start3A_14] : memref<10240x128xf32, #tpu.memory_space<hbm>> -> memref<640x128xf32, #tpu.memory_space<hbm>>
      %dma_start3A_16 = arith.constant 0 : i32
      %dma_start3A_17 = tpu.memref_slice %arg8[%mul3A_10, %dma_start3A_16] : memref<10240x128xf32, #tpu.memory_space<vmem_shared>> -> memref<640x128xf32, #tpu.memory_space<vmem_shared>>
      tpu.enqueue_dma source(%dma_start3A_17 : memref<640x128xf32, #tpu.memory_space<vmem_shared>>) target(%dma_start3A_15 : memref<640x128xf32, #tpu.memory_space<hbm>>) target_semaphore(%run_scoped3A : memref<!tpu.dma_semaphore, #tpu.memory_space<semaphore_mem>>)
      %dma_wait3A = arith.constant 0 : i32
      %dma_wait3A_18 = arith.constant 0 : i32
      %dma_wait3A_19 = tpu.memref_slice %arg5[%arg0, %dma_wait3A, %dma_wait3A_18] : memref<2x10240x128xf32, #tpu.memory_space<hbm>> -> memref<1x10240x128xf32, #tpu.memory_space<hbm>>
      %dma_wait3A_20 = tpu.memref_squeeze %dma_wait3A_19 : memref<1x10240x128xf32, #tpu.memory_space<hbm>> -> memref<10240x128xf32, #tpu.memory_space<hbm>>
      %dma_wait3A_21 = arith.constant 0 : i32
      %dma_wait3A_22 = tpu.memref_slice %dma_wait3A_20[%mul3A_10, %dma_wait3A_21] : memref<10240x128xf32, #tpu.memory_space<hbm>> -> memref<640x128xf32, #tpu.memory_space<hbm>>
      %dma_wait3A_23 = arith.constant 0 : i32
      %dma_wait3A_24 = tpu.memref_slice %arg8[%mul3A_10, %dma_wait3A_23] : memref<10240x128xf32, #tpu.memory_space<vmem_shared>> -> memref<640x128xf32, #tpu.memory_space<vmem_shared>>
      tpu.wait_dma2 semaphore(%run_scoped3A : memref<!tpu.dma_semaphore, #tpu.memory_space<semaphore_mem>>) src(%dma_wait3A_24 : memref<640x128xf32, #tpu.memory_space<vmem_shared>>) dst(%dma_wait3A_22 : memref<640x128xf32, #tpu.memory_space<hbm>>)
      tpu.yield
    }) : () -> ()
    return
  }
}

#map = affine_map<(d0, d1) -> (0, 0, 0)>
#map1 = affine_map<(d0, d1) -> (0, 0)>
module attributes {stable_mosaic.version = 14 : i64} {
  func.func @_sc_segsum_body(%arg0: i32, %arg1: i32, %arg2: memref<32x80x125xi32, #tpu.memory_space<hbm>>, %arg3: memref<10240x128xf32, #tpu.memory_space<hbm>>, %arg4: memref<10240x128xf32, #tpu.memory_space<hbm>>, %arg5: memref<640x128xf32, #tpu.memory_space<hbm>>, %arg6: memref<10240x128xf32, #tpu.memory_space<hbm>>, %arg7: memref<10240x128xf32, #tpu.memory_space<hbm>>, %arg8: memref<40x125xi32, #tpu.memory_space<vmem>>, %arg9: memref<40x125xi32, #tpu.memory_space<vmem>>, %arg10: memref<125x128xf32, #tpu.memory_space<vmem>>, %arg11: memref<125x128xf32, #tpu.memory_space<vmem>>, %arg12: memref<10240x128xf32, #tpu.memory_space<vmem_shared>>, %arg13: memref<!tpu.dma_semaphore, #tpu.memory_space<semaphore_mem>>, %arg14: memref<!tpu.dma_semaphore, #tpu.memory_space<semaphore_mem>>) attributes {dimension_semantics = [#tpu.dimension_semantics<core_parallel>, #tpu.dimension_semantics<subcore_parallel>], iteration_bounds = array<i64: 2, 16>, scalar_prefetch = 0 : i64, scratch_operands = 7 : i64, tpu.core_type = #tpu.core_type<sc_vector_subcore>, window_params = [{transform_indices = #map}, {transform_indices = #map1}, {transform_indices = #map1}, {transform_indices = #map1}, {transform_indices = #map1}, {transform_indices = #map1}]} {
    %mul3A = arith.constant 640 : i32
    %mul3A_0 = arith.muli %arg1, %mul3A : i32
    "tpu.region"() ({
      %run_scoped3A = tpu.sem_alloc : memref<!tpu.dma_semaphore, #tpu.memory_space<semaphore_mem>>
      %dma_start3A = arith.constant 0 : i32
      %dma_start3A_21 = tpu.memref_slice %arg12[%mul3A_0, %dma_start3A] : memref<10240x128xf32, #tpu.memory_space<vmem_shared>> -> memref<640x128xf32, #tpu.memory_space<vmem_shared>>
      tpu.enqueue_dma source(%arg5 : memref<640x128xf32, #tpu.memory_space<hbm>>) target(%dma_start3A_21 : memref<640x128xf32, #tpu.memory_space<vmem_shared>>) target_semaphore(%run_scoped3A : memref<!tpu.dma_semaphore, #tpu.memory_space<semaphore_mem>>)
      %dma_wait3A = arith.constant 0 : i32
      %dma_wait3A_22 = tpu.memref_slice %arg12[%mul3A_0, %dma_wait3A] : memref<10240x128xf32, #tpu.memory_space<vmem_shared>> -> memref<640x128xf32, #tpu.memory_space<vmem_shared>>
      tpu.wait_dma2 semaphore(%run_scoped3A : memref<!tpu.dma_semaphore, #tpu.memory_space<semaphore_mem>>) src(%arg5 : memref<640x128xf32, #tpu.memory_space<hbm>>) dst(%dma_wait3A_22 : memref<640x128xf32, #tpu.memory_space<vmem_shared>>)
      tpu.yield
    }) : () -> ()
    %barrier3A = arith.constant 0 : index
    tpu.barrier barrier_id(%barrier3A)
    %eq3A = arith.constant 0 : i32
    %eq3A_1 = arith.cmpi eq, %arg0, %eq3A : i32
    %convert_element_type3A = arith.extui %eq3A_1 : i1 to i32
    %cond3A = arith.constant 0 : i32
    %cond3A_2 = arith.cmpi ne, %convert_element_type3A, %cond3A : i32
    scf.if %cond3A_2 {
      "tpu.region"() ({
        %run_scoped3A = tpu.sem_alloc : memref<!tpu.dma_semaphore, #tpu.memory_space<semaphore_mem>>
        %dma_start3A_71 = arith.constant 0 : i32
        %dma_start3A_72 = arith.constant 0 : i32
        %dma_start3A_73 = tpu.memref_slice %arg2[%arg1, %dma_start3A_71, %dma_start3A_72] : memref<32x80x125xi32, #tpu.memory_space<hbm>> -> memref<1x40x125xi32, #tpu.memory_space<hbm>>
        %dma_start3A_74 = tpu.memref_squeeze %dma_start3A_73 : memref<1x40x125xi32, #tpu.memory_space<hbm>> -> memref<40x125xi32, #tpu.memory_space<hbm>>
        %dma_start3A_75 = arith.constant 0 : i32
        %dma_start3A_76 = arith.constant 0 : i32
        %dma_start3A_77 = tpu.memref_slice %arg2[%arg1, %dma_start3A_75, %dma_start3A_76] : memref<32x80x125xi32, #tpu.memory_space<hbm>> -> memref<1x40x125xi32, #tpu.memory_space<hbm>>
        %dma_start3A_78 = tpu.memref_squeeze %dma_start3A_77 : memref<1x40x125xi32, #tpu.memory_space<hbm>> -> memref<40x125xi32, #tpu.memory_space<hbm>>
        tpu.enqueue_dma source(%dma_start3A_78 : memref<40x125xi32, #tpu.memory_space<hbm>>) target(%arg8 : memref<40x125xi32, #tpu.memory_space<vmem>>) target_semaphore(%run_scoped3A : memref<!tpu.dma_semaphore, #tpu.memory_space<semaphore_mem>>)
        %dma_wait3A_79 = arith.constant 0 : i32
        %dma_wait3A_80 = arith.constant 0 : i32
        %dma_wait3A_81 = tpu.memref_slice %arg2[%arg1, %dma_wait3A_79, %dma_wait3A_80] : memref<32x80x125xi32, #tpu.memory_space<hbm>> -> memref<1x40x125xi32, #tpu.memory_space<hbm>>
        %dma_wait3A_82 = tpu.memref_squeeze %dma_wait3A_81 : memref<1x40x125xi32, #tpu.memory_space<hbm>> -> memref<40x125xi32, #tpu.memory_space<hbm>>
        %dma_wait3A_83 = arith.constant 0 : i32
        %dma_wait3A_84 = arith.constant 0 : i32
        %dma_wait3A_85 = tpu.memref_slice %arg2[%arg1, %dma_wait3A_83, %dma_wait3A_84] : memref<32x80x125xi32, #tpu.memory_space<hbm>> -> memref<1x40x125xi32, #tpu.memory_space<hbm>>
        %dma_wait3A_86 = tpu.memref_squeeze %dma_wait3A_85 : memref<1x40x125xi32, #tpu.memory_space<hbm>> -> memref<40x125xi32, #tpu.memory_space<hbm>>
        tpu.wait_dma2 semaphore(%run_scoped3A : memref<!tpu.dma_semaphore, #tpu.memory_space<semaphore_mem>>) src(%dma_wait3A_86 : memref<40x125xi32, #tpu.memory_space<hbm>>) dst(%arg8 : memref<40x125xi32, #tpu.memory_space<vmem>>)
        tpu.yield
      }) : () -> ()
      %add3A = arith.constant 16 : i32
      %add3A_21 = arith.addi %add3A, %arg1 : i32
      "tpu.region"() ({
        %run_scoped3A = tpu.sem_alloc : memref<!tpu.dma_semaphore, #tpu.memory_space<semaphore_mem>>
        %dma_start3A_71 = arith.constant 0 : i32
        %dma_start3A_72 = arith.constant 0 : i32
        %dma_start3A_73 = tpu.memref_slice %arg2[%add3A_21, %dma_start3A_71, %dma_start3A_72] : memref<32x80x125xi32, #tpu.memory_space<hbm>> -> memref<1x40x125xi32, #tpu.memory_space<hbm>>
        %dma_start3A_74 = tpu.memref_squeeze %dma_start3A_73 : memref<1x40x125xi32, #tpu.memory_space<hbm>> -> memref<40x125xi32, #tpu.memory_space<hbm>>
        %dma_start3A_75 = arith.constant 0 : i32
        %dma_start3A_76 = arith.constant 0 : i32
        %dma_start3A_77 = tpu.memref_slice %arg2[%add3A_21, %dma_start3A_75, %dma_start3A_76] : memref<32x80x125xi32, #tpu.memory_space<hbm>> -> memref<1x40x125xi32, #tpu.memory_space<hbm>>
        %dma_start3A_78 = tpu.memref_squeeze %dma_start3A_77 : memref<1x40x125xi32, #tpu.memory_space<hbm>> -> memref<40x125xi32, #tpu.memory_space<hbm>>
        tpu.enqueue_dma source(%dma_start3A_78 : memref<40x125xi32, #tpu.memory_space<hbm>>) target(%arg9 : memref<40x125xi32, #tpu.memory_space<vmem>>) target_semaphore(%run_scoped3A : memref<!tpu.dma_semaphore, #tpu.memory_space<semaphore_mem>>)
        %dma_wait3A_79 = arith.constant 0 : i32
        %dma_wait3A_80 = arith.constant 0 : i32
        %dma_wait3A_81 = tpu.memref_slice %arg2[%add3A_21, %dma_wait3A_79, %dma_wait3A_80] : memref<32x80x125xi32, #tpu.memory_space<hbm>> -> memref<1x40x125xi32, #tpu.memory_space<hbm>>
        %dma_wait3A_82 = tpu.memref_squeeze %dma_wait3A_81 : memref<1x40x125xi32, #tpu.memory_space<hbm>> -> memref<40x125xi32, #tpu.memory_space<hbm>>
        %dma_wait3A_83 = arith.constant 0 : i32
        %dma_wait3A_84 = arith.constant 0 : i32
        %dma_wait3A_85 = tpu.memref_slice %arg2[%add3A_21, %dma_wait3A_83, %dma_wait3A_84] : memref<32x80x125xi32, #tpu.memory_space<hbm>> -> memref<1x40x125xi32, #tpu.memory_space<hbm>>
        %dma_wait3A_86 = tpu.memref_squeeze %dma_wait3A_85 : memref<1x40x125xi32, #tpu.memory_space<hbm>> -> memref<40x125xi32, #tpu.memory_space<hbm>>
        tpu.wait_dma2 semaphore(%run_scoped3A : memref<!tpu.dma_semaphore, #tpu.memory_space<semaphore_mem>>) src(%dma_wait3A_86 : memref<40x125xi32, #tpu.memory_space<hbm>>) dst(%arg9 : memref<40x125xi32, #tpu.memory_space<vmem>>)
        tpu.yield
      }) : () -> ()
      %jit3A = arith.constant true
      %jit3A_22 = arith.constant 0 : i32
      %jit3A_23 = arith.constant 0 : i32
      %select_n3A = arith.select %jit3A, %jit3A_22, %jit3A_23 : i32
      %dma_start3A = arith.constant 0 : i32
      %dma_start3A_24 = tpu.memref_slice %arg8[%select_n3A, %dma_start3A] : memref<40x125xi32, #tpu.memory_space<vmem>> -> memref<1x125xi32, #tpu.memory_space<vmem>>
      %dma_start3A_25 = tpu.memref_squeeze %dma_start3A_24 : memref<1x125xi32, #tpu.memory_space<vmem>> -> memref<125xi32, #tpu.memory_space<vmem>>
      %dma_start3A_26 = arith.constant 0 : i32
      %dma_start3A_27 = arith.constant 0 : i32
      %dma_start3A_28 = tpu.memref_slice %arg3[%dma_start3A_26, %dma_start3A_27] : memref<10240x128xf32, #tpu.memory_space<hbm>> -> memref<10240x128xf32, #tpu.memory_space<hbm>>
      tpu.enqueue_indirect_dma source(%dma_start3A_28 : memref<10240x128xf32, #tpu.memory_space<hbm>>) target(%arg10 : memref<125x128xf32, #tpu.memory_space<vmem>>) offsets(%dma_start3A_25 : memref<125xi32, #tpu.memory_space<vmem>>) semaphore(%arg13 : memref<!tpu.dma_semaphore, #tpu.memory_space<semaphore_mem>>)
      %scan3A = arith.constant 0 : i32
      %scan3A_29 = arith.constant 0 : i32
      %scan3A_30 = arith.constant 20 : i32
      %scan3A_31 = arith.addi %scan3A_29, %scan3A_30 : i32
      %scan3A_32 = arith.constant 1 : i32
      scf.for %scan3A_71 = %scan3A_29 to %scan3A_31 step %scan3A_32  : i32 {
        %mul3A_72 = arith.constant 2 : i32
        %mul3A_73 = arith.muli %mul3A_72, %scan3A_71 : i32
        %add3A_74 = arith.constant 1 : i32
        %add3A_75 = arith.addi %mul3A_73, %add3A_74 : i32
        %lt3A = arith.constant 40 : i32
        %lt3A_76 = arith.cmpi slt, %add3A_75, %lt3A : i32
        %jit3A_77 = arith.constant 0 : i32
        %select_n3A_78 = arith.select %lt3A_76, %add3A_75, %jit3A_77 : i32
        %dma_start3A_79 = arith.constant 0 : i32
        %dma_start3A_80 = tpu.memref_slice %arg8[%select_n3A_78, %dma_start3A_79] : memref<40x125xi32, #tpu.memory_space<vmem>> -> memref<1x125xi32, #tpu.memory_space<vmem>>
        %dma_start3A_81 = tpu.memref_squeeze %dma_start3A_80 : memref<1x125xi32, #tpu.memory_space<vmem>> -> memref<125xi32, #tpu.memory_space<vmem>>
        %dma_start3A_82 = arith.constant 0 : i32
        %dma_start3A_83 = arith.constant 0 : i32
        %dma_start3A_84 = tpu.memref_slice %arg3[%dma_start3A_82, %dma_start3A_83] : memref<10240x128xf32, #tpu.memory_space<hbm>> -> memref<10240x128xf32, #tpu.memory_space<hbm>>
        tpu.enqueue_indirect_dma source(%dma_start3A_84 : memref<10240x128xf32, #tpu.memory_space<hbm>>) target(%arg11 : memref<125x128xf32, #tpu.memory_space<vmem>>) offsets(%dma_start3A_81 : memref<125xi32, #tpu.memory_space<vmem>>) semaphore(%arg14 : memref<!tpu.dma_semaphore, #tpu.memory_space<semaphore_mem>>)
        %lt3A_85 = arith.constant 40 : i32
        %lt3A_86 = arith.cmpi slt, %mul3A_73, %lt3A_85 : i32
        %jit3A_87 = arith.constant 0 : i32
        %select_n3A_88 = arith.select %lt3A_86, %mul3A_73, %jit3A_87 : i32
        %dma_wait3A_89 = arith.constant 0 : i32
        %dma_wait3A_90 = tpu.memref_slice %arg8[%select_n3A_88, %dma_wait3A_89] : memref<40x125xi32, #tpu.memory_space<vmem>> -> memref<1x125xi32, #tpu.memory_space<vmem>>
        %dma_wait3A_91 = tpu.memref_squeeze %dma_wait3A_90 : memref<1x125xi32, #tpu.memory_space<vmem>> -> memref<125xi32, #tpu.memory_space<vmem>>
        %dma_wait3A_92 = arith.constant 0 : i32
        %dma_wait3A_93 = arith.constant 0 : i32
        %dma_wait3A_94 = tpu.memref_slice %arg3[%dma_wait3A_92, %dma_wait3A_93] : memref<10240x128xf32, #tpu.memory_space<hbm>> -> memref<10240x128xf32, #tpu.memory_space<hbm>>
        tpu.wait_indirect_dma semaphore(%arg13 : memref<!tpu.dma_semaphore, #tpu.memory_space<semaphore_mem>>) src(%dma_wait3A_94 : memref<10240x128xf32, #tpu.memory_space<hbm>>) dst(%arg10 : memref<125x128xf32, #tpu.memory_space<vmem>>)
        "tpu.region"() ({
          %run_scoped3A = tpu.sem_alloc : memref<!tpu.dma_semaphore, #tpu.memory_space<semaphore_mem>>
          %dma_start3A_121 = arith.constant 0 : i32
          %dma_start3A_122 = tpu.memref_slice %arg9[%mul3A_73, %dma_start3A_121] : memref<40x125xi32, #tpu.memory_space<vmem>> -> memref<1x125xi32, #tpu.memory_space<vmem>>
          %dma_start3A_123 = tpu.memref_squeeze %dma_start3A_122 : memref<1x125xi32, #tpu.memory_space<vmem>> -> memref<125xi32, #tpu.memory_space<vmem>>
          %dma_start3A_124 = arith.constant 0 : i32
          %dma_start3A_125 = arith.constant 0 : i32
          %dma_start3A_126 = tpu.memref_slice %arg12[%dma_start3A_124, %dma_start3A_125] : memref<10240x128xf32, #tpu.memory_space<vmem_shared>> -> memref<10240x128xf32, #tpu.memory_space<vmem_shared>>
          tpu.enqueue_indirect_dma source(%arg10 : memref<125x128xf32, #tpu.memory_space<vmem>>) target(%dma_start3A_126 : memref<10240x128xf32, #tpu.memory_space<vmem_shared>>) offsets(%dma_start3A_123 : memref<125xi32, #tpu.memory_space<vmem>>) semaphore(%run_scoped3A : memref<!tpu.dma_semaphore, #tpu.memory_space<semaphore_mem>>) {add = true}
          %dma_wait3A_127 = arith.constant 0 : i32
          %dma_wait3A_128 = tpu.memref_slice %arg9[%mul3A_73, %dma_wait3A_127] : memref<40x125xi32, #tpu.memory_space<vmem>> -> memref<1x125xi32, #tpu.memory_space<vmem>>
          %dma_wait3A_129 = tpu.memref_squeeze %dma_wait3A_128 : memref<1x125xi32, #tpu.memory_space<vmem>> -> memref<125xi32, #tpu.memory_space<vmem>>
          %dma_wait3A_130 = arith.constant 0 : i32
          %dma_wait3A_131 = arith.constant 0 : i32
          %dma_wait3A_132 = tpu.memref_slice %arg12[%dma_wait3A_130, %dma_wait3A_131] : memref<10240x128xf32, #tpu.memory_space<vmem_shared>> -> memref<10240x128xf32, #tpu.memory_space<vmem_shared>>
          tpu.wait_indirect_dma semaphore(%run_scoped3A : memref<!tpu.dma_semaphore, #tpu.memory_space<semaphore_mem>>) src(%arg10 : memref<125x128xf32, #tpu.memory_space<vmem>>) dst(%dma_wait3A_132 : memref<10240x128xf32, #tpu.memory_space<vmem_shared>>)
          tpu.yield
        }) : () -> ()
        %add3A_95 = arith.constant 2 : i32
        %add3A_96 = arith.addi %mul3A_73, %add3A_95 : i32
        %lt3A_97 = arith.constant 40 : i32
        %lt3A_98 = arith.cmpi slt, %add3A_96, %lt3A_97 : i32
        %jit3A_99 = arith.constant 0 : i32
        %select_n3A_100 = arith.select %lt3A_98, %add3A_96, %jit3A_99 : i32
        %dma_start3A_101 = arith.constant 0 : i32
        %dma_start3A_102 = tpu.memref_slice %arg8[%select_n3A_100, %dma_start3A_101] : memref<40x125xi32, #tpu.memory_space<vmem>> -> memref<1x125xi32, #tpu.memory_space<vmem>>
        %dma_start3A_103 = tpu.memref_squeeze %dma_start3A_102 : memref<1x125xi32, #tpu.memory_space<vmem>> -> memref<125xi32, #tpu.memory_space<vmem>>
        %dma_start3A_104 = arith.constant 0 : i32
        %dma_start3A_105 = arith.constant 0 : i32
        %dma_start3A_106 = tpu.memref_slice %arg3[%dma_start3A_104, %dma_start3A_105] : memref<10240x128xf32, #tpu.memory_space<hbm>> -> memref<10240x128xf32, #tpu.memory_space<hbm>>
        tpu.enqueue_indirect_dma source(%dma_start3A_106 : memref<10240x128xf32, #tpu.memory_space<hbm>>) target(%arg10 : memref<125x128xf32, #tpu.memory_space<vmem>>) offsets(%dma_start3A_103 : memref<125xi32, #tpu.memory_space<vmem>>) semaphore(%arg13 : memref<!tpu.dma_semaphore, #tpu.memory_space<semaphore_mem>>)
        %add3A_107 = arith.constant 1 : i32
        %add3A_108 = arith.addi %mul3A_73, %add3A_107 : i32
        %lt3A_109 = arith.constant 40 : i32
        %lt3A_110 = arith.cmpi slt, %add3A_108, %lt3A_109 : i32
        %jit3A_111 = arith.constant 0 : i32
        %select_n3A_112 = arith.select %lt3A_110, %add3A_108, %jit3A_111 : i32
        %dma_wait3A_113 = arith.constant 0 : i32
        %dma_wait3A_114 = tpu.memref_slice %arg8[%select_n3A_112, %dma_wait3A_113] : memref<40x125xi32, #tpu.memory_space<vmem>> -> memref<1x125xi32, #tpu.memory_space<vmem>>
        %dma_wait3A_115 = tpu.memref_squeeze %dma_wait3A_114 : memref<1x125xi32, #tpu.memory_space<vmem>> -> memref<125xi32, #tpu.memory_space<vmem>>
        %dma_wait3A_116 = arith.constant 0 : i32
        %dma_wait3A_117 = arith.constant 0 : i32
        %dma_wait3A_118 = tpu.memref_slice %arg3[%dma_wait3A_116, %dma_wait3A_117] : memref<10240x128xf32, #tpu.memory_space<hbm>> -> memref<10240x128xf32, #tpu.memory_space<hbm>>
        tpu.wait_indirect_dma semaphore(%arg14 : memref<!tpu.dma_semaphore, #tpu.memory_space<semaphore_mem>>) src(%dma_wait3A_118 : memref<10240x128xf32, #tpu.memory_space<hbm>>) dst(%arg11 : memref<125x128xf32, #tpu.memory_space<vmem>>)
        %add3A_119 = arith.constant 1 : i32
        %add3A_120 = arith.addi %mul3A_73, %add3A_119 : i32
        "tpu.region"() ({
          %run_scoped3A = tpu.sem_alloc : memref<!tpu.dma_semaphore, #tpu.memory_space<semaphore_mem>>
          %dma_start3A_121 = arith.constant 0 : i32
          %dma_start3A_122 = tpu.memref_slice %arg9[%add3A_120, %dma_start3A_121] : memref<40x125xi32, #tpu.memory_space<vmem>> -> memref<1x125xi32, #tpu.memory_space<vmem>>
          %dma_start3A_123 = tpu.memref_squeeze %dma_start3A_122 : memref<1x125xi32, #tpu.memory_space<vmem>> -> memref<125xi32, #tpu.memory_space<vmem>>
          %dma_start3A_124 = arith.constant 0 : i32
          %dma_start3A_125 = arith.constant 0 : i32
          %dma_start3A_126 = tpu.memref_slice %arg12[%dma_start3A_124, %dma_start3A_125] : memref<10240x128xf32, #tpu.memory_space<vmem_shared>> -> memref<10240x128xf32, #tpu.memory_space<vmem_shared>>
          tpu.enqueue_indirect_dma source(%arg11 : memref<125x128xf32, #tpu.memory_space<vmem>>) target(%dma_start3A_126 : memref<10240x128xf32, #tpu.memory_space<vmem_shared>>) offsets(%dma_start3A_123 : memref<125xi32, #tpu.memory_space<vmem>>) semaphore(%run_scoped3A : memref<!tpu.dma_semaphore, #tpu.memory_space<semaphore_mem>>) {add = true}
          %dma_wait3A_127 = arith.constant 0 : i32
          %dma_wait3A_128 = tpu.memref_slice %arg9[%add3A_120, %dma_wait3A_127] : memref<40x125xi32, #tpu.memory_space<vmem>> -> memref<1x125xi32, #tpu.memory_space<vmem>>
          %dma_wait3A_129 = tpu.memref_squeeze %dma_wait3A_128 : memref<1x125xi32, #tpu.memory_space<vmem>> -> memref<125xi32, #tpu.memory_space<vmem>>
          %dma_wait3A_130 = arith.constant 0 : i32
          %dma_wait3A_131 = arith.constant 0 : i32
          %dma_wait3A_132 = tpu.memref_slice %arg12[%dma_wait3A_130, %dma_wait3A_131] : memref<10240x128xf32, #tpu.memory_space<vmem_shared>> -> memref<10240x128xf32, #tpu.memory_space<vmem_shared>>
          tpu.wait_indirect_dma semaphore(%run_scoped3A : memref<!tpu.dma_semaphore, #tpu.memory_space<semaphore_mem>>) src(%arg11 : memref<125x128xf32, #tpu.memory_space<vmem>>) dst(%dma_wait3A_132 : memref<10240x128xf32, #tpu.memory_space<vmem_shared>>)
          tpu.yield
        }) : () -> ()
      }
      %scan3A_33 = arith.constant 20 : i32
      %jit3A_34 = arith.constant false
      %jit3A_35 = arith.constant 40 : i32
      %jit3A_36 = arith.constant 0 : i32
      %select_n3A_37 = arith.select %jit3A_34, %jit3A_35, %jit3A_36 : i32
      %dma_wait3A = arith.constant 0 : i32
      %dma_wait3A_38 = tpu.memref_slice %arg8[%select_n3A_37, %dma_wait3A] : memref<40x125xi32, #tpu.memory_space<vmem>> -> memref<1x125xi32, #tpu.memory_space<vmem>>
      %dma_wait3A_39 = tpu.memref_squeeze %dma_wait3A_38 : memref<1x125xi32, #tpu.memory_space<vmem>> -> memref<125xi32, #tpu.memory_space<vmem>>
      %dma_wait3A_40 = arith.constant 0 : i32
      %dma_wait3A_41 = arith.constant 0 : i32
      %dma_wait3A_42 = tpu.memref_slice %arg3[%dma_wait3A_40, %dma_wait3A_41] : memref<10240x128xf32, #tpu.memory_space<hbm>> -> memref<10240x128xf32, #tpu.memory_space<hbm>>
      tpu.wait_indirect_dma semaphore(%arg13 : memref<!tpu.dma_semaphore, #tpu.memory_space<semaphore_mem>>) src(%dma_wait3A_42 : memref<10240x128xf32, #tpu.memory_space<hbm>>) dst(%arg10 : memref<125x128xf32, #tpu.memory_space<vmem>>)
      "tpu.region"() ({
        %run_scoped3A = tpu.sem_alloc : memref<!tpu.dma_semaphore, #tpu.memory_space<semaphore_mem>>
        %dma_start3A_71 = arith.constant 40 : i32
        %dma_start3A_72 = arith.constant 0 : i32
        %dma_start3A_73 = tpu.memref_slice %arg2[%arg1, %dma_start3A_71, %dma_start3A_72] : memref<32x80x125xi32, #tpu.memory_space<hbm>> -> memref<1x40x125xi32, #tpu.memory_space<hbm>>
        %dma_start3A_74 = tpu.memref_squeeze %dma_start3A_73 : memref<1x40x125xi32, #tpu.memory_space<hbm>> -> memref<40x125xi32, #tpu.memory_space<hbm>>
        %dma_start3A_75 = arith.constant 40 : i32
        %dma_start3A_76 = arith.constant 0 : i32
        %dma_start3A_77 = tpu.memref_slice %arg2[%arg1, %dma_start3A_75, %dma_start3A_76] : memref<32x80x125xi32, #tpu.memory_space<hbm>> -> memref<1x40x125xi32, #tpu.memory_space<hbm>>
        %dma_start3A_78 = tpu.memref_squeeze %dma_start3A_77 : memref<1x40x125xi32, #tpu.memory_space<hbm>> -> memref<40x125xi32, #tpu.memory_space<hbm>>
        tpu.enqueue_dma source(%dma_start3A_78 : memref<40x125xi32, #tpu.memory_space<hbm>>) target(%arg8 : memref<40x125xi32, #tpu.memory_space<vmem>>) target_semaphore(%run_scoped3A : memref<!tpu.dma_semaphore, #tpu.memory_space<semaphore_mem>>)
        %dma_wait3A_79 = arith.constant 40 : i32
        %dma_wait3A_80 = arith.constant 0 : i32
        %dma_wait3A_81 = tpu.memref_slice %arg2[%arg1, %dma_wait3A_79, %dma_wait3A_80] : memref<32x80x125xi32, #tpu.memory_space<hbm>> -> memref<1x40x125xi32, #tpu.memory_space<hbm>>
        %dma_wait3A_82 = tpu.memref_squeeze %dma_wait3A_81 : memref<1x40x125xi32, #tpu.memory_space<hbm>> -> memref<40x125xi32, #tpu.memory_space<hbm>>
        %dma_wait3A_83 = arith.constant 40 : i32
        %dma_wait3A_84 = arith.constant 0 : i32
        %dma_wait3A_85 = tpu.memref_slice %arg2[%arg1, %dma_wait3A_83, %dma_wait3A_84] : memref<32x80x125xi32, #tpu.memory_space<hbm>> -> memref<1x40x125xi32, #tpu.memory_space<hbm>>
        %dma_wait3A_86 = tpu.memref_squeeze %dma_wait3A_85 : memref<1x40x125xi32, #tpu.memory_space<hbm>> -> memref<40x125xi32, #tpu.memory_space<hbm>>
        tpu.wait_dma2 semaphore(%run_scoped3A : memref<!tpu.dma_semaphore, #tpu.memory_space<semaphore_mem>>) src(%dma_wait3A_86 : memref<40x125xi32, #tpu.memory_space<hbm>>) dst(%arg8 : memref<40x125xi32, #tpu.memory_space<vmem>>)
        tpu.yield
      }) : () -> ()
      %add3A_43 = arith.constant 16 : i32
      %add3A_44 = arith.addi %add3A_43, %arg1 : i32
      "tpu.region"() ({
        %run_scoped3A = tpu.sem_alloc : memref<!tpu.dma_semaphore, #tpu.memory_space<semaphore_mem>>
        %dma_start3A_71 = arith.constant 40 : i32
        %dma_start3A_72 = arith.constant 0 : i32
        %dma_start3A_73 = tpu.memref_slice %arg2[%add3A_44, %dma_start3A_71, %dma_start3A_72] : memref<32x80x125xi32, #tpu.memory_space<hbm>> -> memref<1x40x125xi32, #tpu.memory_space<hbm>>
        %dma_start3A_74 = tpu.memref_squeeze %dma_start3A_73 : memref<1x40x125xi32, #tpu.memory_space<hbm>> -> memref<40x125xi32, #tpu.memory_space<hbm>>
        %dma_start3A_75 = arith.constant 40 : i32
        %dma_start3A_76 = arith.constant 0 : i32
        %dma_start3A_77 = tpu.memref_slice %arg2[%add3A_44, %dma_start3A_75, %dma_start3A_76] : memref<32x80x125xi32, #tpu.memory_space<hbm>> -> memref<1x40x125xi32, #tpu.memory_space<hbm>>
        %dma_start3A_78 = tpu.memref_squeeze %dma_start3A_77 : memref<1x40x125xi32, #tpu.memory_space<hbm>> -> memref<40x125xi32, #tpu.memory_space<hbm>>
        tpu.enqueue_dma source(%dma_start3A_78 : memref<40x125xi32, #tpu.memory_space<hbm>>) target(%arg9 : memref<40x125xi32, #tpu.memory_space<vmem>>) target_semaphore(%run_scoped3A : memref<!tpu.dma_semaphore, #tpu.memory_space<semaphore_mem>>)
        %dma_wait3A_79 = arith.constant 40 : i32
        %dma_wait3A_80 = arith.constant 0 : i32
        %dma_wait3A_81 = tpu.memref_slice %arg2[%add3A_44, %dma_wait3A_79, %dma_wait3A_80] : memref<32x80x125xi32, #tpu.memory_space<hbm>> -> memref<1x40x125xi32, #tpu.memory_space<hbm>>
        %dma_wait3A_82 = tpu.memref_squeeze %dma_wait3A_81 : memref<1x40x125xi32, #tpu.memory_space<hbm>> -> memref<40x125xi32, #tpu.memory_space<hbm>>
        %dma_wait3A_83 = arith.constant 40 : i32
        %dma_wait3A_84 = arith.constant 0 : i32
        %dma_wait3A_85 = tpu.memref_slice %arg2[%add3A_44, %dma_wait3A_83, %dma_wait3A_84] : memref<32x80x125xi32, #tpu.memory_space<hbm>> -> memref<1x40x125xi32, #tpu.memory_space<hbm>>
        %dma_wait3A_86 = tpu.memref_squeeze %dma_wait3A_85 : memref<1x40x125xi32, #tpu.memory_space<hbm>> -> memref<40x125xi32, #tpu.memory_space<hbm>>
        tpu.wait_dma2 semaphore(%run_scoped3A : memref<!tpu.dma_semaphore, #tpu.memory_space<semaphore_mem>>) src(%dma_wait3A_86 : memref<40x125xi32, #tpu.memory_space<hbm>>) dst(%arg9 : memref<40x125xi32, #tpu.memory_space<vmem>>)
        tpu.yield
      }) : () -> ()
      %jit3A_45 = arith.constant true
      %jit3A_46 = arith.constant 0 : i32
      %jit3A_47 = arith.constant 0 : i32
      %select_n3A_48 = arith.select %jit3A_45, %jit3A_46, %jit3A_47 : i32
      %dma_start3A_49 = arith.constant 0 : i32
      %dma_start3A_50 = tpu.memref_slice %arg8[%select_n3A_48, %dma_start3A_49] : memref<40x125xi32, #tpu.memory_space<vmem>> -> memref<1x125xi32, #tpu.memory_space<vmem>>
      %dma_start3A_51 = tpu.memref_squeeze %dma_start3A_50 : memref<1x125xi32, #tpu.memory_space<vmem>> -> memref<125xi32, #tpu.memory_space<vmem>>
      %dma_start3A_52 = arith.constant 0 : i32
      %dma_start3A_53 = arith.constant 0 : i32
      %dma_start3A_54 = tpu.memref_slice %arg3[%dma_start3A_52, %dma_start3A_53] : memref<10240x128xf32, #tpu.memory_space<hbm>> -> memref<10240x128xf32, #tpu.memory_space<hbm>>
      tpu.enqueue_indirect_dma source(%dma_start3A_54 : memref<10240x128xf32, #tpu.memory_space<hbm>>) target(%arg10 : memref<125x128xf32, #tpu.memory_space<vmem>>) offsets(%dma_start3A_51 : memref<125xi32, #tpu.memory_space<vmem>>) semaphore(%arg13 : memref<!tpu.dma_semaphore, #tpu.memory_space<semaphore_mem>>)
      %scan3A_55 = arith.constant 0 : i32
      %scan3A_56 = arith.constant 0 : i32
      %scan3A_57 = arith.constant 20 : i32
      %scan3A_58 = arith.addi %scan3A_56, %scan3A_57 : i32
      %scan3A_59 = arith.constant 1 : i32
      scf.for %scan3A_71 = %scan3A_56 to %scan3A_58 step %scan3A_59  : i32 {
        %mul3A_72 = arith.constant 2 : i32
        %mul3A_73 = arith.muli %mul3A_72, %scan3A_71 : i32
        %add3A_74 = arith.constant 1 : i32
        %add3A_75 = arith.addi %mul3A_73, %add3A_74 : i32
        %lt3A = arith.constant 40 : i32
        %lt3A_76 = arith.cmpi slt, %add3A_75, %lt3A : i32
        %jit3A_77 = arith.constant 0 : i32
        %select_n3A_78 = arith.select %lt3A_76, %add3A_75, %jit3A_77 : i32
        %dma_start3A_79 = arith.constant 0 : i32
        %dma_start3A_80 = tpu.memref_slice %arg8[%select_n3A_78, %dma_start3A_79] : memref<40x125xi32, #tpu.memory_space<vmem>> -> memref<1x125xi32, #tpu.memory_space<vmem>>
        %dma_start3A_81 = tpu.memref_squeeze %dma_start3A_80 : memref<1x125xi32, #tpu.memory_space<vmem>> -> memref<125xi32, #tpu.memory_space<vmem>>
        %dma_start3A_82 = arith.constant 0 : i32
        %dma_start3A_83 = arith.constant 0 : i32
        %dma_start3A_84 = tpu.memref_slice %arg3[%dma_start3A_82, %dma_start3A_83] : memref<10240x128xf32, #tpu.memory_space<hbm>> -> memref<10240x128xf32, #tpu.memory_space<hbm>>
        tpu.enqueue_indirect_dma source(%dma_start3A_84 : memref<10240x128xf32, #tpu.memory_space<hbm>>) target(%arg11 : memref<125x128xf32, #tpu.memory_space<vmem>>) offsets(%dma_start3A_81 : memref<125xi32, #tpu.memory_space<vmem>>) semaphore(%arg14 : memref<!tpu.dma_semaphore, #tpu.memory_space<semaphore_mem>>)
        %lt3A_85 = arith.constant 40 : i32
        %lt3A_86 = arith.cmpi slt, %mul3A_73, %lt3A_85 : i32
        %jit3A_87 = arith.constant 0 : i32
        %select_n3A_88 = arith.select %lt3A_86, %mul3A_73, %jit3A_87 : i32
        %dma_wait3A_89 = arith.constant 0 : i32
        %dma_wait3A_90 = tpu.memref_slice %arg8[%select_n3A_88, %dma_wait3A_89] : memref<40x125xi32, #tpu.memory_space<vmem>> -> memref<1x125xi32, #tpu.memory_space<vmem>>
        %dma_wait3A_91 = tpu.memref_squeeze %dma_wait3A_90 : memref<1x125xi32, #tpu.memory_space<vmem>> -> memref<125xi32, #tpu.memory_space<vmem>>
        %dma_wait3A_92 = arith.constant 0 : i32
        %dma_wait3A_93 = arith.constant 0 : i32
        %dma_wait3A_94 = tpu.memref_slice %arg3[%dma_wait3A_92, %dma_wait3A_93] : memref<10240x128xf32, #tpu.memory_space<hbm>> -> memref<10240x128xf32, #tpu.memory_space<hbm>>
        tpu.wait_indirect_dma semaphore(%arg13 : memref<!tpu.dma_semaphore, #tpu.memory_space<semaphore_mem>>) src(%dma_wait3A_94 : memref<10240x128xf32, #tpu.memory_space<hbm>>) dst(%arg10 : memref<125x128xf32, #tpu.memory_space<vmem>>)
        "tpu.region"() ({
          %run_scoped3A = tpu.sem_alloc : memref<!tpu.dma_semaphore, #tpu.memory_space<semaphore_mem>>
          %dma_start3A_121 = arith.constant 0 : i32
          %dma_start3A_122 = tpu.memref_slice %arg9[%mul3A_73, %dma_start3A_121] : memref<40x125xi32, #tpu.memory_space<vmem>> -> memref<1x125xi32, #tpu.memory_space<vmem>>
          %dma_start3A_123 = tpu.memref_squeeze %dma_start3A_122 : memref<1x125xi32, #tpu.memory_space<vmem>> -> memref<125xi32, #tpu.memory_space<vmem>>
          %dma_start3A_124 = arith.constant 0 : i32
          %dma_start3A_125 = arith.constant 0 : i32
          %dma_start3A_126 = tpu.memref_slice %arg12[%dma_start3A_124, %dma_start3A_125] : memref<10240x128xf32, #tpu.memory_space<vmem_shared>> -> memref<10240x128xf32, #tpu.memory_space<vmem_shared>>
          tpu.enqueue_indirect_dma source(%arg10 : memref<125x128xf32, #tpu.memory_space<vmem>>) target(%dma_start3A_126 : memref<10240x128xf32, #tpu.memory_space<vmem_shared>>) offsets(%dma_start3A_123 : memref<125xi32, #tpu.memory_space<vmem>>) semaphore(%run_scoped3A : memref<!tpu.dma_semaphore, #tpu.memory_space<semaphore_mem>>) {add = true}
          %dma_wait3A_127 = arith.constant 0 : i32
          %dma_wait3A_128 = tpu.memref_slice %arg9[%mul3A_73, %dma_wait3A_127] : memref<40x125xi32, #tpu.memory_space<vmem>> -> memref<1x125xi32, #tpu.memory_space<vmem>>
          %dma_wait3A_129 = tpu.memref_squeeze %dma_wait3A_128 : memref<1x125xi32, #tpu.memory_space<vmem>> -> memref<125xi32, #tpu.memory_space<vmem>>
          %dma_wait3A_130 = arith.constant 0 : i32
          %dma_wait3A_131 = arith.constant 0 : i32
          %dma_wait3A_132 = tpu.memref_slice %arg12[%dma_wait3A_130, %dma_wait3A_131] : memref<10240x128xf32, #tpu.memory_space<vmem_shared>> -> memref<10240x128xf32, #tpu.memory_space<vmem_shared>>
          tpu.wait_indirect_dma semaphore(%run_scoped3A : memref<!tpu.dma_semaphore, #tpu.memory_space<semaphore_mem>>) src(%arg10 : memref<125x128xf32, #tpu.memory_space<vmem>>) dst(%dma_wait3A_132 : memref<10240x128xf32, #tpu.memory_space<vmem_shared>>)
          tpu.yield
        }) : () -> ()
        %add3A_95 = arith.constant 2 : i32
        %add3A_96 = arith.addi %mul3A_73, %add3A_95 : i32
        %lt3A_97 = arith.constant 40 : i32
        %lt3A_98 = arith.cmpi slt, %add3A_96, %lt3A_97 : i32
        %jit3A_99 = arith.constant 0 : i32
        %select_n3A_100 = arith.select %lt3A_98, %add3A_96, %jit3A_99 : i32
        %dma_start3A_101 = arith.constant 0 : i32
        %dma_start3A_102 = tpu.memref_slice %arg8[%select_n3A_100, %dma_start3A_101] : memref<40x125xi32, #tpu.memory_space<vmem>> -> memref<1x125xi32, #tpu.memory_space<vmem>>
        %dma_start3A_103 = tpu.memref_squeeze %dma_start3A_102 : memref<1x125xi32, #tpu.memory_space<vmem>> -> memref<125xi32, #tpu.memory_space<vmem>>
        %dma_start3A_104 = arith.constant 0 : i32
        %dma_start3A_105 = arith.constant 0 : i32
        %dma_start3A_106 = tpu.memref_slice %arg3[%dma_start3A_104, %dma_start3A_105] : memref<10240x128xf32, #tpu.memory_space<hbm>> -> memref<10240x128xf32, #tpu.memory_space<hbm>>
        tpu.enqueue_indirect_dma source(%dma_start3A_106 : memref<10240x128xf32, #tpu.memory_space<hbm>>) target(%arg10 : memref<125x128xf32, #tpu.memory_space<vmem>>) offsets(%dma_start3A_103 : memref<125xi32, #tpu.memory_space<vmem>>) semaphore(%arg13 : memref<!tpu.dma_semaphore, #tpu.memory_space<semaphore_mem>>)
        %add3A_107 = arith.constant 1 : i32
        %add3A_108 = arith.addi %mul3A_73, %add3A_107 : i32
        %lt3A_109 = arith.constant 40 : i32
        %lt3A_110 = arith.cmpi slt, %add3A_108, %lt3A_109 : i32
        %jit3A_111 = arith.constant 0 : i32
        %select_n3A_112 = arith.select %lt3A_110, %add3A_108, %jit3A_111 : i32
        %dma_wait3A_113 = arith.constant 0 : i32
        %dma_wait3A_114 = tpu.memref_slice %arg8[%select_n3A_112, %dma_wait3A_113] : memref<40x125xi32, #tpu.memory_space<vmem>> -> memref<1x125xi32, #tpu.memory_space<vmem>>
        %dma_wait3A_115 = tpu.memref_squeeze %dma_wait3A_114 : memref<1x125xi32, #tpu.memory_space<vmem>> -> memref<125xi32, #tpu.memory_space<vmem>>
        %dma_wait3A_116 = arith.constant 0 : i32
        %dma_wait3A_117 = arith.constant 0 : i32
        %dma_wait3A_118 = tpu.memref_slice %arg3[%dma_wait3A_116, %dma_wait3A_117] : memref<10240x128xf32, #tpu.memory_space<hbm>> -> memref<10240x128xf32, #tpu.memory_space<hbm>>
        tpu.wait_indirect_dma semaphore(%arg14 : memref<!tpu.dma_semaphore, #tpu.memory_space<semaphore_mem>>) src(%dma_wait3A_118 : memref<10240x128xf32, #tpu.memory_space<hbm>>) dst(%arg11 : memref<125x128xf32, #tpu.memory_space<vmem>>)
        %add3A_119 = arith.constant 1 : i32
        %add3A_120 = arith.addi %mul3A_73, %add3A_119 : i32
        "tpu.region"() ({
          %run_scoped3A = tpu.sem_alloc : memref<!tpu.dma_semaphore, #tpu.memory_space<semaphore_mem>>
          %dma_start3A_121 = arith.constant 0 : i32
          %dma_start3A_122 = tpu.memref_slice %arg9[%add3A_120, %dma_start3A_121] : memref<40x125xi32, #tpu.memory_space<vmem>> -> memref<1x125xi32, #tpu.memory_space<vmem>>
          %dma_start3A_123 = tpu.memref_squeeze %dma_start3A_122 : memref<1x125xi32, #tpu.memory_space<vmem>> -> memref<125xi32, #tpu.memory_space<vmem>>
          %dma_start3A_124 = arith.constant 0 : i32
          %dma_start3A_125 = arith.constant 0 : i32
          %dma_start3A_126 = tpu.memref_slice %arg12[%dma_start3A_124, %dma_start3A_125] : memref<10240x128xf32, #tpu.memory_space<vmem_shared>> -> memref<10240x128xf32, #tpu.memory_space<vmem_shared>>
          tpu.enqueue_indirect_dma source(%arg11 : memref<125x128xf32, #tpu.memory_space<vmem>>) target(%dma_start3A_126 : memref<10240x128xf32, #tpu.memory_space<vmem_shared>>) offsets(%dma_start3A_123 : memref<125xi32, #tpu.memory_space<vmem>>) semaphore(%run_scoped3A : memref<!tpu.dma_semaphore, #tpu.memory_space<semaphore_mem>>) {add = true}
          %dma_wait3A_127 = arith.constant 0 : i32
          %dma_wait3A_128 = tpu.memref_slice %arg9[%add3A_120, %dma_wait3A_127] : memref<40x125xi32, #tpu.memory_space<vmem>> -> memref<1x125xi32, #tpu.memory_space<vmem>>
          %dma_wait3A_129 = tpu.memref_squeeze %dma_wait3A_128 : memref<1x125xi32, #tpu.memory_space<vmem>> -> memref<125xi32, #tpu.memory_space<vmem>>
          %dma_wait3A_130 = arith.constant 0 : i32
          %dma_wait3A_131 = arith.constant 0 : i32
          %dma_wait3A_132 = tpu.memref_slice %arg12[%dma_wait3A_130, %dma_wait3A_131] : memref<10240x128xf32, #tpu.memory_space<vmem_shared>> -> memref<10240x128xf32, #tpu.memory_space<vmem_shared>>
          tpu.wait_indirect_dma semaphore(%run_scoped3A : memref<!tpu.dma_semaphore, #tpu.memory_space<semaphore_mem>>) src(%arg11 : memref<125x128xf32, #tpu.memory_space<vmem>>) dst(%dma_wait3A_132 : memref<10240x128xf32, #tpu.memory_space<vmem_shared>>)
          tpu.yield
        }) : () -> ()
      }
      %scan3A_60 = arith.constant 20 : i32
      %jit3A_61 = arith.constant false
      %jit3A_62 = arith.constant 40 : i32
      %jit3A_63 = arith.constant 0 : i32
      %select_n3A_64 = arith.select %jit3A_61, %jit3A_62, %jit3A_63 : i32
      %dma_wait3A_65 = arith.constant 0 : i32
      %dma_wait3A_66 = tpu.memref_slice %arg8[%select_n3A_64, %dma_wait3A_65] : memref<40x125xi32, #tpu.memory_space<vmem>> -> memref<1x125xi32, #tpu.memory_space<vmem>>
      %dma_wait3A_67 = tpu.memref_squeeze %dma_wait3A_66 : memref<1x125xi32, #tpu.memory_space<vmem>> -> memref<125xi32, #tpu.memory_space<vmem>>
      %dma_wait3A_68 = arith.constant 0 : i32
      %dma_wait3A_69 = arith.constant 0 : i32
      %dma_wait3A_70 = tpu.memref_slice %arg3[%dma_wait3A_68, %dma_wait3A_69] : memref<10240x128xf32, #tpu.memory_space<hbm>> -> memref<10240x128xf32, #tpu.memory_space<hbm>>
      tpu.wait_indirect_dma semaphore(%arg13 : memref<!tpu.dma_semaphore, #tpu.memory_space<semaphore_mem>>) src(%dma_wait3A_70 : memref<10240x128xf32, #tpu.memory_space<hbm>>) dst(%arg10 : memref<125x128xf32, #tpu.memory_space<vmem>>)
    } else {
    }
    %eq3A_3 = arith.constant 1 : i32
    %eq3A_4 = arith.cmpi eq, %arg0, %eq3A_3 : i32
    %convert_element_type3A_5 = arith.extui %eq3A_4 : i1 to i32
    %cond3A_6 = arith.constant 0 : i32
    %cond3A_7 = arith.cmpi ne, %convert_element_type3A_5, %cond3A_6 : i32
    scf.if %cond3A_7 {
      "tpu.region"() ({
        %run_scoped3A = tpu.sem_alloc : memref<!tpu.dma_semaphore, #tpu.memory_space<semaphore_mem>>
        %dma_start3A_71 = arith.constant 0 : i32
        %dma_start3A_72 = arith.constant 0 : i32
        %dma_start3A_73 = tpu.memref_slice %arg2[%arg1, %dma_start3A_71, %dma_start3A_72] : memref<32x80x125xi32, #tpu.memory_space<hbm>> -> memref<1x40x125xi32, #tpu.memory_space<hbm>>
        %dma_start3A_74 = tpu.memref_squeeze %dma_start3A_73 : memref<1x40x125xi32, #tpu.memory_space<hbm>> -> memref<40x125xi32, #tpu.memory_space<hbm>>
        %dma_start3A_75 = arith.constant 0 : i32
        %dma_start3A_76 = arith.constant 0 : i32
        %dma_start3A_77 = tpu.memref_slice %arg2[%arg1, %dma_start3A_75, %dma_start3A_76] : memref<32x80x125xi32, #tpu.memory_space<hbm>> -> memref<1x40x125xi32, #tpu.memory_space<hbm>>
        %dma_start3A_78 = tpu.memref_squeeze %dma_start3A_77 : memref<1x40x125xi32, #tpu.memory_space<hbm>> -> memref<40x125xi32, #tpu.memory_space<hbm>>
        tpu.enqueue_dma source(%dma_start3A_78 : memref<40x125xi32, #tpu.memory_space<hbm>>) target(%arg8 : memref<40x125xi32, #tpu.memory_space<vmem>>) target_semaphore(%run_scoped3A : memref<!tpu.dma_semaphore, #tpu.memory_space<semaphore_mem>>)
        %dma_wait3A_79 = arith.constant 0 : i32
        %dma_wait3A_80 = arith.constant 0 : i32
        %dma_wait3A_81 = tpu.memref_slice %arg2[%arg1, %dma_wait3A_79, %dma_wait3A_80] : memref<32x80x125xi32, #tpu.memory_space<hbm>> -> memref<1x40x125xi32, #tpu.memory_space<hbm>>
        %dma_wait3A_82 = tpu.memref_squeeze %dma_wait3A_81 : memref<1x40x125xi32, #tpu.memory_space<hbm>> -> memref<40x125xi32, #tpu.memory_space<hbm>>
        %dma_wait3A_83 = arith.constant 0 : i32
        %dma_wait3A_84 = arith.constant 0 : i32
        %dma_wait3A_85 = tpu.memref_slice %arg2[%arg1, %dma_wait3A_83, %dma_wait3A_84] : memref<32x80x125xi32, #tpu.memory_space<hbm>> -> memref<1x40x125xi32, #tpu.memory_space<hbm>>
        %dma_wait3A_86 = tpu.memref_squeeze %dma_wait3A_85 : memref<1x40x125xi32, #tpu.memory_space<hbm>> -> memref<40x125xi32, #tpu.memory_space<hbm>>
        tpu.wait_dma2 semaphore(%run_scoped3A : memref<!tpu.dma_semaphore, #tpu.memory_space<semaphore_mem>>) src(%dma_wait3A_86 : memref<40x125xi32, #tpu.memory_space<hbm>>) dst(%arg8 : memref<40x125xi32, #tpu.memory_space<vmem>>)
        tpu.yield
      }) : () -> ()
      %add3A = arith.constant 16 : i32
      %add3A_21 = arith.addi %add3A, %arg1 : i32
      "tpu.region"() ({
        %run_scoped3A = tpu.sem_alloc : memref<!tpu.dma_semaphore, #tpu.memory_space<semaphore_mem>>
        %dma_start3A_71 = arith.constant 0 : i32
        %dma_start3A_72 = arith.constant 0 : i32
        %dma_start3A_73 = tpu.memref_slice %arg2[%add3A_21, %dma_start3A_71, %dma_start3A_72] : memref<32x80x125xi32, #tpu.memory_space<hbm>> -> memref<1x40x125xi32, #tpu.memory_space<hbm>>
        %dma_start3A_74 = tpu.memref_squeeze %dma_start3A_73 : memref<1x40x125xi32, #tpu.memory_space<hbm>> -> memref<40x125xi32, #tpu.memory_space<hbm>>
        %dma_start3A_75 = arith.constant 0 : i32
        %dma_start3A_76 = arith.constant 0 : i32
        %dma_start3A_77 = tpu.memref_slice %arg2[%add3A_21, %dma_start3A_75, %dma_start3A_76] : memref<32x80x125xi32, #tpu.memory_space<hbm>> -> memref<1x40x125xi32, #tpu.memory_space<hbm>>
        %dma_start3A_78 = tpu.memref_squeeze %dma_start3A_77 : memref<1x40x125xi32, #tpu.memory_space<hbm>> -> memref<40x125xi32, #tpu.memory_space<hbm>>
        tpu.enqueue_dma source(%dma_start3A_78 : memref<40x125xi32, #tpu.memory_space<hbm>>) target(%arg9 : memref<40x125xi32, #tpu.memory_space<vmem>>) target_semaphore(%run_scoped3A : memref<!tpu.dma_semaphore, #tpu.memory_space<semaphore_mem>>)
        %dma_wait3A_79 = arith.constant 0 : i32
        %dma_wait3A_80 = arith.constant 0 : i32
        %dma_wait3A_81 = tpu.memref_slice %arg2[%add3A_21, %dma_wait3A_79, %dma_wait3A_80] : memref<32x80x125xi32, #tpu.memory_space<hbm>> -> memref<1x40x125xi32, #tpu.memory_space<hbm>>
        %dma_wait3A_82 = tpu.memref_squeeze %dma_wait3A_81 : memref<1x40x125xi32, #tpu.memory_space<hbm>> -> memref<40x125xi32, #tpu.memory_space<hbm>>
        %dma_wait3A_83 = arith.constant 0 : i32
        %dma_wait3A_84 = arith.constant 0 : i32
        %dma_wait3A_85 = tpu.memref_slice %arg2[%add3A_21, %dma_wait3A_83, %dma_wait3A_84] : memref<32x80x125xi32, #tpu.memory_space<hbm>> -> memref<1x40x125xi32, #tpu.memory_space<hbm>>
        %dma_wait3A_86 = tpu.memref_squeeze %dma_wait3A_85 : memref<1x40x125xi32, #tpu.memory_space<hbm>> -> memref<40x125xi32, #tpu.memory_space<hbm>>
        tpu.wait_dma2 semaphore(%run_scoped3A : memref<!tpu.dma_semaphore, #tpu.memory_space<semaphore_mem>>) src(%dma_wait3A_86 : memref<40x125xi32, #tpu.memory_space<hbm>>) dst(%arg9 : memref<40x125xi32, #tpu.memory_space<vmem>>)
        tpu.yield
      }) : () -> ()
      %jit3A = arith.constant true
      %jit3A_22 = arith.constant 0 : i32
      %jit3A_23 = arith.constant 0 : i32
      %select_n3A = arith.select %jit3A, %jit3A_22, %jit3A_23 : i32
      %dma_start3A = arith.constant 0 : i32
      %dma_start3A_24 = tpu.memref_slice %arg8[%select_n3A, %dma_start3A] : memref<40x125xi32, #tpu.memory_space<vmem>> -> memref<1x125xi32, #tpu.memory_space<vmem>>
      %dma_start3A_25 = tpu.memref_squeeze %dma_start3A_24 : memref<1x125xi32, #tpu.memory_space<vmem>> -> memref<125xi32, #tpu.memory_space<vmem>>
      %dma_start3A_26 = arith.constant 0 : i32
      %dma_start3A_27 = arith.constant 0 : i32
      %dma_start3A_28 = tpu.memref_slice %arg4[%dma_start3A_26, %dma_start3A_27] : memref<10240x128xf32, #tpu.memory_space<hbm>> -> memref<10240x128xf32, #tpu.memory_space<hbm>>
      tpu.enqueue_indirect_dma source(%dma_start3A_28 : memref<10240x128xf32, #tpu.memory_space<hbm>>) target(%arg10 : memref<125x128xf32, #tpu.memory_space<vmem>>) offsets(%dma_start3A_25 : memref<125xi32, #tpu.memory_space<vmem>>) semaphore(%arg13 : memref<!tpu.dma_semaphore, #tpu.memory_space<semaphore_mem>>)
      %scan3A = arith.constant 0 : i32
      %scan3A_29 = arith.constant 0 : i32
      %scan3A_30 = arith.constant 20 : i32
      %scan3A_31 = arith.addi %scan3A_29, %scan3A_30 : i32
      %scan3A_32 = arith.constant 1 : i32
      scf.for %scan3A_71 = %scan3A_29 to %scan3A_31 step %scan3A_32  : i32 {
        %mul3A_72 = arith.constant 2 : i32
        %mul3A_73 = arith.muli %mul3A_72, %scan3A_71 : i32
        %add3A_74 = arith.constant 1 : i32
        %add3A_75 = arith.addi %mul3A_73, %add3A_74 : i32
        %lt3A = arith.constant 40 : i32
        %lt3A_76 = arith.cmpi slt, %add3A_75, %lt3A : i32
        %jit3A_77 = arith.constant 0 : i32
        %select_n3A_78 = arith.select %lt3A_76, %add3A_75, %jit3A_77 : i32
        %dma_start3A_79 = arith.constant 0 : i32
        %dma_start3A_80 = tpu.memref_slice %arg8[%select_n3A_78, %dma_start3A_79] : memref<40x125xi32, #tpu.memory_space<vmem>> -> memref<1x125xi32, #tpu.memory_space<vmem>>
        %dma_start3A_81 = tpu.memref_squeeze %dma_start3A_80 : memref<1x125xi32, #tpu.memory_space<vmem>> -> memref<125xi32, #tpu.memory_space<vmem>>
        %dma_start3A_82 = arith.constant 0 : i32
        %dma_start3A_83 = arith.constant 0 : i32
        %dma_start3A_84 = tpu.memref_slice %arg4[%dma_start3A_82, %dma_start3A_83] : memref<10240x128xf32, #tpu.memory_space<hbm>> -> memref<10240x128xf32, #tpu.memory_space<hbm>>
        tpu.enqueue_indirect_dma source(%dma_start3A_84 : memref<10240x128xf32, #tpu.memory_space<hbm>>) target(%arg11 : memref<125x128xf32, #tpu.memory_space<vmem>>) offsets(%dma_start3A_81 : memref<125xi32, #tpu.memory_space<vmem>>) semaphore(%arg14 : memref<!tpu.dma_semaphore, #tpu.memory_space<semaphore_mem>>)
        %lt3A_85 = arith.constant 40 : i32
        %lt3A_86 = arith.cmpi slt, %mul3A_73, %lt3A_85 : i32
        %jit3A_87 = arith.constant 0 : i32
        %select_n3A_88 = arith.select %lt3A_86, %mul3A_73, %jit3A_87 : i32
        %dma_wait3A_89 = arith.constant 0 : i32
        %dma_wait3A_90 = tpu.memref_slice %arg8[%select_n3A_88, %dma_wait3A_89] : memref<40x125xi32, #tpu.memory_space<vmem>> -> memref<1x125xi32, #tpu.memory_space<vmem>>
        %dma_wait3A_91 = tpu.memref_squeeze %dma_wait3A_90 : memref<1x125xi32, #tpu.memory_space<vmem>> -> memref<125xi32, #tpu.memory_space<vmem>>
        %dma_wait3A_92 = arith.constant 0 : i32
        %dma_wait3A_93 = arith.constant 0 : i32
        %dma_wait3A_94 = tpu.memref_slice %arg4[%dma_wait3A_92, %dma_wait3A_93] : memref<10240x128xf32, #tpu.memory_space<hbm>> -> memref<10240x128xf32, #tpu.memory_space<hbm>>
        tpu.wait_indirect_dma semaphore(%arg13 : memref<!tpu.dma_semaphore, #tpu.memory_space<semaphore_mem>>) src(%dma_wait3A_94 : memref<10240x128xf32, #tpu.memory_space<hbm>>) dst(%arg10 : memref<125x128xf32, #tpu.memory_space<vmem>>)
        "tpu.region"() ({
          %run_scoped3A = tpu.sem_alloc : memref<!tpu.dma_semaphore, #tpu.memory_space<semaphore_mem>>
          %dma_start3A_121 = arith.constant 0 : i32
          %dma_start3A_122 = tpu.memref_slice %arg9[%mul3A_73, %dma_start3A_121] : memref<40x125xi32, #tpu.memory_space<vmem>> -> memref<1x125xi32, #tpu.memory_space<vmem>>
          %dma_start3A_123 = tpu.memref_squeeze %dma_start3A_122 : memref<1x125xi32, #tpu.memory_space<vmem>> -> memref<125xi32, #tpu.memory_space<vmem>>
          %dma_start3A_124 = arith.constant 0 : i32
          %dma_start3A_125 = arith.constant 0 : i32
          %dma_start3A_126 = tpu.memref_slice %arg12[%dma_start3A_124, %dma_start3A_125] : memref<10240x128xf32, #tpu.memory_space<vmem_shared>> -> memref<10240x128xf32, #tpu.memory_space<vmem_shared>>
          tpu.enqueue_indirect_dma source(%arg10 : memref<125x128xf32, #tpu.memory_space<vmem>>) target(%dma_start3A_126 : memref<10240x128xf32, #tpu.memory_space<vmem_shared>>) offsets(%dma_start3A_123 : memref<125xi32, #tpu.memory_space<vmem>>) semaphore(%run_scoped3A : memref<!tpu.dma_semaphore, #tpu.memory_space<semaphore_mem>>) {add = true}
          %dma_wait3A_127 = arith.constant 0 : i32
          %dma_wait3A_128 = tpu.memref_slice %arg9[%mul3A_73, %dma_wait3A_127] : memref<40x125xi32, #tpu.memory_space<vmem>> -> memref<1x125xi32, #tpu.memory_space<vmem>>
          %dma_wait3A_129 = tpu.memref_squeeze %dma_wait3A_128 : memref<1x125xi32, #tpu.memory_space<vmem>> -> memref<125xi32, #tpu.memory_space<vmem>>
          %dma_wait3A_130 = arith.constant 0 : i32
          %dma_wait3A_131 = arith.constant 0 : i32
          %dma_wait3A_132 = tpu.memref_slice %arg12[%dma_wait3A_130, %dma_wait3A_131] : memref<10240x128xf32, #tpu.memory_space<vmem_shared>> -> memref<10240x128xf32, #tpu.memory_space<vmem_shared>>
          tpu.wait_indirect_dma semaphore(%run_scoped3A : memref<!tpu.dma_semaphore, #tpu.memory_space<semaphore_mem>>) src(%arg10 : memref<125x128xf32, #tpu.memory_space<vmem>>) dst(%dma_wait3A_132 : memref<10240x128xf32, #tpu.memory_space<vmem_shared>>)
          tpu.yield
        }) : () -> ()
        %add3A_95 = arith.constant 2 : i32
        %add3A_96 = arith.addi %mul3A_73, %add3A_95 : i32
        %lt3A_97 = arith.constant 40 : i32
        %lt3A_98 = arith.cmpi slt, %add3A_96, %lt3A_97 : i32
        %jit3A_99 = arith.constant 0 : i32
        %select_n3A_100 = arith.select %lt3A_98, %add3A_96, %jit3A_99 : i32
        %dma_start3A_101 = arith.constant 0 : i32
        %dma_start3A_102 = tpu.memref_slice %arg8[%select_n3A_100, %dma_start3A_101] : memref<40x125xi32, #tpu.memory_space<vmem>> -> memref<1x125xi32, #tpu.memory_space<vmem>>
        %dma_start3A_103 = tpu.memref_squeeze %dma_start3A_102 : memref<1x125xi32, #tpu.memory_space<vmem>> -> memref<125xi32, #tpu.memory_space<vmem>>
        %dma_start3A_104 = arith.constant 0 : i32
        %dma_start3A_105 = arith.constant 0 : i32
        %dma_start3A_106 = tpu.memref_slice %arg4[%dma_start3A_104, %dma_start3A_105] : memref<10240x128xf32, #tpu.memory_space<hbm>> -> memref<10240x128xf32, #tpu.memory_space<hbm>>
        tpu.enqueue_indirect_dma source(%dma_start3A_106 : memref<10240x128xf32, #tpu.memory_space<hbm>>) target(%arg10 : memref<125x128xf32, #tpu.memory_space<vmem>>) offsets(%dma_start3A_103 : memref<125xi32, #tpu.memory_space<vmem>>) semaphore(%arg13 : memref<!tpu.dma_semaphore, #tpu.memory_space<semaphore_mem>>)
        %add3A_107 = arith.constant 1 : i32
        %add3A_108 = arith.addi %mul3A_73, %add3A_107 : i32
        %lt3A_109 = arith.constant 40 : i32
        %lt3A_110 = arith.cmpi slt, %add3A_108, %lt3A_109 : i32
        %jit3A_111 = arith.constant 0 : i32
        %select_n3A_112 = arith.select %lt3A_110, %add3A_108, %jit3A_111 : i32
        %dma_wait3A_113 = arith.constant 0 : i32
        %dma_wait3A_114 = tpu.memref_slice %arg8[%select_n3A_112, %dma_wait3A_113] : memref<40x125xi32, #tpu.memory_space<vmem>> -> memref<1x125xi32, #tpu.memory_space<vmem>>
        %dma_wait3A_115 = tpu.memref_squeeze %dma_wait3A_114 : memref<1x125xi32, #tpu.memory_space<vmem>> -> memref<125xi32, #tpu.memory_space<vmem>>
        %dma_wait3A_116 = arith.constant 0 : i32
        %dma_wait3A_117 = arith.constant 0 : i32
        %dma_wait3A_118 = tpu.memref_slice %arg4[%dma_wait3A_116, %dma_wait3A_117] : memref<10240x128xf32, #tpu.memory_space<hbm>> -> memref<10240x128xf32, #tpu.memory_space<hbm>>
        tpu.wait_indirect_dma semaphore(%arg14 : memref<!tpu.dma_semaphore, #tpu.memory_space<semaphore_mem>>) src(%dma_wait3A_118 : memref<10240x128xf32, #tpu.memory_space<hbm>>) dst(%arg11 : memref<125x128xf32, #tpu.memory_space<vmem>>)
        %add3A_119 = arith.constant 1 : i32
        %add3A_120 = arith.addi %mul3A_73, %add3A_119 : i32
        "tpu.region"() ({
          %run_scoped3A = tpu.sem_alloc : memref<!tpu.dma_semaphore, #tpu.memory_space<semaphore_mem>>
          %dma_start3A_121 = arith.constant 0 : i32
          %dma_start3A_122 = tpu.memref_slice %arg9[%add3A_120, %dma_start3A_121] : memref<40x125xi32, #tpu.memory_space<vmem>> -> memref<1x125xi32, #tpu.memory_space<vmem>>
          %dma_start3A_123 = tpu.memref_squeeze %dma_start3A_122 : memref<1x125xi32, #tpu.memory_space<vmem>> -> memref<125xi32, #tpu.memory_space<vmem>>
          %dma_start3A_124 = arith.constant 0 : i32
          %dma_start3A_125 = arith.constant 0 : i32
          %dma_start3A_126 = tpu.memref_slice %arg12[%dma_start3A_124, %dma_start3A_125] : memref<10240x128xf32, #tpu.memory_space<vmem_shared>> -> memref<10240x128xf32, #tpu.memory_space<vmem_shared>>
          tpu.enqueue_indirect_dma source(%arg11 : memref<125x128xf32, #tpu.memory_space<vmem>>) target(%dma_start3A_126 : memref<10240x128xf32, #tpu.memory_space<vmem_shared>>) offsets(%dma_start3A_123 : memref<125xi32, #tpu.memory_space<vmem>>) semaphore(%run_scoped3A : memref<!tpu.dma_semaphore, #tpu.memory_space<semaphore_mem>>) {add = true}
          %dma_wait3A_127 = arith.constant 0 : i32
          %dma_wait3A_128 = tpu.memref_slice %arg9[%add3A_120, %dma_wait3A_127] : memref<40x125xi32, #tpu.memory_space<vmem>> -> memref<1x125xi32, #tpu.memory_space<vmem>>
          %dma_wait3A_129 = tpu.memref_squeeze %dma_wait3A_128 : memref<1x125xi32, #tpu.memory_space<vmem>> -> memref<125xi32, #tpu.memory_space<vmem>>
          %dma_wait3A_130 = arith.constant 0 : i32
          %dma_wait3A_131 = arith.constant 0 : i32
          %dma_wait3A_132 = tpu.memref_slice %arg12[%dma_wait3A_130, %dma_wait3A_131] : memref<10240x128xf32, #tpu.memory_space<vmem_shared>> -> memref<10240x128xf32, #tpu.memory_space<vmem_shared>>
          tpu.wait_indirect_dma semaphore(%run_scoped3A : memref<!tpu.dma_semaphore, #tpu.memory_space<semaphore_mem>>) src(%arg11 : memref<125x128xf32, #tpu.memory_space<vmem>>) dst(%dma_wait3A_132 : memref<10240x128xf32, #tpu.memory_space<vmem_shared>>)
          tpu.yield
        }) : () -> ()
      }
      %scan3A_33 = arith.constant 20 : i32
      %jit3A_34 = arith.constant false
      %jit3A_35 = arith.constant 40 : i32
      %jit3A_36 = arith.constant 0 : i32
      %select_n3A_37 = arith.select %jit3A_34, %jit3A_35, %jit3A_36 : i32
      %dma_wait3A = arith.constant 0 : i32
      %dma_wait3A_38 = tpu.memref_slice %arg8[%select_n3A_37, %dma_wait3A] : memref<40x125xi32, #tpu.memory_space<vmem>> -> memref<1x125xi32, #tpu.memory_space<vmem>>
      %dma_wait3A_39 = tpu.memref_squeeze %dma_wait3A_38 : memref<1x125xi32, #tpu.memory_space<vmem>> -> memref<125xi32, #tpu.memory_space<vmem>>
      %dma_wait3A_40 = arith.constant 0 : i32
      %dma_wait3A_41 = arith.constant 0 : i32
      %dma_wait3A_42 = tpu.memref_slice %arg4[%dma_wait3A_40, %dma_wait3A_41] : memref<10240x128xf32, #tpu.memory_space<hbm>> -> memref<10240x128xf32, #tpu.memory_space<hbm>>
      tpu.wait_indirect_dma semaphore(%arg13 : memref<!tpu.dma_semaphore, #tpu.memory_space<semaphore_mem>>) src(%dma_wait3A_42 : memref<10240x128xf32, #tpu.memory_space<hbm>>) dst(%arg10 : memref<125x128xf32, #tpu.memory_space<vmem>>)
      "tpu.region"() ({
        %run_scoped3A = tpu.sem_alloc : memref<!tpu.dma_semaphore, #tpu.memory_space<semaphore_mem>>
        %dma_start3A_71 = arith.constant 40 : i32
        %dma_start3A_72 = arith.constant 0 : i32
        %dma_start3A_73 = tpu.memref_slice %arg2[%arg1, %dma_start3A_71, %dma_start3A_72] : memref<32x80x125xi32, #tpu.memory_space<hbm>> -> memref<1x40x125xi32, #tpu.memory_space<hbm>>
        %dma_start3A_74 = tpu.memref_squeeze %dma_start3A_73 : memref<1x40x125xi32, #tpu.memory_space<hbm>> -> memref<40x125xi32, #tpu.memory_space<hbm>>
        %dma_start3A_75 = arith.constant 40 : i32
        %dma_start3A_76 = arith.constant 0 : i32
        %dma_start3A_77 = tpu.memref_slice %arg2[%arg1, %dma_start3A_75, %dma_start3A_76] : memref<32x80x125xi32, #tpu.memory_space<hbm>> -> memref<1x40x125xi32, #tpu.memory_space<hbm>>
        %dma_start3A_78 = tpu.memref_squeeze %dma_start3A_77 : memref<1x40x125xi32, #tpu.memory_space<hbm>> -> memref<40x125xi32, #tpu.memory_space<hbm>>
        tpu.enqueue_dma source(%dma_start3A_78 : memref<40x125xi32, #tpu.memory_space<hbm>>) target(%arg8 : memref<40x125xi32, #tpu.memory_space<vmem>>) target_semaphore(%run_scoped3A : memref<!tpu.dma_semaphore, #tpu.memory_space<semaphore_mem>>)
        %dma_wait3A_79 = arith.constant 40 : i32
        %dma_wait3A_80 = arith.constant 0 : i32
        %dma_wait3A_81 = tpu.memref_slice %arg2[%arg1, %dma_wait3A_79, %dma_wait3A_80] : memref<32x80x125xi32, #tpu.memory_space<hbm>> -> memref<1x40x125xi32, #tpu.memory_space<hbm>>
        %dma_wait3A_82 = tpu.memref_squeeze %dma_wait3A_81 : memref<1x40x125xi32, #tpu.memory_space<hbm>> -> memref<40x125xi32, #tpu.memory_space<hbm>>
        %dma_wait3A_83 = arith.constant 40 : i32
        %dma_wait3A_84 = arith.constant 0 : i32
        %dma_wait3A_85 = tpu.memref_slice %arg2[%arg1, %dma_wait3A_83, %dma_wait3A_84] : memref<32x80x125xi32, #tpu.memory_space<hbm>> -> memref<1x40x125xi32, #tpu.memory_space<hbm>>
        %dma_wait3A_86 = tpu.memref_squeeze %dma_wait3A_85 : memref<1x40x125xi32, #tpu.memory_space<hbm>> -> memref<40x125xi32, #tpu.memory_space<hbm>>
        tpu.wait_dma2 semaphore(%run_scoped3A : memref<!tpu.dma_semaphore, #tpu.memory_space<semaphore_mem>>) src(%dma_wait3A_86 : memref<40x125xi32, #tpu.memory_space<hbm>>) dst(%arg8 : memref<40x125xi32, #tpu.memory_space<vmem>>)
        tpu.yield
      }) : () -> ()
      %add3A_43 = arith.constant 16 : i32
      %add3A_44 = arith.addi %add3A_43, %arg1 : i32
      "tpu.region"() ({
        %run_scoped3A = tpu.sem_alloc : memref<!tpu.dma_semaphore, #tpu.memory_space<semaphore_mem>>
        %dma_start3A_71 = arith.constant 40 : i32
        %dma_start3A_72 = arith.constant 0 : i32
        %dma_start3A_73 = tpu.memref_slice %arg2[%add3A_44, %dma_start3A_71, %dma_start3A_72] : memref<32x80x125xi32, #tpu.memory_space<hbm>> -> memref<1x40x125xi32, #tpu.memory_space<hbm>>
        %dma_start3A_74 = tpu.memref_squeeze %dma_start3A_73 : memref<1x40x125xi32, #tpu.memory_space<hbm>> -> memref<40x125xi32, #tpu.memory_space<hbm>>
        %dma_start3A_75 = arith.constant 40 : i32
        %dma_start3A_76 = arith.constant 0 : i32
        %dma_start3A_77 = tpu.memref_slice %arg2[%add3A_44, %dma_start3A_75, %dma_start3A_76] : memref<32x80x125xi32, #tpu.memory_space<hbm>> -> memref<1x40x125xi32, #tpu.memory_space<hbm>>
        %dma_start3A_78 = tpu.memref_squeeze %dma_start3A_77 : memref<1x40x125xi32, #tpu.memory_space<hbm>> -> memref<40x125xi32, #tpu.memory_space<hbm>>
        tpu.enqueue_dma source(%dma_start3A_78 : memref<40x125xi32, #tpu.memory_space<hbm>>) target(%arg9 : memref<40x125xi32, #tpu.memory_space<vmem>>) target_semaphore(%run_scoped3A : memref<!tpu.dma_semaphore, #tpu.memory_space<semaphore_mem>>)
        %dma_wait3A_79 = arith.constant 40 : i32
        %dma_wait3A_80 = arith.constant 0 : i32
        %dma_wait3A_81 = tpu.memref_slice %arg2[%add3A_44, %dma_wait3A_79, %dma_wait3A_80] : memref<32x80x125xi32, #tpu.memory_space<hbm>> -> memref<1x40x125xi32, #tpu.memory_space<hbm>>
        %dma_wait3A_82 = tpu.memref_squeeze %dma_wait3A_81 : memref<1x40x125xi32, #tpu.memory_space<hbm>> -> memref<40x125xi32, #tpu.memory_space<hbm>>
        %dma_wait3A_83 = arith.constant 40 : i32
        %dma_wait3A_84 = arith.constant 0 : i32
        %dma_wait3A_85 = tpu.memref_slice %arg2[%add3A_44, %dma_wait3A_83, %dma_wait3A_84] : memref<32x80x125xi32, #tpu.memory_space<hbm>> -> memref<1x40x125xi32, #tpu.memory_space<hbm>>
        %dma_wait3A_86 = tpu.memref_squeeze %dma_wait3A_85 : memref<1x40x125xi32, #tpu.memory_space<hbm>> -> memref<40x125xi32, #tpu.memory_space<hbm>>
        tpu.wait_dma2 semaphore(%run_scoped3A : memref<!tpu.dma_semaphore, #tpu.memory_space<semaphore_mem>>) src(%dma_wait3A_86 : memref<40x125xi32, #tpu.memory_space<hbm>>) dst(%arg9 : memref<40x125xi32, #tpu.memory_space<vmem>>)
        tpu.yield
      }) : () -> ()
      %jit3A_45 = arith.constant true
      %jit3A_46 = arith.constant 0 : i32
      %jit3A_47 = arith.constant 0 : i32
      %select_n3A_48 = arith.select %jit3A_45, %jit3A_46, %jit3A_47 : i32
      %dma_start3A_49 = arith.constant 0 : i32
      %dma_start3A_50 = tpu.memref_slice %arg8[%select_n3A_48, %dma_start3A_49] : memref<40x125xi32, #tpu.memory_space<vmem>> -> memref<1x125xi32, #tpu.memory_space<vmem>>
      %dma_start3A_51 = tpu.memref_squeeze %dma_start3A_50 : memref<1x125xi32, #tpu.memory_space<vmem>> -> memref<125xi32, #tpu.memory_space<vmem>>
      %dma_start3A_52 = arith.constant 0 : i32
      %dma_start3A_53 = arith.constant 0 : i32
      %dma_start3A_54 = tpu.memref_slice %arg4[%dma_start3A_52, %dma_start3A_53] : memref<10240x128xf32, #tpu.memory_space<hbm>> -> memref<10240x128xf32, #tpu.memory_space<hbm>>
      tpu.enqueue_indirect_dma source(%dma_start3A_54 : memref<10240x128xf32, #tpu.memory_space<hbm>>) target(%arg10 : memref<125x128xf32, #tpu.memory_space<vmem>>) offsets(%dma_start3A_51 : memref<125xi32, #tpu.memory_space<vmem>>) semaphore(%arg13 : memref<!tpu.dma_semaphore, #tpu.memory_space<semaphore_mem>>)
      %scan3A_55 = arith.constant 0 : i32
      %scan3A_56 = arith.constant 0 : i32
      %scan3A_57 = arith.constant 20 : i32
      %scan3A_58 = arith.addi %scan3A_56, %scan3A_57 : i32
      %scan3A_59 = arith.constant 1 : i32
      scf.for %scan3A_71 = %scan3A_56 to %scan3A_58 step %scan3A_59  : i32 {
        %mul3A_72 = arith.constant 2 : i32
        %mul3A_73 = arith.muli %mul3A_72, %scan3A_71 : i32
        %add3A_74 = arith.constant 1 : i32
        %add3A_75 = arith.addi %mul3A_73, %add3A_74 : i32
        %lt3A = arith.constant 40 : i32
        %lt3A_76 = arith.cmpi slt, %add3A_75, %lt3A : i32
        %jit3A_77 = arith.constant 0 : i32
        %select_n3A_78 = arith.select %lt3A_76, %add3A_75, %jit3A_77 : i32
        %dma_start3A_79 = arith.constant 0 : i32
        %dma_start3A_80 = tpu.memref_slice %arg8[%select_n3A_78, %dma_start3A_79] : memref<40x125xi32, #tpu.memory_space<vmem>> -> memref<1x125xi32, #tpu.memory_space<vmem>>
        %dma_start3A_81 = tpu.memref_squeeze %dma_start3A_80 : memref<1x125xi32, #tpu.memory_space<vmem>> -> memref<125xi32, #tpu.memory_space<vmem>>
        %dma_start3A_82 = arith.constant 0 : i32
        %dma_start3A_83 = arith.constant 0 : i32
        %dma_start3A_84 = tpu.memref_slice %arg4[%dma_start3A_82, %dma_start3A_83] : memref<10240x128xf32, #tpu.memory_space<hbm>> -> memref<10240x128xf32, #tpu.memory_space<hbm>>
        tpu.enqueue_indirect_dma source(%dma_start3A_84 : memref<10240x128xf32, #tpu.memory_space<hbm>>) target(%arg11 : memref<125x128xf32, #tpu.memory_space<vmem>>) offsets(%dma_start3A_81 : memref<125xi32, #tpu.memory_space<vmem>>) semaphore(%arg14 : memref<!tpu.dma_semaphore, #tpu.memory_space<semaphore_mem>>)
        %lt3A_85 = arith.constant 40 : i32
        %lt3A_86 = arith.cmpi slt, %mul3A_73, %lt3A_85 : i32
        %jit3A_87 = arith.constant 0 : i32
        %select_n3A_88 = arith.select %lt3A_86, %mul3A_73, %jit3A_87 : i32
        %dma_wait3A_89 = arith.constant 0 : i32
        %dma_wait3A_90 = tpu.memref_slice %arg8[%select_n3A_88, %dma_wait3A_89] : memref<40x125xi32, #tpu.memory_space<vmem>> -> memref<1x125xi32, #tpu.memory_space<vmem>>
        %dma_wait3A_91 = tpu.memref_squeeze %dma_wait3A_90 : memref<1x125xi32, #tpu.memory_space<vmem>> -> memref<125xi32, #tpu.memory_space<vmem>>
        %dma_wait3A_92 = arith.constant 0 : i32
        %dma_wait3A_93 = arith.constant 0 : i32
        %dma_wait3A_94 = tpu.memref_slice %arg4[%dma_wait3A_92, %dma_wait3A_93] : memref<10240x128xf32, #tpu.memory_space<hbm>> -> memref<10240x128xf32, #tpu.memory_space<hbm>>
        tpu.wait_indirect_dma semaphore(%arg13 : memref<!tpu.dma_semaphore, #tpu.memory_space<semaphore_mem>>) src(%dma_wait3A_94 : memref<10240x128xf32, #tpu.memory_space<hbm>>) dst(%arg10 : memref<125x128xf32, #tpu.memory_space<vmem>>)
        "tpu.region"() ({
          %run_scoped3A = tpu.sem_alloc : memref<!tpu.dma_semaphore, #tpu.memory_space<semaphore_mem>>
          %dma_start3A_121 = arith.constant 0 : i32
          %dma_start3A_122 = tpu.memref_slice %arg9[%mul3A_73, %dma_start3A_121] : memref<40x125xi32, #tpu.memory_space<vmem>> -> memref<1x125xi32, #tpu.memory_space<vmem>>
          %dma_start3A_123 = tpu.memref_squeeze %dma_start3A_122 : memref<1x125xi32, #tpu.memory_space<vmem>> -> memref<125xi32, #tpu.memory_space<vmem>>
          %dma_start3A_124 = arith.constant 0 : i32
          %dma_start3A_125 = arith.constant 0 : i32
          %dma_start3A_126 = tpu.memref_slice %arg12[%dma_start3A_124, %dma_start3A_125] : memref<10240x128xf32, #tpu.memory_space<vmem_shared>> -> memref<10240x128xf32, #tpu.memory_space<vmem_shared>>
          tpu.enqueue_indirect_dma source(%arg10 : memref<125x128xf32, #tpu.memory_space<vmem>>) target(%dma_start3A_126 : memref<10240x128xf32, #tpu.memory_space<vmem_shared>>) offsets(%dma_start3A_123 : memref<125xi32, #tpu.memory_space<vmem>>) semaphore(%run_scoped3A : memref<!tpu.dma_semaphore, #tpu.memory_space<semaphore_mem>>) {add = true}
          %dma_wait3A_127 = arith.constant 0 : i32
          %dma_wait3A_128 = tpu.memref_slice %arg9[%mul3A_73, %dma_wait3A_127] : memref<40x125xi32, #tpu.memory_space<vmem>> -> memref<1x125xi32, #tpu.memory_space<vmem>>
          %dma_wait3A_129 = tpu.memref_squeeze %dma_wait3A_128 : memref<1x125xi32, #tpu.memory_space<vmem>> -> memref<125xi32, #tpu.memory_space<vmem>>
          %dma_wait3A_130 = arith.constant 0 : i32
          %dma_wait3A_131 = arith.constant 0 : i32
          %dma_wait3A_132 = tpu.memref_slice %arg12[%dma_wait3A_130, %dma_wait3A_131] : memref<10240x128xf32, #tpu.memory_space<vmem_shared>> -> memref<10240x128xf32, #tpu.memory_space<vmem_shared>>
          tpu.wait_indirect_dma semaphore(%run_scoped3A : memref<!tpu.dma_semaphore, #tpu.memory_space<semaphore_mem>>) src(%arg10 : memref<125x128xf32, #tpu.memory_space<vmem>>) dst(%dma_wait3A_132 : memref<10240x128xf32, #tpu.memory_space<vmem_shared>>)
          tpu.yield
        }) : () -> ()
        %add3A_95 = arith.constant 2 : i32
        %add3A_96 = arith.addi %mul3A_73, %add3A_95 : i32
        %lt3A_97 = arith.constant 40 : i32
        %lt3A_98 = arith.cmpi slt, %add3A_96, %lt3A_97 : i32
        %jit3A_99 = arith.constant 0 : i32
        %select_n3A_100 = arith.select %lt3A_98, %add3A_96, %jit3A_99 : i32
        %dma_start3A_101 = arith.constant 0 : i32
        %dma_start3A_102 = tpu.memref_slice %arg8[%select_n3A_100, %dma_start3A_101] : memref<40x125xi32, #tpu.memory_space<vmem>> -> memref<1x125xi32, #tpu.memory_space<vmem>>
        %dma_start3A_103 = tpu.memref_squeeze %dma_start3A_102 : memref<1x125xi32, #tpu.memory_space<vmem>> -> memref<125xi32, #tpu.memory_space<vmem>>
        %dma_start3A_104 = arith.constant 0 : i32
        %dma_start3A_105 = arith.constant 0 : i32
        %dma_start3A_106 = tpu.memref_slice %arg4[%dma_start3A_104, %dma_start3A_105] : memref<10240x128xf32, #tpu.memory_space<hbm>> -> memref<10240x128xf32, #tpu.memory_space<hbm>>
        tpu.enqueue_indirect_dma source(%dma_start3A_106 : memref<10240x128xf32, #tpu.memory_space<hbm>>) target(%arg10 : memref<125x128xf32, #tpu.memory_space<vmem>>) offsets(%dma_start3A_103 : memref<125xi32, #tpu.memory_space<vmem>>) semaphore(%arg13 : memref<!tpu.dma_semaphore, #tpu.memory_space<semaphore_mem>>)
        %add3A_107 = arith.constant 1 : i32
        %add3A_108 = arith.addi %mul3A_73, %add3A_107 : i32
        %lt3A_109 = arith.constant 40 : i32
        %lt3A_110 = arith.cmpi slt, %add3A_108, %lt3A_109 : i32
        %jit3A_111 = arith.constant 0 : i32
        %select_n3A_112 = arith.select %lt3A_110, %add3A_108, %jit3A_111 : i32
        %dma_wait3A_113 = arith.constant 0 : i32
        %dma_wait3A_114 = tpu.memref_slice %arg8[%select_n3A_112, %dma_wait3A_113] : memref<40x125xi32, #tpu.memory_space<vmem>> -> memref<1x125xi32, #tpu.memory_space<vmem>>
        %dma_wait3A_115 = tpu.memref_squeeze %dma_wait3A_114 : memref<1x125xi32, #tpu.memory_space<vmem>> -> memref<125xi32, #tpu.memory_space<vmem>>
        %dma_wait3A_116 = arith.constant 0 : i32
        %dma_wait3A_117 = arith.constant 0 : i32
        %dma_wait3A_118 = tpu.memref_slice %arg4[%dma_wait3A_116, %dma_wait3A_117] : memref<10240x128xf32, #tpu.memory_space<hbm>> -> memref<10240x128xf32, #tpu.memory_space<hbm>>
        tpu.wait_indirect_dma semaphore(%arg14 : memref<!tpu.dma_semaphore, #tpu.memory_space<semaphore_mem>>) src(%dma_wait3A_118 : memref<10240x128xf32, #tpu.memory_space<hbm>>) dst(%arg11 : memref<125x128xf32, #tpu.memory_space<vmem>>)
        %add3A_119 = arith.constant 1 : i32
        %add3A_120 = arith.addi %mul3A_73, %add3A_119 : i32
        "tpu.region"() ({
          %run_scoped3A = tpu.sem_alloc : memref<!tpu.dma_semaphore, #tpu.memory_space<semaphore_mem>>
          %dma_start3A_121 = arith.constant 0 : i32
          %dma_start3A_122 = tpu.memref_slice %arg9[%add3A_120, %dma_start3A_121] : memref<40x125xi32, #tpu.memory_space<vmem>> -> memref<1x125xi32, #tpu.memory_space<vmem>>
          %dma_start3A_123 = tpu.memref_squeeze %dma_start3A_122 : memref<1x125xi32, #tpu.memory_space<vmem>> -> memref<125xi32, #tpu.memory_space<vmem>>
          %dma_start3A_124 = arith.constant 0 : i32
          %dma_start3A_125 = arith.constant 0 : i32
          %dma_start3A_126 = tpu.memref_slice %arg12[%dma_start3A_124, %dma_start3A_125] : memref<10240x128xf32, #tpu.memory_space<vmem_shared>> -> memref<10240x128xf32, #tpu.memory_space<vmem_shared>>
          tpu.enqueue_indirect_dma source(%arg11 : memref<125x128xf32, #tpu.memory_space<vmem>>) target(%dma_start3A_126 : memref<10240x128xf32, #tpu.memory_space<vmem_shared>>) offsets(%dma_start3A_123 : memref<125xi32, #tpu.memory_space<vmem>>) semaphore(%run_scoped3A : memref<!tpu.dma_semaphore, #tpu.memory_space<semaphore_mem>>) {add = true}
          %dma_wait3A_127 = arith.constant 0 : i32
          %dma_wait3A_128 = tpu.memref_slice %arg9[%add3A_120, %dma_wait3A_127] : memref<40x125xi32, #tpu.memory_space<vmem>> -> memref<1x125xi32, #tpu.memory_space<vmem>>
          %dma_wait3A_129 = tpu.memref_squeeze %dma_wait3A_128 : memref<1x125xi32, #tpu.memory_space<vmem>> -> memref<125xi32, #tpu.memory_space<vmem>>
          %dma_wait3A_130 = arith.constant 0 : i32
          %dma_wait3A_131 = arith.constant 0 : i32
          %dma_wait3A_132 = tpu.memref_slice %arg12[%dma_wait3A_130, %dma_wait3A_131] : memref<10240x128xf32, #tpu.memory_space<vmem_shared>> -> memref<10240x128xf32, #tpu.memory_space<vmem_shared>>
          tpu.wait_indirect_dma semaphore(%run_scoped3A : memref<!tpu.dma_semaphore, #tpu.memory_space<semaphore_mem>>) src(%arg11 : memref<125x128xf32, #tpu.memory_space<vmem>>) dst(%dma_wait3A_132 : memref<10240x128xf32, #tpu.memory_space<vmem_shared>>)
          tpu.yield
        }) : () -> ()
      }
      %scan3A_60 = arith.constant 20 : i32
      %jit3A_61 = arith.constant false
      %jit3A_62 = arith.constant 40 : i32
      %jit3A_63 = arith.constant 0 : i32
      %select_n3A_64 = arith.select %jit3A_61, %jit3A_62, %jit3A_63 : i32
      %dma_wait3A_65 = arith.constant 0 : i32
      %dma_wait3A_66 = tpu.memref_slice %arg8[%select_n3A_64, %dma_wait3A_65] : memref<40x125xi32, #tpu.memory_space<vmem>> -> memref<1x125xi32, #tpu.memory_space<vmem>>
      %dma_wait3A_67 = tpu.memref_squeeze %dma_wait3A_66 : memref<1x125xi32, #tpu.memory_space<vmem>> -> memref<125xi32, #tpu.memory_space<vmem>>
      %dma_wait3A_68 = arith.constant 0 : i32
      %dma_wait3A_69 = arith.constant 0 : i32
      %dma_wait3A_70 = tpu.memref_slice %arg4[%dma_wait3A_68, %dma_wait3A_69] : memref<10240x128xf32, #tpu.memory_space<hbm>> -> memref<10240x128xf32, #tpu.memory_space<hbm>>
      tpu.wait_indirect_dma semaphore(%arg13 : memref<!tpu.dma_semaphore, #tpu.memory_space<semaphore_mem>>) src(%dma_wait3A_70 : memref<10240x128xf32, #tpu.memory_space<hbm>>) dst(%arg10 : memref<125x128xf32, #tpu.memory_space<vmem>>)
    } else {
    }
    %barrier3A_8 = arith.constant 0 : index
    tpu.barrier barrier_id(%barrier3A_8)
    %mul3A_9 = arith.constant 640 : i32
    %mul3A_10 = arith.muli %arg1, %mul3A_9 : i32
    %eq3A_11 = arith.constant 0 : i32
    %eq3A_12 = arith.cmpi eq, %arg0, %eq3A_11 : i32
    %convert_element_type3A_13 = arith.extui %eq3A_12 : i1 to i32
    %cond3A_14 = arith.constant 0 : i32
    %cond3A_15 = arith.cmpi ne, %convert_element_type3A_13, %cond3A_14 : i32
    scf.if %cond3A_15 {
      "tpu.region"() ({
        %run_scoped3A = tpu.sem_alloc : memref<!tpu.dma_semaphore, #tpu.memory_space<semaphore_mem>>
        %dma_start3A = arith.constant 0 : i32
        %dma_start3A_21 = tpu.memref_slice %arg6[%mul3A_10, %dma_start3A] : memref<10240x128xf32, #tpu.memory_space<hbm>> -> memref<640x128xf32, #tpu.memory_space<hbm>>
        %dma_start3A_22 = arith.constant 0 : i32
        %dma_start3A_23 = tpu.memref_slice %arg12[%mul3A_10, %dma_start3A_22] : memref<10240x128xf32, #tpu.memory_space<vmem_shared>> -> memref<640x128xf32, #tpu.memory_space<vmem_shared>>
        tpu.enqueue_dma source(%dma_start3A_23 : memref<640x128xf32, #tpu.memory_space<vmem_shared>>) target(%dma_start3A_21 : memref<640x128xf32, #tpu.memory_space<hbm>>) target_semaphore(%run_scoped3A : memref<!tpu.dma_semaphore, #tpu.memory_space<semaphore_mem>>)
        %dma_wait3A = arith.constant 0 : i32
        %dma_wait3A_24 = tpu.memref_slice %arg6[%mul3A_10, %dma_wait3A] : memref<10240x128xf32, #tpu.memory_space<hbm>> -> memref<640x128xf32, #tpu.memory_space<hbm>>
        %dma_wait3A_25 = arith.constant 0 : i32
        %dma_wait3A_26 = tpu.memref_slice %arg12[%mul3A_10, %dma_wait3A_25] : memref<10240x128xf32, #tpu.memory_space<vmem_shared>> -> memref<640x128xf32, #tpu.memory_space<vmem_shared>>
        tpu.wait_dma2 semaphore(%run_scoped3A : memref<!tpu.dma_semaphore, #tpu.memory_space<semaphore_mem>>) src(%dma_wait3A_26 : memref<640x128xf32, #tpu.memory_space<vmem_shared>>) dst(%dma_wait3A_24 : memref<640x128xf32, #tpu.memory_space<hbm>>)
        tpu.yield
      }) : () -> ()
    } else {
    }
    %eq3A_16 = arith.constant 1 : i32
    %eq3A_17 = arith.cmpi eq, %arg0, %eq3A_16 : i32
    %convert_element_type3A_18 = arith.extui %eq3A_17 : i1 to i32
    %cond3A_19 = arith.constant 0 : i32
    %cond3A_20 = arith.cmpi ne, %convert_element_type3A_18, %cond3A_19 : i32
    scf.if %cond3A_20 {
      "tpu.region"() ({
        %run_scoped3A = tpu.sem_alloc : memref<!tpu.dma_semaphore, #tpu.memory_space<semaphore_mem>>
        %dma_start3A = arith.constant 0 : i32
        %dma_start3A_21 = tpu.memref_slice %arg7[%mul3A_10, %dma_start3A] : memref<10240x128xf32, #tpu.memory_space<hbm>> -> memref<640x128xf32, #tpu.memory_space<hbm>>
        %dma_start3A_22 = arith.constant 0 : i32
        %dma_start3A_23 = tpu.memref_slice %arg12[%mul3A_10, %dma_start3A_22] : memref<10240x128xf32, #tpu.memory_space<vmem_shared>> -> memref<640x128xf32, #tpu.memory_space<vmem_shared>>
        tpu.enqueue_dma source(%dma_start3A_23 : memref<640x128xf32, #tpu.memory_space<vmem_shared>>) target(%dma_start3A_21 : memref<640x128xf32, #tpu.memory_space<hbm>>) target_semaphore(%run_scoped3A : memref<!tpu.dma_semaphore, #tpu.memory_space<semaphore_mem>>)
        %dma_wait3A = arith.constant 0 : i32
        %dma_wait3A_24 = tpu.memref_slice %arg7[%mul3A_10, %dma_wait3A] : memref<10240x128xf32, #tpu.memory_space<hbm>> -> memref<640x128xf32, #tpu.memory_space<hbm>>
        %dma_wait3A_25 = arith.constant 0 : i32
        %dma_wait3A_26 = tpu.memref_slice %arg12[%mul3A_10, %dma_wait3A_25] : memref<10240x128xf32, #tpu.memory_space<vmem_shared>> -> memref<640x128xf32, #tpu.memory_space<vmem_shared>>
        tpu.wait_dma2 semaphore(%run_scoped3A : memref<!tpu.dma_semaphore, #tpu.memory_space<semaphore_mem>>) src(%dma_wait3A_26 : memref<640x128xf32, #tpu.memory_space<vmem_shared>>) dst(%dma_wait3A_24 : memref<640x128xf32, #tpu.memory_space<hbm>>)
        tpu.yield
      }) : () -> ()
    } else {
    }
    return
  }
}

#map = affine_map<(d0, d1) -> (0, 0, 0)>
#map1 = affine_map<(d0, d1) -> (0, 0)>
module attributes {stable_mosaic.version = 14 : i64} {
  func.func @_sc_segsum_body(%arg0: i32, %arg1: i32, %arg2: memref<32x80x125xi32, #tpu.memory_space<hbm>>, %arg3: memref<10240x128xf32, #tpu.memory_space<hbm>>, %arg4: memref<10240x128xf32, #tpu.memory_space<hbm>>, %arg5: memref<640x128xf32, #tpu.memory_space<hbm>>, %arg6: memref<10240x128xf32, #tpu.memory_space<hbm>>, %arg7: memref<10240x128xf32, #tpu.memory_space<hbm>>, %arg8: memref<40x125xi32, #tpu.memory_space<vmem>>, %arg9: memref<40x125xi32, #tpu.memory_space<vmem>>, %arg10: memref<125x128xf32, #tpu.memory_space<vmem>>, %arg11: memref<125x128xf32, #tpu.memory_space<vmem>>, %arg12: memref<10240x128xf32, #tpu.memory_space<vmem_shared>>, %arg13: memref<!tpu.dma_semaphore, #tpu.memory_space<semaphore_mem>>, %arg14: memref<!tpu.dma_semaphore, #tpu.memory_space<semaphore_mem>>) attributes {dimension_semantics = [#tpu.dimension_semantics<core_parallel>, #tpu.dimension_semantics<subcore_parallel>], iteration_bounds = array<i64: 2, 16>, scalar_prefetch = 0 : i64, scratch_operands = 7 : i64, tpu.core_type = #tpu.core_type<sc_vector_subcore>, window_params = [{transform_indices = #map}, {transform_indices = #map1}, {transform_indices = #map1}, {transform_indices = #map1}, {transform_indices = #map1}, {transform_indices = #map1}]} {
    %mul3A = arith.constant 640 : i32
    %mul3A_0 = arith.muli %arg1, %mul3A : i32
    "tpu.region"() ({
      %run_scoped3A = tpu.sem_alloc : memref<!tpu.dma_semaphore, #tpu.memory_space<semaphore_mem>>
      %dma_start3A = arith.constant 0 : i32
      %dma_start3A_21 = tpu.memref_slice %arg12[%mul3A_0, %dma_start3A] : memref<10240x128xf32, #tpu.memory_space<vmem_shared>> -> memref<640x128xf32, #tpu.memory_space<vmem_shared>>
      tpu.enqueue_dma source(%arg5 : memref<640x128xf32, #tpu.memory_space<hbm>>) target(%dma_start3A_21 : memref<640x128xf32, #tpu.memory_space<vmem_shared>>) target_semaphore(%run_scoped3A : memref<!tpu.dma_semaphore, #tpu.memory_space<semaphore_mem>>)
      %dma_wait3A = arith.constant 0 : i32
      %dma_wait3A_22 = tpu.memref_slice %arg12[%mul3A_0, %dma_wait3A] : memref<10240x128xf32, #tpu.memory_space<vmem_shared>> -> memref<640x128xf32, #tpu.memory_space<vmem_shared>>
      tpu.wait_dma2 semaphore(%run_scoped3A : memref<!tpu.dma_semaphore, #tpu.memory_space<semaphore_mem>>) src(%arg5 : memref<640x128xf32, #tpu.memory_space<hbm>>) dst(%dma_wait3A_22 : memref<640x128xf32, #tpu.memory_space<vmem_shared>>)
      tpu.yield
    }) : () -> ()
    %barrier3A = arith.constant 0 : index
    tpu.barrier barrier_id(%barrier3A)
    %eq3A = arith.constant 0 : i32
    %eq3A_1 = arith.cmpi eq, %arg0, %eq3A : i32
    %convert_element_type3A = arith.extui %eq3A_1 : i1 to i32
    %cond3A = arith.constant 0 : i32
    %cond3A_2 = arith.cmpi ne, %convert_element_type3A, %cond3A : i32
    scf.if %cond3A_2 {
      "tpu.region"() ({
        %run_scoped3A = tpu.sem_alloc : memref<!tpu.dma_semaphore, #tpu.memory_space<semaphore_mem>>
        %dma_start3A_71 = arith.constant 0 : i32
        %dma_start3A_72 = arith.constant 0 : i32
        %dma_start3A_73 = tpu.memref_slice %arg2[%arg1, %dma_start3A_71, %dma_start3A_72] : memref<32x80x125xi32, #tpu.memory_space<hbm>> -> memref<1x40x125xi32, #tpu.memory_space<hbm>>
        %dma_start3A_74 = tpu.memref_squeeze %dma_start3A_73 : memref<1x40x125xi32, #tpu.memory_space<hbm>> -> memref<40x125xi32, #tpu.memory_space<hbm>>
        %dma_start3A_75 = arith.constant 0 : i32
        %dma_start3A_76 = arith.constant 0 : i32
        %dma_start3A_77 = tpu.memref_slice %arg2[%arg1, %dma_start3A_75, %dma_start3A_76] : memref<32x80x125xi32, #tpu.memory_space<hbm>> -> memref<1x40x125xi32, #tpu.memory_space<hbm>>
        %dma_start3A_78 = tpu.memref_squeeze %dma_start3A_77 : memref<1x40x125xi32, #tpu.memory_space<hbm>> -> memref<40x125xi32, #tpu.memory_space<hbm>>
        tpu.enqueue_dma source(%dma_start3A_78 : memref<40x125xi32, #tpu.memory_space<hbm>>) target(%arg8 : memref<40x125xi32, #tpu.memory_space<vmem>>) target_semaphore(%run_scoped3A : memref<!tpu.dma_semaphore, #tpu.memory_space<semaphore_mem>>)
        %dma_wait3A_79 = arith.constant 0 : i32
        %dma_wait3A_80 = arith.constant 0 : i32
        %dma_wait3A_81 = tpu.memref_slice %arg2[%arg1, %dma_wait3A_79, %dma_wait3A_80] : memref<32x80x125xi32, #tpu.memory_space<hbm>> -> memref<1x40x125xi32, #tpu.memory_space<hbm>>
        %dma_wait3A_82 = tpu.memref_squeeze %dma_wait3A_81 : memref<1x40x125xi32, #tpu.memory_space<hbm>> -> memref<40x125xi32, #tpu.memory_space<hbm>>
        %dma_wait3A_83 = arith.constant 0 : i32
        %dma_wait3A_84 = arith.constant 0 : i32
        %dma_wait3A_85 = tpu.memref_slice %arg2[%arg1, %dma_wait3A_83, %dma_wait3A_84] : memref<32x80x125xi32, #tpu.memory_space<hbm>> -> memref<1x40x125xi32, #tpu.memory_space<hbm>>
        %dma_wait3A_86 = tpu.memref_squeeze %dma_wait3A_85 : memref<1x40x125xi32, #tpu.memory_space<hbm>> -> memref<40x125xi32, #tpu.memory_space<hbm>>
        tpu.wait_dma2 semaphore(%run_scoped3A : memref<!tpu.dma_semaphore, #tpu.memory_space<semaphore_mem>>) src(%dma_wait3A_86 : memref<40x125xi32, #tpu.memory_space<hbm>>) dst(%arg8 : memref<40x125xi32, #tpu.memory_space<vmem>>)
        tpu.yield
      }) : () -> ()
      %add3A = arith.constant 16 : i32
      %add3A_21 = arith.addi %add3A, %arg1 : i32
      "tpu.region"() ({
        %run_scoped3A = tpu.sem_alloc : memref<!tpu.dma_semaphore, #tpu.memory_space<semaphore_mem>>
        %dma_start3A_71 = arith.constant 0 : i32
        %dma_start3A_72 = arith.constant 0 : i32
        %dma_start3A_73 = tpu.memref_slice %arg2[%add3A_21, %dma_start3A_71, %dma_start3A_72] : memref<32x80x125xi32, #tpu.memory_space<hbm>> -> memref<1x40x125xi32, #tpu.memory_space<hbm>>
        %dma_start3A_74 = tpu.memref_squeeze %dma_start3A_73 : memref<1x40x125xi32, #tpu.memory_space<hbm>> -> memref<40x125xi32, #tpu.memory_space<hbm>>
        %dma_start3A_75 = arith.constant 0 : i32
        %dma_start3A_76 = arith.constant 0 : i32
        %dma_start3A_77 = tpu.memref_slice %arg2[%add3A_21, %dma_start3A_75, %dma_start3A_76] : memref<32x80x125xi32, #tpu.memory_space<hbm>> -> memref<1x40x125xi32, #tpu.memory_space<hbm>>
        %dma_start3A_78 = tpu.memref_squeeze %dma_start3A_77 : memref<1x40x125xi32, #tpu.memory_space<hbm>> -> memref<40x125xi32, #tpu.memory_space<hbm>>
        tpu.enqueue_dma source(%dma_start3A_78 : memref<40x125xi32, #tpu.memory_space<hbm>>) target(%arg9 : memref<40x125xi32, #tpu.memory_space<vmem>>) target_semaphore(%run_scoped3A : memref<!tpu.dma_semaphore, #tpu.memory_space<semaphore_mem>>)
        %dma_wait3A_79 = arith.constant 0 : i32
        %dma_wait3A_80 = arith.constant 0 : i32
        %dma_wait3A_81 = tpu.memref_slice %arg2[%add3A_21, %dma_wait3A_79, %dma_wait3A_80] : memref<32x80x125xi32, #tpu.memory_space<hbm>> -> memref<1x40x125xi32, #tpu.memory_space<hbm>>
        %dma_wait3A_82 = tpu.memref_squeeze %dma_wait3A_81 : memref<1x40x125xi32, #tpu.memory_space<hbm>> -> memref<40x125xi32, #tpu.memory_space<hbm>>
        %dma_wait3A_83 = arith.constant 0 : i32
        %dma_wait3A_84 = arith.constant 0 : i32
        %dma_wait3A_85 = tpu.memref_slice %arg2[%add3A_21, %dma_wait3A_83, %dma_wait3A_84] : memref<32x80x125xi32, #tpu.memory_space<hbm>> -> memref<1x40x125xi32, #tpu.memory_space<hbm>>
        %dma_wait3A_86 = tpu.memref_squeeze %dma_wait3A_85 : memref<1x40x125xi32, #tpu.memory_space<hbm>> -> memref<40x125xi32, #tpu.memory_space<hbm>>
        tpu.wait_dma2 semaphore(%run_scoped3A : memref<!tpu.dma_semaphore, #tpu.memory_space<semaphore_mem>>) src(%dma_wait3A_86 : memref<40x125xi32, #tpu.memory_space<hbm>>) dst(%arg9 : memref<40x125xi32, #tpu.memory_space<vmem>>)
        tpu.yield
      }) : () -> ()
      %jit3A = arith.constant true
      %jit3A_22 = arith.constant 0 : i32
      %jit3A_23 = arith.constant 0 : i32
      %select_n3A = arith.select %jit3A, %jit3A_22, %jit3A_23 : i32
      %dma_start3A = arith.constant 0 : i32
      %dma_start3A_24 = tpu.memref_slice %arg8[%select_n3A, %dma_start3A] : memref<40x125xi32, #tpu.memory_space<vmem>> -> memref<1x125xi32, #tpu.memory_space<vmem>>
      %dma_start3A_25 = tpu.memref_squeeze %dma_start3A_24 : memref<1x125xi32, #tpu.memory_space<vmem>> -> memref<125xi32, #tpu.memory_space<vmem>>
      %dma_start3A_26 = arith.constant 0 : i32
      %dma_start3A_27 = arith.constant 0 : i32
      %dma_start3A_28 = tpu.memref_slice %arg3[%dma_start3A_26, %dma_start3A_27] : memref<10240x128xf32, #tpu.memory_space<hbm>> -> memref<10240x128xf32, #tpu.memory_space<hbm>>
      tpu.enqueue_indirect_dma source(%dma_start3A_28 : memref<10240x128xf32, #tpu.memory_space<hbm>>) target(%arg10 : memref<125x128xf32, #tpu.memory_space<vmem>>) offsets(%dma_start3A_25 : memref<125xi32, #tpu.memory_space<vmem>>) semaphore(%arg13 : memref<!tpu.dma_semaphore, #tpu.memory_space<semaphore_mem>>)
      %scan3A = arith.constant 0 : i32
      %scan3A_29 = arith.constant 0 : i32
      %scan3A_30 = arith.constant 20 : i32
      %scan3A_31 = arith.addi %scan3A_29, %scan3A_30 : i32
      %scan3A_32 = arith.constant 1 : i32
      scf.for %scan3A_71 = %scan3A_29 to %scan3A_31 step %scan3A_32  : i32 {
        %mul3A_72 = arith.constant 2 : i32
        %mul3A_73 = arith.muli %mul3A_72, %scan3A_71 : i32
        %add3A_74 = arith.constant 1 : i32
        %add3A_75 = arith.addi %mul3A_73, %add3A_74 : i32
        %lt3A = arith.constant 40 : i32
        %lt3A_76 = arith.cmpi slt, %add3A_75, %lt3A : i32
        %jit3A_77 = arith.constant 0 : i32
        %select_n3A_78 = arith.select %lt3A_76, %add3A_75, %jit3A_77 : i32
        %dma_start3A_79 = arith.constant 0 : i32
        %dma_start3A_80 = tpu.memref_slice %arg8[%select_n3A_78, %dma_start3A_79] : memref<40x125xi32, #tpu.memory_space<vmem>> -> memref<1x125xi32, #tpu.memory_space<vmem>>
        %dma_start3A_81 = tpu.memref_squeeze %dma_start3A_80 : memref<1x125xi32, #tpu.memory_space<vmem>> -> memref<125xi32, #tpu.memory_space<vmem>>
        %dma_start3A_82 = arith.constant 0 : i32
        %dma_start3A_83 = arith.constant 0 : i32
        %dma_start3A_84 = tpu.memref_slice %arg3[%dma_start3A_82, %dma_start3A_83] : memref<10240x128xf32, #tpu.memory_space<hbm>> -> memref<10240x128xf32, #tpu.memory_space<hbm>>
        tpu.enqueue_indirect_dma source(%dma_start3A_84 : memref<10240x128xf32, #tpu.memory_space<hbm>>) target(%arg11 : memref<125x128xf32, #tpu.memory_space<vmem>>) offsets(%dma_start3A_81 : memref<125xi32, #tpu.memory_space<vmem>>) semaphore(%arg14 : memref<!tpu.dma_semaphore, #tpu.memory_space<semaphore_mem>>)
        %lt3A_85 = arith.constant 40 : i32
        %lt3A_86 = arith.cmpi slt, %mul3A_73, %lt3A_85 : i32
        %jit3A_87 = arith.constant 0 : i32
        %select_n3A_88 = arith.select %lt3A_86, %mul3A_73, %jit3A_87 : i32
        %dma_wait3A_89 = arith.constant 0 : i32
        %dma_wait3A_90 = tpu.memref_slice %arg8[%select_n3A_88, %dma_wait3A_89] : memref<40x125xi32, #tpu.memory_space<vmem>> -> memref<1x125xi32, #tpu.memory_space<vmem>>
        %dma_wait3A_91 = tpu.memref_squeeze %dma_wait3A_90 : memref<1x125xi32, #tpu.memory_space<vmem>> -> memref<125xi32, #tpu.memory_space<vmem>>
        %dma_wait3A_92 = arith.constant 0 : i32
        %dma_wait3A_93 = arith.constant 0 : i32
        %dma_wait3A_94 = tpu.memref_slice %arg3[%dma_wait3A_92, %dma_wait3A_93] : memref<10240x128xf32, #tpu.memory_space<hbm>> -> memref<10240x128xf32, #tpu.memory_space<hbm>>
        tpu.wait_indirect_dma semaphore(%arg13 : memref<!tpu.dma_semaphore, #tpu.memory_space<semaphore_mem>>) src(%dma_wait3A_94 : memref<10240x128xf32, #tpu.memory_space<hbm>>) dst(%arg10 : memref<125x128xf32, #tpu.memory_space<vmem>>)
        "tpu.region"() ({
          %run_scoped3A = tpu.sem_alloc : memref<!tpu.dma_semaphore, #tpu.memory_space<semaphore_mem>>
          %dma_start3A_121 = arith.constant 0 : i32
          %dma_start3A_122 = tpu.memref_slice %arg9[%mul3A_73, %dma_start3A_121] : memref<40x125xi32, #tpu.memory_space<vmem>> -> memref<1x125xi32, #tpu.memory_space<vmem>>
          %dma_start3A_123 = tpu.memref_squeeze %dma_start3A_122 : memref<1x125xi32, #tpu.memory_space<vmem>> -> memref<125xi32, #tpu.memory_space<vmem>>
          %dma_start3A_124 = arith.constant 0 : i32
          %dma_start3A_125 = arith.constant 0 : i32
          %dma_start3A_126 = tpu.memref_slice %arg12[%dma_start3A_124, %dma_start3A_125] : memref<10240x128xf32, #tpu.memory_space<vmem_shared>> -> memref<10240x128xf32, #tpu.memory_space<vmem_shared>>
          tpu.enqueue_indirect_dma source(%arg10 : memref<125x128xf32, #tpu.memory_space<vmem>>) target(%dma_start3A_126 : memref<10240x128xf32, #tpu.memory_space<vmem_shared>>) offsets(%dma_start3A_123 : memref<125xi32, #tpu.memory_space<vmem>>) semaphore(%run_scoped3A : memref<!tpu.dma_semaphore, #tpu.memory_space<semaphore_mem>>) {add = true}
          %dma_wait3A_127 = arith.constant 0 : i32
          %dma_wait3A_128 = tpu.memref_slice %arg9[%mul3A_73, %dma_wait3A_127] : memref<40x125xi32, #tpu.memory_space<vmem>> -> memref<1x125xi32, #tpu.memory_space<vmem>>
          %dma_wait3A_129 = tpu.memref_squeeze %dma_wait3A_128 : memref<1x125xi32, #tpu.memory_space<vmem>> -> memref<125xi32, #tpu.memory_space<vmem>>
          %dma_wait3A_130 = arith.constant 0 : i32
          %dma_wait3A_131 = arith.constant 0 : i32
          %dma_wait3A_132 = tpu.memref_slice %arg12[%dma_wait3A_130, %dma_wait3A_131] : memref<10240x128xf32, #tpu.memory_space<vmem_shared>> -> memref<10240x128xf32, #tpu.memory_space<vmem_shared>>
          tpu.wait_indirect_dma semaphore(%run_scoped3A : memref<!tpu.dma_semaphore, #tpu.memory_space<semaphore_mem>>) src(%arg10 : memref<125x128xf32, #tpu.memory_space<vmem>>) dst(%dma_wait3A_132 : memref<10240x128xf32, #tpu.memory_space<vmem_shared>>)
          tpu.yield
        }) : () -> ()
        %add3A_95 = arith.constant 2 : i32
        %add3A_96 = arith.addi %mul3A_73, %add3A_95 : i32
        %lt3A_97 = arith.constant 40 : i32
        %lt3A_98 = arith.cmpi slt, %add3A_96, %lt3A_97 : i32
        %jit3A_99 = arith.constant 0 : i32
        %select_n3A_100 = arith.select %lt3A_98, %add3A_96, %jit3A_99 : i32
        %dma_start3A_101 = arith.constant 0 : i32
        %dma_start3A_102 = tpu.memref_slice %arg8[%select_n3A_100, %dma_start3A_101] : memref<40x125xi32, #tpu.memory_space<vmem>> -> memref<1x125xi32, #tpu.memory_space<vmem>>
        %dma_start3A_103 = tpu.memref_squeeze %dma_start3A_102 : memref<1x125xi32, #tpu.memory_space<vmem>> -> memref<125xi32, #tpu.memory_space<vmem>>
        %dma_start3A_104 = arith.constant 0 : i32
        %dma_start3A_105 = arith.constant 0 : i32
        %dma_start3A_106 = tpu.memref_slice %arg3[%dma_start3A_104, %dma_start3A_105] : memref<10240x128xf32, #tpu.memory_space<hbm>> -> memref<10240x128xf32, #tpu.memory_space<hbm>>
        tpu.enqueue_indirect_dma source(%dma_start3A_106 : memref<10240x128xf32, #tpu.memory_space<hbm>>) target(%arg10 : memref<125x128xf32, #tpu.memory_space<vmem>>) offsets(%dma_start3A_103 : memref<125xi32, #tpu.memory_space<vmem>>) semaphore(%arg13 : memref<!tpu.dma_semaphore, #tpu.memory_space<semaphore_mem>>)
        %add3A_107 = arith.constant 1 : i32
        %add3A_108 = arith.addi %mul3A_73, %add3A_107 : i32
        %lt3A_109 = arith.constant 40 : i32
        %lt3A_110 = arith.cmpi slt, %add3A_108, %lt3A_109 : i32
        %jit3A_111 = arith.constant 0 : i32
        %select_n3A_112 = arith.select %lt3A_110, %add3A_108, %jit3A_111 : i32
        %dma_wait3A_113 = arith.constant 0 : i32
        %dma_wait3A_114 = tpu.memref_slice %arg8[%select_n3A_112, %dma_wait3A_113] : memref<40x125xi32, #tpu.memory_space<vmem>> -> memref<1x125xi32, #tpu.memory_space<vmem>>
        %dma_wait3A_115 = tpu.memref_squeeze %dma_wait3A_114 : memref<1x125xi32, #tpu.memory_space<vmem>> -> memref<125xi32, #tpu.memory_space<vmem>>
        %dma_wait3A_116 = arith.constant 0 : i32
        %dma_wait3A_117 = arith.constant 0 : i32
        %dma_wait3A_118 = tpu.memref_slice %arg3[%dma_wait3A_116, %dma_wait3A_117] : memref<10240x128xf32, #tpu.memory_space<hbm>> -> memref<10240x128xf32, #tpu.memory_space<hbm>>
        tpu.wait_indirect_dma semaphore(%arg14 : memref<!tpu.dma_semaphore, #tpu.memory_space<semaphore_mem>>) src(%dma_wait3A_118 : memref<10240x128xf32, #tpu.memory_space<hbm>>) dst(%arg11 : memref<125x128xf32, #tpu.memory_space<vmem>>)
        %add3A_119 = arith.constant 1 : i32
        %add3A_120 = arith.addi %mul3A_73, %add3A_119 : i32
        "tpu.region"() ({
          %run_scoped3A = tpu.sem_alloc : memref<!tpu.dma_semaphore, #tpu.memory_space<semaphore_mem>>
          %dma_start3A_121 = arith.constant 0 : i32
          %dma_start3A_122 = tpu.memref_slice %arg9[%add3A_120, %dma_start3A_121] : memref<40x125xi32, #tpu.memory_space<vmem>> -> memref<1x125xi32, #tpu.memory_space<vmem>>
          %dma_start3A_123 = tpu.memref_squeeze %dma_start3A_122 : memref<1x125xi32, #tpu.memory_space<vmem>> -> memref<125xi32, #tpu.memory_space<vmem>>
          %dma_start3A_124 = arith.constant 0 : i32
          %dma_start3A_125 = arith.constant 0 : i32
          %dma_start3A_126 = tpu.memref_slice %arg12[%dma_start3A_124, %dma_start3A_125] : memref<10240x128xf32, #tpu.memory_space<vmem_shared>> -> memref<10240x128xf32, #tpu.memory_space<vmem_shared>>
          tpu.enqueue_indirect_dma source(%arg11 : memref<125x128xf32, #tpu.memory_space<vmem>>) target(%dma_start3A_126 : memref<10240x128xf32, #tpu.memory_space<vmem_shared>>) offsets(%dma_start3A_123 : memref<125xi32, #tpu.memory_space<vmem>>) semaphore(%run_scoped3A : memref<!tpu.dma_semaphore, #tpu.memory_space<semaphore_mem>>) {add = true}
          %dma_wait3A_127 = arith.constant 0 : i32
          %dma_wait3A_128 = tpu.memref_slice %arg9[%add3A_120, %dma_wait3A_127] : memref<40x125xi32, #tpu.memory_space<vmem>> -> memref<1x125xi32, #tpu.memory_space<vmem>>
          %dma_wait3A_129 = tpu.memref_squeeze %dma_wait3A_128 : memref<1x125xi32, #tpu.memory_space<vmem>> -> memref<125xi32, #tpu.memory_space<vmem>>
          %dma_wait3A_130 = arith.constant 0 : i32
          %dma_wait3A_131 = arith.constant 0 : i32
          %dma_wait3A_132 = tpu.memref_slice %arg12[%dma_wait3A_130, %dma_wait3A_131] : memref<10240x128xf32, #tpu.memory_space<vmem_shared>> -> memref<10240x128xf32, #tpu.memory_space<vmem_shared>>
          tpu.wait_indirect_dma semaphore(%run_scoped3A : memref<!tpu.dma_semaphore, #tpu.memory_space<semaphore_mem>>) src(%arg11 : memref<125x128xf32, #tpu.memory_space<vmem>>) dst(%dma_wait3A_132 : memref<10240x128xf32, #tpu.memory_space<vmem_shared>>)
          tpu.yield
        }) : () -> ()
      }
      %scan3A_33 = arith.constant 20 : i32
      %jit3A_34 = arith.constant false
      %jit3A_35 = arith.constant 40 : i32
      %jit3A_36 = arith.constant 0 : i32
      %select_n3A_37 = arith.select %jit3A_34, %jit3A_35, %jit3A_36 : i32
      %dma_wait3A = arith.constant 0 : i32
      %dma_wait3A_38 = tpu.memref_slice %arg8[%select_n3A_37, %dma_wait3A] : memref<40x125xi32, #tpu.memory_space<vmem>> -> memref<1x125xi32, #tpu.memory_space<vmem>>
      %dma_wait3A_39 = tpu.memref_squeeze %dma_wait3A_38 : memref<1x125xi32, #tpu.memory_space<vmem>> -> memref<125xi32, #tpu.memory_space<vmem>>
      %dma_wait3A_40 = arith.constant 0 : i32
      %dma_wait3A_41 = arith.constant 0 : i32
      %dma_wait3A_42 = tpu.memref_slice %arg3[%dma_wait3A_40, %dma_wait3A_41] : memref<10240x128xf32, #tpu.memory_space<hbm>> -> memref<10240x128xf32, #tpu.memory_space<hbm>>
      tpu.wait_indirect_dma semaphore(%arg13 : memref<!tpu.dma_semaphore, #tpu.memory_space<semaphore_mem>>) src(%dma_wait3A_42 : memref<10240x128xf32, #tpu.memory_space<hbm>>) dst(%arg10 : memref<125x128xf32, #tpu.memory_space<vmem>>)
      "tpu.region"() ({
        %run_scoped3A = tpu.sem_alloc : memref<!tpu.dma_semaphore, #tpu.memory_space<semaphore_mem>>
        %dma_start3A_71 = arith.constant 40 : i32
        %dma_start3A_72 = arith.constant 0 : i32
        %dma_start3A_73 = tpu.memref_slice %arg2[%arg1, %dma_start3A_71, %dma_start3A_72] : memref<32x80x125xi32, #tpu.memory_space<hbm>> -> memref<1x40x125xi32, #tpu.memory_space<hbm>>
        %dma_start3A_74 = tpu.memref_squeeze %dma_start3A_73 : memref<1x40x125xi32, #tpu.memory_space<hbm>> -> memref<40x125xi32, #tpu.memory_space<hbm>>
        %dma_start3A_75 = arith.constant 40 : i32
        %dma_start3A_76 = arith.constant 0 : i32
        %dma_start3A_77 = tpu.memref_slice %arg2[%arg1, %dma_start3A_75, %dma_start3A_76] : memref<32x80x125xi32, #tpu.memory_space<hbm>> -> memref<1x40x125xi32, #tpu.memory_space<hbm>>
        %dma_start3A_78 = tpu.memref_squeeze %dma_start3A_77 : memref<1x40x125xi32, #tpu.memory_space<hbm>> -> memref<40x125xi32, #tpu.memory_space<hbm>>
        tpu.enqueue_dma source(%dma_start3A_78 : memref<40x125xi32, #tpu.memory_space<hbm>>) target(%arg8 : memref<40x125xi32, #tpu.memory_space<vmem>>) target_semaphore(%run_scoped3A : memref<!tpu.dma_semaphore, #tpu.memory_space<semaphore_mem>>)
        %dma_wait3A_79 = arith.constant 40 : i32
        %dma_wait3A_80 = arith.constant 0 : i32
        %dma_wait3A_81 = tpu.memref_slice %arg2[%arg1, %dma_wait3A_79, %dma_wait3A_80] : memref<32x80x125xi32, #tpu.memory_space<hbm>> -> memref<1x40x125xi32, #tpu.memory_space<hbm>>
        %dma_wait3A_82 = tpu.memref_squeeze %dma_wait3A_81 : memref<1x40x125xi32, #tpu.memory_space<hbm>> -> memref<40x125xi32, #tpu.memory_space<hbm>>
        %dma_wait3A_83 = arith.constant 40 : i32
        %dma_wait3A_84 = arith.constant 0 : i32
        %dma_wait3A_85 = tpu.memref_slice %arg2[%arg1, %dma_wait3A_83, %dma_wait3A_84] : memref<32x80x125xi32, #tpu.memory_space<hbm>> -> memref<1x40x125xi32, #tpu.memory_space<hbm>>
        %dma_wait3A_86 = tpu.memref_squeeze %dma_wait3A_85 : memref<1x40x125xi32, #tpu.memory_space<hbm>> -> memref<40x125xi32, #tpu.memory_space<hbm>>
        tpu.wait_dma2 semaphore(%run_scoped3A : memref<!tpu.dma_semaphore, #tpu.memory_space<semaphore_mem>>) src(%dma_wait3A_86 : memref<40x125xi32, #tpu.memory_space<hbm>>) dst(%arg8 : memref<40x125xi32, #tpu.memory_space<vmem>>)
        tpu.yield
      }) : () -> ()
      %add3A_43 = arith.constant 16 : i32
      %add3A_44 = arith.addi %add3A_43, %arg1 : i32
      "tpu.region"() ({
        %run_scoped3A = tpu.sem_alloc : memref<!tpu.dma_semaphore, #tpu.memory_space<semaphore_mem>>
        %dma_start3A_71 = arith.constant 40 : i32
        %dma_start3A_72 = arith.constant 0 : i32
        %dma_start3A_73 = tpu.memref_slice %arg2[%add3A_44, %dma_start3A_71, %dma_start3A_72] : memref<32x80x125xi32, #tpu.memory_space<hbm>> -> memref<1x40x125xi32, #tpu.memory_space<hbm>>
        %dma_start3A_74 = tpu.memref_squeeze %dma_start3A_73 : memref<1x40x125xi32, #tpu.memory_space<hbm>> -> memref<40x125xi32, #tpu.memory_space<hbm>>
        %dma_start3A_75 = arith.constant 40 : i32
        %dma_start3A_76 = arith.constant 0 : i32
        %dma_start3A_77 = tpu.memref_slice %arg2[%add3A_44, %dma_start3A_75, %dma_start3A_76] : memref<32x80x125xi32, #tpu.memory_space<hbm>> -> memref<1x40x125xi32, #tpu.memory_space<hbm>>
        %dma_start3A_78 = tpu.memref_squeeze %dma_start3A_77 : memref<1x40x125xi32, #tpu.memory_space<hbm>> -> memref<40x125xi32, #tpu.memory_space<hbm>>
        tpu.enqueue_dma source(%dma_start3A_78 : memref<40x125xi32, #tpu.memory_space<hbm>>) target(%arg9 : memref<40x125xi32, #tpu.memory_space<vmem>>) target_semaphore(%run_scoped3A : memref<!tpu.dma_semaphore, #tpu.memory_space<semaphore_mem>>)
        %dma_wait3A_79 = arith.constant 40 : i32
        %dma_wait3A_80 = arith.constant 0 : i32
        %dma_wait3A_81 = tpu.memref_slice %arg2[%add3A_44, %dma_wait3A_79, %dma_wait3A_80] : memref<32x80x125xi32, #tpu.memory_space<hbm>> -> memref<1x40x125xi32, #tpu.memory_space<hbm>>
        %dma_wait3A_82 = tpu.memref_squeeze %dma_wait3A_81 : memref<1x40x125xi32, #tpu.memory_space<hbm>> -> memref<40x125xi32, #tpu.memory_space<hbm>>
        %dma_wait3A_83 = arith.constant 40 : i32
        %dma_wait3A_84 = arith.constant 0 : i32
        %dma_wait3A_85 = tpu.memref_slice %arg2[%add3A_44, %dma_wait3A_83, %dma_wait3A_84] : memref<32x80x125xi32, #tpu.memory_space<hbm>> -> memref<1x40x125xi32, #tpu.memory_space<hbm>>
        %dma_wait3A_86 = tpu.memref_squeeze %dma_wait3A_85 : memref<1x40x125xi32, #tpu.memory_space<hbm>> -> memref<40x125xi32, #tpu.memory_space<hbm>>
        tpu.wait_dma2 semaphore(%run_scoped3A : memref<!tpu.dma_semaphore, #tpu.memory_space<semaphore_mem>>) src(%dma_wait3A_86 : memref<40x125xi32, #tpu.memory_space<hbm>>) dst(%arg9 : memref<40x125xi32, #tpu.memory_space<vmem>>)
        tpu.yield
      }) : () -> ()
      %jit3A_45 = arith.constant true
      %jit3A_46 = arith.constant 0 : i32
      %jit3A_47 = arith.constant 0 : i32
      %select_n3A_48 = arith.select %jit3A_45, %jit3A_46, %jit3A_47 : i32
      %dma_start3A_49 = arith.constant 0 : i32
      %dma_start3A_50 = tpu.memref_slice %arg8[%select_n3A_48, %dma_start3A_49] : memref<40x125xi32, #tpu.memory_space<vmem>> -> memref<1x125xi32, #tpu.memory_space<vmem>>
      %dma_start3A_51 = tpu.memref_squeeze %dma_start3A_50 : memref<1x125xi32, #tpu.memory_space<vmem>> -> memref<125xi32, #tpu.memory_space<vmem>>
      %dma_start3A_52 = arith.constant 0 : i32
      %dma_start3A_53 = arith.constant 0 : i32
      %dma_start3A_54 = tpu.memref_slice %arg3[%dma_start3A_52, %dma_start3A_53] : memref<10240x128xf32, #tpu.memory_space<hbm>> -> memref<10240x128xf32, #tpu.memory_space<hbm>>
      tpu.enqueue_indirect_dma source(%dma_start3A_54 : memref<10240x128xf32, #tpu.memory_space<hbm>>) target(%arg10 : memref<125x128xf32, #tpu.memory_space<vmem>>) offsets(%dma_start3A_51 : memref<125xi32, #tpu.memory_space<vmem>>) semaphore(%arg13 : memref<!tpu.dma_semaphore, #tpu.memory_space<semaphore_mem>>)
      %scan3A_55 = arith.constant 0 : i32
      %scan3A_56 = arith.constant 0 : i32
      %scan3A_57 = arith.constant 20 : i32
      %scan3A_58 = arith.addi %scan3A_56, %scan3A_57 : i32
      %scan3A_59 = arith.constant 1 : i32
      scf.for %scan3A_71 = %scan3A_56 to %scan3A_58 step %scan3A_59  : i32 {
        %mul3A_72 = arith.constant 2 : i32
        %mul3A_73 = arith.muli %mul3A_72, %scan3A_71 : i32
        %add3A_74 = arith.constant 1 : i32
        %add3A_75 = arith.addi %mul3A_73, %add3A_74 : i32
        %lt3A = arith.constant 40 : i32
        %lt3A_76 = arith.cmpi slt, %add3A_75, %lt3A : i32
        %jit3A_77 = arith.constant 0 : i32
        %select_n3A_78 = arith.select %lt3A_76, %add3A_75, %jit3A_77 : i32
        %dma_start3A_79 = arith.constant 0 : i32
        %dma_start3A_80 = tpu.memref_slice %arg8[%select_n3A_78, %dma_start3A_79] : memref<40x125xi32, #tpu.memory_space<vmem>> -> memref<1x125xi32, #tpu.memory_space<vmem>>
        %dma_start3A_81 = tpu.memref_squeeze %dma_start3A_80 : memref<1x125xi32, #tpu.memory_space<vmem>> -> memref<125xi32, #tpu.memory_space<vmem>>
        %dma_start3A_82 = arith.constant 0 : i32
        %dma_start3A_83 = arith.constant 0 : i32
        %dma_start3A_84 = tpu.memref_slice %arg3[%dma_start3A_82, %dma_start3A_83] : memref<10240x128xf32, #tpu.memory_space<hbm>> -> memref<10240x128xf32, #tpu.memory_space<hbm>>
        tpu.enqueue_indirect_dma source(%dma_start3A_84 : memref<10240x128xf32, #tpu.memory_space<hbm>>) target(%arg11 : memref<125x128xf32, #tpu.memory_space<vmem>>) offsets(%dma_start3A_81 : memref<125xi32, #tpu.memory_space<vmem>>) semaphore(%arg14 : memref<!tpu.dma_semaphore, #tpu.memory_space<semaphore_mem>>)
        %lt3A_85 = arith.constant 40 : i32
        %lt3A_86 = arith.cmpi slt, %mul3A_73, %lt3A_85 : i32
        %jit3A_87 = arith.constant 0 : i32
        %select_n3A_88 = arith.select %lt3A_86, %mul3A_73, %jit3A_87 : i32
        %dma_wait3A_89 = arith.constant 0 : i32
        %dma_wait3A_90 = tpu.memref_slice %arg8[%select_n3A_88, %dma_wait3A_89] : memref<40x125xi32, #tpu.memory_space<vmem>> -> memref<1x125xi32, #tpu.memory_space<vmem>>
        %dma_wait3A_91 = tpu.memref_squeeze %dma_wait3A_90 : memref<1x125xi32, #tpu.memory_space<vmem>> -> memref<125xi32, #tpu.memory_space<vmem>>
        %dma_wait3A_92 = arith.constant 0 : i32
        %dma_wait3A_93 = arith.constant 0 : i32
        %dma_wait3A_94 = tpu.memref_slice %arg3[%dma_wait3A_92, %dma_wait3A_93] : memref<10240x128xf32, #tpu.memory_space<hbm>> -> memref<10240x128xf32, #tpu.memory_space<hbm>>
        tpu.wait_indirect_dma semaphore(%arg13 : memref<!tpu.dma_semaphore, #tpu.memory_space<semaphore_mem>>) src(%dma_wait3A_94 : memref<10240x128xf32, #tpu.memory_space<hbm>>) dst(%arg10 : memref<125x128xf32, #tpu.memory_space<vmem>>)
        "tpu.region"() ({
          %run_scoped3A = tpu.sem_alloc : memref<!tpu.dma_semaphore, #tpu.memory_space<semaphore_mem>>
          %dma_start3A_121 = arith.constant 0 : i32
          %dma_start3A_122 = tpu.memref_slice %arg9[%mul3A_73, %dma_start3A_121] : memref<40x125xi32, #tpu.memory_space<vmem>> -> memref<1x125xi32, #tpu.memory_space<vmem>>
          %dma_start3A_123 = tpu.memref_squeeze %dma_start3A_122 : memref<1x125xi32, #tpu.memory_space<vmem>> -> memref<125xi32, #tpu.memory_space<vmem>>
          %dma_start3A_124 = arith.constant 0 : i32
          %dma_start3A_125 = arith.constant 0 : i32
          %dma_start3A_126 = tpu.memref_slice %arg12[%dma_start3A_124, %dma_start3A_125] : memref<10240x128xf32, #tpu.memory_space<vmem_shared>> -> memref<10240x128xf32, #tpu.memory_space<vmem_shared>>
          tpu.enqueue_indirect_dma source(%arg10 : memref<125x128xf32, #tpu.memory_space<vmem>>) target(%dma_start3A_126 : memref<10240x128xf32, #tpu.memory_space<vmem_shared>>) offsets(%dma_start3A_123 : memref<125xi32, #tpu.memory_space<vmem>>) semaphore(%run_scoped3A : memref<!tpu.dma_semaphore, #tpu.memory_space<semaphore_mem>>) {add = true}
          %dma_wait3A_127 = arith.constant 0 : i32
          %dma_wait3A_128 = tpu.memref_slice %arg9[%mul3A_73, %dma_wait3A_127] : memref<40x125xi32, #tpu.memory_space<vmem>> -> memref<1x125xi32, #tpu.memory_space<vmem>>
          %dma_wait3A_129 = tpu.memref_squeeze %dma_wait3A_128 : memref<1x125xi32, #tpu.memory_space<vmem>> -> memref<125xi32, #tpu.memory_space<vmem>>
          %dma_wait3A_130 = arith.constant 0 : i32
          %dma_wait3A_131 = arith.constant 0 : i32
          %dma_wait3A_132 = tpu.memref_slice %arg12[%dma_wait3A_130, %dma_wait3A_131] : memref<10240x128xf32, #tpu.memory_space<vmem_shared>> -> memref<10240x128xf32, #tpu.memory_space<vmem_shared>>
          tpu.wait_indirect_dma semaphore(%run_scoped3A : memref<!tpu.dma_semaphore, #tpu.memory_space<semaphore_mem>>) src(%arg10 : memref<125x128xf32, #tpu.memory_space<vmem>>) dst(%dma_wait3A_132 : memref<10240x128xf32, #tpu.memory_space<vmem_shared>>)
          tpu.yield
        }) : () -> ()
        %add3A_95 = arith.constant 2 : i32
        %add3A_96 = arith.addi %mul3A_73, %add3A_95 : i32
        %lt3A_97 = arith.constant 40 : i32
        %lt3A_98 = arith.cmpi slt, %add3A_96, %lt3A_97 : i32
        %jit3A_99 = arith.constant 0 : i32
        %select_n3A_100 = arith.select %lt3A_98, %add3A_96, %jit3A_99 : i32
        %dma_start3A_101 = arith.constant 0 : i32
        %dma_start3A_102 = tpu.memref_slice %arg8[%select_n3A_100, %dma_start3A_101] : memref<40x125xi32, #tpu.memory_space<vmem>> -> memref<1x125xi32, #tpu.memory_space<vmem>>
        %dma_start3A_103 = tpu.memref_squeeze %dma_start3A_102 : memref<1x125xi32, #tpu.memory_space<vmem>> -> memref<125xi32, #tpu.memory_space<vmem>>
        %dma_start3A_104 = arith.constant 0 : i32
        %dma_start3A_105 = arith.constant 0 : i32
        %dma_start3A_106 = tpu.memref_slice %arg3[%dma_start3A_104, %dma_start3A_105] : memref<10240x128xf32, #tpu.memory_space<hbm>> -> memref<10240x128xf32, #tpu.memory_space<hbm>>
        tpu.enqueue_indirect_dma source(%dma_start3A_106 : memref<10240x128xf32, #tpu.memory_space<hbm>>) target(%arg10 : memref<125x128xf32, #tpu.memory_space<vmem>>) offsets(%dma_start3A_103 : memref<125xi32, #tpu.memory_space<vmem>>) semaphore(%arg13 : memref<!tpu.dma_semaphore, #tpu.memory_space<semaphore_mem>>)
        %add3A_107 = arith.constant 1 : i32
        %add3A_108 = arith.addi %mul3A_73, %add3A_107 : i32
        %lt3A_109 = arith.constant 40 : i32
        %lt3A_110 = arith.cmpi slt, %add3A_108, %lt3A_109 : i32
        %jit3A_111 = arith.constant 0 : i32
        %select_n3A_112 = arith.select %lt3A_110, %add3A_108, %jit3A_111 : i32
        %dma_wait3A_113 = arith.constant 0 : i32
        %dma_wait3A_114 = tpu.memref_slice %arg8[%select_n3A_112, %dma_wait3A_113] : memref<40x125xi32, #tpu.memory_space<vmem>> -> memref<1x125xi32, #tpu.memory_space<vmem>>
        %dma_wait3A_115 = tpu.memref_squeeze %dma_wait3A_114 : memref<1x125xi32, #tpu.memory_space<vmem>> -> memref<125xi32, #tpu.memory_space<vmem>>
        %dma_wait3A_116 = arith.constant 0 : i32
        %dma_wait3A_117 = arith.constant 0 : i32
        %dma_wait3A_118 = tpu.memref_slice %arg3[%dma_wait3A_116, %dma_wait3A_117] : memref<10240x128xf32, #tpu.memory_space<hbm>> -> memref<10240x128xf32, #tpu.memory_space<hbm>>
        tpu.wait_indirect_dma semaphore(%arg14 : memref<!tpu.dma_semaphore, #tpu.memory_space<semaphore_mem>>) src(%dma_wait3A_118 : memref<10240x128xf32, #tpu.memory_space<hbm>>) dst(%arg11 : memref<125x128xf32, #tpu.memory_space<vmem>>)
        %add3A_119 = arith.constant 1 : i32
        %add3A_120 = arith.addi %mul3A_73, %add3A_119 : i32
        "tpu.region"() ({
          %run_scoped3A = tpu.sem_alloc : memref<!tpu.dma_semaphore, #tpu.memory_space<semaphore_mem>>
          %dma_start3A_121 = arith.constant 0 : i32
          %dma_start3A_122 = tpu.memref_slice %arg9[%add3A_120, %dma_start3A_121] : memref<40x125xi32, #tpu.memory_space<vmem>> -> memref<1x125xi32, #tpu.memory_space<vmem>>
          %dma_start3A_123 = tpu.memref_squeeze %dma_start3A_122 : memref<1x125xi32, #tpu.memory_space<vmem>> -> memref<125xi32, #tpu.memory_space<vmem>>
          %dma_start3A_124 = arith.constant 0 : i32
          %dma_start3A_125 = arith.constant 0 : i32
          %dma_start3A_126 = tpu.memref_slice %arg12[%dma_start3A_124, %dma_start3A_125] : memref<10240x128xf32, #tpu.memory_space<vmem_shared>> -> memref<10240x128xf32, #tpu.memory_space<vmem_shared>>
          tpu.enqueue_indirect_dma source(%arg11 : memref<125x128xf32, #tpu.memory_space<vmem>>) target(%dma_start3A_126 : memref<10240x128xf32, #tpu.memory_space<vmem_shared>>) offsets(%dma_start3A_123 : memref<125xi32, #tpu.memory_space<vmem>>) semaphore(%run_scoped3A : memref<!tpu.dma_semaphore, #tpu.memory_space<semaphore_mem>>) {add = true}
          %dma_wait3A_127 = arith.constant 0 : i32
          %dma_wait3A_128 = tpu.memref_slice %arg9[%add3A_120, %dma_wait3A_127] : memref<40x125xi32, #tpu.memory_space<vmem>> -> memref<1x125xi32, #tpu.memory_space<vmem>>
          %dma_wait3A_129 = tpu.memref_squeeze %dma_wait3A_128 : memref<1x125xi32, #tpu.memory_space<vmem>> -> memref<125xi32, #tpu.memory_space<vmem>>
          %dma_wait3A_130 = arith.constant 0 : i32
          %dma_wait3A_131 = arith.constant 0 : i32
          %dma_wait3A_132 = tpu.memref_slice %arg12[%dma_wait3A_130, %dma_wait3A_131] : memref<10240x128xf32, #tpu.memory_space<vmem_shared>> -> memref<10240x128xf32, #tpu.memory_space<vmem_shared>>
          tpu.wait_indirect_dma semaphore(%run_scoped3A : memref<!tpu.dma_semaphore, #tpu.memory_space<semaphore_mem>>) src(%arg11 : memref<125x128xf32, #tpu.memory_space<vmem>>) dst(%dma_wait3A_132 : memref<10240x128xf32, #tpu.memory_space<vmem_shared>>)
          tpu.yield
        }) : () -> ()
      }
      %scan3A_60 = arith.constant 20 : i32
      %jit3A_61 = arith.constant false
      %jit3A_62 = arith.constant 40 : i32
      %jit3A_63 = arith.constant 0 : i32
      %select_n3A_64 = arith.select %jit3A_61, %jit3A_62, %jit3A_63 : i32
      %dma_wait3A_65 = arith.constant 0 : i32
      %dma_wait3A_66 = tpu.memref_slice %arg8[%select_n3A_64, %dma_wait3A_65] : memref<40x125xi32, #tpu.memory_space<vmem>> -> memref<1x125xi32, #tpu.memory_space<vmem>>
      %dma_wait3A_67 = tpu.memref_squeeze %dma_wait3A_66 : memref<1x125xi32, #tpu.memory_space<vmem>> -> memref<125xi32, #tpu.memory_space<vmem>>
      %dma_wait3A_68 = arith.constant 0 : i32
      %dma_wait3A_69 = arith.constant 0 : i32
      %dma_wait3A_70 = tpu.memref_slice %arg3[%dma_wait3A_68, %dma_wait3A_69] : memref<10240x128xf32, #tpu.memory_space<hbm>> -> memref<10240x128xf32, #tpu.memory_space<hbm>>
      tpu.wait_indirect_dma semaphore(%arg13 : memref<!tpu.dma_semaphore, #tpu.memory_space<semaphore_mem>>) src(%dma_wait3A_70 : memref<10240x128xf32, #tpu.memory_space<hbm>>) dst(%arg10 : memref<125x128xf32, #tpu.memory_space<vmem>>)
    } else {
    }
    %eq3A_3 = arith.constant 1 : i32
    %eq3A_4 = arith.cmpi eq, %arg0, %eq3A_3 : i32
    %convert_element_type3A_5 = arith.extui %eq3A_4 : i1 to i32
    %cond3A_6 = arith.constant 0 : i32
    %cond3A_7 = arith.cmpi ne, %convert_element_type3A_5, %cond3A_6 : i32
    scf.if %cond3A_7 {
      "tpu.region"() ({
        %run_scoped3A = tpu.sem_alloc : memref<!tpu.dma_semaphore, #tpu.memory_space<semaphore_mem>>
        %dma_start3A_71 = arith.constant 0 : i32
        %dma_start3A_72 = arith.constant 0 : i32
        %dma_start3A_73 = tpu.memref_slice %arg2[%arg1, %dma_start3A_71, %dma_start3A_72] : memref<32x80x125xi32, #tpu.memory_space<hbm>> -> memref<1x40x125xi32, #tpu.memory_space<hbm>>
        %dma_start3A_74 = tpu.memref_squeeze %dma_start3A_73 : memref<1x40x125xi32, #tpu.memory_space<hbm>> -> memref<40x125xi32, #tpu.memory_space<hbm>>
        %dma_start3A_75 = arith.constant 0 : i32
        %dma_start3A_76 = arith.constant 0 : i32
        %dma_start3A_77 = tpu.memref_slice %arg2[%arg1, %dma_start3A_75, %dma_start3A_76] : memref<32x80x125xi32, #tpu.memory_space<hbm>> -> memref<1x40x125xi32, #tpu.memory_space<hbm>>
        %dma_start3A_78 = tpu.memref_squeeze %dma_start3A_77 : memref<1x40x125xi32, #tpu.memory_space<hbm>> -> memref<40x125xi32, #tpu.memory_space<hbm>>
        tpu.enqueue_dma source(%dma_start3A_78 : memref<40x125xi32, #tpu.memory_space<hbm>>) target(%arg8 : memref<40x125xi32, #tpu.memory_space<vmem>>) target_semaphore(%run_scoped3A : memref<!tpu.dma_semaphore, #tpu.memory_space<semaphore_mem>>)
        %dma_wait3A_79 = arith.constant 0 : i32
        %dma_wait3A_80 = arith.constant 0 : i32
        %dma_wait3A_81 = tpu.memref_slice %arg2[%arg1, %dma_wait3A_79, %dma_wait3A_80] : memref<32x80x125xi32, #tpu.memory_space<hbm>> -> memref<1x40x125xi32, #tpu.memory_space<hbm>>
        %dma_wait3A_82 = tpu.memref_squeeze %dma_wait3A_81 : memref<1x40x125xi32, #tpu.memory_space<hbm>> -> memref<40x125xi32, #tpu.memory_space<hbm>>
        %dma_wait3A_83 = arith.constant 0 : i32
        %dma_wait3A_84 = arith.constant 0 : i32
        %dma_wait3A_85 = tpu.memref_slice %arg2[%arg1, %dma_wait3A_83, %dma_wait3A_84] : memref<32x80x125xi32, #tpu.memory_space<hbm>> -> memref<1x40x125xi32, #tpu.memory_space<hbm>>
        %dma_wait3A_86 = tpu.memref_squeeze %dma_wait3A_85 : memref<1x40x125xi32, #tpu.memory_space<hbm>> -> memref<40x125xi32, #tpu.memory_space<hbm>>
        tpu.wait_dma2 semaphore(%run_scoped3A : memref<!tpu.dma_semaphore, #tpu.memory_space<semaphore_mem>>) src(%dma_wait3A_86 : memref<40x125xi32, #tpu.memory_space<hbm>>) dst(%arg8 : memref<40x125xi32, #tpu.memory_space<vmem>>)
        tpu.yield
      }) : () -> ()
      %add3A = arith.constant 16 : i32
      %add3A_21 = arith.addi %add3A, %arg1 : i32
      "tpu.region"() ({
        %run_scoped3A = tpu.sem_alloc : memref<!tpu.dma_semaphore, #tpu.memory_space<semaphore_mem>>
        %dma_start3A_71 = arith.constant 0 : i32
        %dma_start3A_72 = arith.constant 0 : i32
        %dma_start3A_73 = tpu.memref_slice %arg2[%add3A_21, %dma_start3A_71, %dma_start3A_72] : memref<32x80x125xi32, #tpu.memory_space<hbm>> -> memref<1x40x125xi32, #tpu.memory_space<hbm>>
        %dma_start3A_74 = tpu.memref_squeeze %dma_start3A_73 : memref<1x40x125xi32, #tpu.memory_space<hbm>> -> memref<40x125xi32, #tpu.memory_space<hbm>>
        %dma_start3A_75 = arith.constant 0 : i32
        %dma_start3A_76 = arith.constant 0 : i32
        %dma_start3A_77 = tpu.memref_slice %arg2[%add3A_21, %dma_start3A_75, %dma_start3A_76] : memref<32x80x125xi32, #tpu.memory_space<hbm>> -> memref<1x40x125xi32, #tpu.memory_space<hbm>>
        %dma_start3A_78 = tpu.memref_squeeze %dma_start3A_77 : memref<1x40x125xi32, #tpu.memory_space<hbm>> -> memref<40x125xi32, #tpu.memory_space<hbm>>
        tpu.enqueue_dma source(%dma_start3A_78 : memref<40x125xi32, #tpu.memory_space<hbm>>) target(%arg9 : memref<40x125xi32, #tpu.memory_space<vmem>>) target_semaphore(%run_scoped3A : memref<!tpu.dma_semaphore, #tpu.memory_space<semaphore_mem>>)
        %dma_wait3A_79 = arith.constant 0 : i32
        %dma_wait3A_80 = arith.constant 0 : i32
        %dma_wait3A_81 = tpu.memref_slice %arg2[%add3A_21, %dma_wait3A_79, %dma_wait3A_80] : memref<32x80x125xi32, #tpu.memory_space<hbm>> -> memref<1x40x125xi32, #tpu.memory_space<hbm>>
        %dma_wait3A_82 = tpu.memref_squeeze %dma_wait3A_81 : memref<1x40x125xi32, #tpu.memory_space<hbm>> -> memref<40x125xi32, #tpu.memory_space<hbm>>
        %dma_wait3A_83 = arith.constant 0 : i32
        %dma_wait3A_84 = arith.constant 0 : i32
        %dma_wait3A_85 = tpu.memref_slice %arg2[%add3A_21, %dma_wait3A_83, %dma_wait3A_84] : memref<32x80x125xi32, #tpu.memory_space<hbm>> -> memref<1x40x125xi32, #tpu.memory_space<hbm>>
        %dma_wait3A_86 = tpu.memref_squeeze %dma_wait3A_85 : memref<1x40x125xi32, #tpu.memory_space<hbm>> -> memref<40x125xi32, #tpu.memory_space<hbm>>
        tpu.wait_dma2 semaphore(%run_scoped3A : memref<!tpu.dma_semaphore, #tpu.memory_space<semaphore_mem>>) src(%dma_wait3A_86 : memref<40x125xi32, #tpu.memory_space<hbm>>) dst(%arg9 : memref<40x125xi32, #tpu.memory_space<vmem>>)
        tpu.yield
      }) : () -> ()
      %jit3A = arith.constant true
      %jit3A_22 = arith.constant 0 : i32
      %jit3A_23 = arith.constant 0 : i32
      %select_n3A = arith.select %jit3A, %jit3A_22, %jit3A_23 : i32
      %dma_start3A = arith.constant 0 : i32
      %dma_start3A_24 = tpu.memref_slice %arg8[%select_n3A, %dma_start3A] : memref<40x125xi32, #tpu.memory_space<vmem>> -> memref<1x125xi32, #tpu.memory_space<vmem>>
      %dma_start3A_25 = tpu.memref_squeeze %dma_start3A_24 : memref<1x125xi32, #tpu.memory_space<vmem>> -> memref<125xi32, #tpu.memory_space<vmem>>
      %dma_start3A_26 = arith.constant 0 : i32
      %dma_start3A_27 = arith.constant 0 : i32
      %dma_start3A_28 = tpu.memref_slice %arg4[%dma_start3A_26, %dma_start3A_27] : memref<10240x128xf32, #tpu.memory_space<hbm>> -> memref<10240x128xf32, #tpu.memory_space<hbm>>
      tpu.enqueue_indirect_dma source(%dma_start3A_28 : memref<10240x128xf32, #tpu.memory_space<hbm>>) target(%arg10 : memref<125x128xf32, #tpu.memory_space<vmem>>) offsets(%dma_start3A_25 : memref<125xi32, #tpu.memory_space<vmem>>) semaphore(%arg13 : memref<!tpu.dma_semaphore, #tpu.memory_space<semaphore_mem>>)
      %scan3A = arith.constant 0 : i32
      %scan3A_29 = arith.constant 0 : i32
      %scan3A_30 = arith.constant 20 : i32
      %scan3A_31 = arith.addi %scan3A_29, %scan3A_30 : i32
      %scan3A_32 = arith.constant 1 : i32
      scf.for %scan3A_71 = %scan3A_29 to %scan3A_31 step %scan3A_32  : i32 {
        %mul3A_72 = arith.constant 2 : i32
        %mul3A_73 = arith.muli %mul3A_72, %scan3A_71 : i32
        %add3A_74 = arith.constant 1 : i32
        %add3A_75 = arith.addi %mul3A_73, %add3A_74 : i32
        %lt3A = arith.constant 40 : i32
        %lt3A_76 = arith.cmpi slt, %add3A_75, %lt3A : i32
        %jit3A_77 = arith.constant 0 : i32
        %select_n3A_78 = arith.select %lt3A_76, %add3A_75, %jit3A_77 : i32
        %dma_start3A_79 = arith.constant 0 : i32
        %dma_start3A_80 = tpu.memref_slice %arg8[%select_n3A_78, %dma_start3A_79] : memref<40x125xi32, #tpu.memory_space<vmem>> -> memref<1x125xi32, #tpu.memory_space<vmem>>
        %dma_start3A_81 = tpu.memref_squeeze %dma_start3A_80 : memref<1x125xi32, #tpu.memory_space<vmem>> -> memref<125xi32, #tpu.memory_space<vmem>>
        %dma_start3A_82 = arith.constant 0 : i32
        %dma_start3A_83 = arith.constant 0 : i32
        %dma_start3A_84 = tpu.memref_slice %arg4[%dma_start3A_82, %dma_start3A_83] : memref<10240x128xf32, #tpu.memory_space<hbm>> -> memref<10240x128xf32, #tpu.memory_space<hbm>>
        tpu.enqueue_indirect_dma source(%dma_start3A_84 : memref<10240x128xf32, #tpu.memory_space<hbm>>) target(%arg11 : memref<125x128xf32, #tpu.memory_space<vmem>>) offsets(%dma_start3A_81 : memref<125xi32, #tpu.memory_space<vmem>>) semaphore(%arg14 : memref<!tpu.dma_semaphore, #tpu.memory_space<semaphore_mem>>)
        %lt3A_85 = arith.constant 40 : i32
        %lt3A_86 = arith.cmpi slt, %mul3A_73, %lt3A_85 : i32
        %jit3A_87 = arith.constant 0 : i32
        %select_n3A_88 = arith.select %lt3A_86, %mul3A_73, %jit3A_87 : i32
        %dma_wait3A_89 = arith.constant 0 : i32
        %dma_wait3A_90 = tpu.memref_slice %arg8[%select_n3A_88, %dma_wait3A_89] : memref<40x125xi32, #tpu.memory_space<vmem>> -> memref<1x125xi32, #tpu.memory_space<vmem>>
        %dma_wait3A_91 = tpu.memref_squeeze %dma_wait3A_90 : memref<1x125xi32, #tpu.memory_space<vmem>> -> memref<125xi32, #tpu.memory_space<vmem>>
        %dma_wait3A_92 = arith.constant 0 : i32
        %dma_wait3A_93 = arith.constant 0 : i32
        %dma_wait3A_94 = tpu.memref_slice %arg4[%dma_wait3A_92, %dma_wait3A_93] : memref<10240x128xf32, #tpu.memory_space<hbm>> -> memref<10240x128xf32, #tpu.memory_space<hbm>>
        tpu.wait_indirect_dma semaphore(%arg13 : memref<!tpu.dma_semaphore, #tpu.memory_space<semaphore_mem>>) src(%dma_wait3A_94 : memref<10240x128xf32, #tpu.memory_space<hbm>>) dst(%arg10 : memref<125x128xf32, #tpu.memory_space<vmem>>)
        "tpu.region"() ({
          %run_scoped3A = tpu.sem_alloc : memref<!tpu.dma_semaphore, #tpu.memory_space<semaphore_mem>>
          %dma_start3A_121 = arith.constant 0 : i32
          %dma_start3A_122 = tpu.memref_slice %arg9[%mul3A_73, %dma_start3A_121] : memref<40x125xi32, #tpu.memory_space<vmem>> -> memref<1x125xi32, #tpu.memory_space<vmem>>
          %dma_start3A_123 = tpu.memref_squeeze %dma_start3A_122 : memref<1x125xi32, #tpu.memory_space<vmem>> -> memref<125xi32, #tpu.memory_space<vmem>>
          %dma_start3A_124 = arith.constant 0 : i32
          %dma_start3A_125 = arith.constant 0 : i32
          %dma_start3A_126 = tpu.memref_slice %arg12[%dma_start3A_124, %dma_start3A_125] : memref<10240x128xf32, #tpu.memory_space<vmem_shared>> -> memref<10240x128xf32, #tpu.memory_space<vmem_shared>>
          tpu.enqueue_indirect_dma source(%arg10 : memref<125x128xf32, #tpu.memory_space<vmem>>) target(%dma_start3A_126 : memref<10240x128xf32, #tpu.memory_space<vmem_shared>>) offsets(%dma_start3A_123 : memref<125xi32, #tpu.memory_space<vmem>>) semaphore(%run_scoped3A : memref<!tpu.dma_semaphore, #tpu.memory_space<semaphore_mem>>) {add = true}
          %dma_wait3A_127 = arith.constant 0 : i32
          %dma_wait3A_128 = tpu.memref_slice %arg9[%mul3A_73, %dma_wait3A_127] : memref<40x125xi32, #tpu.memory_space<vmem>> -> memref<1x125xi32, #tpu.memory_space<vmem>>
          %dma_wait3A_129 = tpu.memref_squeeze %dma_wait3A_128 : memref<1x125xi32, #tpu.memory_space<vmem>> -> memref<125xi32, #tpu.memory_space<vmem>>
          %dma_wait3A_130 = arith.constant 0 : i32
          %dma_wait3A_131 = arith.constant 0 : i32
          %dma_wait3A_132 = tpu.memref_slice %arg12[%dma_wait3A_130, %dma_wait3A_131] : memref<10240x128xf32, #tpu.memory_space<vmem_shared>> -> memref<10240x128xf32, #tpu.memory_space<vmem_shared>>
          tpu.wait_indirect_dma semaphore(%run_scoped3A : memref<!tpu.dma_semaphore, #tpu.memory_space<semaphore_mem>>) src(%arg10 : memref<125x128xf32, #tpu.memory_space<vmem>>) dst(%dma_wait3A_132 : memref<10240x128xf32, #tpu.memory_space<vmem_shared>>)
          tpu.yield
        }) : () -> ()
        %add3A_95 = arith.constant 2 : i32
        %add3A_96 = arith.addi %mul3A_73, %add3A_95 : i32
        %lt3A_97 = arith.constant 40 : i32
        %lt3A_98 = arith.cmpi slt, %add3A_96, %lt3A_97 : i32
        %jit3A_99 = arith.constant 0 : i32
        %select_n3A_100 = arith.select %lt3A_98, %add3A_96, %jit3A_99 : i32
        %dma_start3A_101 = arith.constant 0 : i32
        %dma_start3A_102 = tpu.memref_slice %arg8[%select_n3A_100, %dma_start3A_101] : memref<40x125xi32, #tpu.memory_space<vmem>> -> memref<1x125xi32, #tpu.memory_space<vmem>>
        %dma_start3A_103 = tpu.memref_squeeze %dma_start3A_102 : memref<1x125xi32, #tpu.memory_space<vmem>> -> memref<125xi32, #tpu.memory_space<vmem>>
        %dma_start3A_104 = arith.constant 0 : i32
        %dma_start3A_105 = arith.constant 0 : i32
        %dma_start3A_106 = tpu.memref_slice %arg4[%dma_start3A_104, %dma_start3A_105] : memref<10240x128xf32, #tpu.memory_space<hbm>> -> memref<10240x128xf32, #tpu.memory_space<hbm>>
        tpu.enqueue_indirect_dma source(%dma_start3A_106 : memref<10240x128xf32, #tpu.memory_space<hbm>>) target(%arg10 : memref<125x128xf32, #tpu.memory_space<vmem>>) offsets(%dma_start3A_103 : memref<125xi32, #tpu.memory_space<vmem>>) semaphore(%arg13 : memref<!tpu.dma_semaphore, #tpu.memory_space<semaphore_mem>>)
        %add3A_107 = arith.constant 1 : i32
        %add3A_108 = arith.addi %mul3A_73, %add3A_107 : i32
        %lt3A_109 = arith.constant 40 : i32
        %lt3A_110 = arith.cmpi slt, %add3A_108, %lt3A_109 : i32
        %jit3A_111 = arith.constant 0 : i32
        %select_n3A_112 = arith.select %lt3A_110, %add3A_108, %jit3A_111 : i32
        %dma_wait3A_113 = arith.constant 0 : i32
        %dma_wait3A_114 = tpu.memref_slice %arg8[%select_n3A_112, %dma_wait3A_113] : memref<40x125xi32, #tpu.memory_space<vmem>> -> memref<1x125xi32, #tpu.memory_space<vmem>>
        %dma_wait3A_115 = tpu.memref_squeeze %dma_wait3A_114 : memref<1x125xi32, #tpu.memory_space<vmem>> -> memref<125xi32, #tpu.memory_space<vmem>>
        %dma_wait3A_116 = arith.constant 0 : i32
        %dma_wait3A_117 = arith.constant 0 : i32
        %dma_wait3A_118 = tpu.memref_slice %arg4[%dma_wait3A_116, %dma_wait3A_117] : memref<10240x128xf32, #tpu.memory_space<hbm>> -> memref<10240x128xf32, #tpu.memory_space<hbm>>
        tpu.wait_indirect_dma semaphore(%arg14 : memref<!tpu.dma_semaphore, #tpu.memory_space<semaphore_mem>>) src(%dma_wait3A_118 : memref<10240x128xf32, #tpu.memory_space<hbm>>) dst(%arg11 : memref<125x128xf32, #tpu.memory_space<vmem>>)
        %add3A_119 = arith.constant 1 : i32
        %add3A_120 = arith.addi %mul3A_73, %add3A_119 : i32
        "tpu.region"() ({
          %run_scoped3A = tpu.sem_alloc : memref<!tpu.dma_semaphore, #tpu.memory_space<semaphore_mem>>
          %dma_start3A_121 = arith.constant 0 : i32
          %dma_start3A_122 = tpu.memref_slice %arg9[%add3A_120, %dma_start3A_121] : memref<40x125xi32, #tpu.memory_space<vmem>> -> memref<1x125xi32, #tpu.memory_space<vmem>>
          %dma_start3A_123 = tpu.memref_squeeze %dma_start3A_122 : memref<1x125xi32, #tpu.memory_space<vmem>> -> memref<125xi32, #tpu.memory_space<vmem>>
          %dma_start3A_124 = arith.constant 0 : i32
          %dma_start3A_125 = arith.constant 0 : i32
          %dma_start3A_126 = tpu.memref_slice %arg12[%dma_start3A_124, %dma_start3A_125] : memref<10240x128xf32, #tpu.memory_space<vmem_shared>> -> memref<10240x128xf32, #tpu.memory_space<vmem_shared>>
          tpu.enqueue_indirect_dma source(%arg11 : memref<125x128xf32, #tpu.memory_space<vmem>>) target(%dma_start3A_126 : memref<10240x128xf32, #tpu.memory_space<vmem_shared>>) offsets(%dma_start3A_123 : memref<125xi32, #tpu.memory_space<vmem>>) semaphore(%run_scoped3A : memref<!tpu.dma_semaphore, #tpu.memory_space<semaphore_mem>>) {add = true}
          %dma_wait3A_127 = arith.constant 0 : i32
          %dma_wait3A_128 = tpu.memref_slice %arg9[%add3A_120, %dma_wait3A_127] : memref<40x125xi32, #tpu.memory_space<vmem>> -> memref<1x125xi32, #tpu.memory_space<vmem>>
          %dma_wait3A_129 = tpu.memref_squeeze %dma_wait3A_128 : memref<1x125xi32, #tpu.memory_space<vmem>> -> memref<125xi32, #tpu.memory_space<vmem>>
          %dma_wait3A_130 = arith.constant 0 : i32
          %dma_wait3A_131 = arith.constant 0 : i32
          %dma_wait3A_132 = tpu.memref_slice %arg12[%dma_wait3A_130, %dma_wait3A_131] : memref<10240x128xf32, #tpu.memory_space<vmem_shared>> -> memref<10240x128xf32, #tpu.memory_space<vmem_shared>>
          tpu.wait_indirect_dma semaphore(%run_scoped3A : memref<!tpu.dma_semaphore, #tpu.memory_space<semaphore_mem>>) src(%arg11 : memref<125x128xf32, #tpu.memory_space<vmem>>) dst(%dma_wait3A_132 : memref<10240x128xf32, #tpu.memory_space<vmem_shared>>)
          tpu.yield
        }) : () -> ()
      }
      %scan3A_33 = arith.constant 20 : i32
      %jit3A_34 = arith.constant false
      %jit3A_35 = arith.constant 40 : i32
      %jit3A_36 = arith.constant 0 : i32
      %select_n3A_37 = arith.select %jit3A_34, %jit3A_35, %jit3A_36 : i32
      %dma_wait3A = arith.constant 0 : i32
      %dma_wait3A_38 = tpu.memref_slice %arg8[%select_n3A_37, %dma_wait3A] : memref<40x125xi32, #tpu.memory_space<vmem>> -> memref<1x125xi32, #tpu.memory_space<vmem>>
      %dma_wait3A_39 = tpu.memref_squeeze %dma_wait3A_38 : memref<1x125xi32, #tpu.memory_space<vmem>> -> memref<125xi32, #tpu.memory_space<vmem>>
      %dma_wait3A_40 = arith.constant 0 : i32
      %dma_wait3A_41 = arith.constant 0 : i32
      %dma_wait3A_42 = tpu.memref_slice %arg4[%dma_wait3A_40, %dma_wait3A_41] : memref<10240x128xf32, #tpu.memory_space<hbm>> -> memref<10240x128xf32, #tpu.memory_space<hbm>>
      tpu.wait_indirect_dma semaphore(%arg13 : memref<!tpu.dma_semaphore, #tpu.memory_space<semaphore_mem>>) src(%dma_wait3A_42 : memref<10240x128xf32, #tpu.memory_space<hbm>>) dst(%arg10 : memref<125x128xf32, #tpu.memory_space<vmem>>)
      "tpu.region"() ({
        %run_scoped3A = tpu.sem_alloc : memref<!tpu.dma_semaphore, #tpu.memory_space<semaphore_mem>>
        %dma_start3A_71 = arith.constant 40 : i32
        %dma_start3A_72 = arith.constant 0 : i32
        %dma_start3A_73 = tpu.memref_slice %arg2[%arg1, %dma_start3A_71, %dma_start3A_72] : memref<32x80x125xi32, #tpu.memory_space<hbm>> -> memref<1x40x125xi32, #tpu.memory_space<hbm>>
        %dma_start3A_74 = tpu.memref_squeeze %dma_start3A_73 : memref<1x40x125xi32, #tpu.memory_space<hbm>> -> memref<40x125xi32, #tpu.memory_space<hbm>>
        %dma_start3A_75 = arith.constant 40 : i32
        %dma_start3A_76 = arith.constant 0 : i32
        %dma_start3A_77 = tpu.memref_slice %arg2[%arg1, %dma_start3A_75, %dma_start3A_76] : memref<32x80x125xi32, #tpu.memory_space<hbm>> -> memref<1x40x125xi32, #tpu.memory_space<hbm>>
        %dma_start3A_78 = tpu.memref_squeeze %dma_start3A_77 : memref<1x40x125xi32, #tpu.memory_space<hbm>> -> memref<40x125xi32, #tpu.memory_space<hbm>>
        tpu.enqueue_dma source(%dma_start3A_78 : memref<40x125xi32, #tpu.memory_space<hbm>>) target(%arg8 : memref<40x125xi32, #tpu.memory_space<vmem>>) target_semaphore(%run_scoped3A : memref<!tpu.dma_semaphore, #tpu.memory_space<semaphore_mem>>)
        %dma_wait3A_79 = arith.constant 40 : i32
        %dma_wait3A_80 = arith.constant 0 : i32
        %dma_wait3A_81 = tpu.memref_slice %arg2[%arg1, %dma_wait3A_79, %dma_wait3A_80] : memref<32x80x125xi32, #tpu.memory_space<hbm>> -> memref<1x40x125xi32, #tpu.memory_space<hbm>>
        %dma_wait3A_82 = tpu.memref_squeeze %dma_wait3A_81 : memref<1x40x125xi32, #tpu.memory_space<hbm>> -> memref<40x125xi32, #tpu.memory_space<hbm>>
        %dma_wait3A_83 = arith.constant 40 : i32
        %dma_wait3A_84 = arith.constant 0 : i32
        %dma_wait3A_85 = tpu.memref_slice %arg2[%arg1, %dma_wait3A_83, %dma_wait3A_84] : memref<32x80x125xi32, #tpu.memory_space<hbm>> -> memref<1x40x125xi32, #tpu.memory_space<hbm>>
        %dma_wait3A_86 = tpu.memref_squeeze %dma_wait3A_85 : memref<1x40x125xi32, #tpu.memory_space<hbm>> -> memref<40x125xi32, #tpu.memory_space<hbm>>
        tpu.wait_dma2 semaphore(%run_scoped3A : memref<!tpu.dma_semaphore, #tpu.memory_space<semaphore_mem>>) src(%dma_wait3A_86 : memref<40x125xi32, #tpu.memory_space<hbm>>) dst(%arg8 : memref<40x125xi32, #tpu.memory_space<vmem>>)
        tpu.yield
      }) : () -> ()
      %add3A_43 = arith.constant 16 : i32
      %add3A_44 = arith.addi %add3A_43, %arg1 : i32
      "tpu.region"() ({
        %run_scoped3A = tpu.sem_alloc : memref<!tpu.dma_semaphore, #tpu.memory_space<semaphore_mem>>
        %dma_start3A_71 = arith.constant 40 : i32
        %dma_start3A_72 = arith.constant 0 : i32
        %dma_start3A_73 = tpu.memref_slice %arg2[%add3A_44, %dma_start3A_71, %dma_start3A_72] : memref<32x80x125xi32, #tpu.memory_space<hbm>> -> memref<1x40x125xi32, #tpu.memory_space<hbm>>
        %dma_start3A_74 = tpu.memref_squeeze %dma_start3A_73 : memref<1x40x125xi32, #tpu.memory_space<hbm>> -> memref<40x125xi32, #tpu.memory_space<hbm>>
        %dma_start3A_75 = arith.constant 40 : i32
        %dma_start3A_76 = arith.constant 0 : i32
        %dma_start3A_77 = tpu.memref_slice %arg2[%add3A_44, %dma_start3A_75, %dma_start3A_76] : memref<32x80x125xi32, #tpu.memory_space<hbm>> -> memref<1x40x125xi32, #tpu.memory_space<hbm>>
        %dma_start3A_78 = tpu.memref_squeeze %dma_start3A_77 : memref<1x40x125xi32, #tpu.memory_space<hbm>> -> memref<40x125xi32, #tpu.memory_space<hbm>>
        tpu.enqueue_dma source(%dma_start3A_78 : memref<40x125xi32, #tpu.memory_space<hbm>>) target(%arg9 : memref<40x125xi32, #tpu.memory_space<vmem>>) target_semaphore(%run_scoped3A : memref<!tpu.dma_semaphore, #tpu.memory_space<semaphore_mem>>)
        %dma_wait3A_79 = arith.constant 40 : i32
        %dma_wait3A_80 = arith.constant 0 : i32
        %dma_wait3A_81 = tpu.memref_slice %arg2[%add3A_44, %dma_wait3A_79, %dma_wait3A_80] : memref<32x80x125xi32, #tpu.memory_space<hbm>> -> memref<1x40x125xi32, #tpu.memory_space<hbm>>
        %dma_wait3A_82 = tpu.memref_squeeze %dma_wait3A_81 : memref<1x40x125xi32, #tpu.memory_space<hbm>> -> memref<40x125xi32, #tpu.memory_space<hbm>>
        %dma_wait3A_83 = arith.constant 40 : i32
        %dma_wait3A_84 = arith.constant 0 : i32
        %dma_wait3A_85 = tpu.memref_slice %arg2[%add3A_44, %dma_wait3A_83, %dma_wait3A_84] : memref<32x80x125xi32, #tpu.memory_space<hbm>> -> memref<1x40x125xi32, #tpu.memory_space<hbm>>
        %dma_wait3A_86 = tpu.memref_squeeze %dma_wait3A_85 : memref<1x40x125xi32, #tpu.memory_space<hbm>> -> memref<40x125xi32, #tpu.memory_space<hbm>>
        tpu.wait_dma2 semaphore(%run_scoped3A : memref<!tpu.dma_semaphore, #tpu.memory_space<semaphore_mem>>) src(%dma_wait3A_86 : memref<40x125xi32, #tpu.memory_space<hbm>>) dst(%arg9 : memref<40x125xi32, #tpu.memory_space<vmem>>)
        tpu.yield
      }) : () -> ()
      %jit3A_45 = arith.constant true
      %jit3A_46 = arith.constant 0 : i32
      %jit3A_47 = arith.constant 0 : i32
      %select_n3A_48 = arith.select %jit3A_45, %jit3A_46, %jit3A_47 : i32
      %dma_start3A_49 = arith.constant 0 : i32
      %dma_start3A_50 = tpu.memref_slice %arg8[%select_n3A_48, %dma_start3A_49] : memref<40x125xi32, #tpu.memory_space<vmem>> -> memref<1x125xi32, #tpu.memory_space<vmem>>
      %dma_start3A_51 = tpu.memref_squeeze %dma_start3A_50 : memref<1x125xi32, #tpu.memory_space<vmem>> -> memref<125xi32, #tpu.memory_space<vmem>>
      %dma_start3A_52 = arith.constant 0 : i32
      %dma_start3A_53 = arith.constant 0 : i32
      %dma_start3A_54 = tpu.memref_slice %arg4[%dma_start3A_52, %dma_start3A_53] : memref<10240x128xf32, #tpu.memory_space<hbm>> -> memref<10240x128xf32, #tpu.memory_space<hbm>>
      tpu.enqueue_indirect_dma source(%dma_start3A_54 : memref<10240x128xf32, #tpu.memory_space<hbm>>) target(%arg10 : memref<125x128xf32, #tpu.memory_space<vmem>>) offsets(%dma_start3A_51 : memref<125xi32, #tpu.memory_space<vmem>>) semaphore(%arg13 : memref<!tpu.dma_semaphore, #tpu.memory_space<semaphore_mem>>)
      %scan3A_55 = arith.constant 0 : i32
      %scan3A_56 = arith.constant 0 : i32
      %scan3A_57 = arith.constant 20 : i32
      %scan3A_58 = arith.addi %scan3A_56, %scan3A_57 : i32
      %scan3A_59 = arith.constant 1 : i32
      scf.for %scan3A_71 = %scan3A_56 to %scan3A_58 step %scan3A_59  : i32 {
        %mul3A_72 = arith.constant 2 : i32
        %mul3A_73 = arith.muli %mul3A_72, %scan3A_71 : i32
        %add3A_74 = arith.constant 1 : i32
        %add3A_75 = arith.addi %mul3A_73, %add3A_74 : i32
        %lt3A = arith.constant 40 : i32
        %lt3A_76 = arith.cmpi slt, %add3A_75, %lt3A : i32
        %jit3A_77 = arith.constant 0 : i32
        %select_n3A_78 = arith.select %lt3A_76, %add3A_75, %jit3A_77 : i32
        %dma_start3A_79 = arith.constant 0 : i32
        %dma_start3A_80 = tpu.memref_slice %arg8[%select_n3A_78, %dma_start3A_79] : memref<40x125xi32, #tpu.memory_space<vmem>> -> memref<1x125xi32, #tpu.memory_space<vmem>>
        %dma_start3A_81 = tpu.memref_squeeze %dma_start3A_80 : memref<1x125xi32, #tpu.memory_space<vmem>> -> memref<125xi32, #tpu.memory_space<vmem>>
        %dma_start3A_82 = arith.constant 0 : i32
        %dma_start3A_83 = arith.constant 0 : i32
        %dma_start3A_84 = tpu.memref_slice %arg4[%dma_start3A_82, %dma_start3A_83] : memref<10240x128xf32, #tpu.memory_space<hbm>> -> memref<10240x128xf32, #tpu.memory_space<hbm>>
        tpu.enqueue_indirect_dma source(%dma_start3A_84 : memref<10240x128xf32, #tpu.memory_space<hbm>>) target(%arg11 : memref<125x128xf32, #tpu.memory_space<vmem>>) offsets(%dma_start3A_81 : memref<125xi32, #tpu.memory_space<vmem>>) semaphore(%arg14 : memref<!tpu.dma_semaphore, #tpu.memory_space<semaphore_mem>>)
        %lt3A_85 = arith.constant 40 : i32
        %lt3A_86 = arith.cmpi slt, %mul3A_73, %lt3A_85 : i32
        %jit3A_87 = arith.constant 0 : i32
        %select_n3A_88 = arith.select %lt3A_86, %mul3A_73, %jit3A_87 : i32
        %dma_wait3A_89 = arith.constant 0 : i32
        %dma_wait3A_90 = tpu.memref_slice %arg8[%select_n3A_88, %dma_wait3A_89] : memref<40x125xi32, #tpu.memory_space<vmem>> -> memref<1x125xi32, #tpu.memory_space<vmem>>
        %dma_wait3A_91 = tpu.memref_squeeze %dma_wait3A_90 : memref<1x125xi32, #tpu.memory_space<vmem>> -> memref<125xi32, #tpu.memory_space<vmem>>
        %dma_wait3A_92 = arith.constant 0 : i32
        %dma_wait3A_93 = arith.constant 0 : i32
        %dma_wait3A_94 = tpu.memref_slice %arg4[%dma_wait3A_92, %dma_wait3A_93] : memref<10240x128xf32, #tpu.memory_space<hbm>> -> memref<10240x128xf32, #tpu.memory_space<hbm>>
        tpu.wait_indirect_dma semaphore(%arg13 : memref<!tpu.dma_semaphore, #tpu.memory_space<semaphore_mem>>) src(%dma_wait3A_94 : memref<10240x128xf32, #tpu.memory_space<hbm>>) dst(%arg10 : memref<125x128xf32, #tpu.memory_space<vmem>>)
        "tpu.region"() ({
          %run_scoped3A = tpu.sem_alloc : memref<!tpu.dma_semaphore, #tpu.memory_space<semaphore_mem>>
          %dma_start3A_121 = arith.constant 0 : i32
          %dma_start3A_122 = tpu.memref_slice %arg9[%mul3A_73, %dma_start3A_121] : memref<40x125xi32, #tpu.memory_space<vmem>> -> memref<1x125xi32, #tpu.memory_space<vmem>>
          %dma_start3A_123 = tpu.memref_squeeze %dma_start3A_122 : memref<1x125xi32, #tpu.memory_space<vmem>> -> memref<125xi32, #tpu.memory_space<vmem>>
          %dma_start3A_124 = arith.constant 0 : i32
          %dma_start3A_125 = arith.constant 0 : i32
          %dma_start3A_126 = tpu.memref_slice %arg12[%dma_start3A_124, %dma_start3A_125] : memref<10240x128xf32, #tpu.memory_space<vmem_shared>> -> memref<10240x128xf32, #tpu.memory_space<vmem_shared>>
          tpu.enqueue_indirect_dma source(%arg10 : memref<125x128xf32, #tpu.memory_space<vmem>>) target(%dma_start3A_126 : memref<10240x128xf32, #tpu.memory_space<vmem_shared>>) offsets(%dma_start3A_123 : memref<125xi32, #tpu.memory_space<vmem>>) semaphore(%run_scoped3A : memref<!tpu.dma_semaphore, #tpu.memory_space<semaphore_mem>>) {add = true}
          %dma_wait3A_127 = arith.constant 0 : i32
          %dma_wait3A_128 = tpu.memref_slice %arg9[%mul3A_73, %dma_wait3A_127] : memref<40x125xi32, #tpu.memory_space<vmem>> -> memref<1x125xi32, #tpu.memory_space<vmem>>
          %dma_wait3A_129 = tpu.memref_squeeze %dma_wait3A_128 : memref<1x125xi32, #tpu.memory_space<vmem>> -> memref<125xi32, #tpu.memory_space<vmem>>
          %dma_wait3A_130 = arith.constant 0 : i32
          %dma_wait3A_131 = arith.constant 0 : i32
          %dma_wait3A_132 = tpu.memref_slice %arg12[%dma_wait3A_130, %dma_wait3A_131] : memref<10240x128xf32, #tpu.memory_space<vmem_shared>> -> memref<10240x128xf32, #tpu.memory_space<vmem_shared>>
          tpu.wait_indirect_dma semaphore(%run_scoped3A : memref<!tpu.dma_semaphore, #tpu.memory_space<semaphore_mem>>) src(%arg10 : memref<125x128xf32, #tpu.memory_space<vmem>>) dst(%dma_wait3A_132 : memref<10240x128xf32, #tpu.memory_space<vmem_shared>>)
          tpu.yield
        }) : () -> ()
        %add3A_95 = arith.constant 2 : i32
        %add3A_96 = arith.addi %mul3A_73, %add3A_95 : i32
        %lt3A_97 = arith.constant 40 : i32
        %lt3A_98 = arith.cmpi slt, %add3A_96, %lt3A_97 : i32
        %jit3A_99 = arith.constant 0 : i32
        %select_n3A_100 = arith.select %lt3A_98, %add3A_96, %jit3A_99 : i32
        %dma_start3A_101 = arith.constant 0 : i32
        %dma_start3A_102 = tpu.memref_slice %arg8[%select_n3A_100, %dma_start3A_101] : memref<40x125xi32, #tpu.memory_space<vmem>> -> memref<1x125xi32, #tpu.memory_space<vmem>>
        %dma_start3A_103 = tpu.memref_squeeze %dma_start3A_102 : memref<1x125xi32, #tpu.memory_space<vmem>> -> memref<125xi32, #tpu.memory_space<vmem>>
        %dma_start3A_104 = arith.constant 0 : i32
        %dma_start3A_105 = arith.constant 0 : i32
        %dma_start3A_106 = tpu.memref_slice %arg4[%dma_start3A_104, %dma_start3A_105] : memref<10240x128xf32, #tpu.memory_space<hbm>> -> memref<10240x128xf32, #tpu.memory_space<hbm>>
        tpu.enqueue_indirect_dma source(%dma_start3A_106 : memref<10240x128xf32, #tpu.memory_space<hbm>>) target(%arg10 : memref<125x128xf32, #tpu.memory_space<vmem>>) offsets(%dma_start3A_103 : memref<125xi32, #tpu.memory_space<vmem>>) semaphore(%arg13 : memref<!tpu.dma_semaphore, #tpu.memory_space<semaphore_mem>>)
        %add3A_107 = arith.constant 1 : i32
        %add3A_108 = arith.addi %mul3A_73, %add3A_107 : i32
        %lt3A_109 = arith.constant 40 : i32
        %lt3A_110 = arith.cmpi slt, %add3A_108, %lt3A_109 : i32
        %jit3A_111 = arith.constant 0 : i32
        %select_n3A_112 = arith.select %lt3A_110, %add3A_108, %jit3A_111 : i32
        %dma_wait3A_113 = arith.constant 0 : i32
        %dma_wait3A_114 = tpu.memref_slice %arg8[%select_n3A_112, %dma_wait3A_113] : memref<40x125xi32, #tpu.memory_space<vmem>> -> memref<1x125xi32, #tpu.memory_space<vmem>>
        %dma_wait3A_115 = tpu.memref_squeeze %dma_wait3A_114 : memref<1x125xi32, #tpu.memory_space<vmem>> -> memref<125xi32, #tpu.memory_space<vmem>>
        %dma_wait3A_116 = arith.constant 0 : i32
        %dma_wait3A_117 = arith.constant 0 : i32
        %dma_wait3A_118 = tpu.memref_slice %arg4[%dma_wait3A_116, %dma_wait3A_117] : memref<10240x128xf32, #tpu.memory_space<hbm>> -> memref<10240x128xf32, #tpu.memory_space<hbm>>
        tpu.wait_indirect_dma semaphore(%arg14 : memref<!tpu.dma_semaphore, #tpu.memory_space<semaphore_mem>>) src(%dma_wait3A_118 : memref<10240x128xf32, #tpu.memory_space<hbm>>) dst(%arg11 : memref<125x128xf32, #tpu.memory_space<vmem>>)
        %add3A_119 = arith.constant 1 : i32
        %add3A_120 = arith.addi %mul3A_73, %add3A_119 : i32
        "tpu.region"() ({
          %run_scoped3A = tpu.sem_alloc : memref<!tpu.dma_semaphore, #tpu.memory_space<semaphore_mem>>
          %dma_start3A_121 = arith.constant 0 : i32
          %dma_start3A_122 = tpu.memref_slice %arg9[%add3A_120, %dma_start3A_121] : memref<40x125xi32, #tpu.memory_space<vmem>> -> memref<1x125xi32, #tpu.memory_space<vmem>>
          %dma_start3A_123 = tpu.memref_squeeze %dma_start3A_122 : memref<1x125xi32, #tpu.memory_space<vmem>> -> memref<125xi32, #tpu.memory_space<vmem>>
          %dma_start3A_124 = arith.constant 0 : i32
          %dma_start3A_125 = arith.constant 0 : i32
          %dma_start3A_126 = tpu.memref_slice %arg12[%dma_start3A_124, %dma_start3A_125] : memref<10240x128xf32, #tpu.memory_space<vmem_shared>> -> memref<10240x128xf32, #tpu.memory_space<vmem_shared>>
          tpu.enqueue_indirect_dma source(%arg11 : memref<125x128xf32, #tpu.memory_space<vmem>>) target(%dma_start3A_126 : memref<10240x128xf32, #tpu.memory_space<vmem_shared>>) offsets(%dma_start3A_123 : memref<125xi32, #tpu.memory_space<vmem>>) semaphore(%run_scoped3A : memref<!tpu.dma_semaphore, #tpu.memory_space<semaphore_mem>>) {add = true}
          %dma_wait3A_127 = arith.constant 0 : i32
          %dma_wait3A_128 = tpu.memref_slice %arg9[%add3A_120, %dma_wait3A_127] : memref<40x125xi32, #tpu.memory_space<vmem>> -> memref<1x125xi32, #tpu.memory_space<vmem>>
          %dma_wait3A_129 = tpu.memref_squeeze %dma_wait3A_128 : memref<1x125xi32, #tpu.memory_space<vmem>> -> memref<125xi32, #tpu.memory_space<vmem>>
          %dma_wait3A_130 = arith.constant 0 : i32
          %dma_wait3A_131 = arith.constant 0 : i32
          %dma_wait3A_132 = tpu.memref_slice %arg12[%dma_wait3A_130, %dma_wait3A_131] : memref<10240x128xf32, #tpu.memory_space<vmem_shared>> -> memref<10240x128xf32, #tpu.memory_space<vmem_shared>>
          tpu.wait_indirect_dma semaphore(%run_scoped3A : memref<!tpu.dma_semaphore, #tpu.memory_space<semaphore_mem>>) src(%arg11 : memref<125x128xf32, #tpu.memory_space<vmem>>) dst(%dma_wait3A_132 : memref<10240x128xf32, #tpu.memory_space<vmem_shared>>)
          tpu.yield
        }) : () -> ()
      }
      %scan3A_60 = arith.constant 20 : i32
      %jit3A_61 = arith.constant false
      %jit3A_62 = arith.constant 40 : i32
      %jit3A_63 = arith.constant 0 : i32
      %select_n3A_64 = arith.select %jit3A_61, %jit3A_62, %jit3A_63 : i32
      %dma_wait3A_65 = arith.constant 0 : i32
      %dma_wait3A_66 = tpu.memref_slice %arg8[%select_n3A_64, %dma_wait3A_65] : memref<40x125xi32, #tpu.memory_space<vmem>> -> memref<1x125xi32, #tpu.memory_space<vmem>>
      %dma_wait3A_67 = tpu.memref_squeeze %dma_wait3A_66 : memref<1x125xi32, #tpu.memory_space<vmem>> -> memref<125xi32, #tpu.memory_space<vmem>>
      %dma_wait3A_68 = arith.constant 0 : i32
      %dma_wait3A_69 = arith.constant 0 : i32
      %dma_wait3A_70 = tpu.memref_slice %arg4[%dma_wait3A_68, %dma_wait3A_69] : memref<10240x128xf32, #tpu.memory_space<hbm>> -> memref<10240x128xf32, #tpu.memory_space<hbm>>
      tpu.wait_indirect_dma semaphore(%arg13 : memref<!tpu.dma_semaphore, #tpu.memory_space<semaphore_mem>>) src(%dma_wait3A_70 : memref<10240x128xf32, #tpu.memory_space<hbm>>) dst(%arg10 : memref<125x128xf32, #tpu.memory_space<vmem>>)
    } else {
    }
    %barrier3A_8 = arith.constant 0 : index
    tpu.barrier barrier_id(%barrier3A_8)
    %mul3A_9 = arith.constant 640 : i32
    %mul3A_10 = arith.muli %arg1, %mul3A_9 : i32
    %eq3A_11 = arith.constant 0 : i32
    %eq3A_12 = arith.cmpi eq, %arg0, %eq3A_11 : i32
    %convert_element_type3A_13 = arith.extui %eq3A_12 : i1 to i32
    %cond3A_14 = arith.constant 0 : i32
    %cond3A_15 = arith.cmpi ne, %convert_element_type3A_13, %cond3A_14 : i32
    scf.if %cond3A_15 {
      "tpu.region"() ({
        %run_scoped3A = tpu.sem_alloc : memref<!tpu.dma_semaphore, #tpu.memory_space<semaphore_mem>>
        %dma_start3A = arith.constant 0 : i32
        %dma_start3A_21 = tpu.memref_slice %arg6[%mul3A_10, %dma_start3A] : memref<10240x128xf32, #tpu.memory_space<hbm>> -> memref<640x128xf32, #tpu.memory_space<hbm>>
        %dma_start3A_22 = arith.constant 0 : i32
        %dma_start3A_23 = tpu.memref_slice %arg12[%mul3A_10, %dma_start3A_22] : memref<10240x128xf32, #tpu.memory_space<vmem_shared>> -> memref<640x128xf32, #tpu.memory_space<vmem_shared>>
        tpu.enqueue_dma source(%dma_start3A_23 : memref<640x128xf32, #tpu.memory_space<vmem_shared>>) target(%dma_start3A_21 : memref<640x128xf32, #tpu.memory_space<hbm>>) target_semaphore(%run_scoped3A : memref<!tpu.dma_semaphore, #tpu.memory_space<semaphore_mem>>)
        %dma_wait3A = arith.constant 0 : i32
        %dma_wait3A_24 = tpu.memref_slice %arg6[%mul3A_10, %dma_wait3A] : memref<10240x128xf32, #tpu.memory_space<hbm>> -> memref<640x128xf32, #tpu.memory_space<hbm>>
        %dma_wait3A_25 = arith.constant 0 : i32
        %dma_wait3A_26 = tpu.memref_slice %arg12[%mul3A_10, %dma_wait3A_25] : memref<10240x128xf32, #tpu.memory_space<vmem_shared>> -> memref<640x128xf32, #tpu.memory_space<vmem_shared>>
        tpu.wait_dma2 semaphore(%run_scoped3A : memref<!tpu.dma_semaphore, #tpu.memory_space<semaphore_mem>>) src(%dma_wait3A_26 : memref<640x128xf32, #tpu.memory_space<vmem_shared>>) dst(%dma_wait3A_24 : memref<640x128xf32, #tpu.memory_space<hbm>>)
        tpu.yield
      }) : () -> ()
    } else {
    }
    %eq3A_16 = arith.constant 1 : i32
    %eq3A_17 = arith.cmpi eq, %arg0, %eq3A_16 : i32
    %convert_element_type3A_18 = arith.extui %eq3A_17 : i1 to i32
    %cond3A_19 = arith.constant 0 : i32
    %cond3A_20 = arith.cmpi ne, %convert_element_type3A_18, %cond3A_19 : i32
    scf.if %cond3A_20 {
      "tpu.region"() ({
        %run_scoped3A = tpu.sem_alloc : memref<!tpu.dma_semaphore, #tpu.memory_space<semaphore_mem>>
        %dma_start3A = arith.constant 0 : i32
        %dma_start3A_21 = tpu.memref_slice %arg7[%mul3A_10, %dma_start3A] : memref<10240x128xf32, #tpu.memory_space<hbm>> -> memref<640x128xf32, #tpu.memory_space<hbm>>
        %dma_start3A_22 = arith.constant 0 : i32
        %dma_start3A_23 = tpu.memref_slice %arg12[%mul3A_10, %dma_start3A_22] : memref<10240x128xf32, #tpu.memory_space<vmem_shared>> -> memref<640x128xf32, #tpu.memory_space<vmem_shared>>
        tpu.enqueue_dma source(%dma_start3A_23 : memref<640x128xf32, #tpu.memory_space<vmem_shared>>) target(%dma_start3A_21 : memref<640x128xf32, #tpu.memory_space<hbm>>) target_semaphore(%run_scoped3A : memref<!tpu.dma_semaphore, #tpu.memory_space<semaphore_mem>>)
        %dma_wait3A = arith.constant 0 : i32
        %dma_wait3A_24 = tpu.memref_slice %arg7[%mul3A_10, %dma_wait3A] : memref<10240x128xf32, #tpu.memory_space<hbm>> -> memref<640x128xf32, #tpu.memory_space<hbm>>
        %dma_wait3A_25 = arith.constant 0 : i32
        %dma_wait3A_26 = tpu.memref_slice %arg12[%mul3A_10, %dma_wait3A_25] : memref<10240x128xf32, #tpu.memory_space<vmem_shared>> -> memref<640x128xf32, #tpu.memory_space<vmem_shared>>
        tpu.wait_dma2 semaphore(%run_scoped3A : memref<!tpu.dma_semaphore, #tpu.memory_space<semaphore_mem>>) src(%dma_wait3A_26 : memref<640x128xf32, #tpu.memory_space<vmem_shared>>) dst(%dma_wait3A_24 : memref<640x128xf32, #tpu.memory_space<hbm>>)
        tpu.yield
      }) : () -> ()
    } else {
    }
    return
  }
}

#map = affine_map<(d0, d1) -> (0, 0, 0)>
#map1 = affine_map<(d0, d1) -> (0, 0)>
module attributes {stable_mosaic.version = 14 : i64} {
  func.func @_sc_segsum_body(%arg0: i32, %arg1: i32, %arg2: memref<32x80x125xi32, #tpu.memory_space<hbm>>, %arg3: memref<10240x128xf32, #tpu.memory_space<hbm>>, %arg4: memref<10240x128xf32, #tpu.memory_space<hbm>>, %arg5: memref<640x128xf32, #tpu.memory_space<hbm>>, %arg6: memref<10240x128xf32, #tpu.memory_space<hbm>>, %arg7: memref<10240x128xf32, #tpu.memory_space<hbm>>, %arg8: memref<40x125xi32, #tpu.memory_space<vmem>>, %arg9: memref<40x125xi32, #tpu.memory_space<vmem>>, %arg10: memref<125x128xf32, #tpu.memory_space<vmem>>, %arg11: memref<125x128xf32, #tpu.memory_space<vmem>>, %arg12: memref<10240x128xf32, #tpu.memory_space<vmem_shared>>, %arg13: memref<!tpu.dma_semaphore, #tpu.memory_space<semaphore_mem>>, %arg14: memref<!tpu.dma_semaphore, #tpu.memory_space<semaphore_mem>>) attributes {dimension_semantics = [#tpu.dimension_semantics<core_parallel>, #tpu.dimension_semantics<subcore_parallel>], iteration_bounds = array<i64: 2, 16>, scalar_prefetch = 0 : i64, scratch_operands = 7 : i64, tpu.core_type = #tpu.core_type<sc_vector_subcore>, window_params = [{transform_indices = #map}, {transform_indices = #map1}, {transform_indices = #map1}, {transform_indices = #map1}, {transform_indices = #map1}, {transform_indices = #map1}]} {
    %mul3A = arith.constant 640 : i32
    %mul3A_0 = arith.muli %arg1, %mul3A : i32
    "tpu.region"() ({
      %run_scoped3A = tpu.sem_alloc : memref<!tpu.dma_semaphore, #tpu.memory_space<semaphore_mem>>
      %dma_start3A = arith.constant 0 : i32
      %dma_start3A_21 = tpu.memref_slice %arg12[%mul3A_0, %dma_start3A] : memref<10240x128xf32, #tpu.memory_space<vmem_shared>> -> memref<640x128xf32, #tpu.memory_space<vmem_shared>>
      tpu.enqueue_dma source(%arg5 : memref<640x128xf32, #tpu.memory_space<hbm>>) target(%dma_start3A_21 : memref<640x128xf32, #tpu.memory_space<vmem_shared>>) target_semaphore(%run_scoped3A : memref<!tpu.dma_semaphore, #tpu.memory_space<semaphore_mem>>)
      %dma_wait3A = arith.constant 0 : i32
      %dma_wait3A_22 = tpu.memref_slice %arg12[%mul3A_0, %dma_wait3A] : memref<10240x128xf32, #tpu.memory_space<vmem_shared>> -> memref<640x128xf32, #tpu.memory_space<vmem_shared>>
      tpu.wait_dma2 semaphore(%run_scoped3A : memref<!tpu.dma_semaphore, #tpu.memory_space<semaphore_mem>>) src(%arg5 : memref<640x128xf32, #tpu.memory_space<hbm>>) dst(%dma_wait3A_22 : memref<640x128xf32, #tpu.memory_space<vmem_shared>>)
      tpu.yield
    }) : () -> ()
    %barrier3A = arith.constant 0 : index
    tpu.barrier barrier_id(%barrier3A)
    %eq3A = arith.constant 0 : i32
    %eq3A_1 = arith.cmpi eq, %arg0, %eq3A : i32
    %convert_element_type3A = arith.extui %eq3A_1 : i1 to i32
    %cond3A = arith.constant 0 : i32
    %cond3A_2 = arith.cmpi ne, %convert_element_type3A, %cond3A : i32
    scf.if %cond3A_2 {
      "tpu.region"() ({
        %run_scoped3A = tpu.sem_alloc : memref<!tpu.dma_semaphore, #tpu.memory_space<semaphore_mem>>
        %dma_start3A_71 = arith.constant 0 : i32
        %dma_start3A_72 = arith.constant 0 : i32
        %dma_start3A_73 = tpu.memref_slice %arg2[%arg1, %dma_start3A_71, %dma_start3A_72] : memref<32x80x125xi32, #tpu.memory_space<hbm>> -> memref<1x40x125xi32, #tpu.memory_space<hbm>>
        %dma_start3A_74 = tpu.memref_squeeze %dma_start3A_73 : memref<1x40x125xi32, #tpu.memory_space<hbm>> -> memref<40x125xi32, #tpu.memory_space<hbm>>
        %dma_start3A_75 = arith.constant 0 : i32
        %dma_start3A_76 = arith.constant 0 : i32
        %dma_start3A_77 = tpu.memref_slice %arg2[%arg1, %dma_start3A_75, %dma_start3A_76] : memref<32x80x125xi32, #tpu.memory_space<hbm>> -> memref<1x40x125xi32, #tpu.memory_space<hbm>>
        %dma_start3A_78 = tpu.memref_squeeze %dma_start3A_77 : memref<1x40x125xi32, #tpu.memory_space<hbm>> -> memref<40x125xi32, #tpu.memory_space<hbm>>
        tpu.enqueue_dma source(%dma_start3A_78 : memref<40x125xi32, #tpu.memory_space<hbm>>) target(%arg8 : memref<40x125xi32, #tpu.memory_space<vmem>>) target_semaphore(%run_scoped3A : memref<!tpu.dma_semaphore, #tpu.memory_space<semaphore_mem>>)
        %dma_wait3A_79 = arith.constant 0 : i32
        %dma_wait3A_80 = arith.constant 0 : i32
        %dma_wait3A_81 = tpu.memref_slice %arg2[%arg1, %dma_wait3A_79, %dma_wait3A_80] : memref<32x80x125xi32, #tpu.memory_space<hbm>> -> memref<1x40x125xi32, #tpu.memory_space<hbm>>
        %dma_wait3A_82 = tpu.memref_squeeze %dma_wait3A_81 : memref<1x40x125xi32, #tpu.memory_space<hbm>> -> memref<40x125xi32, #tpu.memory_space<hbm>>
        %dma_wait3A_83 = arith.constant 0 : i32
        %dma_wait3A_84 = arith.constant 0 : i32
        %dma_wait3A_85 = tpu.memref_slice %arg2[%arg1, %dma_wait3A_83, %dma_wait3A_84] : memref<32x80x125xi32, #tpu.memory_space<hbm>> -> memref<1x40x125xi32, #tpu.memory_space<hbm>>
        %dma_wait3A_86 = tpu.memref_squeeze %dma_wait3A_85 : memref<1x40x125xi32, #tpu.memory_space<hbm>> -> memref<40x125xi32, #tpu.memory_space<hbm>>
        tpu.wait_dma2 semaphore(%run_scoped3A : memref<!tpu.dma_semaphore, #tpu.memory_space<semaphore_mem>>) src(%dma_wait3A_86 : memref<40x125xi32, #tpu.memory_space<hbm>>) dst(%arg8 : memref<40x125xi32, #tpu.memory_space<vmem>>)
        tpu.yield
      }) : () -> ()
      %add3A = arith.constant 16 : i32
      %add3A_21 = arith.addi %add3A, %arg1 : i32
      "tpu.region"() ({
        %run_scoped3A = tpu.sem_alloc : memref<!tpu.dma_semaphore, #tpu.memory_space<semaphore_mem>>
        %dma_start3A_71 = arith.constant 0 : i32
        %dma_start3A_72 = arith.constant 0 : i32
        %dma_start3A_73 = tpu.memref_slice %arg2[%add3A_21, %dma_start3A_71, %dma_start3A_72] : memref<32x80x125xi32, #tpu.memory_space<hbm>> -> memref<1x40x125xi32, #tpu.memory_space<hbm>>
        %dma_start3A_74 = tpu.memref_squeeze %dma_start3A_73 : memref<1x40x125xi32, #tpu.memory_space<hbm>> -> memref<40x125xi32, #tpu.memory_space<hbm>>
        %dma_start3A_75 = arith.constant 0 : i32
        %dma_start3A_76 = arith.constant 0 : i32
        %dma_start3A_77 = tpu.memref_slice %arg2[%add3A_21, %dma_start3A_75, %dma_start3A_76] : memref<32x80x125xi32, #tpu.memory_space<hbm>> -> memref<1x40x125xi32, #tpu.memory_space<hbm>>
        %dma_start3A_78 = tpu.memref_squeeze %dma_start3A_77 : memref<1x40x125xi32, #tpu.memory_space<hbm>> -> memref<40x125xi32, #tpu.memory_space<hbm>>
        tpu.enqueue_dma source(%dma_start3A_78 : memref<40x125xi32, #tpu.memory_space<hbm>>) target(%arg9 : memref<40x125xi32, #tpu.memory_space<vmem>>) target_semaphore(%run_scoped3A : memref<!tpu.dma_semaphore, #tpu.memory_space<semaphore_mem>>)
        %dma_wait3A_79 = arith.constant 0 : i32
        %dma_wait3A_80 = arith.constant 0 : i32
        %dma_wait3A_81 = tpu.memref_slice %arg2[%add3A_21, %dma_wait3A_79, %dma_wait3A_80] : memref<32x80x125xi32, #tpu.memory_space<hbm>> -> memref<1x40x125xi32, #tpu.memory_space<hbm>>
        %dma_wait3A_82 = tpu.memref_squeeze %dma_wait3A_81 : memref<1x40x125xi32, #tpu.memory_space<hbm>> -> memref<40x125xi32, #tpu.memory_space<hbm>>
        %dma_wait3A_83 = arith.constant 0 : i32
        %dma_wait3A_84 = arith.constant 0 : i32
        %dma_wait3A_85 = tpu.memref_slice %arg2[%add3A_21, %dma_wait3A_83, %dma_wait3A_84] : memref<32x80x125xi32, #tpu.memory_space<hbm>> -> memref<1x40x125xi32, #tpu.memory_space<hbm>>
        %dma_wait3A_86 = tpu.memref_squeeze %dma_wait3A_85 : memref<1x40x125xi32, #tpu.memory_space<hbm>> -> memref<40x125xi32, #tpu.memory_space<hbm>>
        tpu.wait_dma2 semaphore(%run_scoped3A : memref<!tpu.dma_semaphore, #tpu.memory_space<semaphore_mem>>) src(%dma_wait3A_86 : memref<40x125xi32, #tpu.memory_space<hbm>>) dst(%arg9 : memref<40x125xi32, #tpu.memory_space<vmem>>)
        tpu.yield
      }) : () -> ()
      %jit3A = arith.constant true
      %jit3A_22 = arith.constant 0 : i32
      %jit3A_23 = arith.constant 0 : i32
      %select_n3A = arith.select %jit3A, %jit3A_22, %jit3A_23 : i32
      %dma_start3A = arith.constant 0 : i32
      %dma_start3A_24 = tpu.memref_slice %arg8[%select_n3A, %dma_start3A] : memref<40x125xi32, #tpu.memory_space<vmem>> -> memref<1x125xi32, #tpu.memory_space<vmem>>
      %dma_start3A_25 = tpu.memref_squeeze %dma_start3A_24 : memref<1x125xi32, #tpu.memory_space<vmem>> -> memref<125xi32, #tpu.memory_space<vmem>>
      %dma_start3A_26 = arith.constant 0 : i32
      %dma_start3A_27 = arith.constant 0 : i32
      %dma_start3A_28 = tpu.memref_slice %arg3[%dma_start3A_26, %dma_start3A_27] : memref<10240x128xf32, #tpu.memory_space<hbm>> -> memref<10240x128xf32, #tpu.memory_space<hbm>>
      tpu.enqueue_indirect_dma source(%dma_start3A_28 : memref<10240x128xf32, #tpu.memory_space<hbm>>) target(%arg10 : memref<125x128xf32, #tpu.memory_space<vmem>>) offsets(%dma_start3A_25 : memref<125xi32, #tpu.memory_space<vmem>>) semaphore(%arg13 : memref<!tpu.dma_semaphore, #tpu.memory_space<semaphore_mem>>)
      %scan3A = arith.constant 0 : i32
      %scan3A_29 = arith.constant 0 : i32
      %scan3A_30 = arith.constant 20 : i32
      %scan3A_31 = arith.addi %scan3A_29, %scan3A_30 : i32
      %scan3A_32 = arith.constant 1 : i32
      scf.for %scan3A_71 = %scan3A_29 to %scan3A_31 step %scan3A_32  : i32 {
        %mul3A_72 = arith.constant 2 : i32
        %mul3A_73 = arith.muli %mul3A_72, %scan3A_71 : i32
        %add3A_74 = arith.constant 1 : i32
        %add3A_75 = arith.addi %mul3A_73, %add3A_74 : i32
        %lt3A = arith.constant 40 : i32
        %lt3A_76 = arith.cmpi slt, %add3A_75, %lt3A : i32
        %jit3A_77 = arith.constant 0 : i32
        %select_n3A_78 = arith.select %lt3A_76, %add3A_75, %jit3A_77 : i32
        %dma_start3A_79 = arith.constant 0 : i32
        %dma_start3A_80 = tpu.memref_slice %arg8[%select_n3A_78, %dma_start3A_79] : memref<40x125xi32, #tpu.memory_space<vmem>> -> memref<1x125xi32, #tpu.memory_space<vmem>>
        %dma_start3A_81 = tpu.memref_squeeze %dma_start3A_80 : memref<1x125xi32, #tpu.memory_space<vmem>> -> memref<125xi32, #tpu.memory_space<vmem>>
        %dma_start3A_82 = arith.constant 0 : i32
        %dma_start3A_83 = arith.constant 0 : i32
        %dma_start3A_84 = tpu.memref_slice %arg3[%dma_start3A_82, %dma_start3A_83] : memref<10240x128xf32, #tpu.memory_space<hbm>> -> memref<10240x128xf32, #tpu.memory_space<hbm>>
        tpu.enqueue_indirect_dma source(%dma_start3A_84 : memref<10240x128xf32, #tpu.memory_space<hbm>>) target(%arg11 : memref<125x128xf32, #tpu.memory_space<vmem>>) offsets(%dma_start3A_81 : memref<125xi32, #tpu.memory_space<vmem>>) semaphore(%arg14 : memref<!tpu.dma_semaphore, #tpu.memory_space<semaphore_mem>>)
        %lt3A_85 = arith.constant 40 : i32
        %lt3A_86 = arith.cmpi slt, %mul3A_73, %lt3A_85 : i32
        %jit3A_87 = arith.constant 0 : i32
        %select_n3A_88 = arith.select %lt3A_86, %mul3A_73, %jit3A_87 : i32
        %dma_wait3A_89 = arith.constant 0 : i32
        %dma_wait3A_90 = tpu.memref_slice %arg8[%select_n3A_88, %dma_wait3A_89] : memref<40x125xi32, #tpu.memory_space<vmem>> -> memref<1x125xi32, #tpu.memory_space<vmem>>
        %dma_wait3A_91 = tpu.memref_squeeze %dma_wait3A_90 : memref<1x125xi32, #tpu.memory_space<vmem>> -> memref<125xi32, #tpu.memory_space<vmem>>
        %dma_wait3A_92 = arith.constant 0 : i32
        %dma_wait3A_93 = arith.constant 0 : i32
        %dma_wait3A_94 = tpu.memref_slice %arg3[%dma_wait3A_92, %dma_wait3A_93] : memref<10240x128xf32, #tpu.memory_space<hbm>> -> memref<10240x128xf32, #tpu.memory_space<hbm>>
        tpu.wait_indirect_dma semaphore(%arg13 : memref<!tpu.dma_semaphore, #tpu.memory_space<semaphore_mem>>) src(%dma_wait3A_94 : memref<10240x128xf32, #tpu.memory_space<hbm>>) dst(%arg10 : memref<125x128xf32, #tpu.memory_space<vmem>>)
        "tpu.region"() ({
          %run_scoped3A = tpu.sem_alloc : memref<!tpu.dma_semaphore, #tpu.memory_space<semaphore_mem>>
          %dma_start3A_121 = arith.constant 0 : i32
          %dma_start3A_122 = tpu.memref_slice %arg9[%mul3A_73, %dma_start3A_121] : memref<40x125xi32, #tpu.memory_space<vmem>> -> memref<1x125xi32, #tpu.memory_space<vmem>>
          %dma_start3A_123 = tpu.memref_squeeze %dma_start3A_122 : memref<1x125xi32, #tpu.memory_space<vmem>> -> memref<125xi32, #tpu.memory_space<vmem>>
          %dma_start3A_124 = arith.constant 0 : i32
          %dma_start3A_125 = arith.constant 0 : i32
          %dma_start3A_126 = tpu.memref_slice %arg12[%dma_start3A_124, %dma_start3A_125] : memref<10240x128xf32, #tpu.memory_space<vmem_shared>> -> memref<10240x128xf32, #tpu.memory_space<vmem_shared>>
          tpu.enqueue_indirect_dma source(%arg10 : memref<125x128xf32, #tpu.memory_space<vmem>>) target(%dma_start3A_126 : memref<10240x128xf32, #tpu.memory_space<vmem_shared>>) offsets(%dma_start3A_123 : memref<125xi32, #tpu.memory_space<vmem>>) semaphore(%run_scoped3A : memref<!tpu.dma_semaphore, #tpu.memory_space<semaphore_mem>>) {add = true}
          %dma_wait3A_127 = arith.constant 0 : i32
          %dma_wait3A_128 = tpu.memref_slice %arg9[%mul3A_73, %dma_wait3A_127] : memref<40x125xi32, #tpu.memory_space<vmem>> -> memref<1x125xi32, #tpu.memory_space<vmem>>
          %dma_wait3A_129 = tpu.memref_squeeze %dma_wait3A_128 : memref<1x125xi32, #tpu.memory_space<vmem>> -> memref<125xi32, #tpu.memory_space<vmem>>
          %dma_wait3A_130 = arith.constant 0 : i32
          %dma_wait3A_131 = arith.constant 0 : i32
          %dma_wait3A_132 = tpu.memref_slice %arg12[%dma_wait3A_130, %dma_wait3A_131] : memref<10240x128xf32, #tpu.memory_space<vmem_shared>> -> memref<10240x128xf32, #tpu.memory_space<vmem_shared>>
          tpu.wait_indirect_dma semaphore(%run_scoped3A : memref<!tpu.dma_semaphore, #tpu.memory_space<semaphore_mem>>) src(%arg10 : memref<125x128xf32, #tpu.memory_space<vmem>>) dst(%dma_wait3A_132 : memref<10240x128xf32, #tpu.memory_space<vmem_shared>>)
          tpu.yield
        }) : () -> ()
        %add3A_95 = arith.constant 2 : i32
        %add3A_96 = arith.addi %mul3A_73, %add3A_95 : i32
        %lt3A_97 = arith.constant 40 : i32
        %lt3A_98 = arith.cmpi slt, %add3A_96, %lt3A_97 : i32
        %jit3A_99 = arith.constant 0 : i32
        %select_n3A_100 = arith.select %lt3A_98, %add3A_96, %jit3A_99 : i32
        %dma_start3A_101 = arith.constant 0 : i32
        %dma_start3A_102 = tpu.memref_slice %arg8[%select_n3A_100, %dma_start3A_101] : memref<40x125xi32, #tpu.memory_space<vmem>> -> memref<1x125xi32, #tpu.memory_space<vmem>>
        %dma_start3A_103 = tpu.memref_squeeze %dma_start3A_102 : memref<1x125xi32, #tpu.memory_space<vmem>> -> memref<125xi32, #tpu.memory_space<vmem>>
        %dma_start3A_104 = arith.constant 0 : i32
        %dma_start3A_105 = arith.constant 0 : i32
        %dma_start3A_106 = tpu.memref_slice %arg3[%dma_start3A_104, %dma_start3A_105] : memref<10240x128xf32, #tpu.memory_space<hbm>> -> memref<10240x128xf32, #tpu.memory_space<hbm>>
        tpu.enqueue_indirect_dma source(%dma_start3A_106 : memref<10240x128xf32, #tpu.memory_space<hbm>>) target(%arg10 : memref<125x128xf32, #tpu.memory_space<vmem>>) offsets(%dma_start3A_103 : memref<125xi32, #tpu.memory_space<vmem>>) semaphore(%arg13 : memref<!tpu.dma_semaphore, #tpu.memory_space<semaphore_mem>>)
        %add3A_107 = arith.constant 1 : i32
        %add3A_108 = arith.addi %mul3A_73, %add3A_107 : i32
        %lt3A_109 = arith.constant 40 : i32
        %lt3A_110 = arith.cmpi slt, %add3A_108, %lt3A_109 : i32
        %jit3A_111 = arith.constant 0 : i32
        %select_n3A_112 = arith.select %lt3A_110, %add3A_108, %jit3A_111 : i32
        %dma_wait3A_113 = arith.constant 0 : i32
        %dma_wait3A_114 = tpu.memref_slice %arg8[%select_n3A_112, %dma_wait3A_113] : memref<40x125xi32, #tpu.memory_space<vmem>> -> memref<1x125xi32, #tpu.memory_space<vmem>>
        %dma_wait3A_115 = tpu.memref_squeeze %dma_wait3A_114 : memref<1x125xi32, #tpu.memory_space<vmem>> -> memref<125xi32, #tpu.memory_space<vmem>>
        %dma_wait3A_116 = arith.constant 0 : i32
        %dma_wait3A_117 = arith.constant 0 : i32
        %dma_wait3A_118 = tpu.memref_slice %arg3[%dma_wait3A_116, %dma_wait3A_117] : memref<10240x128xf32, #tpu.memory_space<hbm>> -> memref<10240x128xf32, #tpu.memory_space<hbm>>
        tpu.wait_indirect_dma semaphore(%arg14 : memref<!tpu.dma_semaphore, #tpu.memory_space<semaphore_mem>>) src(%dma_wait3A_118 : memref<10240x128xf32, #tpu.memory_space<hbm>>) dst(%arg11 : memref<125x128xf32, #tpu.memory_space<vmem>>)
        %add3A_119 = arith.constant 1 : i32
        %add3A_120 = arith.addi %mul3A_73, %add3A_119 : i32
        "tpu.region"() ({
          %run_scoped3A = tpu.sem_alloc : memref<!tpu.dma_semaphore, #tpu.memory_space<semaphore_mem>>
          %dma_start3A_121 = arith.constant 0 : i32
          %dma_start3A_122 = tpu.memref_slice %arg9[%add3A_120, %dma_start3A_121] : memref<40x125xi32, #tpu.memory_space<vmem>> -> memref<1x125xi32, #tpu.memory_space<vmem>>
          %dma_start3A_123 = tpu.memref_squeeze %dma_start3A_122 : memref<1x125xi32, #tpu.memory_space<vmem>> -> memref<125xi32, #tpu.memory_space<vmem>>
          %dma_start3A_124 = arith.constant 0 : i32
          %dma_start3A_125 = arith.constant 0 : i32
          %dma_start3A_126 = tpu.memref_slice %arg12[%dma_start3A_124, %dma_start3A_125] : memref<10240x128xf32, #tpu.memory_space<vmem_shared>> -> memref<10240x128xf32, #tpu.memory_space<vmem_shared>>
          tpu.enqueue_indirect_dma source(%arg11 : memref<125x128xf32, #tpu.memory_space<vmem>>) target(%dma_start3A_126 : memref<10240x128xf32, #tpu.memory_space<vmem_shared>>) offsets(%dma_start3A_123 : memref<125xi32, #tpu.memory_space<vmem>>) semaphore(%run_scoped3A : memref<!tpu.dma_semaphore, #tpu.memory_space<semaphore_mem>>) {add = true}
          %dma_wait3A_127 = arith.constant 0 : i32
          %dma_wait3A_128 = tpu.memref_slice %arg9[%add3A_120, %dma_wait3A_127] : memref<40x125xi32, #tpu.memory_space<vmem>> -> memref<1x125xi32, #tpu.memory_space<vmem>>
          %dma_wait3A_129 = tpu.memref_squeeze %dma_wait3A_128 : memref<1x125xi32, #tpu.memory_space<vmem>> -> memref<125xi32, #tpu.memory_space<vmem>>
          %dma_wait3A_130 = arith.constant 0 : i32
          %dma_wait3A_131 = arith.constant 0 : i32
          %dma_wait3A_132 = tpu.memref_slice %arg12[%dma_wait3A_130, %dma_wait3A_131] : memref<10240x128xf32, #tpu.memory_space<vmem_shared>> -> memref<10240x128xf32, #tpu.memory_space<vmem_shared>>
          tpu.wait_indirect_dma semaphore(%run_scoped3A : memref<!tpu.dma_semaphore, #tpu.memory_space<semaphore_mem>>) src(%arg11 : memref<125x128xf32, #tpu.memory_space<vmem>>) dst(%dma_wait3A_132 : memref<10240x128xf32, #tpu.memory_space<vmem_shared>>)
          tpu.yield
        }) : () -> ()
      }
      %scan3A_33 = arith.constant 20 : i32
      %jit3A_34 = arith.constant false
      %jit3A_35 = arith.constant 40 : i32
      %jit3A_36 = arith.constant 0 : i32
      %select_n3A_37 = arith.select %jit3A_34, %jit3A_35, %jit3A_36 : i32
      %dma_wait3A = arith.constant 0 : i32
      %dma_wait3A_38 = tpu.memref_slice %arg8[%select_n3A_37, %dma_wait3A] : memref<40x125xi32, #tpu.memory_space<vmem>> -> memref<1x125xi32, #tpu.memory_space<vmem>>
      %dma_wait3A_39 = tpu.memref_squeeze %dma_wait3A_38 : memref<1x125xi32, #tpu.memory_space<vmem>> -> memref<125xi32, #tpu.memory_space<vmem>>
      %dma_wait3A_40 = arith.constant 0 : i32
      %dma_wait3A_41 = arith.constant 0 : i32
      %dma_wait3A_42 = tpu.memref_slice %arg3[%dma_wait3A_40, %dma_wait3A_41] : memref<10240x128xf32, #tpu.memory_space<hbm>> -> memref<10240x128xf32, #tpu.memory_space<hbm>>
      tpu.wait_indirect_dma semaphore(%arg13 : memref<!tpu.dma_semaphore, #tpu.memory_space<semaphore_mem>>) src(%dma_wait3A_42 : memref<10240x128xf32, #tpu.memory_space<hbm>>) dst(%arg10 : memref<125x128xf32, #tpu.memory_space<vmem>>)
      "tpu.region"() ({
        %run_scoped3A = tpu.sem_alloc : memref<!tpu.dma_semaphore, #tpu.memory_space<semaphore_mem>>
        %dma_start3A_71 = arith.constant 40 : i32
        %dma_start3A_72 = arith.constant 0 : i32
        %dma_start3A_73 = tpu.memref_slice %arg2[%arg1, %dma_start3A_71, %dma_start3A_72] : memref<32x80x125xi32, #tpu.memory_space<hbm>> -> memref<1x40x125xi32, #tpu.memory_space<hbm>>
        %dma_start3A_74 = tpu.memref_squeeze %dma_start3A_73 : memref<1x40x125xi32, #tpu.memory_space<hbm>> -> memref<40x125xi32, #tpu.memory_space<hbm>>
        %dma_start3A_75 = arith.constant 40 : i32
        %dma_start3A_76 = arith.constant 0 : i32
        %dma_start3A_77 = tpu.memref_slice %arg2[%arg1, %dma_start3A_75, %dma_start3A_76] : memref<32x80x125xi32, #tpu.memory_space<hbm>> -> memref<1x40x125xi32, #tpu.memory_space<hbm>>
        %dma_start3A_78 = tpu.memref_squeeze %dma_start3A_77 : memref<1x40x125xi32, #tpu.memory_space<hbm>> -> memref<40x125xi32, #tpu.memory_space<hbm>>
        tpu.enqueue_dma source(%dma_start3A_78 : memref<40x125xi32, #tpu.memory_space<hbm>>) target(%arg8 : memref<40x125xi32, #tpu.memory_space<vmem>>) target_semaphore(%run_scoped3A : memref<!tpu.dma_semaphore, #tpu.memory_space<semaphore_mem>>)
        %dma_wait3A_79 = arith.constant 40 : i32
        %dma_wait3A_80 = arith.constant 0 : i32
        %dma_wait3A_81 = tpu.memref_slice %arg2[%arg1, %dma_wait3A_79, %dma_wait3A_80] : memref<32x80x125xi32, #tpu.memory_space<hbm>> -> memref<1x40x125xi32, #tpu.memory_space<hbm>>
        %dma_wait3A_82 = tpu.memref_squeeze %dma_wait3A_81 : memref<1x40x125xi32, #tpu.memory_space<hbm>> -> memref<40x125xi32, #tpu.memory_space<hbm>>
        %dma_wait3A_83 = arith.constant 40 : i32
        %dma_wait3A_84 = arith.constant 0 : i32
        %dma_wait3A_85 = tpu.memref_slice %arg2[%arg1, %dma_wait3A_83, %dma_wait3A_84] : memref<32x80x125xi32, #tpu.memory_space<hbm>> -> memref<1x40x125xi32, #tpu.memory_space<hbm>>
        %dma_wait3A_86 = tpu.memref_squeeze %dma_wait3A_85 : memref<1x40x125xi32, #tpu.memory_space<hbm>> -> memref<40x125xi32, #tpu.memory_space<hbm>>
        tpu.wait_dma2 semaphore(%run_scoped3A : memref<!tpu.dma_semaphore, #tpu.memory_space<semaphore_mem>>) src(%dma_wait3A_86 : memref<40x125xi32, #tpu.memory_space<hbm>>) dst(%arg8 : memref<40x125xi32, #tpu.memory_space<vmem>>)
        tpu.yield
      }) : () -> ()
      %add3A_43 = arith.constant 16 : i32
      %add3A_44 = arith.addi %add3A_43, %arg1 : i32
      "tpu.region"() ({
        %run_scoped3A = tpu.sem_alloc : memref<!tpu.dma_semaphore, #tpu.memory_space<semaphore_mem>>
        %dma_start3A_71 = arith.constant 40 : i32
        %dma_start3A_72 = arith.constant 0 : i32
        %dma_start3A_73 = tpu.memref_slice %arg2[%add3A_44, %dma_start3A_71, %dma_start3A_72] : memref<32x80x125xi32, #tpu.memory_space<hbm>> -> memref<1x40x125xi32, #tpu.memory_space<hbm>>
        %dma_start3A_74 = tpu.memref_squeeze %dma_start3A_73 : memref<1x40x125xi32, #tpu.memory_space<hbm>> -> memref<40x125xi32, #tpu.memory_space<hbm>>
        %dma_start3A_75 = arith.constant 40 : i32
        %dma_start3A_76 = arith.constant 0 : i32
        %dma_start3A_77 = tpu.memref_slice %arg2[%add3A_44, %dma_start3A_75, %dma_start3A_76] : memref<32x80x125xi32, #tpu.memory_space<hbm>> -> memref<1x40x125xi32, #tpu.memory_space<hbm>>
        %dma_start3A_78 = tpu.memref_squeeze %dma_start3A_77 : memref<1x40x125xi32, #tpu.memory_space<hbm>> -> memref<40x125xi32, #tpu.memory_space<hbm>>
        tpu.enqueue_dma source(%dma_start3A_78 : memref<40x125xi32, #tpu.memory_space<hbm>>) target(%arg9 : memref<40x125xi32, #tpu.memory_space<vmem>>) target_semaphore(%run_scoped3A : memref<!tpu.dma_semaphore, #tpu.memory_space<semaphore_mem>>)
        %dma_wait3A_79 = arith.constant 40 : i32
        %dma_wait3A_80 = arith.constant 0 : i32
        %dma_wait3A_81 = tpu.memref_slice %arg2[%add3A_44, %dma_wait3A_79, %dma_wait3A_80] : memref<32x80x125xi32, #tpu.memory_space<hbm>> -> memref<1x40x125xi32, #tpu.memory_space<hbm>>
        %dma_wait3A_82 = tpu.memref_squeeze %dma_wait3A_81 : memref<1x40x125xi32, #tpu.memory_space<hbm>> -> memref<40x125xi32, #tpu.memory_space<hbm>>
        %dma_wait3A_83 = arith.constant 40 : i32
        %dma_wait3A_84 = arith.constant 0 : i32
        %dma_wait3A_85 = tpu.memref_slice %arg2[%add3A_44, %dma_wait3A_83, %dma_wait3A_84] : memref<32x80x125xi32, #tpu.memory_space<hbm>> -> memref<1x40x125xi32, #tpu.memory_space<hbm>>
        %dma_wait3A_86 = tpu.memref_squeeze %dma_wait3A_85 : memref<1x40x125xi32, #tpu.memory_space<hbm>> -> memref<40x125xi32, #tpu.memory_space<hbm>>
        tpu.wait_dma2 semaphore(%run_scoped3A : memref<!tpu.dma_semaphore, #tpu.memory_space<semaphore_mem>>) src(%dma_wait3A_86 : memref<40x125xi32, #tpu.memory_space<hbm>>) dst(%arg9 : memref<40x125xi32, #tpu.memory_space<vmem>>)
        tpu.yield
      }) : () -> ()
      %jit3A_45 = arith.constant true
      %jit3A_46 = arith.constant 0 : i32
      %jit3A_47 = arith.constant 0 : i32
      %select_n3A_48 = arith.select %jit3A_45, %jit3A_46, %jit3A_47 : i32
      %dma_start3A_49 = arith.constant 0 : i32
      %dma_start3A_50 = tpu.memref_slice %arg8[%select_n3A_48, %dma_start3A_49] : memref<40x125xi32, #tpu.memory_space<vmem>> -> memref<1x125xi32, #tpu.memory_space<vmem>>
      %dma_start3A_51 = tpu.memref_squeeze %dma_start3A_50 : memref<1x125xi32, #tpu.memory_space<vmem>> -> memref<125xi32, #tpu.memory_space<vmem>>
      %dma_start3A_52 = arith.constant 0 : i32
      %dma_start3A_53 = arith.constant 0 : i32
      %dma_start3A_54 = tpu.memref_slice %arg3[%dma_start3A_52, %dma_start3A_53] : memref<10240x128xf32, #tpu.memory_space<hbm>> -> memref<10240x128xf32, #tpu.memory_space<hbm>>
      tpu.enqueue_indirect_dma source(%dma_start3A_54 : memref<10240x128xf32, #tpu.memory_space<hbm>>) target(%arg10 : memref<125x128xf32, #tpu.memory_space<vmem>>) offsets(%dma_start3A_51 : memref<125xi32, #tpu.memory_space<vmem>>) semaphore(%arg13 : memref<!tpu.dma_semaphore, #tpu.memory_space<semaphore_mem>>)
      %scan3A_55 = arith.constant 0 : i32
      %scan3A_56 = arith.constant 0 : i32
      %scan3A_57 = arith.constant 20 : i32
      %scan3A_58 = arith.addi %scan3A_56, %scan3A_57 : i32
      %scan3A_59 = arith.constant 1 : i32
      scf.for %scan3A_71 = %scan3A_56 to %scan3A_58 step %scan3A_59  : i32 {
        %mul3A_72 = arith.constant 2 : i32
        %mul3A_73 = arith.muli %mul3A_72, %scan3A_71 : i32
        %add3A_74 = arith.constant 1 : i32
        %add3A_75 = arith.addi %mul3A_73, %add3A_74 : i32
        %lt3A = arith.constant 40 : i32
        %lt3A_76 = arith.cmpi slt, %add3A_75, %lt3A : i32
        %jit3A_77 = arith.constant 0 : i32
        %select_n3A_78 = arith.select %lt3A_76, %add3A_75, %jit3A_77 : i32
        %dma_start3A_79 = arith.constant 0 : i32
        %dma_start3A_80 = tpu.memref_slice %arg8[%select_n3A_78, %dma_start3A_79] : memref<40x125xi32, #tpu.memory_space<vmem>> -> memref<1x125xi32, #tpu.memory_space<vmem>>
        %dma_start3A_81 = tpu.memref_squeeze %dma_start3A_80 : memref<1x125xi32, #tpu.memory_space<vmem>> -> memref<125xi32, #tpu.memory_space<vmem>>
        %dma_start3A_82 = arith.constant 0 : i32
        %dma_start3A_83 = arith.constant 0 : i32
        %dma_start3A_84 = tpu.memref_slice %arg3[%dma_start3A_82, %dma_start3A_83] : memref<10240x128xf32, #tpu.memory_space<hbm>> -> memref<10240x128xf32, #tpu.memory_space<hbm>>
        tpu.enqueue_indirect_dma source(%dma_start3A_84 : memref<10240x128xf32, #tpu.memory_space<hbm>>) target(%arg11 : memref<125x128xf32, #tpu.memory_space<vmem>>) offsets(%dma_start3A_81 : memref<125xi32, #tpu.memory_space<vmem>>) semaphore(%arg14 : memref<!tpu.dma_semaphore, #tpu.memory_space<semaphore_mem>>)
        %lt3A_85 = arith.constant 40 : i32
        %lt3A_86 = arith.cmpi slt, %mul3A_73, %lt3A_85 : i32
        %jit3A_87 = arith.constant 0 : i32
        %select_n3A_88 = arith.select %lt3A_86, %mul3A_73, %jit3A_87 : i32
        %dma_wait3A_89 = arith.constant 0 : i32
        %dma_wait3A_90 = tpu.memref_slice %arg8[%select_n3A_88, %dma_wait3A_89] : memref<40x125xi32, #tpu.memory_space<vmem>> -> memref<1x125xi32, #tpu.memory_space<vmem>>
        %dma_wait3A_91 = tpu.memref_squeeze %dma_wait3A_90 : memref<1x125xi32, #tpu.memory_space<vmem>> -> memref<125xi32, #tpu.memory_space<vmem>>
        %dma_wait3A_92 = arith.constant 0 : i32
        %dma_wait3A_93 = arith.constant 0 : i32
        %dma_wait3A_94 = tpu.memref_slice %arg3[%dma_wait3A_92, %dma_wait3A_93] : memref<10240x128xf32, #tpu.memory_space<hbm>> -> memref<10240x128xf32, #tpu.memory_space<hbm>>
        tpu.wait_indirect_dma semaphore(%arg13 : memref<!tpu.dma_semaphore, #tpu.memory_space<semaphore_mem>>) src(%dma_wait3A_94 : memref<10240x128xf32, #tpu.memory_space<hbm>>) dst(%arg10 : memref<125x128xf32, #tpu.memory_space<vmem>>)
        "tpu.region"() ({
          %run_scoped3A = tpu.sem_alloc : memref<!tpu.dma_semaphore, #tpu.memory_space<semaphore_mem>>
          %dma_start3A_121 = arith.constant 0 : i32
          %dma_start3A_122 = tpu.memref_slice %arg9[%mul3A_73, %dma_start3A_121] : memref<40x125xi32, #tpu.memory_space<vmem>> -> memref<1x125xi32, #tpu.memory_space<vmem>>
          %dma_start3A_123 = tpu.memref_squeeze %dma_start3A_122 : memref<1x125xi32, #tpu.memory_space<vmem>> -> memref<125xi32, #tpu.memory_space<vmem>>
          %dma_start3A_124 = arith.constant 0 : i32
          %dma_start3A_125 = arith.constant 0 : i32
          %dma_start3A_126 = tpu.memref_slice %arg12[%dma_start3A_124, %dma_start3A_125] : memref<10240x128xf32, #tpu.memory_space<vmem_shared>> -> memref<10240x128xf32, #tpu.memory_space<vmem_shared>>
          tpu.enqueue_indirect_dma source(%arg10 : memref<125x128xf32, #tpu.memory_space<vmem>>) target(%dma_start3A_126 : memref<10240x128xf32, #tpu.memory_space<vmem_shared>>) offsets(%dma_start3A_123 : memref<125xi32, #tpu.memory_space<vmem>>) semaphore(%run_scoped3A : memref<!tpu.dma_semaphore, #tpu.memory_space<semaphore_mem>>) {add = true}
          %dma_wait3A_127 = arith.constant 0 : i32
          %dma_wait3A_128 = tpu.memref_slice %arg9[%mul3A_73, %dma_wait3A_127] : memref<40x125xi32, #tpu.memory_space<vmem>> -> memref<1x125xi32, #tpu.memory_space<vmem>>
          %dma_wait3A_129 = tpu.memref_squeeze %dma_wait3A_128 : memref<1x125xi32, #tpu.memory_space<vmem>> -> memref<125xi32, #tpu.memory_space<vmem>>
          %dma_wait3A_130 = arith.constant 0 : i32
          %dma_wait3A_131 = arith.constant 0 : i32
          %dma_wait3A_132 = tpu.memref_slice %arg12[%dma_wait3A_130, %dma_wait3A_131] : memref<10240x128xf32, #tpu.memory_space<vmem_shared>> -> memref<10240x128xf32, #tpu.memory_space<vmem_shared>>
          tpu.wait_indirect_dma semaphore(%run_scoped3A : memref<!tpu.dma_semaphore, #tpu.memory_space<semaphore_mem>>) src(%arg10 : memref<125x128xf32, #tpu.memory_space<vmem>>) dst(%dma_wait3A_132 : memref<10240x128xf32, #tpu.memory_space<vmem_shared>>)
          tpu.yield
        }) : () -> ()
        %add3A_95 = arith.constant 2 : i32
        %add3A_96 = arith.addi %mul3A_73, %add3A_95 : i32
        %lt3A_97 = arith.constant 40 : i32
        %lt3A_98 = arith.cmpi slt, %add3A_96, %lt3A_97 : i32
        %jit3A_99 = arith.constant 0 : i32
        %select_n3A_100 = arith.select %lt3A_98, %add3A_96, %jit3A_99 : i32
        %dma_start3A_101 = arith.constant 0 : i32
        %dma_start3A_102 = tpu.memref_slice %arg8[%select_n3A_100, %dma_start3A_101] : memref<40x125xi32, #tpu.memory_space<vmem>> -> memref<1x125xi32, #tpu.memory_space<vmem>>
        %dma_start3A_103 = tpu.memref_squeeze %dma_start3A_102 : memref<1x125xi32, #tpu.memory_space<vmem>> -> memref<125xi32, #tpu.memory_space<vmem>>
        %dma_start3A_104 = arith.constant 0 : i32
        %dma_start3A_105 = arith.constant 0 : i32
        %dma_start3A_106 = tpu.memref_slice %arg3[%dma_start3A_104, %dma_start3A_105] : memref<10240x128xf32, #tpu.memory_space<hbm>> -> memref<10240x128xf32, #tpu.memory_space<hbm>>
        tpu.enqueue_indirect_dma source(%dma_start3A_106 : memref<10240x128xf32, #tpu.memory_space<hbm>>) target(%arg10 : memref<125x128xf32, #tpu.memory_space<vmem>>) offsets(%dma_start3A_103 : memref<125xi32, #tpu.memory_space<vmem>>) semaphore(%arg13 : memref<!tpu.dma_semaphore, #tpu.memory_space<semaphore_mem>>)
        %add3A_107 = arith.constant 1 : i32
        %add3A_108 = arith.addi %mul3A_73, %add3A_107 : i32
        %lt3A_109 = arith.constant 40 : i32
        %lt3A_110 = arith.cmpi slt, %add3A_108, %lt3A_109 : i32
        %jit3A_111 = arith.constant 0 : i32
        %select_n3A_112 = arith.select %lt3A_110, %add3A_108, %jit3A_111 : i32
        %dma_wait3A_113 = arith.constant 0 : i32
        %dma_wait3A_114 = tpu.memref_slice %arg8[%select_n3A_112, %dma_wait3A_113] : memref<40x125xi32, #tpu.memory_space<vmem>> -> memref<1x125xi32, #tpu.memory_space<vmem>>
        %dma_wait3A_115 = tpu.memref_squeeze %dma_wait3A_114 : memref<1x125xi32, #tpu.memory_space<vmem>> -> memref<125xi32, #tpu.memory_space<vmem>>
        %dma_wait3A_116 = arith.constant 0 : i32
        %dma_wait3A_117 = arith.constant 0 : i32
        %dma_wait3A_118 = tpu.memref_slice %arg3[%dma_wait3A_116, %dma_wait3A_117] : memref<10240x128xf32, #tpu.memory_space<hbm>> -> memref<10240x128xf32, #tpu.memory_space<hbm>>
        tpu.wait_indirect_dma semaphore(%arg14 : memref<!tpu.dma_semaphore, #tpu.memory_space<semaphore_mem>>) src(%dma_wait3A_118 : memref<10240x128xf32, #tpu.memory_space<hbm>>) dst(%arg11 : memref<125x128xf32, #tpu.memory_space<vmem>>)
        %add3A_119 = arith.constant 1 : i32
        %add3A_120 = arith.addi %mul3A_73, %add3A_119 : i32
        "tpu.region"() ({
          %run_scoped3A = tpu.sem_alloc : memref<!tpu.dma_semaphore, #tpu.memory_space<semaphore_mem>>
          %dma_start3A_121 = arith.constant 0 : i32
          %dma_start3A_122 = tpu.memref_slice %arg9[%add3A_120, %dma_start3A_121] : memref<40x125xi32, #tpu.memory_space<vmem>> -> memref<1x125xi32, #tpu.memory_space<vmem>>
          %dma_start3A_123 = tpu.memref_squeeze %dma_start3A_122 : memref<1x125xi32, #tpu.memory_space<vmem>> -> memref<125xi32, #tpu.memory_space<vmem>>
          %dma_start3A_124 = arith.constant 0 : i32
          %dma_start3A_125 = arith.constant 0 : i32
          %dma_start3A_126 = tpu.memref_slice %arg12[%dma_start3A_124, %dma_start3A_125] : memref<10240x128xf32, #tpu.memory_space<vmem_shared>> -> memref<10240x128xf32, #tpu.memory_space<vmem_shared>>
          tpu.enqueue_indirect_dma source(%arg11 : memref<125x128xf32, #tpu.memory_space<vmem>>) target(%dma_start3A_126 : memref<10240x128xf32, #tpu.memory_space<vmem_shared>>) offsets(%dma_start3A_123 : memref<125xi32, #tpu.memory_space<vmem>>) semaphore(%run_scoped3A : memref<!tpu.dma_semaphore, #tpu.memory_space<semaphore_mem>>) {add = true}
          %dma_wait3A_127 = arith.constant 0 : i32
          %dma_wait3A_128 = tpu.memref_slice %arg9[%add3A_120, %dma_wait3A_127] : memref<40x125xi32, #tpu.memory_space<vmem>> -> memref<1x125xi32, #tpu.memory_space<vmem>>
          %dma_wait3A_129 = tpu.memref_squeeze %dma_wait3A_128 : memref<1x125xi32, #tpu.memory_space<vmem>> -> memref<125xi32, #tpu.memory_space<vmem>>
          %dma_wait3A_130 = arith.constant 0 : i32
          %dma_wait3A_131 = arith.constant 0 : i32
          %dma_wait3A_132 = tpu.memref_slice %arg12[%dma_wait3A_130, %dma_wait3A_131] : memref<10240x128xf32, #tpu.memory_space<vmem_shared>> -> memref<10240x128xf32, #tpu.memory_space<vmem_shared>>
          tpu.wait_indirect_dma semaphore(%run_scoped3A : memref<!tpu.dma_semaphore, #tpu.memory_space<semaphore_mem>>) src(%arg11 : memref<125x128xf32, #tpu.memory_space<vmem>>) dst(%dma_wait3A_132 : memref<10240x128xf32, #tpu.memory_space<vmem_shared>>)
          tpu.yield
        }) : () -> ()
      }
      %scan3A_60 = arith.constant 20 : i32
      %jit3A_61 = arith.constant false
      %jit3A_62 = arith.constant 40 : i32
      %jit3A_63 = arith.constant 0 : i32
      %select_n3A_64 = arith.select %jit3A_61, %jit3A_62, %jit3A_63 : i32
      %dma_wait3A_65 = arith.constant 0 : i32
      %dma_wait3A_66 = tpu.memref_slice %arg8[%select_n3A_64, %dma_wait3A_65] : memref<40x125xi32, #tpu.memory_space<vmem>> -> memref<1x125xi32, #tpu.memory_space<vmem>>
      %dma_wait3A_67 = tpu.memref_squeeze %dma_wait3A_66 : memref<1x125xi32, #tpu.memory_space<vmem>> -> memref<125xi32, #tpu.memory_space<vmem>>
      %dma_wait3A_68 = arith.constant 0 : i32
      %dma_wait3A_69 = arith.constant 0 : i32
      %dma_wait3A_70 = tpu.memref_slice %arg3[%dma_wait3A_68, %dma_wait3A_69] : memref<10240x128xf32, #tpu.memory_space<hbm>> -> memref<10240x128xf32, #tpu.memory_space<hbm>>
      tpu.wait_indirect_dma semaphore(%arg13 : memref<!tpu.dma_semaphore, #tpu.memory_space<semaphore_mem>>) src(%dma_wait3A_70 : memref<10240x128xf32, #tpu.memory_space<hbm>>) dst(%arg10 : memref<125x128xf32, #tpu.memory_space<vmem>>)
    } else {
    }
    %eq3A_3 = arith.constant 1 : i32
    %eq3A_4 = arith.cmpi eq, %arg0, %eq3A_3 : i32
    %convert_element_type3A_5 = arith.extui %eq3A_4 : i1 to i32
    %cond3A_6 = arith.constant 0 : i32
    %cond3A_7 = arith.cmpi ne, %convert_element_type3A_5, %cond3A_6 : i32
    scf.if %cond3A_7 {
      "tpu.region"() ({
        %run_scoped3A = tpu.sem_alloc : memref<!tpu.dma_semaphore, #tpu.memory_space<semaphore_mem>>
        %dma_start3A_71 = arith.constant 0 : i32
        %dma_start3A_72 = arith.constant 0 : i32
        %dma_start3A_73 = tpu.memref_slice %arg2[%arg1, %dma_start3A_71, %dma_start3A_72] : memref<32x80x125xi32, #tpu.memory_space<hbm>> -> memref<1x40x125xi32, #tpu.memory_space<hbm>>
        %dma_start3A_74 = tpu.memref_squeeze %dma_start3A_73 : memref<1x40x125xi32, #tpu.memory_space<hbm>> -> memref<40x125xi32, #tpu.memory_space<hbm>>
        %dma_start3A_75 = arith.constant 0 : i32
        %dma_start3A_76 = arith.constant 0 : i32
        %dma_start3A_77 = tpu.memref_slice %arg2[%arg1, %dma_start3A_75, %dma_start3A_76] : memref<32x80x125xi32, #tpu.memory_space<hbm>> -> memref<1x40x125xi32, #tpu.memory_space<hbm>>
        %dma_start3A_78 = tpu.memref_squeeze %dma_start3A_77 : memref<1x40x125xi32, #tpu.memory_space<hbm>> -> memref<40x125xi32, #tpu.memory_space<hbm>>
        tpu.enqueue_dma source(%dma_start3A_78 : memref<40x125xi32, #tpu.memory_space<hbm>>) target(%arg8 : memref<40x125xi32, #tpu.memory_space<vmem>>) target_semaphore(%run_scoped3A : memref<!tpu.dma_semaphore, #tpu.memory_space<semaphore_mem>>)
        %dma_wait3A_79 = arith.constant 0 : i32
        %dma_wait3A_80 = arith.constant 0 : i32
        %dma_wait3A_81 = tpu.memref_slice %arg2[%arg1, %dma_wait3A_79, %dma_wait3A_80] : memref<32x80x125xi32, #tpu.memory_space<hbm>> -> memref<1x40x125xi32, #tpu.memory_space<hbm>>
        %dma_wait3A_82 = tpu.memref_squeeze %dma_wait3A_81 : memref<1x40x125xi32, #tpu.memory_space<hbm>> -> memref<40x125xi32, #tpu.memory_space<hbm>>
        %dma_wait3A_83 = arith.constant 0 : i32
        %dma_wait3A_84 = arith.constant 0 : i32
        %dma_wait3A_85 = tpu.memref_slice %arg2[%arg1, %dma_wait3A_83, %dma_wait3A_84] : memref<32x80x125xi32, #tpu.memory_space<hbm>> -> memref<1x40x125xi32, #tpu.memory_space<hbm>>
        %dma_wait3A_86 = tpu.memref_squeeze %dma_wait3A_85 : memref<1x40x125xi32, #tpu.memory_space<hbm>> -> memref<40x125xi32, #tpu.memory_space<hbm>>
        tpu.wait_dma2 semaphore(%run_scoped3A : memref<!tpu.dma_semaphore, #tpu.memory_space<semaphore_mem>>) src(%dma_wait3A_86 : memref<40x125xi32, #tpu.memory_space<hbm>>) dst(%arg8 : memref<40x125xi32, #tpu.memory_space<vmem>>)
        tpu.yield
      }) : () -> ()
      %add3A = arith.constant 16 : i32
      %add3A_21 = arith.addi %add3A, %arg1 : i32
      "tpu.region"() ({
        %run_scoped3A = tpu.sem_alloc : memref<!tpu.dma_semaphore, #tpu.memory_space<semaphore_mem>>
        %dma_start3A_71 = arith.constant 0 : i32
        %dma_start3A_72 = arith.constant 0 : i32
        %dma_start3A_73 = tpu.memref_slice %arg2[%add3A_21, %dma_start3A_71, %dma_start3A_72] : memref<32x80x125xi32, #tpu.memory_space<hbm>> -> memref<1x40x125xi32, #tpu.memory_space<hbm>>
        %dma_start3A_74 = tpu.memref_squeeze %dma_start3A_73 : memref<1x40x125xi32, #tpu.memory_space<hbm>> -> memref<40x125xi32, #tpu.memory_space<hbm>>
        %dma_start3A_75 = arith.constant 0 : i32
        %dma_start3A_76 = arith.constant 0 : i32
        %dma_start3A_77 = tpu.memref_slice %arg2[%add3A_21, %dma_start3A_75, %dma_start3A_76] : memref<32x80x125xi32, #tpu.memory_space<hbm>> -> memref<1x40x125xi32, #tpu.memory_space<hbm>>
        %dma_start3A_78 = tpu.memref_squeeze %dma_start3A_77 : memref<1x40x125xi32, #tpu.memory_space<hbm>> -> memref<40x125xi32, #tpu.memory_space<hbm>>
        tpu.enqueue_dma source(%dma_start3A_78 : memref<40x125xi32, #tpu.memory_space<hbm>>) target(%arg9 : memref<40x125xi32, #tpu.memory_space<vmem>>) target_semaphore(%run_scoped3A : memref<!tpu.dma_semaphore, #tpu.memory_space<semaphore_mem>>)
        %dma_wait3A_79 = arith.constant 0 : i32
        %dma_wait3A_80 = arith.constant 0 : i32
        %dma_wait3A_81 = tpu.memref_slice %arg2[%add3A_21, %dma_wait3A_79, %dma_wait3A_80] : memref<32x80x125xi32, #tpu.memory_space<hbm>> -> memref<1x40x125xi32, #tpu.memory_space<hbm>>
        %dma_wait3A_82 = tpu.memref_squeeze %dma_wait3A_81 : memref<1x40x125xi32, #tpu.memory_space<hbm>> -> memref<40x125xi32, #tpu.memory_space<hbm>>
        %dma_wait3A_83 = arith.constant 0 : i32
        %dma_wait3A_84 = arith.constant 0 : i32
        %dma_wait3A_85 = tpu.memref_slice %arg2[%add3A_21, %dma_wait3A_83, %dma_wait3A_84] : memref<32x80x125xi32, #tpu.memory_space<hbm>> -> memref<1x40x125xi32, #tpu.memory_space<hbm>>
        %dma_wait3A_86 = tpu.memref_squeeze %dma_wait3A_85 : memref<1x40x125xi32, #tpu.memory_space<hbm>> -> memref<40x125xi32, #tpu.memory_space<hbm>>
        tpu.wait_dma2 semaphore(%run_scoped3A : memref<!tpu.dma_semaphore, #tpu.memory_space<semaphore_mem>>) src(%dma_wait3A_86 : memref<40x125xi32, #tpu.memory_space<hbm>>) dst(%arg9 : memref<40x125xi32, #tpu.memory_space<vmem>>)
        tpu.yield
      }) : () -> ()
      %jit3A = arith.constant true
      %jit3A_22 = arith.constant 0 : i32
      %jit3A_23 = arith.constant 0 : i32
      %select_n3A = arith.select %jit3A, %jit3A_22, %jit3A_23 : i32
      %dma_start3A = arith.constant 0 : i32
      %dma_start3A_24 = tpu.memref_slice %arg8[%select_n3A, %dma_start3A] : memref<40x125xi32, #tpu.memory_space<vmem>> -> memref<1x125xi32, #tpu.memory_space<vmem>>
      %dma_start3A_25 = tpu.memref_squeeze %dma_start3A_24 : memref<1x125xi32, #tpu.memory_space<vmem>> -> memref<125xi32, #tpu.memory_space<vmem>>
      %dma_start3A_26 = arith.constant 0 : i32
      %dma_start3A_27 = arith.constant 0 : i32
      %dma_start3A_28 = tpu.memref_slice %arg4[%dma_start3A_26, %dma_start3A_27] : memref<10240x128xf32, #tpu.memory_space<hbm>> -> memref<10240x128xf32, #tpu.memory_space<hbm>>
      tpu.enqueue_indirect_dma source(%dma_start3A_28 : memref<10240x128xf32, #tpu.memory_space<hbm>>) target(%arg10 : memref<125x128xf32, #tpu.memory_space<vmem>>) offsets(%dma_start3A_25 : memref<125xi32, #tpu.memory_space<vmem>>) semaphore(%arg13 : memref<!tpu.dma_semaphore, #tpu.memory_space<semaphore_mem>>)
      %scan3A = arith.constant 0 : i32
      %scan3A_29 = arith.constant 0 : i32
      %scan3A_30 = arith.constant 20 : i32
      %scan3A_31 = arith.addi %scan3A_29, %scan3A_30 : i32
      %scan3A_32 = arith.constant 1 : i32
      scf.for %scan3A_71 = %scan3A_29 to %scan3A_31 step %scan3A_32  : i32 {
        %mul3A_72 = arith.constant 2 : i32
        %mul3A_73 = arith.muli %mul3A_72, %scan3A_71 : i32
        %add3A_74 = arith.constant 1 : i32
        %add3A_75 = arith.addi %mul3A_73, %add3A_74 : i32
        %lt3A = arith.constant 40 : i32
        %lt3A_76 = arith.cmpi slt, %add3A_75, %lt3A : i32
        %jit3A_77 = arith.constant 0 : i32
        %select_n3A_78 = arith.select %lt3A_76, %add3A_75, %jit3A_77 : i32
        %dma_start3A_79 = arith.constant 0 : i32
        %dma_start3A_80 = tpu.memref_slice %arg8[%select_n3A_78, %dma_start3A_79] : memref<40x125xi32, #tpu.memory_space<vmem>> -> memref<1x125xi32, #tpu.memory_space<vmem>>
        %dma_start3A_81 = tpu.memref_squeeze %dma_start3A_80 : memref<1x125xi32, #tpu.memory_space<vmem>> -> memref<125xi32, #tpu.memory_space<vmem>>
        %dma_start3A_82 = arith.constant 0 : i32
        %dma_start3A_83 = arith.constant 0 : i32
        %dma_start3A_84 = tpu.memref_slice %arg4[%dma_start3A_82, %dma_start3A_83] : memref<10240x128xf32, #tpu.memory_space<hbm>> -> memref<10240x128xf32, #tpu.memory_space<hbm>>
        tpu.enqueue_indirect_dma source(%dma_start3A_84 : memref<10240x128xf32, #tpu.memory_space<hbm>>) target(%arg11 : memref<125x128xf32, #tpu.memory_space<vmem>>) offsets(%dma_start3A_81 : memref<125xi32, #tpu.memory_space<vmem>>) semaphore(%arg14 : memref<!tpu.dma_semaphore, #tpu.memory_space<semaphore_mem>>)
        %lt3A_85 = arith.constant 40 : i32
        %lt3A_86 = arith.cmpi slt, %mul3A_73, %lt3A_85 : i32
        %jit3A_87 = arith.constant 0 : i32
        %select_n3A_88 = arith.select %lt3A_86, %mul3A_73, %jit3A_87 : i32
        %dma_wait3A_89 = arith.constant 0 : i32
        %dma_wait3A_90 = tpu.memref_slice %arg8[%select_n3A_88, %dma_wait3A_89] : memref<40x125xi32, #tpu.memory_space<vmem>> -> memref<1x125xi32, #tpu.memory_space<vmem>>
        %dma_wait3A_91 = tpu.memref_squeeze %dma_wait3A_90 : memref<1x125xi32, #tpu.memory_space<vmem>> -> memref<125xi32, #tpu.memory_space<vmem>>
        %dma_wait3A_92 = arith.constant 0 : i32
        %dma_wait3A_93 = arith.constant 0 : i32
        %dma_wait3A_94 = tpu.memref_slice %arg4[%dma_wait3A_92, %dma_wait3A_93] : memref<10240x128xf32, #tpu.memory_space<hbm>> -> memref<10240x128xf32, #tpu.memory_space<hbm>>
        tpu.wait_indirect_dma semaphore(%arg13 : memref<!tpu.dma_semaphore, #tpu.memory_space<semaphore_mem>>) src(%dma_wait3A_94 : memref<10240x128xf32, #tpu.memory_space<hbm>>) dst(%arg10 : memref<125x128xf32, #tpu.memory_space<vmem>>)
        "tpu.region"() ({
          %run_scoped3A = tpu.sem_alloc : memref<!tpu.dma_semaphore, #tpu.memory_space<semaphore_mem>>
          %dma_start3A_121 = arith.constant 0 : i32
          %dma_start3A_122 = tpu.memref_slice %arg9[%mul3A_73, %dma_start3A_121] : memref<40x125xi32, #tpu.memory_space<vmem>> -> memref<1x125xi32, #tpu.memory_space<vmem>>
          %dma_start3A_123 = tpu.memref_squeeze %dma_start3A_122 : memref<1x125xi32, #tpu.memory_space<vmem>> -> memref<125xi32, #tpu.memory_space<vmem>>
          %dma_start3A_124 = arith.constant 0 : i32
          %dma_start3A_125 = arith.constant 0 : i32
          %dma_start3A_126 = tpu.memref_slice %arg12[%dma_start3A_124, %dma_start3A_125] : memref<10240x128xf32, #tpu.memory_space<vmem_shared>> -> memref<10240x128xf32, #tpu.memory_space<vmem_shared>>
          tpu.enqueue_indirect_dma source(%arg10 : memref<125x128xf32, #tpu.memory_space<vmem>>) target(%dma_start3A_126 : memref<10240x128xf32, #tpu.memory_space<vmem_shared>>) offsets(%dma_start3A_123 : memref<125xi32, #tpu.memory_space<vmem>>) semaphore(%run_scoped3A : memref<!tpu.dma_semaphore, #tpu.memory_space<semaphore_mem>>) {add = true}
          %dma_wait3A_127 = arith.constant 0 : i32
          %dma_wait3A_128 = tpu.memref_slice %arg9[%mul3A_73, %dma_wait3A_127] : memref<40x125xi32, #tpu.memory_space<vmem>> -> memref<1x125xi32, #tpu.memory_space<vmem>>
          %dma_wait3A_129 = tpu.memref_squeeze %dma_wait3A_128 : memref<1x125xi32, #tpu.memory_space<vmem>> -> memref<125xi32, #tpu.memory_space<vmem>>
          %dma_wait3A_130 = arith.constant 0 : i32
          %dma_wait3A_131 = arith.constant 0 : i32
          %dma_wait3A_132 = tpu.memref_slice %arg12[%dma_wait3A_130, %dma_wait3A_131] : memref<10240x128xf32, #tpu.memory_space<vmem_shared>> -> memref<10240x128xf32, #tpu.memory_space<vmem_shared>>
          tpu.wait_indirect_dma semaphore(%run_scoped3A : memref<!tpu.dma_semaphore, #tpu.memory_space<semaphore_mem>>) src(%arg10 : memref<125x128xf32, #tpu.memory_space<vmem>>) dst(%dma_wait3A_132 : memref<10240x128xf32, #tpu.memory_space<vmem_shared>>)
          tpu.yield
        }) : () -> ()
        %add3A_95 = arith.constant 2 : i32
        %add3A_96 = arith.addi %mul3A_73, %add3A_95 : i32
        %lt3A_97 = arith.constant 40 : i32
        %lt3A_98 = arith.cmpi slt, %add3A_96, %lt3A_97 : i32
        %jit3A_99 = arith.constant 0 : i32
        %select_n3A_100 = arith.select %lt3A_98, %add3A_96, %jit3A_99 : i32
        %dma_start3A_101 = arith.constant 0 : i32
        %dma_start3A_102 = tpu.memref_slice %arg8[%select_n3A_100, %dma_start3A_101] : memref<40x125xi32, #tpu.memory_space<vmem>> -> memref<1x125xi32, #tpu.memory_space<vmem>>
        %dma_start3A_103 = tpu.memref_squeeze %dma_start3A_102 : memref<1x125xi32, #tpu.memory_space<vmem>> -> memref<125xi32, #tpu.memory_space<vmem>>
        %dma_start3A_104 = arith.constant 0 : i32
        %dma_start3A_105 = arith.constant 0 : i32
        %dma_start3A_106 = tpu.memref_slice %arg4[%dma_start3A_104, %dma_start3A_105] : memref<10240x128xf32, #tpu.memory_space<hbm>> -> memref<10240x128xf32, #tpu.memory_space<hbm>>
        tpu.enqueue_indirect_dma source(%dma_start3A_106 : memref<10240x128xf32, #tpu.memory_space<hbm>>) target(%arg10 : memref<125x128xf32, #tpu.memory_space<vmem>>) offsets(%dma_start3A_103 : memref<125xi32, #tpu.memory_space<vmem>>) semaphore(%arg13 : memref<!tpu.dma_semaphore, #tpu.memory_space<semaphore_mem>>)
        %add3A_107 = arith.constant 1 : i32
        %add3A_108 = arith.addi %mul3A_73, %add3A_107 : i32
        %lt3A_109 = arith.constant 40 : i32
        %lt3A_110 = arith.cmpi slt, %add3A_108, %lt3A_109 : i32
        %jit3A_111 = arith.constant 0 : i32
        %select_n3A_112 = arith.select %lt3A_110, %add3A_108, %jit3A_111 : i32
        %dma_wait3A_113 = arith.constant 0 : i32
        %dma_wait3A_114 = tpu.memref_slice %arg8[%select_n3A_112, %dma_wait3A_113] : memref<40x125xi32, #tpu.memory_space<vmem>> -> memref<1x125xi32, #tpu.memory_space<vmem>>
        %dma_wait3A_115 = tpu.memref_squeeze %dma_wait3A_114 : memref<1x125xi32, #tpu.memory_space<vmem>> -> memref<125xi32, #tpu.memory_space<vmem>>
        %dma_wait3A_116 = arith.constant 0 : i32
        %dma_wait3A_117 = arith.constant 0 : i32
        %dma_wait3A_118 = tpu.memref_slice %arg4[%dma_wait3A_116, %dma_wait3A_117] : memref<10240x128xf32, #tpu.memory_space<hbm>> -> memref<10240x128xf32, #tpu.memory_space<hbm>>
        tpu.wait_indirect_dma semaphore(%arg14 : memref<!tpu.dma_semaphore, #tpu.memory_space<semaphore_mem>>) src(%dma_wait3A_118 : memref<10240x128xf32, #tpu.memory_space<hbm>>) dst(%arg11 : memref<125x128xf32, #tpu.memory_space<vmem>>)
        %add3A_119 = arith.constant 1 : i32
        %add3A_120 = arith.addi %mul3A_73, %add3A_119 : i32
        "tpu.region"() ({
          %run_scoped3A = tpu.sem_alloc : memref<!tpu.dma_semaphore, #tpu.memory_space<semaphore_mem>>
          %dma_start3A_121 = arith.constant 0 : i32
          %dma_start3A_122 = tpu.memref_slice %arg9[%add3A_120, %dma_start3A_121] : memref<40x125xi32, #tpu.memory_space<vmem>> -> memref<1x125xi32, #tpu.memory_space<vmem>>
          %dma_start3A_123 = tpu.memref_squeeze %dma_start3A_122 : memref<1x125xi32, #tpu.memory_space<vmem>> -> memref<125xi32, #tpu.memory_space<vmem>>
          %dma_start3A_124 = arith.constant 0 : i32
          %dma_start3A_125 = arith.constant 0 : i32
          %dma_start3A_126 = tpu.memref_slice %arg12[%dma_start3A_124, %dma_start3A_125] : memref<10240x128xf32, #tpu.memory_space<vmem_shared>> -> memref<10240x128xf32, #tpu.memory_space<vmem_shared>>
          tpu.enqueue_indirect_dma source(%arg11 : memref<125x128xf32, #tpu.memory_space<vmem>>) target(%dma_start3A_126 : memref<10240x128xf32, #tpu.memory_space<vmem_shared>>) offsets(%dma_start3A_123 : memref<125xi32, #tpu.memory_space<vmem>>) semaphore(%run_scoped3A : memref<!tpu.dma_semaphore, #tpu.memory_space<semaphore_mem>>) {add = true}
          %dma_wait3A_127 = arith.constant 0 : i32
          %dma_wait3A_128 = tpu.memref_slice %arg9[%add3A_120, %dma_wait3A_127] : memref<40x125xi32, #tpu.memory_space<vmem>> -> memref<1x125xi32, #tpu.memory_space<vmem>>
          %dma_wait3A_129 = tpu.memref_squeeze %dma_wait3A_128 : memref<1x125xi32, #tpu.memory_space<vmem>> -> memref<125xi32, #tpu.memory_space<vmem>>
          %dma_wait3A_130 = arith.constant 0 : i32
          %dma_wait3A_131 = arith.constant 0 : i32
          %dma_wait3A_132 = tpu.memref_slice %arg12[%dma_wait3A_130, %dma_wait3A_131] : memref<10240x128xf32, #tpu.memory_space<vmem_shared>> -> memref<10240x128xf32, #tpu.memory_space<vmem_shared>>
          tpu.wait_indirect_dma semaphore(%run_scoped3A : memref<!tpu.dma_semaphore, #tpu.memory_space<semaphore_mem>>) src(%arg11 : memref<125x128xf32, #tpu.memory_space<vmem>>) dst(%dma_wait3A_132 : memref<10240x128xf32, #tpu.memory_space<vmem_shared>>)
          tpu.yield
        }) : () -> ()
      }
      %scan3A_33 = arith.constant 20 : i32
      %jit3A_34 = arith.constant false
      %jit3A_35 = arith.constant 40 : i32
      %jit3A_36 = arith.constant 0 : i32
      %select_n3A_37 = arith.select %jit3A_34, %jit3A_35, %jit3A_36 : i32
      %dma_wait3A = arith.constant 0 : i32
      %dma_wait3A_38 = tpu.memref_slice %arg8[%select_n3A_37, %dma_wait3A] : memref<40x125xi32, #tpu.memory_space<vmem>> -> memref<1x125xi32, #tpu.memory_space<vmem>>
      %dma_wait3A_39 = tpu.memref_squeeze %dma_wait3A_38 : memref<1x125xi32, #tpu.memory_space<vmem>> -> memref<125xi32, #tpu.memory_space<vmem>>
      %dma_wait3A_40 = arith.constant 0 : i32
      %dma_wait3A_41 = arith.constant 0 : i32
      %dma_wait3A_42 = tpu.memref_slice %arg4[%dma_wait3A_40, %dma_wait3A_41] : memref<10240x128xf32, #tpu.memory_space<hbm>> -> memref<10240x128xf32, #tpu.memory_space<hbm>>
      tpu.wait_indirect_dma semaphore(%arg13 : memref<!tpu.dma_semaphore, #tpu.memory_space<semaphore_mem>>) src(%dma_wait3A_42 : memref<10240x128xf32, #tpu.memory_space<hbm>>) dst(%arg10 : memref<125x128xf32, #tpu.memory_space<vmem>>)
      "tpu.region"() ({
        %run_scoped3A = tpu.sem_alloc : memref<!tpu.dma_semaphore, #tpu.memory_space<semaphore_mem>>
        %dma_start3A_71 = arith.constant 40 : i32
        %dma_start3A_72 = arith.constant 0 : i32
        %dma_start3A_73 = tpu.memref_slice %arg2[%arg1, %dma_start3A_71, %dma_start3A_72] : memref<32x80x125xi32, #tpu.memory_space<hbm>> -> memref<1x40x125xi32, #tpu.memory_space<hbm>>
        %dma_start3A_74 = tpu.memref_squeeze %dma_start3A_73 : memref<1x40x125xi32, #tpu.memory_space<hbm>> -> memref<40x125xi32, #tpu.memory_space<hbm>>
        %dma_start3A_75 = arith.constant 40 : i32
        %dma_start3A_76 = arith.constant 0 : i32
        %dma_start3A_77 = tpu.memref_slice %arg2[%arg1, %dma_start3A_75, %dma_start3A_76] : memref<32x80x125xi32, #tpu.memory_space<hbm>> -> memref<1x40x125xi32, #tpu.memory_space<hbm>>
        %dma_start3A_78 = tpu.memref_squeeze %dma_start3A_77 : memref<1x40x125xi32, #tpu.memory_space<hbm>> -> memref<40x125xi32, #tpu.memory_space<hbm>>
        tpu.enqueue_dma source(%dma_start3A_78 : memref<40x125xi32, #tpu.memory_space<hbm>>) target(%arg8 : memref<40x125xi32, #tpu.memory_space<vmem>>) target_semaphore(%run_scoped3A : memref<!tpu.dma_semaphore, #tpu.memory_space<semaphore_mem>>)
        %dma_wait3A_79 = arith.constant 40 : i32
        %dma_wait3A_80 = arith.constant 0 : i32
        %dma_wait3A_81 = tpu.memref_slice %arg2[%arg1, %dma_wait3A_79, %dma_wait3A_80] : memref<32x80x125xi32, #tpu.memory_space<hbm>> -> memref<1x40x125xi32, #tpu.memory_space<hbm>>
        %dma_wait3A_82 = tpu.memref_squeeze %dma_wait3A_81 : memref<1x40x125xi32, #tpu.memory_space<hbm>> -> memref<40x125xi32, #tpu.memory_space<hbm>>
        %dma_wait3A_83 = arith.constant 40 : i32
        %dma_wait3A_84 = arith.constant 0 : i32
        %dma_wait3A_85 = tpu.memref_slice %arg2[%arg1, %dma_wait3A_83, %dma_wait3A_84] : memref<32x80x125xi32, #tpu.memory_space<hbm>> -> memref<1x40x125xi32, #tpu.memory_space<hbm>>
        %dma_wait3A_86 = tpu.memref_squeeze %dma_wait3A_85 : memref<1x40x125xi32, #tpu.memory_space<hbm>> -> memref<40x125xi32, #tpu.memory_space<hbm>>
        tpu.wait_dma2 semaphore(%run_scoped3A : memref<!tpu.dma_semaphore, #tpu.memory_space<semaphore_mem>>) src(%dma_wait3A_86 : memref<40x125xi32, #tpu.memory_space<hbm>>) dst(%arg8 : memref<40x125xi32, #tpu.memory_space<vmem>>)
        tpu.yield
      }) : () -> ()
      %add3A_43 = arith.constant 16 : i32
      %add3A_44 = arith.addi %add3A_43, %arg1 : i32
      "tpu.region"() ({
        %run_scoped3A = tpu.sem_alloc : memref<!tpu.dma_semaphore, #tpu.memory_space<semaphore_mem>>
        %dma_start3A_71 = arith.constant 40 : i32
        %dma_start3A_72 = arith.constant 0 : i32
        %dma_start3A_73 = tpu.memref_slice %arg2[%add3A_44, %dma_start3A_71, %dma_start3A_72] : memref<32x80x125xi32, #tpu.memory_space<hbm>> -> memref<1x40x125xi32, #tpu.memory_space<hbm>>
        %dma_start3A_74 = tpu.memref_squeeze %dma_start3A_73 : memref<1x40x125xi32, #tpu.memory_space<hbm>> -> memref<40x125xi32, #tpu.memory_space<hbm>>
        %dma_start3A_75 = arith.constant 40 : i32
        %dma_start3A_76 = arith.constant 0 : i32
        %dma_start3A_77 = tpu.memref_slice %arg2[%add3A_44, %dma_start3A_75, %dma_start3A_76] : memref<32x80x125xi32, #tpu.memory_space<hbm>> -> memref<1x40x125xi32, #tpu.memory_space<hbm>>
        %dma_start3A_78 = tpu.memref_squeeze %dma_start3A_77 : memref<1x40x125xi32, #tpu.memory_space<hbm>> -> memref<40x125xi32, #tpu.memory_space<hbm>>
        tpu.enqueue_dma source(%dma_start3A_78 : memref<40x125xi32, #tpu.memory_space<hbm>>) target(%arg9 : memref<40x125xi32, #tpu.memory_space<vmem>>) target_semaphore(%run_scoped3A : memref<!tpu.dma_semaphore, #tpu.memory_space<semaphore_mem>>)
        %dma_wait3A_79 = arith.constant 40 : i32
        %dma_wait3A_80 = arith.constant 0 : i32
        %dma_wait3A_81 = tpu.memref_slice %arg2[%add3A_44, %dma_wait3A_79, %dma_wait3A_80] : memref<32x80x125xi32, #tpu.memory_space<hbm>> -> memref<1x40x125xi32, #tpu.memory_space<hbm>>
        %dma_wait3A_82 = tpu.memref_squeeze %dma_wait3A_81 : memref<1x40x125xi32, #tpu.memory_space<hbm>> -> memref<40x125xi32, #tpu.memory_space<hbm>>
        %dma_wait3A_83 = arith.constant 40 : i32
        %dma_wait3A_84 = arith.constant 0 : i32
        %dma_wait3A_85 = tpu.memref_slice %arg2[%add3A_44, %dma_wait3A_83, %dma_wait3A_84] : memref<32x80x125xi32, #tpu.memory_space<hbm>> -> memref<1x40x125xi32, #tpu.memory_space<hbm>>
        %dma_wait3A_86 = tpu.memref_squeeze %dma_wait3A_85 : memref<1x40x125xi32, #tpu.memory_space<hbm>> -> memref<40x125xi32, #tpu.memory_space<hbm>>
        tpu.wait_dma2 semaphore(%run_scoped3A : memref<!tpu.dma_semaphore, #tpu.memory_space<semaphore_mem>>) src(%dma_wait3A_86 : memref<40x125xi32, #tpu.memory_space<hbm>>) dst(%arg9 : memref<40x125xi32, #tpu.memory_space<vmem>>)
        tpu.yield
      }) : () -> ()
      %jit3A_45 = arith.constant true
      %jit3A_46 = arith.constant 0 : i32
      %jit3A_47 = arith.constant 0 : i32
      %select_n3A_48 = arith.select %jit3A_45, %jit3A_46, %jit3A_47 : i32
      %dma_start3A_49 = arith.constant 0 : i32
      %dma_start3A_50 = tpu.memref_slice %arg8[%select_n3A_48, %dma_start3A_49] : memref<40x125xi32, #tpu.memory_space<vmem>> -> memref<1x125xi32, #tpu.memory_space<vmem>>
      %dma_start3A_51 = tpu.memref_squeeze %dma_start3A_50 : memref<1x125xi32, #tpu.memory_space<vmem>> -> memref<125xi32, #tpu.memory_space<vmem>>
      %dma_start3A_52 = arith.constant 0 : i32
      %dma_start3A_53 = arith.constant 0 : i32
      %dma_start3A_54 = tpu.memref_slice %arg4[%dma_start3A_52, %dma_start3A_53] : memref<10240x128xf32, #tpu.memory_space<hbm>> -> memref<10240x128xf32, #tpu.memory_space<hbm>>
      tpu.enqueue_indirect_dma source(%dma_start3A_54 : memref<10240x128xf32, #tpu.memory_space<hbm>>) target(%arg10 : memref<125x128xf32, #tpu.memory_space<vmem>>) offsets(%dma_start3A_51 : memref<125xi32, #tpu.memory_space<vmem>>) semaphore(%arg13 : memref<!tpu.dma_semaphore, #tpu.memory_space<semaphore_mem>>)
      %scan3A_55 = arith.constant 0 : i32
      %scan3A_56 = arith.constant 0 : i32
      %scan3A_57 = arith.constant 20 : i32
      %scan3A_58 = arith.addi %scan3A_56, %scan3A_57 : i32
      %scan3A_59 = arith.constant 1 : i32
      scf.for %scan3A_71 = %scan3A_56 to %scan3A_58 step %scan3A_59  : i32 {
        %mul3A_72 = arith.constant 2 : i32
        %mul3A_73 = arith.muli %mul3A_72, %scan3A_71 : i32
        %add3A_74 = arith.constant 1 : i32
        %add3A_75 = arith.addi %mul3A_73, %add3A_74 : i32
        %lt3A = arith.constant 40 : i32
        %lt3A_76 = arith.cmpi slt, %add3A_75, %lt3A : i32
        %jit3A_77 = arith.constant 0 : i32
        %select_n3A_78 = arith.select %lt3A_76, %add3A_75, %jit3A_77 : i32
        %dma_start3A_79 = arith.constant 0 : i32
        %dma_start3A_80 = tpu.memref_slice %arg8[%select_n3A_78, %dma_start3A_79] : memref<40x125xi32, #tpu.memory_space<vmem>> -> memref<1x125xi32, #tpu.memory_space<vmem>>
        %dma_start3A_81 = tpu.memref_squeeze %dma_start3A_80 : memref<1x125xi32, #tpu.memory_space<vmem>> -> memref<125xi32, #tpu.memory_space<vmem>>
        %dma_start3A_82 = arith.constant 0 : i32
        %dma_start3A_83 = arith.constant 0 : i32
        %dma_start3A_84 = tpu.memref_slice %arg4[%dma_start3A_82, %dma_start3A_83] : memref<10240x128xf32, #tpu.memory_space<hbm>> -> memref<10240x128xf32, #tpu.memory_space<hbm>>
        tpu.enqueue_indirect_dma source(%dma_start3A_84 : memref<10240x128xf32, #tpu.memory_space<hbm>>) target(%arg11 : memref<125x128xf32, #tpu.memory_space<vmem>>) offsets(%dma_start3A_81 : memref<125xi32, #tpu.memory_space<vmem>>) semaphore(%arg14 : memref<!tpu.dma_semaphore, #tpu.memory_space<semaphore_mem>>)
        %lt3A_85 = arith.constant 40 : i32
        %lt3A_86 = arith.cmpi slt, %mul3A_73, %lt3A_85 : i32
        %jit3A_87 = arith.constant 0 : i32
        %select_n3A_88 = arith.select %lt3A_86, %mul3A_73, %jit3A_87 : i32
        %dma_wait3A_89 = arith.constant 0 : i32
        %dma_wait3A_90 = tpu.memref_slice %arg8[%select_n3A_88, %dma_wait3A_89] : memref<40x125xi32, #tpu.memory_space<vmem>> -> memref<1x125xi32, #tpu.memory_space<vmem>>
        %dma_wait3A_91 = tpu.memref_squeeze %dma_wait3A_90 : memref<1x125xi32, #tpu.memory_space<vmem>> -> memref<125xi32, #tpu.memory_space<vmem>>
        %dma_wait3A_92 = arith.constant 0 : i32
        %dma_wait3A_93 = arith.constant 0 : i32
        %dma_wait3A_94 = tpu.memref_slice %arg4[%dma_wait3A_92, %dma_wait3A_93] : memref<10240x128xf32, #tpu.memory_space<hbm>> -> memref<10240x128xf32, #tpu.memory_space<hbm>>
        tpu.wait_indirect_dma semaphore(%arg13 : memref<!tpu.dma_semaphore, #tpu.memory_space<semaphore_mem>>) src(%dma_wait3A_94 : memref<10240x128xf32, #tpu.memory_space<hbm>>) dst(%arg10 : memref<125x128xf32, #tpu.memory_space<vmem>>)
        "tpu.region"() ({
          %run_scoped3A = tpu.sem_alloc : memref<!tpu.dma_semaphore, #tpu.memory_space<semaphore_mem>>
          %dma_start3A_121 = arith.constant 0 : i32
          %dma_start3A_122 = tpu.memref_slice %arg9[%mul3A_73, %dma_start3A_121] : memref<40x125xi32, #tpu.memory_space<vmem>> -> memref<1x125xi32, #tpu.memory_space<vmem>>
          %dma_start3A_123 = tpu.memref_squeeze %dma_start3A_122 : memref<1x125xi32, #tpu.memory_space<vmem>> -> memref<125xi32, #tpu.memory_space<vmem>>
          %dma_start3A_124 = arith.constant 0 : i32
          %dma_start3A_125 = arith.constant 0 : i32
          %dma_start3A_126 = tpu.memref_slice %arg12[%dma_start3A_124, %dma_start3A_125] : memref<10240x128xf32, #tpu.memory_space<vmem_shared>> -> memref<10240x128xf32, #tpu.memory_space<vmem_shared>>
          tpu.enqueue_indirect_dma source(%arg10 : memref<125x128xf32, #tpu.memory_space<vmem>>) target(%dma_start3A_126 : memref<10240x128xf32, #tpu.memory_space<vmem_shared>>) offsets(%dma_start3A_123 : memref<125xi32, #tpu.memory_space<vmem>>) semaphore(%run_scoped3A : memref<!tpu.dma_semaphore, #tpu.memory_space<semaphore_mem>>) {add = true}
          %dma_wait3A_127 = arith.constant 0 : i32
          %dma_wait3A_128 = tpu.memref_slice %arg9[%mul3A_73, %dma_wait3A_127] : memref<40x125xi32, #tpu.memory_space<vmem>> -> memref<1x125xi32, #tpu.memory_space<vmem>>
          %dma_wait3A_129 = tpu.memref_squeeze %dma_wait3A_128 : memref<1x125xi32, #tpu.memory_space<vmem>> -> memref<125xi32, #tpu.memory_space<vmem>>
          %dma_wait3A_130 = arith.constant 0 : i32
          %dma_wait3A_131 = arith.constant 0 : i32
          %dma_wait3A_132 = tpu.memref_slice %arg12[%dma_wait3A_130, %dma_wait3A_131] : memref<10240x128xf32, #tpu.memory_space<vmem_shared>> -> memref<10240x128xf32, #tpu.memory_space<vmem_shared>>
          tpu.wait_indirect_dma semaphore(%run_scoped3A : memref<!tpu.dma_semaphore, #tpu.memory_space<semaphore_mem>>) src(%arg10 : memref<125x128xf32, #tpu.memory_space<vmem>>) dst(%dma_wait3A_132 : memref<10240x128xf32, #tpu.memory_space<vmem_shared>>)
          tpu.yield
        }) : () -> ()
        %add3A_95 = arith.constant 2 : i32
        %add3A_96 = arith.addi %mul3A_73, %add3A_95 : i32
        %lt3A_97 = arith.constant 40 : i32
        %lt3A_98 = arith.cmpi slt, %add3A_96, %lt3A_97 : i32
        %jit3A_99 = arith.constant 0 : i32
        %select_n3A_100 = arith.select %lt3A_98, %add3A_96, %jit3A_99 : i32
        %dma_start3A_101 = arith.constant 0 : i32
        %dma_start3A_102 = tpu.memref_slice %arg8[%select_n3A_100, %dma_start3A_101] : memref<40x125xi32, #tpu.memory_space<vmem>> -> memref<1x125xi32, #tpu.memory_space<vmem>>
        %dma_start3A_103 = tpu.memref_squeeze %dma_start3A_102 : memref<1x125xi32, #tpu.memory_space<vmem>> -> memref<125xi32, #tpu.memory_space<vmem>>
        %dma_start3A_104 = arith.constant 0 : i32
        %dma_start3A_105 = arith.constant 0 : i32
        %dma_start3A_106 = tpu.memref_slice %arg4[%dma_start3A_104, %dma_start3A_105] : memref<10240x128xf32, #tpu.memory_space<hbm>> -> memref<10240x128xf32, #tpu.memory_space<hbm>>
        tpu.enqueue_indirect_dma source(%dma_start3A_106 : memref<10240x128xf32, #tpu.memory_space<hbm>>) target(%arg10 : memref<125x128xf32, #tpu.memory_space<vmem>>) offsets(%dma_start3A_103 : memref<125xi32, #tpu.memory_space<vmem>>) semaphore(%arg13 : memref<!tpu.dma_semaphore, #tpu.memory_space<semaphore_mem>>)
        %add3A_107 = arith.constant 1 : i32
        %add3A_108 = arith.addi %mul3A_73, %add3A_107 : i32
        %lt3A_109 = arith.constant 40 : i32
        %lt3A_110 = arith.cmpi slt, %add3A_108, %lt3A_109 : i32
        %jit3A_111 = arith.constant 0 : i32
        %select_n3A_112 = arith.select %lt3A_110, %add3A_108, %jit3A_111 : i32
        %dma_wait3A_113 = arith.constant 0 : i32
        %dma_wait3A_114 = tpu.memref_slice %arg8[%select_n3A_112, %dma_wait3A_113] : memref<40x125xi32, #tpu.memory_space<vmem>> -> memref<1x125xi32, #tpu.memory_space<vmem>>
        %dma_wait3A_115 = tpu.memref_squeeze %dma_wait3A_114 : memref<1x125xi32, #tpu.memory_space<vmem>> -> memref<125xi32, #tpu.memory_space<vmem>>
        %dma_wait3A_116 = arith.constant 0 : i32
        %dma_wait3A_117 = arith.constant 0 : i32
        %dma_wait3A_118 = tpu.memref_slice %arg4[%dma_wait3A_116, %dma_wait3A_117] : memref<10240x128xf32, #tpu.memory_space<hbm>> -> memref<10240x128xf32, #tpu.memory_space<hbm>>
        tpu.wait_indirect_dma semaphore(%arg14 : memref<!tpu.dma_semaphore, #tpu.memory_space<semaphore_mem>>) src(%dma_wait3A_118 : memref<10240x128xf32, #tpu.memory_space<hbm>>) dst(%arg11 : memref<125x128xf32, #tpu.memory_space<vmem>>)
        %add3A_119 = arith.constant 1 : i32
        %add3A_120 = arith.addi %mul3A_73, %add3A_119 : i32
        "tpu.region"() ({
          %run_scoped3A = tpu.sem_alloc : memref<!tpu.dma_semaphore, #tpu.memory_space<semaphore_mem>>
          %dma_start3A_121 = arith.constant 0 : i32
          %dma_start3A_122 = tpu.memref_slice %arg9[%add3A_120, %dma_start3A_121] : memref<40x125xi32, #tpu.memory_space<vmem>> -> memref<1x125xi32, #tpu.memory_space<vmem>>
          %dma_start3A_123 = tpu.memref_squeeze %dma_start3A_122 : memref<1x125xi32, #tpu.memory_space<vmem>> -> memref<125xi32, #tpu.memory_space<vmem>>
          %dma_start3A_124 = arith.constant 0 : i32
          %dma_start3A_125 = arith.constant 0 : i32
          %dma_start3A_126 = tpu.memref_slice %arg12[%dma_start3A_124, %dma_start3A_125] : memref<10240x128xf32, #tpu.memory_space<vmem_shared>> -> memref<10240x128xf32, #tpu.memory_space<vmem_shared>>
          tpu.enqueue_indirect_dma source(%arg11 : memref<125x128xf32, #tpu.memory_space<vmem>>) target(%dma_start3A_126 : memref<10240x128xf32, #tpu.memory_space<vmem_shared>>) offsets(%dma_start3A_123 : memref<125xi32, #tpu.memory_space<vmem>>) semaphore(%run_scoped3A : memref<!tpu.dma_semaphore, #tpu.memory_space<semaphore_mem>>) {add = true}
          %dma_wait3A_127 = arith.constant 0 : i32
          %dma_wait3A_128 = tpu.memref_slice %arg9[%add3A_120, %dma_wait3A_127] : memref<40x125xi32, #tpu.memory_space<vmem>> -> memref<1x125xi32, #tpu.memory_space<vmem>>
          %dma_wait3A_129 = tpu.memref_squeeze %dma_wait3A_128 : memref<1x125xi32, #tpu.memory_space<vmem>> -> memref<125xi32, #tpu.memory_space<vmem>>
          %dma_wait3A_130 = arith.constant 0 : i32
          %dma_wait3A_131 = arith.constant 0 : i32
          %dma_wait3A_132 = tpu.memref_slice %arg12[%dma_wait3A_130, %dma_wait3A_131] : memref<10240x128xf32, #tpu.memory_space<vmem_shared>> -> memref<10240x128xf32, #tpu.memory_space<vmem_shared>>
          tpu.wait_indirect_dma semaphore(%run_scoped3A : memref<!tpu.dma_semaphore, #tpu.memory_space<semaphore_mem>>) src(%arg11 : memref<125x128xf32, #tpu.memory_space<vmem>>) dst(%dma_wait3A_132 : memref<10240x128xf32, #tpu.memory_space<vmem_shared>>)
          tpu.yield
        }) : () -> ()
      }
      %scan3A_60 = arith.constant 20 : i32
      %jit3A_61 = arith.constant false
      %jit3A_62 = arith.constant 40 : i32
      %jit3A_63 = arith.constant 0 : i32
      %select_n3A_64 = arith.select %jit3A_61, %jit3A_62, %jit3A_63 : i32
      %dma_wait3A_65 = arith.constant 0 : i32
      %dma_wait3A_66 = tpu.memref_slice %arg8[%select_n3A_64, %dma_wait3A_65] : memref<40x125xi32, #tpu.memory_space<vmem>> -> memref<1x125xi32, #tpu.memory_space<vmem>>
      %dma_wait3A_67 = tpu.memref_squeeze %dma_wait3A_66 : memref<1x125xi32, #tpu.memory_space<vmem>> -> memref<125xi32, #tpu.memory_space<vmem>>
      %dma_wait3A_68 = arith.constant 0 : i32
      %dma_wait3A_69 = arith.constant 0 : i32
      %dma_wait3A_70 = tpu.memref_slice %arg4[%dma_wait3A_68, %dma_wait3A_69] : memref<10240x128xf32, #tpu.memory_space<hbm>> -> memref<10240x128xf32, #tpu.memory_space<hbm>>
      tpu.wait_indirect_dma semaphore(%arg13 : memref<!tpu.dma_semaphore, #tpu.memory_space<semaphore_mem>>) src(%dma_wait3A_70 : memref<10240x128xf32, #tpu.memory_space<hbm>>) dst(%arg10 : memref<125x128xf32, #tpu.memory_space<vmem>>)
    } else {
    }
    %barrier3A_8 = arith.constant 0 : index
    tpu.barrier barrier_id(%barrier3A_8)
    %mul3A_9 = arith.constant 640 : i32
    %mul3A_10 = arith.muli %arg1, %mul3A_9 : i32
    %eq3A_11 = arith.constant 0 : i32
    %eq3A_12 = arith.cmpi eq, %arg0, %eq3A_11 : i32
    %convert_element_type3A_13 = arith.extui %eq3A_12 : i1 to i32
    %cond3A_14 = arith.constant 0 : i32
    %cond3A_15 = arith.cmpi ne, %convert_element_type3A_13, %cond3A_14 : i32
    scf.if %cond3A_15 {
      "tpu.region"() ({
        %run_scoped3A = tpu.sem_alloc : memref<!tpu.dma_semaphore, #tpu.memory_space<semaphore_mem>>
        %dma_start3A = arith.constant 0 : i32
        %dma_start3A_21 = tpu.memref_slice %arg6[%mul3A_10, %dma_start3A] : memref<10240x128xf32, #tpu.memory_space<hbm>> -> memref<640x128xf32, #tpu.memory_space<hbm>>
        %dma_start3A_22 = arith.constant 0 : i32
        %dma_start3A_23 = tpu.memref_slice %arg12[%mul3A_10, %dma_start3A_22] : memref<10240x128xf32, #tpu.memory_space<vmem_shared>> -> memref<640x128xf32, #tpu.memory_space<vmem_shared>>
        tpu.enqueue_dma source(%dma_start3A_23 : memref<640x128xf32, #tpu.memory_space<vmem_shared>>) target(%dma_start3A_21 : memref<640x128xf32, #tpu.memory_space<hbm>>) target_semaphore(%run_scoped3A : memref<!tpu.dma_semaphore, #tpu.memory_space<semaphore_mem>>)
        %dma_wait3A = arith.constant 0 : i32
        %dma_wait3A_24 = tpu.memref_slice %arg6[%mul3A_10, %dma_wait3A] : memref<10240x128xf32, #tpu.memory_space<hbm>> -> memref<640x128xf32, #tpu.memory_space<hbm>>
        %dma_wait3A_25 = arith.constant 0 : i32
        %dma_wait3A_26 = tpu.memref_slice %arg12[%mul3A_10, %dma_wait3A_25] : memref<10240x128xf32, #tpu.memory_space<vmem_shared>> -> memref<640x128xf32, #tpu.memory_space<vmem_shared>>
        tpu.wait_dma2 semaphore(%run_scoped3A : memref<!tpu.dma_semaphore, #tpu.memory_space<semaphore_mem>>) src(%dma_wait3A_26 : memref<640x128xf32, #tpu.memory_space<vmem_shared>>) dst(%dma_wait3A_24 : memref<640x128xf32, #tpu.memory_space<hbm>>)
        tpu.yield
      }) : () -> ()
    } else {
    }
    %eq3A_16 = arith.constant 1 : i32
    %eq3A_17 = arith.cmpi eq, %arg0, %eq3A_16 : i32
    %convert_element_type3A_18 = arith.extui %eq3A_17 : i1 to i32
    %cond3A_19 = arith.constant 0 : i32
    %cond3A_20 = arith.cmpi ne, %convert_element_type3A_18, %cond3A_19 : i32
    scf.if %cond3A_20 {
      "tpu.region"() ({
        %run_scoped3A = tpu.sem_alloc : memref<!tpu.dma_semaphore, #tpu.memory_space<semaphore_mem>>
        %dma_start3A = arith.constant 0 : i32
        %dma_start3A_21 = tpu.memref_slice %arg7[%mul3A_10, %dma_start3A] : memref<10240x128xf32, #tpu.memory_space<hbm>> -> memref<640x128xf32, #tpu.memory_space<hbm>>
        %dma_start3A_22 = arith.constant 0 : i32
        %dma_start3A_23 = tpu.memref_slice %arg12[%mul3A_10, %dma_start3A_22] : memref<10240x128xf32, #tpu.memory_space<vmem_shared>> -> memref<640x128xf32, #tpu.memory_space<vmem_shared>>
        tpu.enqueue_dma source(%dma_start3A_23 : memref<640x128xf32, #tpu.memory_space<vmem_shared>>) target(%dma_start3A_21 : memref<640x128xf32, #tpu.memory_space<hbm>>) target_semaphore(%run_scoped3A : memref<!tpu.dma_semaphore, #tpu.memory_space<semaphore_mem>>)
        %dma_wait3A = arith.constant 0 : i32
        %dma_wait3A_24 = tpu.memref_slice %arg7[%mul3A_10, %dma_wait3A] : memref<10240x128xf32, #tpu.memory_space<hbm>> -> memref<640x128xf32, #tpu.memory_space<hbm>>
        %dma_wait3A_25 = arith.constant 0 : i32
        %dma_wait3A_26 = tpu.memref_slice %arg12[%mul3A_10, %dma_wait3A_25] : memref<10240x128xf32, #tpu.memory_space<vmem_shared>> -> memref<640x128xf32, #tpu.memory_space<vmem_shared>>
        tpu.wait_dma2 semaphore(%run_scoped3A : memref<!tpu.dma_semaphore, #tpu.memory_space<semaphore_mem>>) src(%dma_wait3A_26 : memref<640x128xf32, #tpu.memory_space<vmem_shared>>) dst(%dma_wait3A_24 : memref<640x128xf32, #tpu.memory_space<hbm>>)
        tpu.yield
      }) : () -> ()
    } else {
    }
    return
  }
}

module attributes {stable_mosaic.version = 14 : i64} {
  func.func @_mm2_body(%arg0: i32, %arg1: memref<256x128xf32, #tpu.memory_space<vmem>>, %arg2: memref<256x128xf32, #tpu.memory_space<vmem>>, %arg3: memref<256x128xf32, #tpu.memory_space<vmem>>, %arg4: memref<256x128xf32, #tpu.memory_space<vmem>>, %arg5: memref<2x128xf32, #tpu.memory_space<vmem>>, %arg6: memref<256x256xf32, #tpu.memory_space<vmem>>, %arg7: memref<256x128xf32, #tpu.memory_space<vmem>>, %arg8: memref<256x128xf32, #tpu.memory_space<vmem>>) attributes {dimension_semantics = [#tpu.dimension_semantics<arbitrary>], iteration_bounds = array<i64: 40>, scalar_prefetch = 0 : i64, scratch_operands = 0 : i64, tpu.core_type = #tpu.core_type<tc>, window_params = [{transform_indices = @transform_0, window_bounds = array<i64: 256, 128>}, {transform_indices = @transform_1, window_bounds = array<i64: 256, 128>}, {transform_indices = @transform_2, window_bounds = array<i64: 256, 128>}, {transform_indices = @transform_3, window_bounds = array<i64: 256, 128>}, {pipeline_mode = #tpu.pipeline_mode<synchronous>, transform_indices = @transform_4, window_bounds = array<i64: 2, 128>}, {pipeline_mode = #tpu.pipeline_mode<synchronous>, transform_indices = @transform_5, window_bounds = array<i64: 256, 256>}, {transform_indices = @transform_6, window_bounds = array<i64: 256, 128>}, {transform_indices = @transform_7, window_bounds = array<i64: 256, 128>}]} {
    %get3A = arith.constant 0 : index
    %get3A_0 = arith.constant 0 : index
    %get3A_1 = vector.load %arg3[%get3A, %get3A_0] : memref<256x128xf32, #tpu.memory_space<vmem>>, vector<256x1xf32>
    %gt3A = arith.constant 0.000000e+00 : f32
    %gt3A_2 = vector.broadcast %gt3A : f32 to vector<256x1xf32>
    %gt3A_3 = arith.cmpf ogt, %get3A_1, %gt3A_2 : vector<256x1xf32>
    %max3A = arith.constant 1.000000e+00 : f32
    %max3A_4 = vector.broadcast %max3A : f32 to vector<256x1xf32>
    %max3A_5 = arith.maximumf %get3A_1, %max3A_4 : vector<256x1xf32>
    %sqrt3A = math.sqrt %max3A_5 : vector<256x1xf32>
    %div3A = arith.constant 1.000000e+00 : f32
    %div3A_6 = vector.broadcast %div3A : f32 to vector<256x1xf32>
    %div3A_7 = arith.divf %div3A_6, %sqrt3A : vector<256x1xf32>
    %jit3A = arith.constant 0.000000e+00 : f32
    %broadcast_in_dim3A = vector.broadcast %jit3A : f32 to vector<256x1xf32>
    %select_n3A = arith.select %gt3A_3, %div3A_7, %broadcast_in_dim3A : vector<256x1xi1>, vector<256x1xf32>
    %get3A_8 = arith.constant 0 : index
    %get3A_9 = arith.constant 0 : index
    %get3A_10 = vector.load %arg4[%get3A_8, %get3A_9] : memref<256x128xf32, #tpu.memory_space<vmem>>, vector<256x1xf32>
    %gt3A_11 = arith.constant 0.000000e+00 : f32
    %gt3A_12 = vector.broadcast %gt3A_11 : f32 to vector<256x1xf32>
    %gt3A_13 = arith.cmpf ogt, %get3A_10, %gt3A_12 : vector<256x1xf32>
    %max3A_14 = arith.constant 1.000000e+00 : f32
    %max3A_15 = vector.broadcast %max3A_14 : f32 to vector<256x1xf32>
    %max3A_16 = arith.maximumf %get3A_10, %max3A_15 : vector<256x1xf32>
    %sqrt3A_17 = math.sqrt %max3A_16 : vector<256x1xf32>
    %div3A_18 = arith.constant 1.000000e+00 : f32
    %div3A_19 = vector.broadcast %div3A_18 : f32 to vector<256x1xf32>
    %div3A_20 = arith.divf %div3A_19, %sqrt3A_17 : vector<256x1xf32>
    %jit3A_21 = arith.constant 0.000000e+00 : f32
    %broadcast_in_dim3A_22 = vector.broadcast %jit3A_21 : f32 to vector<256x1xf32>
    %select_n3A_23 = arith.select %gt3A_13, %div3A_20, %broadcast_in_dim3A_22 : vector<256x1xi1>, vector<256x1xf32>
    %get3A_24 = arith.constant 0 : index
    %get3A_25 = arith.constant 0 : index
    %get3A_26 = vector.load %arg1[%get3A_24, %get3A_25] : memref<256x128xf32, #tpu.memory_space<vmem>>, vector<256x128xf32>
    %mul3A = vector.broadcast %select_n3A : vector<256x1xf32> to vector<256x128xf32>
    %mul3A_27 = arith.mulf %get3A_26, %mul3A : vector<256x128xf32>
    %get3A_28 = arith.constant 0 : index
    %get3A_29 = arith.constant 0 : index
    %get3A_30 = vector.load %arg5[%get3A_28, %get3A_29] : memref<2x128xf32, #tpu.memory_space<vmem>>, vector<1x128xf32>
    %add3A = vector.broadcast %get3A_30 : vector<1x128xf32> to vector<256x128xf32>
    %add3A_31 = arith.addf %mul3A_27, %add3A : vector<256x128xf32>
    %tanh3A = math.tanh %add3A_31 : vector<256x128xf32>
    %mul3A_32 = vector.broadcast %select_n3A_23 : vector<256x1xf32> to vector<256x128xf32>
    %mul3A_33 = arith.mulf %tanh3A, %mul3A_32 : vector<256x128xf32>
    %get3A_34 = arith.constant 0 : index
    %get3A_35 = arith.constant 0 : index
    %get3A_36 = vector.load %arg2[%get3A_34, %get3A_35] : memref<256x128xf32, #tpu.memory_space<vmem>>, vector<256x128xf32>
    %mul3A_37 = vector.broadcast %select_n3A : vector<256x1xf32> to vector<256x128xf32>
    %mul3A_38 = arith.mulf %get3A_36, %mul3A_37 : vector<256x128xf32>
    %get3A_39 = arith.constant 1 : index
    %get3A_40 = arith.constant 0 : index
    %get3A_41 = vector.load %arg5[%get3A_39, %get3A_40] : memref<2x128xf32, #tpu.memory_space<vmem>>, vector<1x128xf32>
    %add3A_42 = vector.broadcast %get3A_41 : vector<1x128xf32> to vector<256x128xf32>
    %add3A_43 = arith.addf %mul3A_38, %add3A_42 : vector<256x128xf32>
    %tanh3A_44 = math.tanh %add3A_43 : vector<256x128xf32>
    %mul3A_45 = vector.broadcast %select_n3A_23 : vector<256x1xf32> to vector<256x128xf32>
    %mul3A_46 = arith.mulf %tanh3A_44, %mul3A_45 : vector<256x128xf32>
    %get3A_47 = arith.constant 0 : index
    %get3A_48 = arith.constant 0 : index
    %get3A_49 = vector.load %arg6[%get3A_47, %get3A_48] : memref<256x256xf32, #tpu.memory_space<vmem>>, vector<256x256xf32>
    %slice3A = vector.extract_strided_slice %get3A_49 {offsets = [0, 0], sizes = [128, 256], strides = [1, 1]} : vector<256x256xf32> to vector<128x256xf32>
    %dot_general3A = arith.constant dense<0.000000e+00> : vector<256x256xf32>
    %dot_general3A_50 = tpu.matmul %mul3A_33, %slice3A, %dot_general3A {dimension_numbers = #tpu.dot_dimension_numbers<[1], [0], [0], [1], [0, 0, 1, 1], [], []>, precision = #tpu.contract_precision<fp32>, transpose_lhs_hint = false} : vector<256x128xf32>, vector<128x256xf32>, vector<256x256xf32> -> vector<256x256xf32>
    %slice3A_51 = vector.extract_strided_slice %get3A_49 {offsets = [128, 0], sizes = [128, 256], strides = [1, 1]} : vector<256x256xf32> to vector<128x256xf32>
    %dot_general3A_52 = arith.constant dense<0.000000e+00> : vector<256x256xf32>
    %dot_general3A_53 = tpu.matmul %mul3A_46, %slice3A_51, %dot_general3A_52 {dimension_numbers = #tpu.dot_dimension_numbers<[1], [0], [0], [1], [0, 0, 1, 1], [], []>, precision = #tpu.contract_precision<fp32>, transpose_lhs_hint = false} : vector<256x128xf32>, vector<128x256xf32>, vector<256x256xf32> -> vector<256x256xf32>
    %add3A_54 = arith.addf %dot_general3A_50, %dot_general3A_53 : vector<256x256xf32>
    %slice3A_55 = vector.extract_strided_slice %add3A_54 {offsets = [0, 0], sizes = [256, 128], strides = [1, 1]} : vector<256x256xf32> to vector<256x128xf32>
    %swap3A = arith.constant 0 : index
    %swap3A_56 = arith.constant 0 : index
    %swap3A_57 = vector.load %arg7[%swap3A, %swap3A_56] : memref<256x128xf32, #tpu.memory_space<vmem>>, vector<256x128xf32>
    tpu.vector_store %arg7[%swap3A, %swap3A_56], %slice3A_55 {strides = array<i32>} : memref<256x128xf32, #tpu.memory_space<vmem>>, vector<256x128xf32>,
    %slice3A_58 = vector.extract_strided_slice %add3A_54 {offsets = [0, 128], sizes = [256, 128], strides = [1, 1]} : vector<256x256xf32> to vector<256x128xf32>
    %swap3A_59 = arith.constant 0 : index
    %swap3A_60 = arith.constant 0 : index
    %swap3A_61 = vector.load %arg8[%swap3A_59, %swap3A_60] : memref<256x128xf32, #tpu.memory_space<vmem>>, vector<256x128xf32>
    tpu.vector_store %arg8[%swap3A_59, %swap3A_60], %slice3A_58 {strides = array<i32>} : memref<256x128xf32, #tpu.memory_space<vmem>>, vector<256x128xf32>,
    return
  }
  func.func @transform_0(%arg0: i32) -> (i32, i32) {
    %c0_i32 = arith.constant 0 : i32
    %c0_i32_0 = arith.constant 0 : i32
    return %arg0, %c0_i32 : i32, i32
  }
  func.func @transform_1(%arg0: i32) -> (i32, i32) {
    %c0_i32 = arith.constant 0 : i32
    %c0_i32_0 = arith.constant 0 : i32
    return %arg0, %c0_i32 : i32, i32
  }
  func.func @transform_2(%arg0: i32) -> (i32, i32) {
    %c0_i32 = arith.constant 0 : i32
    %c0_i32_0 = arith.constant 0 : i32
    return %arg0, %c0_i32 : i32, i32
  }
  func.func @transform_3(%arg0: i32) -> (i32, i32) {
    %c0_i32 = arith.constant 0 : i32
    %c0_i32_0 = arith.constant 0 : i32
    return %arg0, %c0_i32 : i32, i32
  }
  func.func @transform_4(%arg0: i32) -> (i32, i32) {
    %c0_i32 = arith.constant 0 : i32
    %c0_i32_0 = arith.constant 0 : i32
    %c0_i32_1 = arith.constant 0 : i32
    return %c0_i32, %c0_i32_0 : i32, i32
  }
  func.func @transform_5(%arg0: i32) -> (i32, i32) {
    %c0_i32 = arith.constant 0 : i32
    %c0_i32_0 = arith.constant 0 : i32
    %c0_i32_1 = arith.constant 0 : i32
    return %c0_i32, %c0_i32_0 : i32, i32
  }
  func.func @transform_6(%arg0: i32) -> (i32, i32) {
    %c0_i32 = arith.constant 0 : i32
    %c0_i32_0 = arith.constant 0 : i32
    return %arg0, %c0_i32 : i32, i32
  }
  func.func @transform_7(%arg0: i32) -> (i32, i32) {
    %c0_i32 = arith.constant 0 : i32
    %c0_i32_0 = arith.constant 0 : i32
    return %arg0, %c0_i32 : i32, i32
  }
}

module attributes {stable_mosaic.version = 14 : i64} {
  func.func @_mm1_body(%arg0: i32, %arg1: memref<256x256xf32, #tpu.memory_space<vmem>>, %arg2: memref<256x128xf32, #tpu.memory_space<vmem>>, %arg3: memref<256x256xf32, #tpu.memory_space<vmem>>, %arg4: memref<256x128xf32, #tpu.memory_space<vmem>>, %arg5: memref<256x128xf32, #tpu.memory_space<vmem>>) attributes {dimension_semantics = [#tpu.dimension_semantics<arbitrary>], iteration_bounds = array<i64: 40>, scalar_prefetch = 0 : i64, scratch_operands = 0 : i64, tpu.core_type = #tpu.core_type<tc>, window_params = [{transform_indices = @transform_0, window_bounds = array<i64: 256, 256>}, {transform_indices = @transform_1, window_bounds = array<i64: 256, 128>}, {pipeline_mode = #tpu.pipeline_mode<synchronous>, transform_indices = @transform_2, window_bounds = array<i64: 256, 256>}, {transform_indices = @transform_3, window_bounds = array<i64: 256, 128>}, {transform_indices = @transform_4, window_bounds = array<i64: 256, 128>}]} {
    %get3A = arith.constant 0 : index
    %get3A_0 = arith.constant 0 : index
    %get3A_1 = vector.load %arg2[%get3A, %get3A_0] : memref<256x128xf32, #tpu.memory_space<vmem>>, vector<256x1xf32>
    %gt3A = arith.constant 0.000000e+00 : f32
    %gt3A_2 = vector.broadcast %gt3A : f32 to vector<256x1xf32>
    %gt3A_3 = arith.cmpf ogt, %get3A_1, %gt3A_2 : vector<256x1xf32>
    %max3A = arith.constant 1.000000e+00 : f32
    %max3A_4 = vector.broadcast %max3A : f32 to vector<256x1xf32>
    %max3A_5 = arith.maximumf %get3A_1, %max3A_4 : vector<256x1xf32>
    %sqrt3A = math.sqrt %max3A_5 : vector<256x1xf32>
    %div3A = arith.constant 1.000000e+00 : f32
    %div3A_6 = vector.broadcast %div3A : f32 to vector<256x1xf32>
    %div3A_7 = arith.divf %div3A_6, %sqrt3A : vector<256x1xf32>
    %jit3A = arith.constant 0.000000e+00 : f32
    %broadcast_in_dim3A = vector.broadcast %jit3A : f32 to vector<256x1xf32>
    %select_n3A = arith.select %gt3A_3, %div3A_7, %broadcast_in_dim3A : vector<256x1xi1>, vector<256x1xf32>
    %get3A_8 = arith.constant 0 : index
    %get3A_9 = arith.constant 0 : index
    %get3A_10 = vector.load %arg1[%get3A_8, %get3A_9] : memref<256x256xf32, #tpu.memory_space<vmem>>, vector<256x256xf32>
    %mul3A = vector.broadcast %select_n3A : vector<256x1xf32> to vector<256x256xf32>
    %mul3A_11 = arith.mulf %get3A_10, %mul3A : vector<256x256xf32>
    %get3A_12 = arith.constant 0 : index
    %get3A_13 = arith.constant 0 : index
    %get3A_14 = vector.load %arg3[%get3A_12, %get3A_13] : memref<256x256xf32, #tpu.memory_space<vmem>>, vector<256x256xf32>
    %dot_general3A = arith.constant dense<0.000000e+00> : vector<256x256xf32>
    %dot_general3A_15 = tpu.matmul %mul3A_11, %get3A_14, %dot_general3A {dimension_numbers = #tpu.dot_dimension_numbers<[1], [0], [0], [1], [0, 0, 1, 1], [], []>, precision = #tpu.contract_precision<fp32>, transpose_lhs_hint = false} : vector<256x256xf32>, vector<256x256xf32>, vector<256x256xf32> -> vector<256x256xf32>
    %slice3A = vector.extract_strided_slice %dot_general3A_15 {offsets = [0, 0], sizes = [256, 128], strides = [1, 1]} : vector<256x256xf32> to vector<256x128xf32>
    %swap3A = arith.constant 0 : index
    %swap3A_16 = arith.constant 0 : index
    %swap3A_17 = vector.load %arg4[%swap3A, %swap3A_16] : memref<256x128xf32, #tpu.memory_space<vmem>>, vector<256x128xf32>
    tpu.vector_store %arg4[%swap3A, %swap3A_16], %slice3A {strides = array<i32>} : memref<256x128xf32, #tpu.memory_space<vmem>>, vector<256x128xf32>,
    %slice3A_18 = vector.extract_strided_slice %dot_general3A_15 {offsets = [0, 128], sizes = [256, 128], strides = [1, 1]} : vector<256x256xf32> to vector<256x128xf32>
    %swap3A_19 = arith.constant 0 : index
    %swap3A_20 = arith.constant 0 : index
    %swap3A_21 = vector.load %arg5[%swap3A_19, %swap3A_20] : memref<256x128xf32, #tpu.memory_space<vmem>>, vector<256x128xf32>
    tpu.vector_store %arg5[%swap3A_19, %swap3A_20], %slice3A_18 {strides = array<i32>} : memref<256x128xf32, #tpu.memory_space<vmem>>, vector<256x128xf32>,
    return
  }
  func.func @transform_0(%arg0: i32) -> (i32, i32) {
    %c0_i32 = arith.constant 0 : i32
    %c0_i32_0 = arith.constant 0 : i32
    return %arg0, %c0_i32 : i32, i32
  }
  func.func @transform_1(%arg0: i32) -> (i32, i32) {
    %c0_i32 = arith.constant 0 : i32
    %c0_i32_0 = arith.constant 0 : i32
    return %arg0, %c0_i32 : i32, i32
  }
  func.func @transform_2(%arg0: i32) -> (i32, i32) {
    %c0_i32 = arith.constant 0 : i32
    %c0_i32_0 = arith.constant 0 : i32
    %c0_i32_1 = arith.constant 0 : i32
    return %c0_i32, %c0_i32_0 : i32, i32
  }
  func.func @transform_3(%arg0: i32) -> (i32, i32) {
    %c0_i32 = arith.constant 0 : i32
    %c0_i32_0 = arith.constant 0 : i32
    return %arg0, %c0_i32 : i32, i32
  }
  func.func @transform_4(%arg0: i32) -> (i32, i32) {
    %c0_i32 = arith.constant 0 : i32
    %c0_i32_0 = arith.constant 0 : i32
    return %arg0, %c0_i32 : i32, i32
  }
}

module attributes {stable_mosaic.version = 14 : i64} {
  func.func @_final_body(%arg0: i32, %arg1: memref<256x128xf32, #tpu.memory_space<vmem>>, %arg2: memref<256x128xf32, #tpu.memory_space<vmem>>, %arg3: memref<256x128xf32, #tpu.memory_space<vmem>>, %arg4: memref<2x128xf32, #tpu.memory_space<vmem>>, %arg5: memref<2x128x128xf32, #tpu.memory_space<vmem>>, %arg6: memref<1x128xf32, #tpu.memory_space<vmem>>, %arg7: memref<1x128xf32, #tpu.memory_space<vmem>>, %arg8: memref<2x128xf32, #tpu.memory_space<vmem>>) attributes {dimension_semantics = [#tpu.dimension_semantics<arbitrary>], iteration_bounds = array<i64: 40>, scalar_prefetch = 0 : i64, scratch_operands = 1 : i64, tpu.core_type = #tpu.core_type<tc>, window_params = [{transform_indices = @transform_0, window_bounds = array<i64: 256, 128>}, {transform_indices = @transform_1, window_bounds = array<i64: 256, 128>}, {transform_indices = @transform_2, window_bounds = array<i64: 256, 128>}, {pipeline_mode = #tpu.pipeline_mode<synchronous>, transform_indices = @transform_3, window_bounds = array<i64: 2, 128>}, {pipeline_mode = #tpu.pipeline_mode<synchronous>, transform_indices = @transform_4, window_bounds = array<i64: 2, 128, 128>}, {pipeline_mode = #tpu.pipeline_mode<synchronous>, transform_indices = @transform_5, window_bounds = array<i64: 1, 128>}, {pipeline_mode = #tpu.pipeline_mode<synchronous>, transform_indices = @transform_6, window_bounds = array<i64: 1, 128>}]} {
    %get3A = arith.constant 0 : index
    %get3A_0 = arith.constant 0 : index
    %get3A_1 = vector.load %arg3[%get3A, %get3A_0] : memref<256x128xf32, #tpu.memory_space<vmem>>, vector<256x1xf32>
    %gt3A = arith.constant 0.000000e+00 : f32
    %gt3A_2 = vector.broadcast %gt3A : f32 to vector<256x1xf32>
    %gt3A_3 = arith.cmpf ogt, %get3A_1, %gt3A_2 : vector<256x1xf32>
    %max3A = arith.constant 1.000000e+00 : f32
    %max3A_4 = vector.broadcast %max3A : f32 to vector<256x1xf32>
    %max3A_5 = arith.maximumf %get3A_1, %max3A_4 : vector<256x1xf32>
    %sqrt3A = math.sqrt %max3A_5 : vector<256x1xf32>
    %div3A = arith.constant 1.000000e+00 : f32
    %div3A_6 = vector.broadcast %div3A : f32 to vector<256x1xf32>
    %div3A_7 = arith.divf %div3A_6, %sqrt3A : vector<256x1xf32>
    %jit3A = arith.constant 0.000000e+00 : f32
    %broadcast_in_dim3A = vector.broadcast %jit3A : f32 to vector<256x1xf32>
    %select_n3A = arith.select %gt3A_3, %div3A_7, %broadcast_in_dim3A : vector<256x1xi1>, vector<256x1xf32>
    %get3A_8 = arith.constant 0 : index
    %get3A_9 = arith.constant 0 : index
    %get3A_10 = vector.load %arg1[%get3A_8, %get3A_9] : memref<256x128xf32, #tpu.memory_space<vmem>>, vector<256x128xf32>
    %mul3A = vector.broadcast %select_n3A : vector<256x1xf32> to vector<256x128xf32>
    %mul3A_11 = arith.mulf %get3A_10, %mul3A : vector<256x128xf32>
    %get3A_12 = arith.constant 0 : index
    %get3A_13 = arith.constant 0 : index
    %get3A_14 = vector.load %arg4[%get3A_12, %get3A_13] : memref<2x128xf32, #tpu.memory_space<vmem>>, vector<1x128xf32>
    %add3A = vector.broadcast %get3A_14 : vector<1x128xf32> to vector<256x128xf32>
    %add3A_15 = arith.addf %mul3A_11, %add3A : vector<256x128xf32>
    %tanh3A = math.tanh %add3A_15 : vector<256x128xf32>
    %get3A_16 = arith.constant 0 : index
    %get3A_17 = arith.constant 0 : index
    %get3A_18 = vector.load %arg2[%get3A_16, %get3A_17] : memref<256x128xf32, #tpu.memory_space<vmem>>, vector<256x128xf32>
    %mul3A_19 = vector.broadcast %select_n3A : vector<256x1xf32> to vector<256x128xf32>
    %mul3A_20 = arith.mulf %get3A_18, %mul3A_19 : vector<256x128xf32>
    %get3A_21 = arith.constant 1 : index
    %get3A_22 = arith.constant 0 : index
    %get3A_23 = vector.load %arg4[%get3A_21, %get3A_22] : memref<2x128xf32, #tpu.memory_space<vmem>>, vector<1x128xf32>
    %add3A_24 = vector.broadcast %get3A_23 : vector<1x128xf32> to vector<256x128xf32>
    %add3A_25 = arith.addf %mul3A_20, %add3A_24 : vector<256x128xf32>
    %tanh3A_26 = math.tanh %add3A_25 : vector<256x128xf32>
    %iota3A = tpu.iota {dimensions = array<i32: 0>} : vector<256x1xi32>
    %mul3A_27 = arith.constant 256 : i32
    %mul3A_28 = arith.muli %arg0, %mul3A_27 : i32
    %add3A_29 = vector.broadcast %mul3A_28 : i32 to vector<256x1xi32>
    %add3A_30 = arith.addi %iota3A, %add3A_29 : vector<256x1xi32>
    %lt3A = arith.constant 10000 : i32
    %lt3A_31 = vector.broadcast %lt3A : i32 to vector<256x1xi32>
    %lt3A_32 = arith.cmpi slt, %add3A_30, %lt3A_31 : vector<256x1xi32>
    %convert_element_type3A = arith.extui %lt3A_32 : vector<256x1xi1> to vector<256x1xi32>
    %convert_element_type3A_33 = arith.sitofp %convert_element_type3A : vector<256x1xi32> to vector<256x1xf32>
    %mul3A_34 = vector.broadcast %convert_element_type3A_33 : vector<256x1xf32> to vector<256x128xf32>
    %mul3A_35 = arith.mulf %tanh3A, %mul3A_34 : vector<256x128xf32>
    %reduce_sum3A = arith.constant dense<0.000000e+00> : vector<128xf32>
    %reduce_sum3A_36 = vector.multi_reduction <add>, %mul3A_35, %reduce_sum3A [0] : vector<256x128xf32> to vector<128xf32>
    %broadcast_in_dim3A_37 = vector.shape_cast %reduce_sum3A_36 : vector<128xf32> to vector<1x128xf32>
    %mul3A_38 = vector.broadcast %convert_element_type3A_33 : vector<256x1xf32> to vector<256x128xf32>
    %mul3A_39 = arith.mulf %tanh3A_26, %mul3A_38 : vector<256x128xf32>
    %reduce_sum3A_40 = arith.constant dense<0.000000e+00> : vector<128xf32>
    %reduce_sum3A_41 = vector.multi_reduction <add>, %mul3A_39, %reduce_sum3A_40 [0] : vector<256x128xf32> to vector<128xf32>
    %broadcast_in_dim3A_42 = vector.shape_cast %reduce_sum3A_41 : vector<128xf32> to vector<1x128xf32>
    %eq3A = arith.constant 0 : i32
    %eq3A_43 = arith.cmpi eq, %arg0, %eq3A : i32
    %convert_element_type3A_44 = arith.extui %eq3A_43 : i1 to i32
    %cond3A = arith.constant 0 : i32
    %cond3A_45 = arith.cmpi ne, %convert_element_type3A_44, %cond3A : i32
    scf.if %cond3A_45 {
      %broadcast_in_dim3A_64 = arith.constant 0.000000e+00 : f32
      %broadcast_in_dim3A_65 = vector.broadcast %broadcast_in_dim3A_64 : f32 to vector<2x128xf32>
      %swap3A_66 = arith.constant 0 : index
      %swap3A_67 = arith.constant 0 : index
      %swap3A_68 = vector.load %arg8[%swap3A_66, %swap3A_67] : memref<2x128xf32, #tpu.memory_space<vmem>>, vector<2x128xf32>
      tpu.vector_store %arg8[%swap3A_66, %swap3A_67], %broadcast_in_dim3A_65 {strides = array<i32>} : memref<2x128xf32, #tpu.memory_space<vmem>>, vector<2x128xf32>,
    } else {
    }
    %get3A_46 = arith.constant 0 : index
    %get3A_47 = arith.constant 0 : index
    %get3A_48 = vector.load %arg8[%get3A_46, %get3A_47] : memref<2x128xf32, #tpu.memory_space<vmem>>, vector<1x128xf32>
    %add3A_49 = arith.addf %get3A_48, %broadcast_in_dim3A_37 : vector<1x128xf32>
    %swap3A = arith.constant 0 : index
    %swap3A_50 = arith.constant 0 : index
    %swap3A_51 = vector.load %arg8[%swap3A, %swap3A_50] : memref<2x128xf32, #tpu.memory_space<vmem>>, vector<1x128xf32>
    tpu.vector_store %arg8[%swap3A, %swap3A_50], %add3A_49 {strides = array<i32>} : memref<2x128xf32, #tpu.memory_space<vmem>>, vector<1x128xf32>,
    %get3A_52 = arith.constant 1 : index
    %get3A_53 = arith.constant 0 : index
    %get3A_54 = vector.load %arg8[%get3A_52, %get3A_53] : memref<2x128xf32, #tpu.memory_space<vmem>>, vector<1x128xf32>
    %add3A_55 = arith.addf %get3A_54, %broadcast_in_dim3A_42 : vector<1x128xf32>
    %swap3A_56 = arith.constant 1 : index
    %swap3A_57 = arith.constant 0 : index
    %swap3A_58 = vector.load %arg8[%swap3A_56, %swap3A_57] : memref<2x128xf32, #tpu.memory_space<vmem>>, vector<1x128xf32>
    tpu.vector_store %arg8[%swap3A_56, %swap3A_57], %add3A_55 {strides = array<i32>} : memref<2x128xf32, #tpu.memory_space<vmem>>, vector<1x128xf32>,
    %eq3A_59 = arith.constant 39 : i32
    %eq3A_60 = arith.cmpi eq, %arg0, %eq3A_59 : i32
    %convert_element_type3A_61 = arith.extui %eq3A_60 : i1 to i32
    %cond3A_62 = arith.constant 0 : i32
    %cond3A_63 = arith.cmpi ne, %convert_element_type3A_61, %cond3A_62 : i32
    scf.if %cond3A_63 {
      %get3A_64 = arith.constant 0 : index
      %get3A_65 = arith.constant 0 : index
      %get3A_66 = vector.load %arg8[%get3A_64, %get3A_65] : memref<2x128xf32, #tpu.memory_space<vmem>>, vector<1x128xf32>
      %mul3A_67 = arith.constant 9.99999974E-5 : f32
      %mul3A_68 = vector.broadcast %mul3A_67 : f32 to vector<1x128xf32>
      %mul3A_69 = arith.mulf %get3A_66, %mul3A_68 : vector<1x128xf32>
      %tanh3A_70 = math.tanh %mul3A_69 : vector<1x128xf32>
      %get3A_71 = arith.constant 1 : index
      %get3A_72 = arith.constant 0 : index
      %get3A_73 = vector.load %arg8[%get3A_71, %get3A_72] : memref<2x128xf32, #tpu.memory_space<vmem>>, vector<1x128xf32>
      %mul3A_74 = arith.constant 9.99999974E-5 : f32
      %mul3A_75 = vector.broadcast %mul3A_74 : f32 to vector<1x128xf32>
      %mul3A_76 = arith.mulf %get3A_73, %mul3A_75 : vector<1x128xf32>
      %tanh3A_77 = math.tanh %mul3A_76 : vector<1x128xf32>
      %get3A_78 = arith.constant 0 : index
      %get3A_79 = arith.constant 0 : index
      %get3A_80 = arith.constant 0 : index
      %get3A_81 = vector.load %arg5[%get3A_78, %get3A_79, %get3A_80] : memref<2x128x128xf32, #tpu.memory_space<vmem>>, vector<1x128x128xf32>
      %get3A_82 = vector.shape_cast %get3A_81 : vector<1x128x128xf32> to vector<128x128xf32>
      %dot_general3A = arith.constant dense<0.000000e+00> : vector<1x128xf32>
      %dot_general3A_83 = tpu.matmul %tanh3A_70, %get3A_82, %dot_general3A {dimension_numbers = #tpu.dot_dimension_numbers<[1], [0], [0], [1], [0, 0, 1, 1], [], []>, precision = #tpu.contract_precision<fp32>, transpose_lhs_hint = false} : vector<1x128xf32>, vector<128x128xf32>, vector<1x128xf32> -> vector<1x128xf32>
      %get3A_84 = arith.constant 1 : index
      %get3A_85 = arith.constant 0 : index
      %get3A_86 = arith.constant 0 : index
      %get3A_87 = vector.load %arg5[%get3A_84, %get3A_85, %get3A_86] : memref<2x128x128xf32, #tpu.memory_space<vmem>>, vector<1x128x128xf32>
      %get3A_88 = vector.shape_cast %get3A_87 : vector<1x128x128xf32> to vector<128x128xf32>
      %dot_general3A_89 = arith.constant dense<0.000000e+00> : vector<1x128xf32>
      %dot_general3A_90 = tpu.matmul %tanh3A_77, %get3A_88, %dot_general3A_89 {dimension_numbers = #tpu.dot_dimension_numbers<[1], [0], [0], [1], [0, 0, 1, 1], [], []>, precision = #tpu.contract_precision<fp32>, transpose_lhs_hint = false} : vector<1x128xf32>, vector<128x128xf32>, vector<1x128xf32> -> vector<1x128xf32>
      %add3A_91 = arith.addf %dot_general3A_83, %dot_general3A_90 : vector<1x128xf32>
      %get3A_92 = arith.constant 0 : index
      %get3A_93 = arith.constant 0 : index
      %get3A_94 = vector.load %arg6[%get3A_92, %get3A_93] : memref<1x128xf32, #tpu.memory_space<vmem>>, vector<1x128xf32>
      %add3A_95 = arith.addf %add3A_91, %get3A_94 : vector<1x128xf32>
      %swap3A_96 = arith.constant 0 : index
      %swap3A_97 = arith.constant 0 : index
      %swap3A_98 = vector.load %arg7[%swap3A_96, %swap3A_97] : memref<1x128xf32, #tpu.memory_space<vmem>>, vector<1x128xf32>
      tpu.vector_store %arg7[%swap3A_96, %swap3A_97], %add3A_95 {strides = array<i32>} : memref<1x128xf32, #tpu.memory_space<vmem>>, vector<1x128xf32>,
    } else {
    }
    return
  }
  func.func @transform_0(%arg0: i32) -> (i32, i32) {
    %c0_i32 = arith.constant 0 : i32
    %c0_i32_0 = arith.constant 0 : i32
    return %arg0, %c0_i32 : i32, i32
  }
  func.func @transform_1(%arg0: i32) -> (i32, i32) {
    %c0_i32 = arith.constant 0 : i32
    %c0_i32_0 = arith.constant 0 : i32
    return %arg0, %c0_i32 : i32, i32
  }
  func.func @transform_2(%arg0: i32) -> (i32, i32) {
    %c0_i32 = arith.constant 0 : i32
    %c0_i32_0 = arith.constant 0 : i32
    return %arg0, %c0_i32 : i32, i32
  }
  func.func @transform_3(%arg0: i32) -> (i32, i32) {
    %c0_i32 = arith.constant 0 : i32
    %c0_i32_0 = arith.constant 0 : i32
    %c0_i32_1 = arith.constant 0 : i32
    return %c0_i32, %c0_i32_0 : i32, i32
  }
  func.func @transform_4(%arg0: i32) -> (i32, i32, i32) {
    %c0_i32 = arith.constant 0 : i32
    %c0_i32_0 = arith.constant 0 : i32
    %c0_i32_1 = arith.constant 0 : i32
    %c0_i32_2 = arith.constant 0 : i32
    return %c0_i32, %c0_i32_0, %c0_i32_1 : i32, i32, i32
  }
  func.func @transform_5(%arg0: i32) -> (i32, i32) {
    %c0_i32 = arith.constant 0 : i32
    %c0_i32_0 = arith.constant 0 : i32
    %c0_i32_1 = arith.constant 0 : i32
    return %c0_i32, %c0_i32_0 : i32, i32
  }
  func.func @transform_6(%arg0: i32) -> (i32, i32) {
    %c0_i32 = arith.constant 0 : i32
    %c0_i32_0 = arith.constant 0 : i32
    %c0_i32_1 = arith.constant 0 : i32
    return %c0_i32, %c0_i32_0 : i32, i32
  }
}

</mosaic_0001>

<sc_bundles>
// kernel: kernel.10.cloned.1.call-start
scs
__scs_entry_jumppad:
0x0: {  	(pc) =	sbr.rel $0x88, $3  }
0x1: {  	(tag) =	ssettag $0x0;
	lr =	simm.s32 $0x1  }
0x2: {  	[smem:$0x3F97] =	sst lr;
	_ =	strace $0xD0000000  }
0x3: {  	_ = 	snop  }
0x4: {  	_ = 	snop  }
0x5: {  	_ = 	snop  }
0x6: {  	_ = 	snop  }
0x7: {  	_ = 	snop  }
__scs_overlays_trampoline_lowered:
0x8: {  	[smem:$0x3FA6] =	sst s0  }
0x9: {  	[smem:$0x3FA7] =	sst s1  }
0xa: {  	[smem:$0x3FA8] =	sst s2  }
0xb: {  	[smem:$0x3FA9] =	sst s3  }
0xc: {  	[smem:$0x3FAA] =	sst s4  }
0xd: {  	[smem:$0x3FAB] =	sst s5  }
0xe: {  	[smem:$0x3FAC] =	sst s6  }
0xf: {  	[smem:$0x3FAD] =	sst s7  }
0x10: {  	[smem:$0x3FAE] =	sst s8  }
0x11: {  	[smem:$0x3FAF] =	sst s9;
	s0 =	simm.s32 @!p0 $0x0  }
0x12: {  	s1 =	sld [smem:$0x3F95];
	s0 =	simm.s32 @p0 $0x1  }
0x13: {  	[smem:$0x3FB0] =	sst s0;
	s0 =	simm.s32 @!p1 $0x0  }
0x14: {  	s2 =	sld [smem:$0x3F94];
	s0 =	simm.s32 @p1 $0x1  }
0x15: {  	[smem:$0x3FB1] =	sst s0;
	s0 =	simm.s32 @!p2 $0x0  }
0x16: {  	s3 =	sld [smem:$0x3FDB];
	s0 =	simm.s32 @p2 $0x1  }
0x17: {  	s4 =	simm.s32 $0x1BF5;
	[smem:$0x3FB3] =	sst s0  }
0x18: {  	s0 =	sld [smem:$0x3F96];
	_ =	swait.ge [sflag:s4], $0x0  }
0x19: {  	s7 =	sld [smem:$0x3F97]  }
0x1a: {  	s8 =	sadd.s32 $0xFFFFE003, lr  }
0x1b: {  	s9 =	sadd.s32 $0xFFFFFEF7, lr;
	s5 =	simm.s32 $0xFFFFFFFF;
	p2 =	slt.u32 s8, $0xFFFFF086  }
0x1c: {  	p1 =	slt.u32 s9, $0xF7A;
	s5 =	simm.s32 @!p2 $0x0  }
0x1d: {  	s5 =	simm.s32 @p1 $0x1;
	p0 =	seq.s32 s7, s2  }
0x1e: {  	s7 =	smul.u32 @!p0 $0xF7A, s2;
	p2 =	seq.s32 @!p0 s5, $0x0  }
0x1f: {  	s9 =	smul.u32 $0xF7A, s1;
	s8 =	simm.s32 @!p0 $0x1BF5;
	p2 =	por !p2, p0  }
0x20: {  	[sflag:s8] =	ssyncset.s32 @!p0 $0xFFFFF086;
	s6 =	sadd.s32 @!p0 s3, s7;
	s7 =	simm.s32 @!p0 $0x108  }
0x21: {  	s3 =	sadd.s32 s3, s9;
	s6 =	sadd.s32 @!p0 $0x88, s6;
	s7 =	simm.s32 @p2 $0x1082  }
0x22: {  	[simem:s7], [sflag:s8] =	dma.local @!p0 [hbm:s6], $0xF7A  }
0x23: {  	s9 =	sor.u32 $0xD0000000, s2;
	s6 =	simm.s32 $0x108;
	_ =	swait.ge @!p0 [sflag:s8], $0x0  }
0x24: {  	s3 =	sadd.s32 $0x88, s3;
	s6 =	simm.s32 @!p1 $0x1082;
	[sflag:s4] =	ssyncset.s32 $0xFFFFF086  }
0x25: {  	[simem:s6], [sflag:s4] =	dma.local [hbm:s3], $0xF7A  }
0x26: {  	[smem:$0x3F97] =	sst s1;
	(tag) =	ssettag s2;
	_ =	strace s9  }
0x27: {  	s1 =	sld [smem:$0x3FA7]  }
0x28: {  	s2 =	sld [smem:$0x3FA8]  }
0x29: {  	s4 =	sld [smem:$0x3FAA]  }
0x2a: {  	p0 =	seq.s32 s5, $0x0;
	s5 =	sld [smem:$0x3FAB]  }
0x2b: {  	s6 =	sld [smem:$0x3FAC]  }
0x2c: {  	s7 =	sld [smem:$0x3FAD]  }
0x2d: {  	s3 =	simm.s32 $0x108;
	s8 =	sld [smem:$0x3FAE]  }
0x2e: {  	s3 =	simm.s32 @!p0 $0x1082;
	s9 =	sld [smem:$0x3FAF]  }
0x2f: {  	lr =	sadd.s32 s0, s3;
	s0 =	sld [smem:$0x3FA6]  }
0x30: {  	s3 =	sld [smem:$0x3FA9]  }
0x31: {  	[smem:$0x3FB2] =	sst s10  }
0x32: {  	s10 =	sld [smem:$0x3FB0];
	_ =	sdelay $0x3  }
0x33: {  	p0 =	seq.s32 s10, $0x1;
	s10 =	sld [smem:$0x3FB2];
	_ =	sdelay $0x3  }
0x34: {  	[smem:$0x3FB2] =	sst s10  }
0x35: {  	s10 =	sld [smem:$0x3FB1];
	_ =	sdelay $0x3  }
0x36: {  	p1 =	seq.s32 s10, $0x1;
	s10 =	sld [smem:$0x3FB2];
	_ =	sdelay $0x3  }
0x37: {  	[smem:$0x3FB2] =	sst s10  }
0x38: {  	s10 =	sld [smem:$0x3FB3]  }
0x39: {  	_ = 	snop;
	(pc) =	sbr.ind lr, $3  }
0x3a: {  	_ = 	snop  }
0x3b: {  	_ = 	snop  }
0x3c: {  	p2 =	seq.s32 s10, $0x1;
	s10 =	sld [smem:$0x3FB2]  }
0x3d: {  	_ =	shalt  }
0x3e: {  	_ =	shalt  }
0x3f: {  	_ =	shalt  }
0x40: {  	_ =	shalt  }
0x41: {  	_ =	shalt  }
0x42: {  	_ =	shalt  }
0x43: {  	_ =	shalt  }
0x44: {  	_ =	shalt  }
0x45: {  	_ =	shalt  }
0x46: {  	_ =	shalt  }
0x47: {  	_ =	shalt  }
0x48: {  	_ =	shalt  }
0x49: {  	_ =	shalt  }
0x4a: {  	_ =	shalt  }
0x4b: {  	_ =	shalt  }
0x4c: {  	_ =	shalt  }
0x4d: {  	_ =	shalt  }
0x4e: {  	_ =	shalt  }
0x4f: {  	_ =	shalt  }
0x50: {  	_ =	shalt  }
0x51: {  	_ =	shalt  }
0x52: {  	_ =	shalt  }
0x53: {  	_ =	shalt  }
0x54: {  	_ =	shalt  }
0x55: {  	_ =	shalt  }
0x56: {  	_ =	shalt  }
0x57: {  	_ =	shalt  }
0x58: {  	_ =	shalt  }
0x59: {  	_ =	shalt  }
0x5a: {  	_ =	shalt  }
0x5b: {  	_ =	shalt  }
0x5c: {  	_ =	shalt  }
0x5d: {  	_ =	shalt  }
0x5e: {  	_ =	shalt  }
0x5f: {  	_ =	shalt  }
0x60: {  	_ =	shalt  }
0x61: {  	_ =	shalt  }
0x62: {  	_ =	shalt  }
0x63: {  	_ =	shalt  }
0x64: {  	_ =	shalt  }
0x65: {  	_ =	shalt  }
0x66: {  	_ =	shalt  }
0x67: {  	_ =	shalt  }
0x68: {  	_ =	shalt  }
0x69: {  	_ =	shalt  }
0x6a: {  	_ =	shalt  }
0x6b: {  	_ =	shalt  }
0x6c: {  	_ =	shalt  }
0x6d: {  	_ =	shalt  }
0x6e: {  	_ =	shalt  }
0x6f: {  	_ =	shalt  }
0x70: {  	_ =	shalt  }
0x71: {  	_ =	shalt  }
0x72: {  	_ =	shalt  }
0x73: {  	_ =	shalt  }
0x74: {  	_ =	shalt  }
0x75: {  	_ =	shalt  }
0x76: {  	_ =	shalt  }
0x77: {  	_ =	shalt  }
0x78: {  	_ =	shalt  }
0x79: {  	_ =	shalt  }
0x7a: {  	_ =	shalt  }
0x7b: {  	_ =	shalt  }
0x7c: {  	_ =	shalt  }
0x7d: {  	_ =	shalt  }
0x7e: {  	_ =	shalt  }
0x7f: {  	_ =	shalt  }
0x80: {  	_ =	shalt  }
0x81: {  	_ =	shalt  }
0x82: {  	_ =	shalt  }
0x83: {  	_ =	shalt  }
0x84: {  	_ =	shalt  }
0x85: {  	_ =	shalt  }
0x86: {  	_ =	shalt  }
0x87: {  	_ =	shalt  }
.Lfunc_end0:
.L_simem_size_0:
called_computation_lowered:
.L_overlay_start_0:
0x88: {  	s2 =	sld [smem:$0x3FD9]  }
0x89: {  	s3 =	sld [smem:$0x3FFE];
	_ =	sdelay $0x1  }
0x8a: {  	s1 =	srdreg.scid  }
0x8b: {  	s0 =	sand.u32 $0x1, s1  }
0x8c: {  	s16 =	sshll.u32 s0, $0xA;
	s2 =	sadd.s32 s3, s2  }
0x8d: {  	s2 =	sadd.s32 s2, s16  }
0x8e: {  	[smem:$0x3FBE] =	sst s2  }
0x8f: {  	_ = 	snop  }
0x90: {  	(tm) =	ssettm $0x1  }
0x91: {  	s17 =	sld [smem:$0x3FFB];
	_ =	sdelay $0x3  }
0x92: {  	_ =	strace s17  }
0x93: {  	s2 =	sld [smem:$0x3FFC];
	_ =	sdelay $0x3  }
0x94: {  	_ =	strace s2  }
0x95: {  	s2 =	sld [smem:$0x3FFD];
	_ =	sdelay $0x3  }
0x96: {  	_ =	strace s2  }
0x97: {  	_ =	strace $0x8FFFFFFF  }
0x98: {  	s18 =	sld [smem:$0x3FDB];
	_ =	sdelay $0x1  }
0x99: {  	s19 =	simm.s32 $_scs_section_size  }
0x9a: {  	s4 =	simm.s32 $_size__tile_overlayer_lowered;
	s5 =	simm.s32 $_tile_overlayer_lowered  }
0x9b: {  	s22 =	simm.s32 $0x1BFF;
	s21 =	sshll.u32 s5, $0x1;
	s2 =	sadd.s32 s19, s18  }
0x9c: {  	s6 =	simm.s32 $0x0;
	s20 =	sshll.u32 s4, $0x1;
	s4 =	sadd.s32 s21, s2  }
0x9d: {  	[timem:s6], [sflag:s22] =	dma.local [hbm:s4], s20  }
0x9e: {  	_ =	swait.ge [sflag:s22], s20  }
0x9f: {  	s3 =	ssub.s32 $0x0, s20;
	[sflag:s22] =	ssyncset.done $0x0  }
0xa0: {  	[sflag:s22] =	ssyncadd.s32 s3;
	_ =	sdelay $0x1  }
0xa1: {  	s23 =	simm.s32 $0x1B8B  }
0xa2: {  	_ =	swait.ge [sflag:s23], $0x1  }
0xa3: {  	[sflag:s23] =	ssyncset.done $0x0  }
0xa4: {  	s25 =	simm.s32 $0x1B8E;
	s24 =	sld [smem:$0x3FFE];
	[sflag:s23] =	ssyncadd.s32 $0xFFFFFFFF  }
0xa5: {  	s26 =	simm.s32 $execute0_lowered;
	[smem:$0x3FD2] =	sst s25  }
0xa6: {  	s4 =	sshll.u32 s26, $0x1;
	_ =	strace $0x80000046;
	[dreg:$0x1] =	wrdreg $0xFFFFFFFF  }
0xa7: {  	s28 =	simm.s32 $_size_execute0_lowered;
	s2 =	sadd.s32 s2, s4;
	[dreg:$0x0] =	wrdreg $0x0  }
0xa8: {  	s4 =	sshll.u32 s28, $0x1;
	[dreg:$0x2] =	wrdreg s2  }
0xa9: {  	[dreg:$0x3] =	wrdreg s4  }
0xaa: {  	[dreg:$0x4] =	wrdreg $0xC0  }
0xab: {  	_ =	task [dreg:s6], $0x5FFFF  }
0xac: {  	[dreg:$0x1] =	wrdreg $0xFFFFFFFF  }
0xad: {  	[dreg:$0x0] =	wrdreg $0x60  }
0xae: {  	[dreg:$0x2] =	wrdreg s24  }
0xaf: {  	[dreg:$0x3] =	wrdreg $0x68000  }
0xb0: {  	[dreg:$0x4] =	wrdreg $0x9  }
0xb1: {  	_ =	task.clear_ibuf [dreg:s6], $0x5FFFF;
	_ =	strace $0x90000046  }
0xb2: {  	s29 =	simm.s32 $0x9;
	_ =	strace $0x80000048  }
0xb3: {  	_ =	swait.ge [sflag:s29], $0x1  }
0xb4: {  	[sflag:s29] =	ssyncadd.s32 $0xFFFFFFFF  }
0xb5: {  	_ =	strace $0x90000048  }
0xb6: {  	_ =	sfence  }
0xb7: {  	s30 =	sld [smem:$0x0];
	_ =	sdelay $0x2  }
0xb8: {  	s31 =	sshll.u32 s1, $0xD;
	s1 =	sshrl.u32 s1, $0x2  }
0xb9: {  	s3 =	sand.u32 $0x4000, s31;
	s1 =	sadd.s32 s1, s30  }
0xba: {  	s0 =	sor.u32 s3, s0;
	s1 =	sshll.u32 s1, $0x11  }
0xbb: {  	s0 =	sor.u32 s1, s0  }
0xbc: {  	s0 =	sadd.s32 $0x8F2B, s0  }
0xbd: {  	[sflag:s0] =	ssyncadd.remote.s32 $0x1  }
0xbe: {  	_ =	sfence.sel $0xFFFF  }
0xbf: {  	[dreg:$0x0] =	wrdreg $0xFFFFFFFF;
	(pc) =	sbr.abs _section_cstart, $3  }
0xc0: {  	[dreg:$0x1] =	wrdreg $0xFFFFFFFF  }
0xc1: {  	_ =	task.clear_ibuf [dreg:s6], $0x2FFFF;
	_ =	strace $0x9FFFFFFF  }
0xc2: {  	(tm) =	ssettm $0x7FFFFFFF  }
0xc3: {  	_ =	shalt  }
tec
execute0_lowered:
.L_overlay_start_1:
0x0: {  	(tag) =	ssettag $0x1  }
0x1: {  	s0 =	srdreg.scid;
	s6 =	rddreg [dreg:$0x0]  }
0x2: {  	s2 =	rddreg [dreg:$0x1];
	s3 =	simm.s32 $0x0;
	s12 =	simm.s32 $0x7D  }
0x3: {  	s5 =	sand.u32 $0x1, s0;
	s0 =	stileid.u32;
	[smem:$0x7FF] =	sst s3  }
0x4: {  	s1 =	sshll.u32 s5, $0x4;
	s8 =	smul.u32 $0x28000, s5;
	s9 =	ssub.s32 $0x2, s5  }
0x5: {  	s10 =	smul.u32 $0x50000, s0;
	s5 =	sadd.s32 $0x10200, s6;
	s31 =	sshll.u32 s0, $0x6  }
0x6: {  	s14 =	smul.u32 $0x2800, s0;
	s4 =	sor.u32 s0, s1;
	s1 =	rddreg [dreg:$0x2]  }
0x7: {  	_ =	strace $0x80000047;
	s29 =	sshrl.u32 s9, $0x1;
	s4 =	smul.u32 $0x500, s4  }
0x8: {  	s8 =	sadd.s32 s8, s6;
	s9 =	ssub.s32 s9, s29;
	s30 =	sshrl.u32 s10, $0x2  }
0x9: {  	s10 =	simm.s32 $0x1;
	s11 =	sadd.s32 s30, s2;
	s13 =	sadd.s32 $0x13200, s8  }
0xa: {  	s8 =	smax.u32 s9, $0x1;
	s7 =	sadd.s32 s4, s6;
	s4 =	sadd.s32 $0x12A00, s6  }
0xb: {  	s6 =	sor.u32 $0x1C01, s31;
	s9 =	sshrl.u32 s11, $0x3;
	s11 =	simm.s32 $0x2800  }
0xc: {  	s13 =	sadd.s32 s14, s13;
	s14 =	simm.s32 $0x0;
	s7 =	sadd.s32 $0x6200, s7  }
.LBB2_1:
0xd: {  	[spmem:s9], [sflag:s6] =	dma.local [hbm:s5], $0x2800  }
0xe: {  	_ =	swait.ge [sflag:s10], $0x2800  }
0xf: {  	[sflag:s10] =	ssyncset.done $0x0  }
0x10: {  	[sflag:s10] =	ssyncadd.s32 $0xFFFFD800  }
0x11: {  	[tilespmem:s11], [sflag:$0x1] =	stream.linear.gather [hbm4b:s4+s3], $0x3E80, $0x38;
	[tilespmem:$0x1A800] =	vst v63  }
0x12: {  	_ =	swait.ge [sflag:s10], $0x3E80  }
0x13: {  	[sflag:s10] =	ssyncset.done $0x0  }
0x14: {  	[sflag:s10] =	ssyncadd.s32 $0xFFFFC180  }
0x15: {  	[tilespmem:s3], [sflag:$0x1] =	stream.linear.gather [hbm4b:s7+s3], $0x2800, $0x38;
	[tilespmem:$0x1A800] =	vst v63  }
0x16: {  	_ =	swait.ge [sflag:s10], $0x2800  }
0x17: {  	[sflag:s10] =	ssyncset.done $0x0  }
0x18: {  	[sflag:s10] =	ssyncadd.s32 $0xFFFFD800  }
0x19: {  	s15 =	simm.s32 $0x0;
	[bflag:$0x0] =	sbarrier.arrive $0xFFFF  }
0x1a: {  	[spmem:s2] =	stream.indirect.scatter.add.f32 [tilespmem:s11], [sflag:$0x1], $0x80, s15, s12, $0xb8;
	[tilespmem:$0x1A800] =	vst v63  }
0x1b: {  	_ =	swait.ge [sflag:s10], $0x3E80  }
0x1c: {  	s15 =	simm.s32 $0x200;
	[sflag:s10] =	ssyncset.done $0x0  }
.LBB2_2:
0x1d: {  	s16 =	sshra.s32 s15, $0x2;
	[sflag:s10] =	ssyncadd.s32 $0xFFFFC180;
	p0 =	sne.s32 s15, $0x9E00  }
0x1e: {  	[spmem:s2] =	stream.indirect.scatter.add.f32 [tilespmem:s11], [sflag:$0x1], $0x80, s16, s12, $0xb8;
	[tilespmem:$0x1A800] =	vst v63  }
.Ltmp0:
0x1f: {  	_ = 	snop;
	(pc) =	sbr.rel @p0 .LBB2_2-.Ltmp0, $4  }
0x20: {  	_ = 	snop  }
0x21: {  	s15 =	sadd.s32 $0x200, s15  }
0x22: {  	_ =	swait.ge [sflag:s10], $0x3E80  }
0x23: {  	[sflag:s10] =	ssyncset.done $0x0  }
0x24: {  	s14 =	sadd.s32 $0x1, s14  }
0x25: {  	[sflag:s10] =	ssyncadd.s32 $0xFFFFC180;
	p0 =	sne.s32 s14, s8  }
.Ltmp1:
0x26: {  	[bflag:$0x0] =	sbarrier.arrive $0xFFFF;
	(pc) =	sbr.rel @p0 .LBB2_1-.Ltmp1, $4  }
0x27: {  	[hbm:s13], [sflag:s6] =	dma.local [spmem:s9], $0x2800  }
0x28: {  	_ =	swait.ge [sflag:s10], $0x2800  }
0x29: {  	[sflag:s10] =	ssyncset.done $0x0  }
0x2a: {  	[sflag:s10] =	ssyncadd.s32 $0xFFFFD800  }
0x2b: {  	_ =	sfence.sel $0x180000  }
0x2c: {  	[bflag:$0x0] =	sbarrier.arrive $0xFFFF  }
0x2d: {  	p0 =	sne.s32 s0, $0x0;
	_ =	strace $0x90000047  }
0x2e: {  	s0 =	sadd.s32 @!p0 $0x100000, s1;
	[bflag:$0x2] =	sbarrier.arrive $0xFFFF  }
0x2f: {  	[sflag:s0] =	ssyncadd.tile.s32 @!p0 $0x1;
	_ =	shalt  }
.Lfunc_end2:
_tile_overlayer_lowered:
.L_overlay_start_2:
0x30: {  	(tag) =	ssettag $0x2  }
0x31: {  	s0 =	rddreg [dreg:$0x0];
	s2 =	stileid.u32  }
0x32: {  	s1 =	rddreg [dreg:$0x1];
	p0 =	sne.s32 s2, $0x0  }
0x33: {  	s3 =	rddreg [dreg:$0x2];
	[bflag:$0x3] =	sbarrier.arrive $0xFFFF;
	s2 =	simm.s32 @!p0 $0x1C01  }
0x34: {  	[timem:s3], [sflag:s2] =	dma.local @!p0 [hbm:s0], s1  }
0x35: {  	s0 =	simm.s32 @!p0 $0x1  }
0x36: {  	_ =	swait.ge @!p0 [sflag:s0], s1  }
0x37: {  	s1 =	ssub.s32 @!p0 $0x0, s1;
	[sflag:s0] =	ssyncset.done @!p0 $0x0  }
0x38: {  	[sflag:s0] =	ssyncadd.s32 @!p0 s1  }
0x39: {  	[bflag:$0x3] =	sbarrier.arrive $0xFFFF  }
0x3a: {  	_ =	shalt  }

// kernel: kernel.13.cloned.1.call-start
scs
__scs_entry_jumppad:
0x0: {  	(pc) =	sbr.rel $0x88, $3  }
0x1: {  	(tag) =	ssettag $0x0;
	lr =	simm.s32 $0x1  }
0x2: {  	[smem:$0x3F97] =	sst lr;
	_ =	strace $0xD0000000  }
0x3: {  	_ = 	snop  }
0x4: {  	_ = 	snop  }
0x5: {  	_ = 	snop  }
0x6: {  	_ = 	snop  }
0x7: {  	_ = 	snop  }
__scs_overlays_trampoline_lowered:
0x8: {  	[smem:$0x3FA6] =	sst s0  }
0x9: {  	[smem:$0x3FA7] =	sst s1  }
0xa: {  	[smem:$0x3FA8] =	sst s2  }
0xb: {  	[smem:$0x3FA9] =	sst s3  }
0xc: {  	[smem:$0x3FAA] =	sst s4  }
0xd: {  	[smem:$0x3FAB] =	sst s5  }
0xe: {  	[smem:$0x3FAC] =	sst s6  }
0xf: {  	[smem:$0x3FAD] =	sst s7  }
0x10: {  	[smem:$0x3FAE] =	sst s8  }
0x11: {  	[smem:$0x3FAF] =	sst s9;
	s0 =	simm.s32 @!p0 $0x0  }
0x12: {  	s1 =	sld [smem:$0x3F95];
	s0 =	simm.s32 @p0 $0x1  }
0x13: {  	[smem:$0x3FB0] =	sst s0;
	s0 =	simm.s32 @!p1 $0x0  }
0x14: {  	s2 =	sld [smem:$0x3F94];
	s0 =	simm.s32 @p1 $0x1  }
0x15: {  	[smem:$0x3FB1] =	sst s0;
	s0 =	simm.s32 @!p2 $0x0  }
0x16: {  	s3 =	sld [smem:$0x3FDB];
	s0 =	simm.s32 @p2 $0x1  }
0x17: {  	s4 =	simm.s32 $0x1BF5;
	[smem:$0x3FB3] =	sst s0  }
0x18: {  	s0 =	sld [smem:$0x3F96];
	_ =	swait.ge [sflag:s4], $0x0  }
0x19: {  	s7 =	sld [smem:$0x3F97]  }
0x1a: {  	s8 =	sadd.s32 $0xFFFFE003, lr  }
0x1b: {  	s9 =	sadd.s32 $0xFFFFFEF7, lr;
	s5 =	simm.s32 $0xFFFFFFFF;
	p2 =	slt.u32 s8, $0xFFFFF086  }
0x1c: {  	p1 =	slt.u32 s9, $0xF7A;
	s5 =	simm.s32 @!p2 $0x0  }
0x1d: {  	s5 =	simm.s32 @p1 $0x1;
	p0 =	seq.s32 s7, s2  }
0x1e: {  	s7 =	smul.u32 @!p0 $0xF7A, s2;
	p2 =	seq.s32 @!p0 s5, $0x0  }
0x1f: {  	s9 =	smul.u32 $0xF7A, s1;
	s8 =	simm.s32 @!p0 $0x1BF5;
	p2 =	por !p2, p0  }
0x20: {  	[sflag:s8] =	ssyncset.s32 @!p0 $0xFFFFF086;
	s6 =	sadd.s32 @!p0 s3, s7;
	s7 =	simm.s32 @!p0 $0x108  }
0x21: {  	s3 =	sadd.s32 s3, s9;
	s6 =	sadd.s32 @!p0 $0x88, s6;
	s7 =	simm.s32 @p2 $0x1082  }
0x22: {  	[simem:s7], [sflag:s8] =	dma.local @!p0 [hbm:s6], $0xF7A  }
0x23: {  	s9 =	sor.u32 $0xD0000000, s2;
	s6 =	simm.s32 $0x108;
	_ =	swait.ge @!p0 [sflag:s8], $0x0  }
0x24: {  	s3 =	sadd.s32 $0x88, s3;
	s6 =	simm.s32 @!p1 $0x1082;
	[sflag:s4] =	ssyncset.s32 $0xFFFFF086  }
0x25: {  	[simem:s6], [sflag:s4] =	dma.local [hbm:s3], $0xF7A  }
0x26: {  	[smem:$0x3F97] =	sst s1;
	(tag) =	ssettag s2;
	_ =	strace s9  }
0x27: {  	s1 =	sld [smem:$0x3FA7]  }
0x28: {  	s2 =	sld [smem:$0x3FA8]  }
0x29: {  	s4 =	sld [smem:$0x3FAA]  }
0x2a: {  	p0 =	seq.s32 s5, $0x0;
	s5 =	sld [smem:$0x3FAB]  }
0x2b: {  	s6 =	sld [smem:$0x3FAC]  }
0x2c: {  	s7 =	sld [smem:$0x3FAD]  }
0x2d: {  	s3 =	simm.s32 $0x108;
	s8 =	sld [smem:$0x3FAE]  }
0x2e: {  	s3 =	simm.s32 @!p0 $0x1082;
	s9 =	sld [smem:$0x3FAF]  }
0x2f: {  	lr =	sadd.s32 s0, s3;
	s0 =	sld [smem:$0x3FA6]  }
0x30: {  	s3 =	sld [smem:$0x3FA9]  }
0x31: {  	[smem:$0x3FB2] =	sst s10  }
0x32: {  	s10 =	sld [smem:$0x3FB0];
	_ =	sdelay $0x3  }
0x33: {  	p0 =	seq.s32 s10, $0x1;
	s10 =	sld [smem:$0x3FB2];
	_ =	sdelay $0x3  }
0x34: {  	[smem:$0x3FB2] =	sst s10  }
0x35: {  	s10 =	sld [smem:$0x3FB1];
	_ =	sdelay $0x3  }
0x36: {  	p1 =	seq.s32 s10, $0x1;
	s10 =	sld [smem:$0x3FB2];
	_ =	sdelay $0x3  }
0x37: {  	[smem:$0x3FB2] =	sst s10  }
0x38: {  	s10 =	sld [smem:$0x3FB3]  }
0x39: {  	_ = 	snop;
	(pc) =	sbr.ind lr, $3  }
0x3a: {  	_ = 	snop  }
0x3b: {  	_ = 	snop  }
0x3c: {  	p2 =	seq.s32 s10, $0x1;
	s10 =	sld [smem:$0x3FB2]  }
0x3d: {  	_ =	shalt  }
0x3e: {  	_ =	shalt  }
0x3f: {  	_ =	shalt  }
0x40: {  	_ =	shalt  }
0x41: {  	_ =	shalt  }
0x42: {  	_ =	shalt  }
0x43: {  	_ =	shalt  }
0x44: {  	_ =	shalt  }
0x45: {  	_ =	shalt  }
0x46: {  	_ =	shalt  }
0x47: {  	_ =	shalt  }
0x48: {  	_ =	shalt  }
0x49: {  	_ =	shalt  }
0x4a: {  	_ =	shalt  }
0x4b: {  	_ =	shalt  }
0x4c: {  	_ =	shalt  }
0x4d: {  	_ =	shalt  }
0x4e: {  	_ =	shalt  }
0x4f: {  	_ =	shalt  }
0x50: {  	_ =	shalt  }
0x51: {  	_ =	shalt  }
0x52: {  	_ =	shalt  }
0x53: {  	_ =	shalt  }
0x54: {  	_ =	shalt  }
0x55: {  	_ =	shalt  }
0x56: {  	_ =	shalt  }
0x57: {  	_ =	shalt  }
0x58: {  	_ =	shalt  }
0x59: {  	_ =	shalt  }
0x5a: {  	_ =	shalt  }
0x5b: {  	_ =	shalt  }
0x5c: {  	_ =	shalt  }
0x5d: {  	_ =	shalt  }
0x5e: {  	_ =	shalt  }
0x5f: {  	_ =	shalt  }
0x60: {  	_ =	shalt  }
0x61: {  	_ =	shalt  }
0x62: {  	_ =	shalt  }
0x63: {  	_ =	shalt  }
0x64: {  	_ =	shalt  }
0x65: {  	_ =	shalt  }
0x66: {  	_ =	shalt  }
0x67: {  	_ =	shalt  }
0x68: {  	_ =	shalt  }
0x69: {  	_ =	shalt  }
0x6a: {  	_ =	shalt  }
0x6b: {  	_ =	shalt  }
0x6c: {  	_ =	shalt  }
0x6d: {  	_ =	shalt  }
0x6e: {  	_ =	shalt  }
0x6f: {  	_ =	shalt  }
0x70: {  	_ =	shalt  }
0x71: {  	_ =	shalt  }
0x72: {  	_ =	shalt  }
0x73: {  	_ =	shalt  }
0x74: {  	_ =	shalt  }
0x75: {  	_ =	shalt  }
0x76: {  	_ =	shalt  }
0x77: {  	_ =	shalt  }
0x78: {  	_ =	shalt  }
0x79: {  	_ =	shalt  }
0x7a: {  	_ =	shalt  }
0x7b: {  	_ =	shalt  }
0x7c: {  	_ =	shalt  }
0x7d: {  	_ =	shalt  }
0x7e: {  	_ =	shalt  }
0x7f: {  	_ =	shalt  }
0x80: {  	_ =	shalt  }
0x81: {  	_ =	shalt  }
0x82: {  	_ =	shalt  }
0x83: {  	_ =	shalt  }
0x84: {  	_ =	shalt  }
0x85: {  	_ =	shalt  }
0x86: {  	_ =	shalt  }
0x87: {  	_ =	shalt  }
.Lfunc_end0:
.L_simem_size_0:
called_computation.1_lowered:
.L_overlay_start_0:
0x88: {  	s2 =	sld [smem:$0x3FD9]  }
0x89: {  	s3 =	sld [smem:$0x3FFE];
	_ =	sdelay $0x1  }
0x8a: {  	s1 =	srdreg.scid  }
0x8b: {  	s0 =	sand.u32 $0x1, s1  }
0x8c: {  	s16 =	sshll.u32 s0, $0xA;
	s2 =	sadd.s32 s3, s2  }
0x8d: {  	s2 =	sadd.s32 s2, s16  }
0x8e: {  	[smem:$0x3FBE] =	sst s2  }
0x8f: {  	_ = 	snop  }
0x90: {  	(tm) =	ssettm $0x1  }
0x91: {  	s17 =	sld [smem:$0x3FFB];
	_ =	sdelay $0x3  }
0x92: {  	_ =	strace s17  }
0x93: {  	s2 =	sld [smem:$0x3FFC];
	_ =	sdelay $0x3  }
0x94: {  	_ =	strace s2  }
0x95: {  	s2 =	sld [smem:$0x3FFD];
	_ =	sdelay $0x3  }
0x96: {  	_ =	strace s2  }
0x97: {  	_ =	strace $0x8FFFFFFF  }
0x98: {  	s18 =	sld [smem:$0x3FDB];
	_ =	sdelay $0x1  }
0x99: {  	s19 =	simm.s32 $_scs_section_size  }
0x9a: {  	s4 =	simm.s32 $_size__tile_overlayer_lowered;
	s5 =	simm.s32 $_tile_overlayer_lowered  }
0x9b: {  	s22 =	simm.s32 $0x1BFF;
	s21 =	sshll.u32 s5, $0x1;
	s2 =	sadd.s32 s19, s18  }
0x9c: {  	s6 =	simm.s32 $0x0;
	s20 =	sshll.u32 s4, $0x1;
	s4 =	sadd.s32 s21, s2  }
0x9d: {  	[timem:s6], [sflag:s22] =	dma.local [hbm:s4], s20  }
0x9e: {  	_ =	swait.ge [sflag:s22], s20  }
0x9f: {  	s3 =	ssub.s32 $0x0, s20;
	[sflag:s22] =	ssyncset.done $0x0  }
0xa0: {  	[sflag:s22] =	ssyncadd.s32 s3;
	_ =	sdelay $0x1  }
0xa1: {  	s23 =	simm.s32 $0x1B8B  }
0xa2: {  	_ =	swait.ge [sflag:s23], $0x1  }
0xa3: {  	[sflag:s23] =	ssyncset.done $0x0  }
0xa4: {  	s25 =	simm.s32 $0x1B8E;
	s24 =	sld [smem:$0x3FFE];
	[sflag:s23] =	ssyncadd.s32 $0xFFFFFFFF  }
0xa5: {  	s26 =	simm.s32 $execute0_lowered;
	[smem:$0x3FD2] =	sst s25  }
0xa6: {  	s4 =	sshll.u32 s26, $0x1;
	_ =	strace $0x80000049;
	[dreg:$0x1] =	wrdreg $0xFFFFFFFF  }
0xa7: {  	s28 =	simm.s32 $_size_execute0_lowered;
	s2 =	sadd.s32 s2, s4;
	[dreg:$0x0] =	wrdreg $0x0  }
0xa8: {  	s4 =	sshll.u32 s28, $0x1;
	[dreg:$0x2] =	wrdreg s2  }
0xa9: {  	[dreg:$0x3] =	wrdreg s4  }
0xaa: {  	[dreg:$0x4] =	wrdreg $0xC0  }
0xab: {  	_ =	task [dreg:s6], $0x5FFFF  }
0xac: {  	[dreg:$0x1] =	wrdreg $0xFFFFFFFF  }
0xad: {  	[dreg:$0x0] =	wrdreg $0x60  }
0xae: {  	[dreg:$0x2] =	wrdreg s24  }
0xaf: {  	[dreg:$0x3] =	wrdreg $0xA8000  }
0xb0: {  	[dreg:$0x4] =	wrdreg $0x9  }
0xb1: {  	_ =	task.clear_ibuf [dreg:s6], $0x5FFFF;
	_ =	strace $0x90000049  }
0xb2: {  	s29 =	simm.s32 $0x9;
	_ =	strace $0x8000004B  }
0xb3: {  	_ =	swait.ge [sflag:s29], $0x1  }
0xb4: {  	[sflag:s29] =	ssyncadd.s32 $0xFFFFFFFF  }
0xb5: {  	_ =	strace $0x9000004B  }
0xb6: {  	_ =	sfence  }
0xb7: {  	s30 =	sld [smem:$0x0];
	_ =	sdelay $0x2  }
0xb8: {  	s31 =	sshll.u32 s1, $0xD;
	s1 =	sshrl.u32 s1, $0x2  }
0xb9: {  	s3 =	sand.u32 $0x4000, s31;
	s1 =	sadd.s32 s1, s30  }
0xba: {  	s0 =	sor.u32 s3, s0;
	s1 =	sshll.u32 s1, $0x11  }
0xbb: {  	s0 =	sor.u32 s1, s0  }
0xbc: {  	s0 =	sadd.s32 $0x8F2B, s0  }
0xbd: {  	[sflag:s0] =	ssyncadd.remote.s32 $0x1  }
0xbe: {  	_ =	sfence.sel $0xFFFF  }
0xbf: {  	[dreg:$0x0] =	wrdreg $0xFFFFFFFF;
	(pc) =	sbr.abs _section_cstart, $3  }
0xc0: {  	[dreg:$0x1] =	wrdreg $0xFFFFFFFF  }
0xc1: {  	_ =	task.clear_ibuf [dreg:s6], $0x2FFFF;
	_ =	strace $0x9FFFFFFF  }
0xc2: {  	(tm) =	ssettm $0x7FFFFFFF  }
0xc3: {  	_ =	shalt  }
tec
execute0_lowered:
.L_overlay_start_1:
0x0: {  	(tag) =	ssettag $0x1  }
0x1: {  	s9 =	rddreg [dreg:$0x0]  }
0x2: {  	s0 =	stileid.u32;
	s2 =	rddreg [dreg:$0x1];
	s4 =	simm.s32 $0x0  }
0x3: {  	s8 =	srdreg.scid;
	s18 =	simm.s32 $0x1400;
	s19 =	simm.s32 $0x7D  }
0x4: {  	s20 =	simm.s32 $0x2800;
	s21 =	simm.s32 $0x6800;
	s22 =	simm.s32 $0x1  }
0x5: {  	s23 =	simm.s32 $0x2;
	s24 =	simm.s32 $0x1380;
	s25 =	simm.s32 $0x2700  }
0x6: {  	s26 =	simm.s32 $0x2780;
	s28 =	simm.s32 $0x0;
	s3 =	smul.u32 $0x2800, s0  }
0x7: {  	[smem:$0x7FF] =	sst s4;
	s6 =	sadd.s32 $0x62A00, s9;
	s7 =	sadd.s32 $0x10200, s9  }
0x8: {  	s16 =	sand.u32 $0x1, s8;
	s10 =	smul.u32 $0x50000, s0;
	s8 =	sadd.s32 $0x8AA00, s9  }
0x9: {  	s13 =	sshll.u32 s0, $0x6;
	_ =	strace $0x8000004A;
	s11 =	ssub.s32 $0x2, s16  }
0xa: {  	p0 =	sne.s32 s16, $0x0;
	s5 =	sshrl.u32 s3, $0x3;
	s12 =	sshrl.u32 s11, $0x1  }
.Ltmp0:
0xb: {  	s10 =	sshrl.u32 s10, $0x2;
	s14 =	sadd.s32 s5, s9;
	(pc) =	sbr.rel .LBB2_1-.Ltmp0, $4  }
0xc: {  	s5 =	sadd.s32 $0x3AA00, s9;
	s9 =	sadd.s32 $0xDB200, s9;
	s15 =	ssub.s32 s11, s12  }
0xd: {  	s17 =	sadd.s32 s10, s2;
	s10 =	sor.u32 $0x1C03, s13;
	s11 =	sadd.s32 $0x6200, s14  }
0xe: {  	s12 =	sadd.s32 $0xB200, s14;
	s13 =	sadd.s32 $0x6480, s14;
	s14 =	sadd.s32 $0xB480, s14  }
0xf: {  	s15 =	smax.u32 s15, $0x1;
	s16 =	sshrl.u32 s17, $0x3;
	s17 =	simm.s32 $0x3  }
.LBB2_11:
0x10: {  	s0 =	sadd.s32 $0x80, s29;
	[sflag:s17] =	ssyncadd.s32 $0xFFFFC180  }
0x11: {  	[tilespmem:s21], [sflag:$0x2] =	stream.indirect.gather [hbm4b:s6+s19], $0x80, s0, s19, $0xb8;
	[tilespmem:$0x1E800] =	vst v63  }
0x12: {  	_ =	swait.ge [sflag:s22], $0x3E80  }
0x13: {  	[sflag:s22] =	ssyncset.done $0x0  }
0x14: {  	s31 =	sadd.s32 $0x1400, s29;
	[sflag:s22] =	ssyncadd.s32 $0xFFFFC180  }
0x15: {  	[spmem:s2] =	stream.indirect.scatter.add.f32 [tilespmem:s20], [sflag:$0x3], $0x80, s31, s19, $0xb8;
	[tilespmem:$0x1E800] =	vst v63  }
0x16: {  	_ =	swait.ge [sflag:s17], $0x3E80  }
0x17: {  	[sflag:s17] =	ssyncset.done $0x0  }
0x18: {  	s1 =	sadd.s32 $0x100, s29;
	[sflag:s17] =	ssyncadd.s32 $0xFFFFC180  }
0x19: {  	[tilespmem:s20], [sflag:$0x1] =	stream.indirect.gather [hbm4b:s6+s19], $0x80, s1, s19, $0xb8;
	[tilespmem:$0x1E800] =	vst v63  }
0x1a: {  	_ =	swait.ge [sflag:s23], $0x3E80  }
0x1b: {  	[sflag:s23] =	ssyncset.done $0x0  }
0x1c: {  	s31 =	sadd.s32 $0x1480, s29;
	[sflag:s23] =	ssyncadd.s32 $0xFFFFC180  }
0x1d: {  	[spmem:s2] =	stream.indirect.scatter.add.f32 [tilespmem:s21], [sflag:$0x3], $0x80, s31, s19, $0xb8;
	[tilespmem:$0x1E800] =	vst v63  }
0x1e: {  	_ =	swait.ge [sflag:s17], $0x3E80  }
0x1f: {  	[sflag:s17] =	ssyncset.done $0x0  }
0x20: {  	s30 =	smov.u32 s6;
	s29 =	smov.u32 s9;
	[sflag:s17] =	ssyncadd.s32 $0xFFFFC180  }
0x21: {  	[tilespmem:s21], [sflag:$0x2] =	stream.indirect.gather [hbm4b:s6+s19], $0x80, s24, s19, $0xb8;
	[tilespmem:$0x1E800] =	vst v63  }
.LBB2_12:
0x22: {  	_ =	swait.ge [sflag:s22], $0x3E80  }
0x23: {  	[sflag:s22] =	ssyncset.done $0x0  }
0x24: {  	[sflag:s22] =	ssyncadd.s32 $0xFFFFC180  }
0x25: {  	[spmem:s2] =	stream.indirect.scatter.add.f32 [tilespmem:s20], [sflag:$0x3], $0x80, s25, s19, $0xb8;
	[tilespmem:$0x1E800] =	vst v63  }
0x26: {  	_ =	swait.ge [sflag:s17], $0x3E80  }
0x27: {  	[sflag:s17] =	ssyncset.done $0x0  }
0x28: {  	[sflag:s17] =	ssyncadd.s32 $0xFFFFC180  }
0x29: {  	[tilespmem:s20], [sflag:$0x1] =	stream.indirect.gather [hbm4b:s30+s19], $0x80, s4, s19, $0xb8;
	[tilespmem:$0x1E800] =	vst v63  }
0x2a: {  	_ =	swait.ge [sflag:s23], $0x3E80  }
0x2b: {  	[sflag:s23] =	ssyncset.done $0x0  }
0x2c: {  	[sflag:s23] =	ssyncadd.s32 $0xFFFFC180  }
0x2d: {  	[spmem:s2] =	stream.indirect.scatter.add.f32 [tilespmem:s21], [sflag:$0x3], $0x80, s26, s19, $0xb8;
	[tilespmem:$0x1E800] =	vst v63  }
0x2e: {  	_ =	swait.ge [sflag:s17], $0x3E80  }
0x2f: {  	[sflag:s17] =	ssyncset.done $0x0  }
0x30: {  	[sflag:s17] =	ssyncadd.s32 $0xFFFFC180  }
0x31: {  	_ =	swait.ge [sflag:s22], $0x3E80  }
0x32: {  	s28 =	sadd.s32 $0x1, s28;
	[sflag:s22] =	ssyncset.done $0x0  }
0x33: {  	p1 =	sne.s32 s28, s15;
	[sflag:s22] =	ssyncadd.s32 $0xFFFFC180  }
.Ltmp1:
0x34: {  	s0 =	sadd.s32 s29, s3;
	[bflag:$0x0] =	sbarrier.arrive $0xFFFF;
	(pc) =	sbr.rel @!p1 .LBB2_13-.Ltmp1, $4  }
0x35: {  	[hbm:s0], [sflag:s10] =	dma.local [spmem:s16], $0x2800  }
0x36: {  	_ =	swait.ge [sflag:s17], $0x2800  }
0x37: {  	[sflag:s17] =	ssyncset.done $0x0  }
0x38: {  	[sflag:s17] =	ssyncadd.s32 $0xFFFFD800  }
.LBB2_1:
0x39: {  	[spmem:s16], [sflag:s10] =	dma.local [hbm:s7], $0x2800  }
0x3a: {  	_ =	swait.ge [sflag:s17], $0x2800  }
0x3b: {  	[sflag:s17] =	ssyncset.done $0x0  }
0x3c: {  	[sflag:s17] =	ssyncadd.s32 $0xFFFFD800  }
0x3d: {  	[bflag:$0x0] =	sbarrier.arrive $0xFFFF  }
0x3e: {  	[tilespmem:s4], [sflag:$0x3] =	stream.linear.gather [hbm4b:s11+s4], $0x1400, $0x38;
	[tilespmem:$0x1E800] =	vst v63  }
0x3f: {  	_ =	swait.ge [sflag:s17], $0x1400  }
0x40: {  	[sflag:s17] =	ssyncset.done $0x0  }
.Ltmp2:
0x41: {  	[sflag:s17] =	ssyncadd.s32 $0xFFFFEC00;
	(pc) =	sbr.rel @p0 .LBB2_7-.Ltmp2, $4  }
0x42: {  	[tilespmem:s18], [sflag:$0x3] =	stream.linear.gather [hbm4b:s12+s4], $0x1400, $0x38;
	[tilespmem:$0x1E800] =	vst v63  }
0x43: {  	_ =	swait.ge [sflag:s17], $0x1400  }
0x44: {  	[sflag:s17] =	ssyncset.done $0x0  }
0x45: {  	[sflag:s17] =	ssyncadd.s32 $0xFFFFEC00  }
0x46: {  	s29 =	simm.s32 $0x0  }
0x47: {  	[tilespmem:s20], [sflag:$0x1] =	stream.indirect.gather [hbm4b:s5+s19], $0x80, s29, s19, $0xb8;
	[tilespmem:$0x1E800] =	vst v63  }
0x48: {  	s29 =	simm.s32 $0x80  }
0x49: {  	[tilespmem:s21], [sflag:$0x2] =	stream.indirect.gather [hbm4b:s5+s19], $0x80, s29, s19, $0xb8;
	[tilespmem:$0x1E800] =	vst v63  }
0x4a: {  	_ =	swait.ge [sflag:s22], $0x3E80  }
0x4b: {  	[sflag:s22] =	ssyncset.done $0x0  }
0x4c: {  	s29 =	simm.s32 $0x1400;
	[sflag:s22] =	ssyncadd.s32 $0xFFFFC180  }
0x4d: {  	[spmem:s2] =	stream.indirect.scatter.add.f32 [tilespmem:s20], [sflag:$0x3], $0x80, s29, s19, $0xb8;
	[tilespmem:$0x1E800] =	vst v63  }
0x4e: {  	_ =	swait.ge [sflag:s17], $0x3E80  }
0x4f: {  	[sflag:s17] =	ssyncset.done $0x0  }
0x50: {  	s29 =	simm.s32 $0x100;
	[sflag:s17] =	ssyncadd.s32 $0xFFFFC180  }
0x51: {  	[tilespmem:s20], [sflag:$0x1] =	stream.indirect.gather [hbm4b:s5+s19], $0x80, s29, s19, $0xb8;
	[tilespmem:$0x1E800] =	vst v63  }
0x52: {  	_ =	swait.ge [sflag:s23], $0x3E80  }
0x53: {  	[sflag:s23] =	ssyncset.done $0x0  }
0x54: {  	s29 =	simm.s32 $0x1480;
	[sflag:s23] =	ssyncadd.s32 $0xFFFFC180  }
0x55: {  	[spmem:s2] =	stream.indirect.scatter.add.f32 [tilespmem:s21], [sflag:$0x3], $0x80, s29, s19, $0xb8;
	[tilespmem:$0x1E800] =	vst v63  }
0x56: {  	_ =	swait.ge [sflag:s17], $0x3E80  }
0x57: {  	s30 =	simm.s32 $0x800;
	s29 =	simm.s32 $0x100;
	[sflag:s17] =	ssyncset.done $0x0  }
.LBB2_3:
0x58: {  	s31 =	sadd.s32 $0x80, s29  }
0x59: {  	[sflag:s17] =	ssyncadd.s32 $0xFFFFC180;
	s1 =	smov.u32 s30;
	s0 =	sadd.s32 $0x400, s30  }
0x5a: {  	[tilespmem:s21], [sflag:$0x2] =	stream.indirect.gather [hbm4b:s5+s19], $0x80, s31, s19, $0xb8;
	[tilespmem:$0x1E800] =	vst v63  }
0x5b: {  	p1 =	sne.s32 s30, $0x4800;
	_ =	swait.ge [sflag:s22], $0x3E80  }
0x5c: {  	[sflag:s22] =	ssyncset.done $0x0  }
0x5d: {  	s30 =	sadd.s32 $0x1400, s29;
	[sflag:s22] =	ssyncadd.s32 $0xFFFFC180  }
0x5e: {  	[spmem:s2] =	stream.indirect.scatter.add.f32 [tilespmem:s20], [sflag:$0x3], $0x80, s30, s19, $0xb8;
	[tilespmem:$0x1E800] =	vst v63  }
0x5f: {  	_ =	swait.ge [sflag:s17], $0x3E80  }
0x60: {  	[sflag:s17] =	ssyncset.done $0x0  }
0x61: {  	s30 =	sadd.s32 $0x100, s29;
	[sflag:s17] =	ssyncadd.s32 $0xFFFFC180  }
0x62: {  	[tilespmem:s20], [sflag:$0x1] =	stream.indirect.gather [hbm4b:s5+s19], $0x80, s30, s19, $0xb8;
	[tilespmem:$0x1E800] =	vst v63  }
0x63: {  	_ =	swait.ge [sflag:s23], $0x3E80  }
.Ltmp3:
0x64: {  	[sflag:s23] =	ssyncset.done $0x0;
	(pc) =	sbr.rel @p1 .LBB2_3-.Ltmp3, $4  }
0x65: {  	s29 =	sadd.s32 $0x1480, s29;
	[sflag:s23] =	ssyncadd.s32 $0xFFFFC180  }
0x66: {  	[spmem:s2] =	stream.indirect.scatter.add.f32 [tilespmem:s21], [sflag:$0x3], $0x80, s29, s19, $0xb8;
	[tilespmem:$0x1E800] =	vst v63  }
0x67: {  	_ =	swait.ge [sflag:s17], $0x3E80  }
0x68: {  	s30 =	smov.u32 s0;
	s29 =	sshra.s32 s1, $0x2;
	[sflag:s17] =	ssyncset.done $0x0  }
0x69: {  	s0 =	sadd.s32 $0x80, s29;
	[sflag:s17] =	ssyncadd.s32 $0xFFFFC180  }
0x6a: {  	[tilespmem:s21], [sflag:$0x2] =	stream.indirect.gather [hbm4b:s5+s19], $0x80, s0, s19, $0xb8;
	[tilespmem:$0x1E800] =	vst v63  }
0x6b: {  	_ =	swait.ge [sflag:s22], $0x3E80  }
0x6c: {  	[sflag:s22] =	ssyncset.done $0x0  }
0x6d: {  	s1 =	sadd.s32 $0x1400, s29;
	[sflag:s22] =	ssyncadd.s32 $0xFFFFC180  }
0x6e: {  	[spmem:s2] =	stream.indirect.scatter.add.f32 [tilespmem:s20], [sflag:$0x3], $0x80, s1, s19, $0xb8;
	[tilespmem:$0x1E800] =	vst v63  }
0x6f: {  	_ =	swait.ge [sflag:s17], $0x3E80  }
0x70: {  	[sflag:s17] =	ssyncset.done $0x0  }
0x71: {  	s31 =	sadd.s32 $0x100, s29;
	[sflag:s17] =	ssyncadd.s32 $0xFFFFC180  }
0x72: {  	[tilespmem:s20], [sflag:$0x1] =	stream.indirect.gather [hbm4b:s5+s19], $0x80, s31, s19, $0xb8;
	[tilespmem:$0x1E800] =	vst v63  }
0x73: {  	_ =	swait.ge [sflag:s23], $0x3E80  }
0x74: {  	[sflag:s23] =	ssyncset.done $0x0  }
0x75: {  	s1 =	sadd.s32 $0x1480, s29;
	[sflag:s23] =	ssyncadd.s32 $0xFFFFC180  }
0x76: {  	[spmem:s2] =	stream.indirect.scatter.add.f32 [tilespmem:s21], [sflag:$0x3], $0x80, s1, s19, $0xb8;
	[tilespmem:$0x1E800] =	vst v63  }
0x77: {  	_ =	swait.ge [sflag:s17], $0x3E80  }
0x78: {  	[sflag:s17] =	ssyncset.done $0x0  }
0x79: {  	[sflag:s17] =	ssyncadd.s32 $0xFFFFC180  }
0x7a: {  	[tilespmem:s21], [sflag:$0x2] =	stream.indirect.gather [hbm4b:s5+s19], $0x80, s24, s19, $0xb8;
	[tilespmem:$0x1E800] =	vst v63  }
0x7b: {  	_ =	swait.ge [sflag:s22], $0x3E80  }
0x7c: {  	[sflag:s22] =	ssyncset.done $0x0  }
0x7d: {  	[sflag:s22] =	ssyncadd.s32 $0xFFFFC180  }
0x7e: {  	[spmem:s2] =	stream.indirect.scatter.add.f32 [tilespmem:s20], [sflag:$0x3], $0x80, s25, s19, $0xb8;
	[tilespmem:$0x1E800] =	vst v63  }
0x7f: {  	_ =	swait.ge [sflag:s17], $0x3E80  }
0x80: {  	[sflag:s17] =	ssyncset.done $0x0  }
0x81: {  	s31 =	simm.s32 $0x0;
	[sflag:s17] =	ssyncadd.s32 $0xFFFFC180  }
0x82: {  	[tilespmem:s20], [sflag:$0x1] =	stream.indirect.gather [hbm4b:s5+s19], $0x80, s31, s19, $0xb8;
	[tilespmem:$0x1E800] =	vst v63  }
0x83: {  	_ =	swait.ge [sflag:s23], $0x3E80  }
0x84: {  	[sflag:s23] =	ssyncset.done $0x0  }
0x85: {  	[sflag:s23] =	ssyncadd.s32 $0xFFFFC180  }
0x86: {  	[spmem:s2] =	stream.indirect.scatter.add.f32 [tilespmem:s21], [sflag:$0x3], $0x80, s26, s19, $0xb8;
	[tilespmem:$0x1E800] =	vst v63  }
0x87: {  	_ =	swait.ge [sflag:s17], $0x3E80  }
0x88: {  	[sflag:s17] =	ssyncset.done $0x0  }
0x89: {  	[sflag:s17] =	ssyncadd.s32 $0xFFFFC180  }
0x8a: {  	_ =	swait.ge [sflag:s22], $0x3E80  }
0x8b: {  	[sflag:s22] =	ssyncset.done $0x0  }
0x8c: {  	[sflag:s22] =	ssyncadd.s32 $0xFFFFC180  }
0x8d: {  	[tilespmem:s31], [sflag:$0x3] =	stream.linear.gather [hbm4b:s13+s31], $0x1400, $0x38;
	[tilespmem:$0x1E800] =	vst v63  }
0x8e: {  	_ =	swait.ge [sflag:s17], $0x1400  }
0x8f: {  	[sflag:s17] =	ssyncset.done $0x0  }
0x90: {  	[sflag:s17] =	ssyncadd.s32 $0xFFFFEC00  }
0x91: {  	[tilespmem:s18], [sflag:$0x3] =	stream.linear.gather [hbm4b:s14+s31], $0x1400, $0x38;
	[tilespmem:$0x1E800] =	vst v63  }
0x92: {  	_ =	swait.ge [sflag:s17], $0x1400  }
0x93: {  	[sflag:s17] =	ssyncset.done $0x0  }
0x94: {  	[sflag:s17] =	ssyncadd.s32 $0xFFFFEC00  }
0x95: {  	[tilespmem:s20], [sflag:$0x1] =	stream.indirect.gather [hbm4b:s5+s19], $0x80, s31, s19, $0xb8;
	[tilespmem:$0x1E800] =	vst v63  }
0x96: {  	s1 =	simm.s32 $0x80  }
0x97: {  	[tilespmem:s21], [sflag:$0x2] =	stream.indirect.gather [hbm4b:s5+s19], $0x80, s1, s19, $0xb8;
	[tilespmem:$0x1E800] =	vst v63  }
0x98: {  	_ =	swait.ge [sflag:s22], $0x3E80  }
0x99: {  	[sflag:s22] =	ssyncset.done $0x0  }
0x9a: {  	s31 =	simm.s32 $0x1400;
	[sflag:s22] =	ssyncadd.s32 $0xFFFFC180  }
0x9b: {  	[spmem:s2] =	stream.indirect.scatter.add.f32 [tilespmem:s20], [sflag:$0x3], $0x80, s31, s19, $0xb8;
	[tilespmem:$0x1E800] =	vst v63  }
0x9c: {  	_ =	swait.ge [sflag:s17], $0x3E80  }
0x9d: {  	[sflag:s17] =	ssyncset.done $0x0  }
0x9e: {  	s1 =	simm.s32 $0x100;
	[sflag:s17] =	ssyncadd.s32 $0xFFFFC180  }
0x9f: {  	[tilespmem:s20], [sflag:$0x1] =	stream.indirect.gather [hbm4b:s5+s19], $0x80, s1, s19, $0xb8;
	[tilespmem:$0x1E800] =	vst v63  }
0xa0: {  	_ =	swait.ge [sflag:s23], $0x3E80  }
0xa1: {  	[sflag:s23] =	ssyncset.done $0x0  }
0xa2: {  	s31 =	simm.s32 $0x1480;
	[sflag:s23] =	ssyncadd.s32 $0xFFFFC180  }
0xa3: {  	[spmem:s2] =	stream.indirect.scatter.add.f32 [tilespmem:s21], [sflag:$0x3], $0x80, s31, s19, $0xb8;
	[tilespmem:$0x1E800] =	vst v63  }
0xa4: {  	_ =	swait.ge [sflag:s17], $0x3E80  }
0xa5: {  	s30 =	simm.s32 $0x800;
	s29 =	simm.s32 $0x100;
	[sflag:s17] =	ssyncset.done $0x0  }
.LBB2_5:
0xa6: {  	s0 =	sadd.s32 $0x80, s29  }
0xa7: {  	[sflag:s17] =	ssyncadd.s32 $0xFFFFC180;
	s1 =	smov.u32 s30;
	s31 =	sadd.s32 $0x400, s30  }
0xa8: {  	[tilespmem:s21], [sflag:$0x2] =	stream.indirect.gather [hbm4b:s5+s19], $0x80, s0, s19, $0xb8;
	[tilespmem:$0x1E800] =	vst v63  }
0xa9: {  	p1 =	sne.s32 s30, $0x4800;
	_ =	swait.ge [sflag:s22], $0x3E80  }
0xaa: {  	[sflag:s22] =	ssyncset.done $0x0  }
0xab: {  	s0 =	sadd.s32 $0x1400, s29;
	[sflag:s22] =	ssyncadd.s32 $0xFFFFC180  }
0xac: {  	[spmem:s2] =	stream.indirect.scatter.add.f32 [tilespmem:s20], [sflag:$0x3], $0x80, s0, s19, $0xb8;
	[tilespmem:$0x1E800] =	vst v63  }
0xad: {  	_ =	swait.ge [sflag:s17], $0x3E80  }
0xae: {  	[sflag:s17] =	ssyncset.done $0x0  }
0xaf: {  	s0 =	sadd.s32 $0x100, s29;
	[sflag:s17] =	ssyncadd.s32 $0xFFFFC180  }
0xb0: {  	[tilespmem:s20], [sflag:$0x1] =	stream.indirect.gather [hbm4b:s5+s19], $0x80, s0, s19, $0xb8;
	[tilespmem:$0x1E800] =	vst v63  }
0xb1: {  	_ =	swait.ge [sflag:s23], $0x3E80  }
.Ltmp4:
0xb2: {  	[sflag:s23] =	ssyncset.done $0x0;
	(pc) =	sbr.rel @p1 .LBB2_5-.Ltmp4, $4  }
0xb3: {  	s0 =	sadd.s32 $0x1480, s29;
	[sflag:s23] =	ssyncadd.s32 $0xFFFFC180  }
0xb4: {  	[spmem:s2] =	stream.indirect.scatter.add.f32 [tilespmem:s21], [sflag:$0x3], $0x80, s0, s19, $0xb8;
	[tilespmem:$0x1E800] =	vst v63  }
0xb5: {  	_ =	swait.ge [sflag:s17], $0x3E80  }
0xb6: {  	s30 =	smov.u32 s31;
	s29 =	sshra.s32 s1, $0x2;
	[sflag:s17] =	ssyncset.done $0x0  }
0xb7: {  	s0 =	sadd.s32 $0x80, s29;
	[sflag:s17] =	ssyncadd.s32 $0xFFFFC180  }
0xb8: {  	[tilespmem:s21], [sflag:$0x2] =	stream.indirect.gather [hbm4b:s5+s19], $0x80, s0, s19, $0xb8;
	[tilespmem:$0x1E800] =	vst v63  }
0xb9: {  	_ =	swait.ge [sflag:s22], $0x3E80  }
0xba: {  	[sflag:s22] =	ssyncset.done $0x0  }
0xbb: {  	s31 =	sadd.s32 $0x1400, s29;
	[sflag:s22] =	ssyncadd.s32 $0xFFFFC180  }
0xbc: {  	[spmem:s2] =	stream.indirect.scatter.add.f32 [tilespmem:s20], [sflag:$0x3], $0x80, s31, s19, $0xb8;
	[tilespmem:$0x1E800] =	vst v63  }
0xbd: {  	_ =	swait.ge [sflag:s17], $0x3E80  }
0xbe: {  	[sflag:s17] =	ssyncset.done $0x0  }
0xbf: {  	s1 =	sadd.s32 $0x100, s29;
	[sflag:s17] =	ssyncadd.s32 $0xFFFFC180  }
0xc0: {  	[tilespmem:s20], [sflag:$0x1] =	stream.indirect.gather [hbm4b:s5+s19], $0x80, s1, s19, $0xb8;
	[tilespmem:$0x1E800] =	vst v63  }
0xc1: {  	_ =	swait.ge [sflag:s23], $0x3E80  }
0xc2: {  	[sflag:s23] =	ssyncset.done $0x0  }
0xc3: {  	s31 =	sadd.s32 $0x1480, s29;
	[sflag:s23] =	ssyncadd.s32 $0xFFFFC180  }
0xc4: {  	[spmem:s2] =	stream.indirect.scatter.add.f32 [tilespmem:s21], [sflag:$0x3], $0x80, s31, s19, $0xb8;
	[tilespmem:$0x1E800] =	vst v63  }
.Ltmp5:
0xc5: {  	_ = 	snop;
	(pc) =	sbr.rel .LBB2_12-.Ltmp5, $4  }
0xc6: {  	_ =	swait.ge [sflag:s17], $0x3E80  }
0xc7: {  	[sflag:s17] =	ssyncset.done $0x0  }
0xc8: {  	s30 =	smov.u32 s5;
	s29 =	smov.u32 s8;
	[sflag:s17] =	ssyncadd.s32 $0xFFFFC180  }
0xc9: {  	[tilespmem:s21], [sflag:$0x2] =	stream.indirect.gather [hbm4b:s5+s19], $0x80, s24, s19, $0xb8;
	[tilespmem:$0x1E800] =	vst v63  }
.LBB2_7:
0xca: {  	s0 =	simm.s32 $0x0  }
0xcb: {  	[tilespmem:s20], [sflag:$0x1] =	stream.indirect.gather [hbm4b:s6+s19], $0x80, s0, s19, $0xb8;
	[tilespmem:$0x1E800] =	vst v63  }
0xcc: {  	s1 =	simm.s32 $0x80  }
0xcd: {  	[tilespmem:s21], [sflag:$0x2] =	stream.indirect.gather [hbm4b:s6+s19], $0x80, s1, s19, $0xb8;
	[tilespmem:$0x1E800] =	vst v63  }
0xce: {  	_ =	swait.ge [sflag:s22], $0x3E80  }
0xcf: {  	[sflag:s22] =	ssyncset.done $0x0  }
0xd0: {  	s31 =	simm.s32 $0x1400;
	[sflag:s22] =	ssyncadd.s32 $0xFFFFC180  }
0xd1: {  	[spmem:s2] =	stream.indirect.scatter.add.f32 [tilespmem:s20], [sflag:$0x3], $0x80, s31, s19, $0xb8;
	[tilespmem:$0x1E800] =	vst v63  }
0xd2: {  	_ =	swait.ge [sflag:s17], $0x3E80  }
0xd3: {  	[sflag:s17] =	ssyncset.done $0x0  }
0xd4: {  	s1 =	simm.s32 $0x100;
	[sflag:s17] =	ssyncadd.s32 $0xFFFFC180  }
0xd5: {  	[tilespmem:s20], [sflag:$0x1] =	stream.indirect.gather [hbm4b:s6+s19], $0x80, s1, s19, $0xb8;
	[tilespmem:$0x1E800] =	vst v63  }
0xd6: {  	_ =	swait.ge [sflag:s23], $0x3E80  }
0xd7: {  	[sflag:s23] =	ssyncset.done $0x0  }
0xd8: {  	s31 =	simm.s32 $0x1480;
	[sflag:s23] =	ssyncadd.s32 $0xFFFFC180  }
0xd9: {  	[spmem:s2] =	stream.indirect.scatter.add.f32 [tilespmem:s21], [sflag:$0x3], $0x80, s31, s19, $0xb8;
	[tilespmem:$0x1E800] =	vst v63  }
0xda: {  	_ =	swait.ge [sflag:s17], $0x3E80  }
0xdb: {  	s30 =	simm.s32 $0x800;
	s29 =	simm.s32 $0x100;
	[sflag:s17] =	ssyncset.done $0x0  }
.LBB2_8:
0xdc: {  	s0 =	sadd.s32 $0x80, s29  }
0xdd: {  	[sflag:s17] =	ssyncadd.s32 $0xFFFFC180;
	s1 =	smov.u32 s30;
	s31 =	sadd.s32 $0x400, s30  }
0xde: {  	[tilespmem:s21], [sflag:$0x2] =	stream.indirect.gather [hbm4b:s6+s19], $0x80, s0, s19, $0xb8;
	[tilespmem:$0x1E800] =	vst v63  }
0xdf: {  	p1 =	sne.s32 s30, $0x4800;
	_ =	swait.ge [sflag:s22], $0x3E80  }
0xe0: {  	[sflag:s22] =	ssyncset.done $0x0  }
0xe1: {  	s0 =	sadd.s32 $0x1400, s29;
	[sflag:s22] =	ssyncadd.s32 $0xFFFFC180  }
0xe2: {  	[spmem:s2] =	stream.indirect.scatter.add.f32 [tilespmem:s20], [sflag:$0x3], $0x80, s0, s19, $0xb8;
	[tilespmem:$0x1E800] =	vst v63  }
0xe3: {  	_ =	swait.ge [sflag:s17], $0x3E80  }
0xe4: {  	[sflag:s17] =	ssyncset.done $0x0  }
0xe5: {  	s0 =	sadd.s32 $0x100, s29;
	[sflag:s17] =	ssyncadd.s32 $0xFFFFC180  }
0xe6: {  	[tilespmem:s20], [sflag:$0x1] =	stream.indirect.gather [hbm4b:s6+s19], $0x80, s0, s19, $0xb8;
	[tilespmem:$0x1E800] =	vst v63  }
0xe7: {  	_ =	swait.ge [sflag:s23], $0x3E80  }
.Ltmp6:
0xe8: {  	[sflag:s23] =	ssyncset.done $0x0;
	(pc) =	sbr.rel @p1 .LBB2_8-.Ltmp6, $4  }
0xe9: {  	s0 =	sadd.s32 $0x1480, s29;
	[sflag:s23] =	ssyncadd.s32 $0xFFFFC180  }
0xea: {  	[spmem:s2] =	stream.indirect.scatter.add.f32 [tilespmem:s21], [sflag:$0x3], $0x80, s0, s19, $0xb8;
	[tilespmem:$0x1E800] =	vst v63  }
0xeb: {  	_ =	swait.ge [sflag:s17], $0x3E80  }
0xec: {  	s30 =	smov.u32 s31;
	s29 =	sshra.s32 s1, $0x2;
	[sflag:s17] =	ssyncset.done $0x0  }
0xed: {  	s0 =	sadd.s32 $0x80, s29;
	[sflag:s17] =	ssyncadd.s32 $0xFFFFC180  }
0xee: {  	[tilespmem:s21], [sflag:$0x2] =	stream.indirect.gather [hbm4b:s6+s19], $0x80, s0, s19, $0xb8;
	[tilespmem:$0x1E800] =	vst v63  }
0xef: {  	_ =	swait.ge [sflag:s22], $0x3E80  }
0xf0: {  	[sflag:s22] =	ssyncset.done $0x0  }
0xf1: {  	s1 =	sadd.s32 $0x1400, s29;
	[sflag:s22] =	ssyncadd.s32 $0xFFFFC180  }
0xf2: {  	[spmem:s2] =	stream.indirect.scatter.add.f32 [tilespmem:s20], [sflag:$0x3], $0x80, s1, s19, $0xb8;
	[tilespmem:$0x1E800] =	vst v63  }
0xf3: {  	_ =	swait.ge [sflag:s17], $0x3E80  }
0xf4: {  	[sflag:s17] =	ssyncset.done $0x0  }
0xf5: {  	s31 =	sadd.s32 $0x100, s29;
	[sflag:s17] =	ssyncadd.s32 $0xFFFFC180  }
0xf6: {  	[tilespmem:s20], [sflag:$0x1] =	stream.indirect.gather [hbm4b:s6+s19], $0x80, s31, s19, $0xb8;
	[tilespmem:$0x1E800] =	vst v63  }
0xf7: {  	_ =	swait.ge [sflag:s23], $0x3E80  }
0xf8: {  	[sflag:s23] =	ssyncset.done $0x0  }
0xf9: {  	s1 =	sadd.s32 $0x1480, s29;
	[sflag:s23] =	ssyncadd.s32 $0xFFFFC180  }
0xfa: {  	[spmem:s2] =	stream.indirect.scatter.add.f32 [tilespmem:s21], [sflag:$0x3], $0x80, s1, s19, $0xb8;
	[tilespmem:$0x1E800] =	vst v63  }
0xfb: {  	_ =	swait.ge [sflag:s17], $0x3E80  }
0xfc: {  	[sflag:s17] =	ssyncset.done $0x0  }
0xfd: {  	[sflag:s17] =	ssyncadd.s32 $0xFFFFC180  }
0xfe: {  	[tilespmem:s21], [sflag:$0x2] =	stream.indirect.gather [hbm4b:s6+s19], $0x80, s24, s19, $0xb8;
	[tilespmem:$0x1E800] =	vst v63  }
0xff: {  	_ =	swait.ge [sflag:s22], $0x3E80  }
0x100: {  	[sflag:s22] =	ssyncset.done $0x0  }
0x101: {  	[sflag:s22] =	ssyncadd.s32 $0xFFFFC180  }
0x102: {  	[spmem:s2] =	stream.indirect.scatter.add.f32 [tilespmem:s20], [sflag:$0x3], $0x80, s25, s19, $0xb8;
	[tilespmem:$0x1E800] =	vst v63  }
0x103: {  	_ =	swait.ge [sflag:s17], $0x3E80  }
0x104: {  	[sflag:s17] =	ssyncset.done $0x0  }
0x105: {  	s31 =	simm.s32 $0x0;
	[sflag:s17] =	ssyncadd.s32 $0xFFFFC180  }
0x106: {  	[tilespmem:s20], [sflag:$0x1] =	stream.indirect.gather [hbm4b:s6+s19], $0x80, s31, s19, $0xb8;
	[tilespmem:$0x1E800] =	vst v63  }
0x107: {  	_ =	swait.ge [sflag:s23], $0x3E80  }
0x108: {  	[sflag:s23] =	ssyncset.done $0x0  }
0x109: {  	[sflag:s23] =	ssyncadd.s32 $0xFFFFC180  }
0x10a: {  	[spmem:s2] =	stream.indirect.scatter.add.f32 [tilespmem:s21], [sflag:$0x3], $0x80, s26, s19, $0xb8;
	[tilespmem:$0x1E800] =	vst v63  }
0x10b: {  	_ =	swait.ge [sflag:s17], $0x3E80  }
0x10c: {  	[sflag:s17] =	ssyncset.done $0x0  }
0x10d: {  	[sflag:s17] =	ssyncadd.s32 $0xFFFFC180  }
0x10e: {  	_ =	swait.ge [sflag:s22], $0x3E80  }
0x10f: {  	[sflag:s22] =	ssyncset.done $0x0  }
0x110: {  	[sflag:s22] =	ssyncadd.s32 $0xFFFFC180  }
0x111: {  	[tilespmem:s31], [sflag:$0x3] =	stream.linear.gather [hbm4b:s13+s31], $0x1400, $0x38;
	[tilespmem:$0x1E800] =	vst v63  }
0x112: {  	_ =	swait.ge [sflag:s17], $0x1400  }
0x113: {  	[sflag:s17] =	ssyncset.done $0x0  }
0x114: {  	[sflag:s17] =	ssyncadd.s32 $0xFFFFEC00  }
0x115: {  	[tilespmem:s18], [sflag:$0x3] =	stream.linear.gather [hbm4b:s14+s31], $0x1400, $0x38;
	[tilespmem:$0x1E800] =	vst v63  }
0x116: {  	_ =	swait.ge [sflag:s17], $0x1400  }
0x117: {  	[sflag:s17] =	ssyncset.done $0x0  }
0x118: {  	[sflag:s17] =	ssyncadd.s32 $0xFFFFEC00  }
0x119: {  	[tilespmem:s20], [sflag:$0x1] =	stream.indirect.gather [hbm4b:s6+s19], $0x80, s31, s19, $0xb8;
	[tilespmem:$0x1E800] =	vst v63  }
0x11a: {  	s1 =	simm.s32 $0x80  }
0x11b: {  	[tilespmem:s21], [sflag:$0x2] =	stream.indirect.gather [hbm4b:s6+s19], $0x80, s1, s19, $0xb8;
	[tilespmem:$0x1E800] =	vst v63  }
0x11c: {  	_ =	swait.ge [sflag:s22], $0x3E80  }
0x11d: {  	[sflag:s22] =	ssyncset.done $0x0  }
0x11e: {  	s31 =	simm.s32 $0x1400;
	[sflag:s22] =	ssyncadd.s32 $0xFFFFC180  }
0x11f: {  	[spmem:s2] =	stream.indirect.scatter.add.f32 [tilespmem:s20], [sflag:$0x3], $0x80, s31, s19, $0xb8;
	[tilespmem:$0x1E800] =	vst v63  }
0x120: {  	_ =	swait.ge [sflag:s17], $0x3E80  }
0x121: {  	[sflag:s17] =	ssyncset.done $0x0  }
0x122: {  	s1 =	simm.s32 $0x100;
	[sflag:s17] =	ssyncadd.s32 $0xFFFFC180  }
0x123: {  	[tilespmem:s20], [sflag:$0x1] =	stream.indirect.gather [hbm4b:s6+s19], $0x80, s1, s19, $0xb8;
	[tilespmem:$0x1E800] =	vst v63  }
0x124: {  	_ =	swait.ge [sflag:s23], $0x3E80  }
0x125: {  	[sflag:s23] =	ssyncset.done $0x0  }
0x126: {  	s31 =	simm.s32 $0x1480;
	[sflag:s23] =	ssyncadd.s32 $0xFFFFC180  }
0x127: {  	[spmem:s2] =	stream.indirect.scatter.add.f32 [tilespmem:s21], [sflag:$0x3], $0x80, s31, s19, $0xb8;
	[tilespmem:$0x1E800] =	vst v63  }
0x128: {  	_ =	swait.ge [sflag:s17], $0x3E80  }
0x129: {  	s30 =	simm.s32 $0x800;
	s29 =	simm.s32 $0x100;
	[sflag:s17] =	ssyncset.done $0x0  }
.LBB2_10:
0x12a: {  	s0 =	sadd.s32 $0x80, s29  }
0x12b: {  	[sflag:s17] =	ssyncadd.s32 $0xFFFFC180;
	s1 =	smov.u32 s30;
	s31 =	sadd.s32 $0x400, s30  }
0x12c: {  	[tilespmem:s21], [sflag:$0x2] =	stream.indirect.gather [hbm4b:s6+s19], $0x80, s0, s19, $0xb8;
	[tilespmem:$0x1E800] =	vst v63  }
0x12d: {  	p1 =	sne.s32 s30, $0x4800;
	_ =	swait.ge [sflag:s22], $0x3E80  }
0x12e: {  	[sflag:s22] =	ssyncset.done $0x0  }
0x12f: {  	s0 =	sadd.s32 $0x1400, s29;
	[sflag:s22] =	ssyncadd.s32 $0xFFFFC180  }
0x130: {  	[spmem:s2] =	stream.indirect.scatter.add.f32 [tilespmem:s20], [sflag:$0x3], $0x80, s0, s19, $0xb8;
	[tilespmem:$0x1E800] =	vst v63  }
0x131: {  	_ =	swait.ge [sflag:s17], $0x3E80  }
0x132: {  	[sflag:s17] =	ssyncset.done $0x0  }
0x133: {  	s0 =	sadd.s32 $0x100, s29;
	[sflag:s17] =	ssyncadd.s32 $0xFFFFC180  }
0x134: {  	[tilespmem:s20], [sflag:$0x1] =	stream.indirect.gather [hbm4b:s6+s19], $0x80, s0, s19, $0xb8;
	[tilespmem:$0x1E800] =	vst v63  }
0x135: {  	_ =	swait.ge [sflag:s23], $0x3E80  }
.Ltmp7:
0x136: {  	[sflag:s23] =	ssyncset.done $0x0;
	(pc) =	sbr.rel @p1 .LBB2_10-.Ltmp7, $4  }
0x137: {  	s0 =	sadd.s32 $0x1480, s29;
	[sflag:s23] =	ssyncadd.s32 $0xFFFFC180  }
0x138: {  	[spmem:s2] =	stream.indirect.scatter.add.f32 [tilespmem:s21], [sflag:$0x3], $0x80, s0, s19, $0xb8;
	[tilespmem:$0x1E800] =	vst v63  }
0x139: {  	_ =	swait.ge [sflag:s17], $0x3E80  }
0x13a: {  	s30 =	smov.u32 s31;
	s29 =	sshra.s32 s1, $0x2;
	[sflag:s17] =	ssyncset.done $0x0  }
.Ltmp8:
0x13b: {  	_ = 	snop;
	(pc) =	sbr.rel .LBB2_11-.Ltmp8, $1  }
0x13c: {  	_ =	sdelay $0x3  }
.LBB2_13:
0x13d: {  	_ =	sfence.sel $0x180000  }
0x13e: {  	[bflag:$0x0] =	sbarrier.arrive $0xFFFF  }
0x13f: {  	_ =	strace $0x9000004A  }
0x140: {  	s0 =	stileid.u32;
	[bflag:$0x2] =	sbarrier.arrive $0xFFFF  }
0x141: {  	p0 =	sne.s32 s0, $0x0;
	s0 =	rddreg [dreg:$0x2]  }
0x142: {  	s0 =	sadd.s32 @!p0 $0x100000, s0  }
0x143: {  	[sflag:s0] =	ssyncadd.tile.s32 @!p0 $0x1;
	_ =	shalt  }
.Lfunc_end2:
_tile_overlayer_lowered:
.L_overlay_start_2:
0x144: {  	(tag) =	ssettag $0x2  }
0x145: {  	s0 =	rddreg [dreg:$0x0];
	s2 =	stileid.u32  }
0x146: {  	s1 =	rddreg [dreg:$0x1];
	p0 =	sne.s32 s2, $0x0  }
0x147: {  	s3 =	rddreg [dreg:$0x2];
	[bflag:$0x3] =	sbarrier.arrive $0xFFFF;
	s2 =	simm.s32 @!p0 $0x1C03  }
0x148: {  	[timem:s3], [sflag:s2] =	dma.local @!p0 [hbm:s0], s1  }
0x149: {  	s0 =	simm.s32 @!p0 $0x3  }
0x14a: {  	_ =	swait.ge @!p0 [sflag:s0], s1  }
0x14b: {  	s1 =	ssub.s32 @!p0 $0x0, s1;
	[sflag:s0] =	ssyncset.done @!p0 $0x0  }
0x14c: {  	[sflag:s0] =	ssyncadd.s32 @!p0 s1  }
0x14d: {  	[bflag:$0x3] =	sbarrier.arrive $0xFFFF  }
0x14e: {  	_ =	shalt  }

// kernel: kernel.16.cloned.1.call-start
scs
__scs_entry_jumppad:
0x0: {  	(pc) =	sbr.rel $0x88, $3  }
0x1: {  	(tag) =	ssettag $0x0;
	lr =	simm.s32 $0x1  }
0x2: {  	[smem:$0x3F97] =	sst lr;
	_ =	strace $0xD0000000  }
0x3: {  	_ = 	snop  }
0x4: {  	_ = 	snop  }
0x5: {  	_ = 	snop  }
0x6: {  	_ = 	snop  }
0x7: {  	_ = 	snop  }
__scs_overlays_trampoline_lowered:
0x8: {  	[smem:$0x3FA6] =	sst s0  }
0x9: {  	[smem:$0x3FA7] =	sst s1  }
0xa: {  	[smem:$0x3FA8] =	sst s2  }
0xb: {  	[smem:$0x3FA9] =	sst s3  }
0xc: {  	[smem:$0x3FAA] =	sst s4  }
0xd: {  	[smem:$0x3FAB] =	sst s5  }
0xe: {  	[smem:$0x3FAC] =	sst s6  }
0xf: {  	[smem:$0x3FAD] =	sst s7  }
0x10: {  	[smem:$0x3FAE] =	sst s8  }
0x11: {  	[smem:$0x3FAF] =	sst s9;
	s0 =	simm.s32 @!p0 $0x0  }
0x12: {  	s1 =	sld [smem:$0x3F95];
	s0 =	simm.s32 @p0 $0x1  }
0x13: {  	[smem:$0x3FB0] =	sst s0;
	s0 =	simm.s32 @!p1 $0x0  }
0x14: {  	s2 =	sld [smem:$0x3F94];
	s0 =	simm.s32 @p1 $0x1  }
0x15: {  	[smem:$0x3FB1] =	sst s0;
	s0 =	simm.s32 @!p2 $0x0  }
0x16: {  	s3 =	sld [smem:$0x3FDB];
	s0 =	simm.s32 @p2 $0x1  }
0x17: {  	s4 =	simm.s32 $0x1BF5;
	[smem:$0x3FB3] =	sst s0  }
0x18: {  	s0 =	sld [smem:$0x3F96];
	_ =	swait.ge [sflag:s4], $0x0  }
0x19: {  	s7 =	sld [smem:$0x3F97]  }
0x1a: {  	s8 =	sadd.s32 $0xFFFFE003, lr  }
0x1b: {  	s9 =	sadd.s32 $0xFFFFFEF7, lr;
	s5 =	simm.s32 $0xFFFFFFFF;
	p2 =	slt.u32 s8, $0xFFFFF086  }
0x1c: {  	p1 =	slt.u32 s9, $0xF7A;
	s5 =	simm.s32 @!p2 $0x0  }
0x1d: {  	s5 =	simm.s32 @p1 $0x1;
	p0 =	seq.s32 s7, s2  }
0x1e: {  	s7 =	smul.u32 @!p0 $0xF7A, s2;
	p2 =	seq.s32 @!p0 s5, $0x0  }
0x1f: {  	s9 =	smul.u32 $0xF7A, s1;
	s8 =	simm.s32 @!p0 $0x1BF5;
	p2 =	por !p2, p0  }
0x20: {  	[sflag:s8] =	ssyncset.s32 @!p0 $0xFFFFF086;
	s6 =	sadd.s32 @!p0 s3, s7;
	s7 =	simm.s32 @!p0 $0x108  }
0x21: {  	s3 =	sadd.s32 s3, s9;
	s6 =	sadd.s32 @!p0 $0x88, s6;
	s7 =	simm.s32 @p2 $0x1082  }
0x22: {  	[simem:s7], [sflag:s8] =	dma.local @!p0 [hbm:s6], $0xF7A  }
0x23: {  	s9 =	sor.u32 $0xD0000000, s2;
	s6 =	simm.s32 $0x108;
	_ =	swait.ge @!p0 [sflag:s8], $0x0  }
0x24: {  	s3 =	sadd.s32 $0x88, s3;
	s6 =	simm.s32 @!p1 $0x1082;
	[sflag:s4] =	ssyncset.s32 $0xFFFFF086  }
0x25: {  	[simem:s6], [sflag:s4] =	dma.local [hbm:s3], $0xF7A  }
0x26: {  	[smem:$0x3F97] =	sst s1;
	(tag) =	ssettag s2;
	_ =	strace s9  }
0x27: {  	s1 =	sld [smem:$0x3FA7]  }
0x28: {  	s2 =	sld [smem:$0x3FA8]  }
0x29: {  	s4 =	sld [smem:$0x3FAA]  }
0x2a: {  	p0 =	seq.s32 s5, $0x0;
	s5 =	sld [smem:$0x3FAB]  }
0x2b: {  	s6 =	sld [smem:$0x3FAC]  }
0x2c: {  	s7 =	sld [smem:$0x3FAD]  }
0x2d: {  	s3 =	simm.s32 $0x108;
	s8 =	sld [smem:$0x3FAE]  }
0x2e: {  	s3 =	simm.s32 @!p0 $0x1082;
	s9 =	sld [smem:$0x3FAF]  }
0x2f: {  	lr =	sadd.s32 s0, s3;
	s0 =	sld [smem:$0x3FA6]  }
0x30: {  	s3 =	sld [smem:$0x3FA9]  }
0x31: {  	[smem:$0x3FB2] =	sst s10  }
0x32: {  	s10 =	sld [smem:$0x3FB0];
	_ =	sdelay $0x3  }
0x33: {  	p0 =	seq.s32 s10, $0x1;
	s10 =	sld [smem:$0x3FB2];
	_ =	sdelay $0x3  }
0x34: {  	[smem:$0x3FB2] =	sst s10  }
0x35: {  	s10 =	sld [smem:$0x3FB1];
	_ =	sdelay $0x3  }
0x36: {  	p1 =	seq.s32 s10, $0x1;
	s10 =	sld [smem:$0x3FB2];
	_ =	sdelay $0x3  }
0x37: {  	[smem:$0x3FB2] =	sst s10  }
0x38: {  	s10 =	sld [smem:$0x3FB3]  }
0x39: {  	_ = 	snop;
	(pc) =	sbr.ind lr, $3  }
0x3a: {  	_ = 	snop  }
0x3b: {  	_ = 	snop  }
0x3c: {  	p2 =	seq.s32 s10, $0x1;
	s10 =	sld [smem:$0x3FB2]  }
0x3d: {  	_ =	shalt  }
0x3e: {  	_ =	shalt  }
0x3f: {  	_ =	shalt  }
0x40: {  	_ =	shalt  }
0x41: {  	_ =	shalt  }
0x42: {  	_ =	shalt  }
0x43: {  	_ =	shalt  }
0x44: {  	_ =	shalt  }
0x45: {  	_ =	shalt  }
0x46: {  	_ =	shalt  }
0x47: {  	_ =	shalt  }
0x48: {  	_ =	shalt  }
0x49: {  	_ =	shalt  }
0x4a: {  	_ =	shalt  }
0x4b: {  	_ =	shalt  }
0x4c: {  	_ =	shalt  }
0x4d: {  	_ =	shalt  }
0x4e: {  	_ =	shalt  }
0x4f: {  	_ =	shalt  }
0x50: {  	_ =	shalt  }
0x51: {  	_ =	shalt  }
0x52: {  	_ =	shalt  }
0x53: {  	_ =	shalt  }
0x54: {  	_ =	shalt  }
0x55: {  	_ =	shalt  }
0x56: {  	_ =	shalt  }
0x57: {  	_ =	shalt  }
0x58: {  	_ =	shalt  }
0x59: {  	_ =	shalt  }
0x5a: {  	_ =	shalt  }
0x5b: {  	_ =	shalt  }
0x5c: {  	_ =	shalt  }
0x5d: {  	_ =	shalt  }
0x5e: {  	_ =	shalt  }
0x5f: {  	_ =	shalt  }
0x60: {  	_ =	shalt  }
0x61: {  	_ =	shalt  }
0x62: {  	_ =	shalt  }
0x63: {  	_ =	shalt  }
0x64: {  	_ =	shalt  }
0x65: {  	_ =	shalt  }
0x66: {  	_ =	shalt  }
0x67: {  	_ =	shalt  }
0x68: {  	_ =	shalt  }
0x69: {  	_ =	shalt  }
0x6a: {  	_ =	shalt  }
0x6b: {  	_ =	shalt  }
0x6c: {  	_ =	shalt  }
0x6d: {  	_ =	shalt  }
0x6e: {  	_ =	shalt  }
0x6f: {  	_ =	shalt  }
0x70: {  	_ =	shalt  }
0x71: {  	_ =	shalt  }
0x72: {  	_ =	shalt  }
0x73: {  	_ =	shalt  }
0x74: {  	_ =	shalt  }
0x75: {  	_ =	shalt  }
0x76: {  	_ =	shalt  }
0x77: {  	_ =	shalt  }
0x78: {  	_ =	shalt  }
0x79: {  	_ =	shalt  }
0x7a: {  	_ =	shalt  }
0x7b: {  	_ =	shalt  }
0x7c: {  	_ =	shalt  }
0x7d: {  	_ =	shalt  }
0x7e: {  	_ =	shalt  }
0x7f: {  	_ =	shalt  }
0x80: {  	_ =	shalt  }
0x81: {  	_ =	shalt  }
0x82: {  	_ =	shalt  }
0x83: {  	_ =	shalt  }
0x84: {  	_ =	shalt  }
0x85: {  	_ =	shalt  }
0x86: {  	_ =	shalt  }
0x87: {  	_ =	shalt  }
.Lfunc_end0:
.L_simem_size_0:
called_computation.2_lowered:
.L_overlay_start_0:
0x88: {  	s2 =	sld [smem:$0x3FD9]  }
0x89: {  	s3 =	sld [smem:$0x3FFE];
	_ =	sdelay $0x1  }
0x8a: {  	s1 =	srdreg.scid  }
0x8b: {  	s0 =	sand.u32 $0x1, s1  }
0x8c: {  	s16 =	sshll.u32 s0, $0xA;
	s2 =	sadd.s32 s3, s2  }
0x8d: {  	s2 =	sadd.s32 s2, s16  }
0x8e: {  	[smem:$0x3FBE] =	sst s2  }
0x8f: {  	_ = 	snop  }
0x90: {  	(tm) =	ssettm $0x1  }
0x91: {  	s17 =	sld [smem:$0x3FFB];
	_ =	sdelay $0x3  }
0x92: {  	_ =	strace s17  }
0x93: {  	s2 =	sld [smem:$0x3FFC];
	_ =	sdelay $0x3  }
0x94: {  	_ =	strace s2  }
0x95: {  	s2 =	sld [smem:$0x3FFD];
	_ =	sdelay $0x3  }
0x96: {  	_ =	strace s2  }
0x97: {  	_ =	strace $0x8FFFFFFF  }
0x98: {  	s18 =	sld [smem:$0x3FDB];
	_ =	sdelay $0x1  }
0x99: {  	s19 =	simm.s32 $_scs_section_size  }
0x9a: {  	s4 =	simm.s32 $_size__tile_overlayer_lowered;
	s5 =	simm.s32 $_tile_overlayer_lowered  }
0x9b: {  	s22 =	simm.s32 $0x1BFF;
	s21 =	sshll.u32 s5, $0x1;
	s2 =	sadd.s32 s19, s18  }
0x9c: {  	s6 =	simm.s32 $0x0;
	s20 =	sshll.u32 s4, $0x1;
	s4 =	sadd.s32 s21, s2  }
0x9d: {  	[timem:s6], [sflag:s22] =	dma.local [hbm:s4], s20  }
0x9e: {  	_ =	swait.ge [sflag:s22], s20  }
0x9f: {  	s3 =	ssub.s32 $0x0, s20;
	[sflag:s22] =	ssyncset.done $0x0  }
0xa0: {  	[sflag:s22] =	ssyncadd.s32 s3;
	_ =	sdelay $0x1  }
0xa1: {  	s23 =	simm.s32 $0x1B8B  }
0xa2: {  	_ =	swait.ge [sflag:s23], $0x1  }
0xa3: {  	[sflag:s23] =	ssyncset.done $0x0  }
0xa4: {  	s25 =	simm.s32 $0x1B8E;
	s24 =	sld [smem:$0x3FFE];
	[sflag:s23] =	ssyncadd.s32 $0xFFFFFFFF  }
0xa5: {  	s26 =	simm.s32 $execute0_lowered;
	[smem:$0x3FD2] =	sst s25  }
0xa6: {  	s4 =	sshll.u32 s26, $0x1;
	_ =	strace $0x8000004C;
	[dreg:$0x1] =	wrdreg $0xFFFFFFFF  }
0xa7: {  	s28 =	simm.s32 $_size_execute0_lowered;
	s2 =	sadd.s32 s2, s4;
	[dreg:$0x0] =	wrdreg $0x0  }
0xa8: {  	s4 =	sshll.u32 s28, $0x1;
	[dreg:$0x2] =	wrdreg s2  }
0xa9: {  	[dreg:$0x3] =	wrdreg s4  }
0xaa: {  	[dreg:$0x4] =	wrdreg $0xC0  }
0xab: {  	_ =	task [dreg:s6], $0x5FFFF  }
0xac: {  	[dreg:$0x1] =	wrdreg $0xFFFFFFFF  }
0xad: {  	[dreg:$0x0] =	wrdreg $0x60  }
0xae: {  	[dreg:$0x2] =	wrdreg s24  }
0xaf: {  	[dreg:$0x3] =	wrdreg $0xA8000  }
0xb0: {  	[dreg:$0x4] =	wrdreg $0x9  }
0xb1: {  	_ =	task.clear_ibuf [dreg:s6], $0x5FFFF;
	_ =	strace $0x9000004C  }
0xb2: {  	s29 =	simm.s32 $0x9;
	_ =	strace $0x8000004E  }
0xb3: {  	_ =	swait.ge [sflag:s29], $0x1  }
0xb4: {  	[sflag:s29] =	ssyncadd.s32 $0xFFFFFFFF  }
0xb5: {  	_ =	strace $0x9000004E  }
0xb6: {  	_ =	sfence  }
0xb7: {  	s30 =	sld [smem:$0x0];
	_ =	sdelay $0x2  }
0xb8: {  	s31 =	sshll.u32 s1, $0xD;
	s1 =	sshrl.u32 s1, $0x2  }
0xb9: {  	s3 =	sand.u32 $0x4000, s31;
	s1 =	sadd.s32 s1, s30  }
0xba: {  	s0 =	sor.u32 s3, s0;
	s1 =	sshll.u32 s1, $0x11  }
0xbb: {  	s0 =	sor.u32 s1, s0  }
0xbc: {  	s0 =	sadd.s32 $0x8F2B, s0  }
0xbd: {  	[sflag:s0] =	ssyncadd.remote.s32 $0x1  }
0xbe: {  	_ =	sfence.sel $0xFFFF  }
0xbf: {  	[dreg:$0x0] =	wrdreg $0xFFFFFFFF;
	(pc) =	sbr.abs _section_cstart, $3  }
0xc0: {  	[dreg:$0x1] =	wrdreg $0xFFFFFFFF  }
0xc1: {  	_ =	task.clear_ibuf [dreg:s6], $0x2FFFF;
	_ =	strace $0x9FFFFFFF  }
0xc2: {  	(tm) =	ssettm $0x7FFFFFFF  }
0xc3: {  	_ =	shalt  }
tec
execute0_lowered:
.L_overlay_start_1:
0x0: {  	(tag) =	ssettag $0x1  }
0x1: {  	s9 =	rddreg [dreg:$0x0]  }
0x2: {  	s0 =	stileid.u32;
	s2 =	rddreg [dreg:$0x1];
	s4 =	simm.s32 $0x0  }
0x3: {  	s8 =	srdreg.scid;
	s18 =	simm.s32 $0x1400;
	s19 =	simm.s32 $0x7D  }
0x4: {  	s20 =	simm.s32 $0x2800;
	s21 =	simm.s32 $0x6800;
	s22 =	simm.s32 $0x1  }
0x5: {  	s23 =	simm.s32 $0x2;
	s24 =	simm.s32 $0x1380;
	s25 =	simm.s32 $0x2700  }
0x6: {  	s26 =	simm.s32 $0x2780;
	s28 =	simm.s32 $0x0;
	s3 =	smul.u32 $0x2800, s0  }
0x7: {  	[smem:$0x7FF] =	sst s4;
	s6 =	sadd.s32 $0x62A00, s9;
	s7 =	sadd.s32 $0x10200, s9  }
0x8: {  	s16 =	sand.u32 $0x1, s8;
	s10 =	smul.u32 $0x50000, s0;
	s8 =	sadd.s32 $0x8AA00, s9  }
0x9: {  	s13 =	sshll.u32 s0, $0x6;
	_ =	strace $0x8000004D;
	s11 =	ssub.s32 $0x2, s16  }
0xa: {  	p0 =	sne.s32 s16, $0x0;
	s5 =	sshrl.u32 s3, $0x3;
	s12 =	sshrl.u32 s11, $0x1  }
.Ltmp0:
0xb: {  	s10 =	sshrl.u32 s10, $0x2;
	s14 =	sadd.s32 s5, s9;
	(pc) =	sbr.rel .LBB2_1-.Ltmp0, $4  }
0xc: {  	s5 =	sadd.s32 $0x3AA00, s9;
	s9 =	sadd.s32 $0xDB200, s9;
	s15 =	ssub.s32 s11, s12  }
0xd: {  	s17 =	sadd.s32 s10, s2;
	s10 =	sor.u32 $0x1C03, s13;
	s11 =	sadd.s32 $0x6200, s14  }
0xe: {  	s12 =	sadd.s32 $0xB200, s14;
	s13 =	sadd.s32 $0x6480, s14;
	s14 =	sadd.s32 $0xB480, s14  }
0xf: {  	s15 =	smax.u32 s15, $0x1;
	s16 =	sshrl.u32 s17, $0x3;
	s17 =	simm.s32 $0x3  }
.LBB2_11:
0x10: {  	s0 =	sadd.s32 $0x80, s29;
	[sflag:s17] =	ssyncadd.s32 $0xFFFFC180  }
0x11: {  	[tilespmem:s21], [sflag:$0x2] =	stream.indirect.gather [hbm4b:s6+s19], $0x80, s0, s19, $0xb8;
	[tilespmem:$0x1E800] =	vst v63  }
0x12: {  	_ =	swait.ge [sflag:s22], $0x3E80  }
0x13: {  	[sflag:s22] =	ssyncset.done $0x0  }
0x14: {  	s31 =	sadd.s32 $0x1400, s29;
	[sflag:s22] =	ssyncadd.s32 $0xFFFFC180  }
0x15: {  	[spmem:s2] =	stream.indirect.scatter.add.f32 [tilespmem:s20], [sflag:$0x3], $0x80, s31, s19, $0xb8;
	[tilespmem:$0x1E800] =	vst v63  }
0x16: {  	_ =	swait.ge [sflag:s17], $0x3E80  }
0x17: {  	[sflag:s17] =	ssyncset.done $0x0  }
0x18: {  	s1 =	sadd.s32 $0x100, s29;
	[sflag:s17] =	ssyncadd.s32 $0xFFFFC180  }
0x19: {  	[tilespmem:s20], [sflag:$0x1] =	stream.indirect.gather [hbm4b:s6+s19], $0x80, s1, s19, $0xb8;
	[tilespmem:$0x1E800] =	vst v63  }
0x1a: {  	_ =	swait.ge [sflag:s23], $0x3E80  }
0x1b: {  	[sflag:s23] =	ssyncset.done $0x0  }
0x1c: {  	s31 =	sadd.s32 $0x1480, s29;
	[sflag:s23] =	ssyncadd.s32 $0xFFFFC180  }
0x1d: {  	[spmem:s2] =	stream.indirect.scatter.add.f32 [tilespmem:s21], [sflag:$0x3], $0x80, s31, s19, $0xb8;
	[tilespmem:$0x1E800] =	vst v63  }
0x1e: {  	_ =	swait.ge [sflag:s17], $0x3E80  }
0x1f: {  	[sflag:s17] =	ssyncset.done $0x0  }
0x20: {  	s30 =	smov.u32 s6;
	s29 =	smov.u32 s9;
	[sflag:s17] =	ssyncadd.s32 $0xFFFFC180  }
0x21: {  	[tilespmem:s21], [sflag:$0x2] =	stream.indirect.gather [hbm4b:s6+s19], $0x80, s24, s19, $0xb8;
	[tilespmem:$0x1E800] =	vst v63  }
.LBB2_12:
0x22: {  	_ =	swait.ge [sflag:s22], $0x3E80  }
0x23: {  	[sflag:s22] =	ssyncset.done $0x0  }
0x24: {  	[sflag:s22] =	ssyncadd.s32 $0xFFFFC180  }
0x25: {  	[spmem:s2] =	stream.indirect.scatter.add.f32 [tilespmem:s20], [sflag:$0x3], $0x80, s25, s19, $0xb8;
	[tilespmem:$0x1E800] =	vst v63  }
0x26: {  	_ =	swait.ge [sflag:s17], $0x3E80  }
0x27: {  	[sflag:s17] =	ssyncset.done $0x0  }
0x28: {  	[sflag:s17] =	ssyncadd.s32 $0xFFFFC180  }
0x29: {  	[tilespmem:s20], [sflag:$0x1] =	stream.indirect.gather [hbm4b:s30+s19], $0x80, s4, s19, $0xb8;
	[tilespmem:$0x1E800] =	vst v63  }
0x2a: {  	_ =	swait.ge [sflag:s23], $0x3E80  }
0x2b: {  	[sflag:s23] =	ssyncset.done $0x0  }
0x2c: {  	[sflag:s23] =	ssyncadd.s32 $0xFFFFC180  }
0x2d: {  	[spmem:s2] =	stream.indirect.scatter.add.f32 [tilespmem:s21], [sflag:$0x3], $0x80, s26, s19, $0xb8;
	[tilespmem:$0x1E800] =	vst v63  }
0x2e: {  	_ =	swait.ge [sflag:s17], $0x3E80  }
0x2f: {  	[sflag:s17] =	ssyncset.done $0x0  }
0x30: {  	[sflag:s17] =	ssyncadd.s32 $0xFFFFC180  }
0x31: {  	_ =	swait.ge [sflag:s22], $0x3E80  }
0x32: {  	s28 =	sadd.s32 $0x1, s28;
	[sflag:s22] =	ssyncset.done $0x0  }
0x33: {  	p1 =	sne.s32 s28, s15;
	[sflag:s22] =	ssyncadd.s32 $0xFFFFC180  }
.Ltmp1:
0x34: {  	s0 =	sadd.s32 s29, s3;
	[bflag:$0x0] =	sbarrier.arrive $0xFFFF;
	(pc) =	sbr.rel @!p1 .LBB2_13-.Ltmp1, $4  }
0x35: {  	[hbm:s0], [sflag:s10] =	dma.local [spmem:s16], $0x2800  }
0x36: {  	_ =	swait.ge [sflag:s17], $0x2800  }
0x37: {  	[sflag:s17] =	ssyncset.done $0x0  }
0x38: {  	[sflag:s17] =	ssyncadd.s32 $0xFFFFD800  }
.LBB2_1:
0x39: {  	[spmem:s16], [sflag:s10] =	dma.local [hbm:s7], $0x2800  }
0x3a: {  	_ =	swait.ge [sflag:s17], $0x2800  }
0x3b: {  	[sflag:s17] =	ssyncset.done $0x0  }
0x3c: {  	[sflag:s17] =	ssyncadd.s32 $0xFFFFD800  }
0x3d: {  	[bflag:$0x0] =	sbarrier.arrive $0xFFFF  }
0x3e: {  	[tilespmem:s4], [sflag:$0x3] =	stream.linear.gather [hbm4b:s11+s4], $0x1400, $0x38;
	[tilespmem:$0x1E800] =	vst v63  }
0x3f: {  	_ =	swait.ge [sflag:s17], $0x1400  }
0x40: {  	[sflag:s17] =	ssyncset.done $0x0  }
.Ltmp2:
0x41: {  	[sflag:s17] =	ssyncadd.s32 $0xFFFFEC00;
	(pc) =	sbr.rel @p0 .LBB2_7-.Ltmp2, $4  }
0x42: {  	[tilespmem:s18], [sflag:$0x3] =	stream.linear.gather [hbm4b:s12+s4], $0x1400, $0x38;
	[tilespmem:$0x1E800] =	vst v63  }
0x43: {  	_ =	swait.ge [sflag:s17], $0x1400  }
0x44: {  	[sflag:s17] =	ssyncset.done $0x0  }
0x45: {  	[sflag:s17] =	ssyncadd.s32 $0xFFFFEC00  }
0x46: {  	s29 =	simm.s32 $0x0  }
0x47: {  	[tilespmem:s20], [sflag:$0x1] =	stream.indirect.gather [hbm4b:s5+s19], $0x80, s29, s19, $0xb8;
	[tilespmem:$0x1E800] =	vst v63  }
0x48: {  	s29 =	simm.s32 $0x80  }
0x49: {  	[tilespmem:s21], [sflag:$0x2] =	stream.indirect.gather [hbm4b:s5+s19], $0x80, s29, s19, $0xb8;
	[tilespmem:$0x1E800] =	vst v63  }
0x4a: {  	_ =	swait.ge [sflag:s22], $0x3E80  }
0x4b: {  	[sflag:s22] =	ssyncset.done $0x0  }
0x4c: {  	s29 =	simm.s32 $0x1400;
	[sflag:s22] =	ssyncadd.s32 $0xFFFFC180  }
0x4d: {  	[spmem:s2] =	stream.indirect.scatter.add.f32 [tilespmem:s20], [sflag:$0x3], $0x80, s29, s19, $0xb8;
	[tilespmem:$0x1E800] =	vst v63  }
0x4e: {  	_ =	swait.ge [sflag:s17], $0x3E80  }
0x4f: {  	[sflag:s17] =	ssyncset.done $0x0  }
0x50: {  	s29 =	simm.s32 $0x100;
	[sflag:s17] =	ssyncadd.s32 $0xFFFFC180  }
0x51: {  	[tilespmem:s20], [sflag:$0x1] =	stream.indirect.gather [hbm4b:s5+s19], $0x80, s29, s19, $0xb8;
	[tilespmem:$0x1E800] =	vst v63  }
0x52: {  	_ =	swait.ge [sflag:s23], $0x3E80  }
0x53: {  	[sflag:s23] =	ssyncset.done $0x0  }
0x54: {  	s29 =	simm.s32 $0x1480;
	[sflag:s23] =	ssyncadd.s32 $0xFFFFC180  }
0x55: {  	[spmem:s2] =	stream.indirect.scatter.add.f32 [tilespmem:s21], [sflag:$0x3], $0x80, s29, s19, $0xb8;
	[tilespmem:$0x1E800] =	vst v63  }
0x56: {  	_ =	swait.ge [sflag:s17], $0x3E80  }
0x57: {  	s30 =	simm.s32 $0x800;
	s29 =	simm.s32 $0x100;
	[sflag:s17] =	ssyncset.done $0x0  }
.LBB2_3:
0x58: {  	s31 =	sadd.s32 $0x80, s29  }
0x59: {  	[sflag:s17] =	ssyncadd.s32 $0xFFFFC180;
	s1 =	smov.u32 s30;
	s0 =	sadd.s32 $0x400, s30  }
0x5a: {  	[tilespmem:s21], [sflag:$0x2] =	stream.indirect.gather [hbm4b:s5+s19], $0x80, s31, s19, $0xb8;
	[tilespmem:$0x1E800] =	vst v63  }
0x5b: {  	p1 =	sne.s32 s30, $0x4800;
	_ =	swait.ge [sflag:s22], $0x3E80  }
0x5c: {  	[sflag:s22] =	ssyncset.done $0x0  }
0x5d: {  	s30 =	sadd.s32 $0x1400, s29;
	[sflag:s22] =	ssyncadd.s32 $0xFFFFC180  }
0x5e: {  	[spmem:s2] =	stream.indirect.scatter.add.f32 [tilespmem:s20], [sflag:$0x3], $0x80, s30, s19, $0xb8;
	[tilespmem:$0x1E800] =	vst v63  }
0x5f: {  	_ =	swait.ge [sflag:s17], $0x3E80  }
0x60: {  	[sflag:s17] =	ssyncset.done $0x0  }
0x61: {  	s30 =	sadd.s32 $0x100, s29;
	[sflag:s17] =	ssyncadd.s32 $0xFFFFC180  }
0x62: {  	[tilespmem:s20], [sflag:$0x1] =	stream.indirect.gather [hbm4b:s5+s19], $0x80, s30, s19, $0xb8;
	[tilespmem:$0x1E800] =	vst v63  }
0x63: {  	_ =	swait.ge [sflag:s23], $0x3E80  }
.Ltmp3:
0x64: {  	[sflag:s23] =	ssyncset.done $0x0;
	(pc) =	sbr.rel @p1 .LBB2_3-.Ltmp3, $4  }
0x65: {  	s29 =	sadd.s32 $0x1480, s29;
	[sflag:s23] =	ssyncadd.s32 $0xFFFFC180  }
0x66: {  	[spmem:s2] =	stream.indirect.scatter.add.f32 [tilespmem:s21], [sflag:$0x3], $0x80, s29, s19, $0xb8;
	[tilespmem:$0x1E800] =	vst v63  }
0x67: {  	_ =	swait.ge [sflag:s17], $0x3E80  }
0x68: {  	s30 =	smov.u32 s0;
	s29 =	sshra.s32 s1, $0x2;
	[sflag:s17] =	ssyncset.done $0x0  }
0x69: {  	s0 =	sadd.s32 $0x80, s29;
	[sflag:s17] =	ssyncadd.s32 $0xFFFFC180  }
0x6a: {  	[tilespmem:s21], [sflag:$0x2] =	stream.indirect.gather [hbm4b:s5+s19], $0x80, s0, s19, $0xb8;
	[tilespmem:$0x1E800] =	vst v63  }
0x6b: {  	_ =	swait.ge [sflag:s22], $0x3E80  }
0x6c: {  	[sflag:s22] =	ssyncset.done $0x0  }
0x6d: {  	s1 =	sadd.s32 $0x1400, s29;
	[sflag:s22] =	ssyncadd.s32 $0xFFFFC180  }
0x6e: {  	[spmem:s2] =	stream.indirect.scatter.add.f32 [tilespmem:s20], [sflag:$0x3], $0x80, s1, s19, $0xb8;
	[tilespmem:$0x1E800] =	vst v63  }
0x6f: {  	_ =	swait.ge [sflag:s17], $0x3E80  }
0x70: {  	[sflag:s17] =	ssyncset.done $0x0  }
0x71: {  	s31 =	sadd.s32 $0x100, s29;
	[sflag:s17] =	ssyncadd.s32 $0xFFFFC180  }
0x72: {  	[tilespmem:s20], [sflag:$0x1] =	stream.indirect.gather [hbm4b:s5+s19], $0x80, s31, s19, $0xb8;
	[tilespmem:$0x1E800] =	vst v63  }
0x73: {  	_ =	swait.ge [sflag:s23], $0x3E80  }
0x74: {  	[sflag:s23] =	ssyncset.done $0x0  }
0x75: {  	s1 =	sadd.s32 $0x1480, s29;
	[sflag:s23] =	ssyncadd.s32 $0xFFFFC180  }
0x76: {  	[spmem:s2] =	stream.indirect.scatter.add.f32 [tilespmem:s21], [sflag:$0x3], $0x80, s1, s19, $0xb8;
	[tilespmem:$0x1E800] =	vst v63  }
0x77: {  	_ =	swait.ge [sflag:s17], $0x3E80  }
0x78: {  	[sflag:s17] =	ssyncset.done $0x0  }
0x79: {  	[sflag:s17] =	ssyncadd.s32 $0xFFFFC180  }
0x7a: {  	[tilespmem:s21], [sflag:$0x2] =	stream.indirect.gather [hbm4b:s5+s19], $0x80, s24, s19, $0xb8;
	[tilespmem:$0x1E800] =	vst v63  }
0x7b: {  	_ =	swait.ge [sflag:s22], $0x3E80  }
0x7c: {  	[sflag:s22] =	ssyncset.done $0x0  }
0x7d: {  	[sflag:s22] =	ssyncadd.s32 $0xFFFFC180  }
0x7e: {  	[spmem:s2] =	stream.indirect.scatter.add.f32 [tilespmem:s20], [sflag:$0x3], $0x80, s25, s19, $0xb8;
	[tilespmem:$0x1E800] =	vst v63  }
0x7f: {  	_ =	swait.ge [sflag:s17], $0x3E80  }
0x80: {  	[sflag:s17] =	ssyncset.done $0x0  }
0x81: {  	s31 =	simm.s32 $0x0;
	[sflag:s17] =	ssyncadd.s32 $0xFFFFC180  }
0x82: {  	[tilespmem:s20], [sflag:$0x1] =	stream.indirect.gather [hbm4b:s5+s19], $0x80, s31, s19, $0xb8;
	[tilespmem:$0x1E800] =	vst v63  }
0x83: {  	_ =	swait.ge [sflag:s23], $0x3E80  }
0x84: {  	[sflag:s23] =	ssyncset.done $0x0  }
0x85: {  	[sflag:s23] =	ssyncadd.s32 $0xFFFFC180  }
0x86: {  	[spmem:s2] =	stream.indirect.scatter.add.f32 [tilespmem:s21], [sflag:$0x3], $0x80, s26, s19, $0xb8;
	[tilespmem:$0x1E800] =	vst v63  }
0x87: {  	_ =	swait.ge [sflag:s17], $0x3E80  }
0x88: {  	[sflag:s17] =	ssyncset.done $0x0  }
0x89: {  	[sflag:s17] =	ssyncadd.s32 $0xFFFFC180  }
0x8a: {  	_ =	swait.ge [sflag:s22], $0x3E80  }
0x8b: {  	[sflag:s22] =	ssyncset.done $0x0  }
0x8c: {  	[sflag:s22] =	ssyncadd.s32 $0xFFFFC180  }
0x8d: {  	[tilespmem:s31], [sflag:$0x3] =	stream.linear.gather [hbm4b:s13+s31], $0x1400, $0x38;
	[tilespmem:$0x1E800] =	vst v63  }
0x8e: {  	_ =	swait.ge [sflag:s17], $0x1400  }
0x8f: {  	[sflag:s17] =	ssyncset.done $0x0  }
0x90: {  	[sflag:s17] =	ssyncadd.s32 $0xFFFFEC00  }
0x91: {  	[tilespmem:s18], [sflag:$0x3] =	stream.linear.gather [hbm4b:s14+s31], $0x1400, $0x38;
	[tilespmem:$0x1E800] =	vst v63  }
0x92: {  	_ =	swait.ge [sflag:s17], $0x1400  }
0x93: {  	[sflag:s17] =	ssyncset.done $0x0  }
0x94: {  	[sflag:s17] =	ssyncadd.s32 $0xFFFFEC00  }
0x95: {  	[tilespmem:s20], [sflag:$0x1] =	stream.indirect.gather [hbm4b:s5+s19], $0x80, s31, s19, $0xb8;
	[tilespmem:$0x1E800] =	vst v63  }
0x96: {  	s1 =	simm.s32 $0x80  }
0x97: {  	[tilespmem:s21], [sflag:$0x2] =	stream.indirect.gather [hbm4b:s5+s19], $0x80, s1, s19, $0xb8;
	[tilespmem:$0x1E800] =	vst v63  }
0x98: {  	_ =	swait.ge [sflag:s22], $0x3E80  }
0x99: {  	[sflag:s22] =	ssyncset.done $0x0  }
0x9a: {  	s31 =	simm.s32 $0x1400;
	[sflag:s22] =	ssyncadd.s32 $0xFFFFC180  }
0x9b: {  	[spmem:s2] =	stream.indirect.scatter.add.f32 [tilespmem:s20], [sflag:$0x3], $0x80, s31, s19, $0xb8;
	[tilespmem:$0x1E800] =	vst v63  }
0x9c: {  	_ =	swait.ge [sflag:s17], $0x3E80  }
0x9d: {  	[sflag:s17] =	ssyncset.done $0x0  }
0x9e: {  	s1 =	simm.s32 $0x100;
	[sflag:s17] =	ssyncadd.s32 $0xFFFFC180  }
0x9f: {  	[tilespmem:s20], [sflag:$0x1] =	stream.indirect.gather [hbm4b:s5+s19], $0x80, s1, s19, $0xb8;
	[tilespmem:$0x1E800] =	vst v63  }
0xa0: {  	_ =	swait.ge [sflag:s23], $0x3E80  }
0xa1: {  	[sflag:s23] =	ssyncset.done $0x0  }
0xa2: {  	s31 =	simm.s32 $0x1480;
	[sflag:s23] =	ssyncadd.s32 $0xFFFFC180  }
0xa3: {  	[spmem:s2] =	stream.indirect.scatter.add.f32 [tilespmem:s21], [sflag:$0x3], $0x80, s31, s19, $0xb8;
	[tilespmem:$0x1E800] =	vst v63  }
0xa4: {  	_ =	swait.ge [sflag:s17], $0x3E80  }
0xa5: {  	s30 =	simm.s32 $0x800;
	s29 =	simm.s32 $0x100;
	[sflag:s17] =	ssyncset.done $0x0  }
.LBB2_5:
0xa6: {  	s0 =	sadd.s32 $0x80, s29  }
0xa7: {  	[sflag:s17] =	ssyncadd.s32 $0xFFFFC180;
	s1 =	smov.u32 s30;
	s31 =	sadd.s32 $0x400, s30  }
0xa8: {  	[tilespmem:s21], [sflag:$0x2] =	stream.indirect.gather [hbm4b:s5+s19], $0x80, s0, s19, $0xb8;
	[tilespmem:$0x1E800] =	vst v63  }
0xa9: {  	p1 =	sne.s32 s30, $0x4800;
	_ =	swait.ge [sflag:s22], $0x3E80  }
0xaa: {  	[sflag:s22] =	ssyncset.done $0x0  }
0xab: {  	s0 =	sadd.s32 $0x1400, s29;
	[sflag:s22] =	ssyncadd.s32 $0xFFFFC180  }
0xac: {  	[spmem:s2] =	stream.indirect.scatter.add.f32 [tilespmem:s20], [sflag:$0x3], $0x80, s0, s19, $0xb8;
	[tilespmem:$0x1E800] =	vst v63  }
0xad: {  	_ =	swait.ge [sflag:s17], $0x3E80  }
0xae: {  	[sflag:s17] =	ssyncset.done $0x0  }
0xaf: {  	s0 =	sadd.s32 $0x100, s29;
	[sflag:s17] =	ssyncadd.s32 $0xFFFFC180  }
0xb0: {  	[tilespmem:s20], [sflag:$0x1] =	stream.indirect.gather [hbm4b:s5+s19], $0x80, s0, s19, $0xb8;
	[tilespmem:$0x1E800] =	vst v63  }
0xb1: {  	_ =	swait.ge [sflag:s23], $0x3E80  }
.Ltmp4:
0xb2: {  	[sflag:s23] =	ssyncset.done $0x0;
	(pc) =	sbr.rel @p1 .LBB2_5-.Ltmp4, $4  }
0xb3: {  	s0 =	sadd.s32 $0x1480, s29;
	[sflag:s23] =	ssyncadd.s32 $0xFFFFC180  }
0xb4: {  	[spmem:s2] =	stream.indirect.scatter.add.f32 [tilespmem:s21], [sflag:$0x3], $0x80, s0, s19, $0xb8;
	[tilespmem:$0x1E800] =	vst v63  }
0xb5: {  	_ =	swait.ge [sflag:s17], $0x3E80  }
0xb6: {  	s30 =	smov.u32 s31;
	s29 =	sshra.s32 s1, $0x2;
	[sflag:s17] =	ssyncset.done $0x0  }
0xb7: {  	s0 =	sadd.s32 $0x80, s29;
	[sflag:s17] =	ssyncadd.s32 $0xFFFFC180  }
0xb8: {  	[tilespmem:s21], [sflag:$0x2] =	stream.indirect.gather [hbm4b:s5+s19], $0x80, s0, s19, $0xb8;
	[tilespmem:$0x1E800] =	vst v63  }
0xb9: {  	_ =	swait.ge [sflag:s22], $0x3E80  }
0xba: {  	[sflag:s22] =	ssyncset.done $0x0  }
0xbb: {  	s31 =	sadd.s32 $0x1400, s29;
	[sflag:s22] =	ssyncadd.s32 $0xFFFFC180  }
0xbc: {  	[spmem:s2] =	stream.indirect.scatter.add.f32 [tilespmem:s20], [sflag:$0x3], $0x80, s31, s19, $0xb8;
	[tilespmem:$0x1E800] =	vst v63  }
0xbd: {  	_ =	swait.ge [sflag:s17], $0x3E80  }
0xbe: {  	[sflag:s17] =	ssyncset.done $0x0  }
0xbf: {  	s1 =	sadd.s32 $0x100, s29;
	[sflag:s17] =	ssyncadd.s32 $0xFFFFC180  }
0xc0: {  	[tilespmem:s20], [sflag:$0x1] =	stream.indirect.gather [hbm4b:s5+s19], $0x80, s1, s19, $0xb8;
	[tilespmem:$0x1E800] =	vst v63  }
0xc1: {  	_ =	swait.ge [sflag:s23], $0x3E80  }
0xc2: {  	[sflag:s23] =	ssyncset.done $0x0  }
0xc3: {  	s31 =	sadd.s32 $0x1480, s29;
	[sflag:s23] =	ssyncadd.s32 $0xFFFFC180  }
0xc4: {  	[spmem:s2] =	stream.indirect.scatter.add.f32 [tilespmem:s21], [sflag:$0x3], $0x80, s31, s19, $0xb8;
	[tilespmem:$0x1E800] =	vst v63  }
.Ltmp5:
0xc5: {  	_ = 	snop;
	(pc) =	sbr.rel .LBB2_12-.Ltmp5, $4  }
0xc6: {  	_ =	swait.ge [sflag:s17], $0x3E80  }
0xc7: {  	[sflag:s17] =	ssyncset.done $0x0  }
0xc8: {  	s30 =	smov.u32 s5;
	s29 =	smov.u32 s8;
	[sflag:s17] =	ssyncadd.s32 $0xFFFFC180  }
0xc9: {  	[tilespmem:s21], [sflag:$0x2] =	stream.indirect.gather [hbm4b:s5+s19], $0x80, s24, s19, $0xb8;
	[tilespmem:$0x1E800] =	vst v63  }
.LBB2_7:
0xca: {  	s0 =	simm.s32 $0x0  }
0xcb: {  	[tilespmem:s20], [sflag:$0x1] =	stream.indirect.gather [hbm4b:s6+s19], $0x80, s0, s19, $0xb8;
	[tilespmem:$0x1E800] =	vst v63  }
0xcc: {  	s1 =	simm.s32 $0x80  }
0xcd: {  	[tilespmem:s21], [sflag:$0x2] =	stream.indirect.gather [hbm4b:s6+s19], $0x80, s1, s19, $0xb8;
	[tilespmem:$0x1E800] =	vst v63  }
0xce: {  	_ =	swait.ge [sflag:s22], $0x3E80  }
0xcf: {  	[sflag:s22] =	ssyncset.done $0x0  }
0xd0: {  	s31 =	simm.s32 $0x1400;
	[sflag:s22] =	ssyncadd.s32 $0xFFFFC180  }
0xd1: {  	[spmem:s2] =	stream.indirect.scatter.add.f32 [tilespmem:s20], [sflag:$0x3], $0x80, s31, s19, $0xb8;
	[tilespmem:$0x1E800] =	vst v63  }
0xd2: {  	_ =	swait.ge [sflag:s17], $0x3E80  }
0xd3: {  	[sflag:s17] =	ssyncset.done $0x0  }
0xd4: {  	s1 =	simm.s32 $0x100;
	[sflag:s17] =	ssyncadd.s32 $0xFFFFC180  }
0xd5: {  	[tilespmem:s20], [sflag:$0x1] =	stream.indirect.gather [hbm4b:s6+s19], $0x80, s1, s19, $0xb8;
	[tilespmem:$0x1E800] =	vst v63  }
0xd6: {  	_ =	swait.ge [sflag:s23], $0x3E80  }
0xd7: {  	[sflag:s23] =	ssyncset.done $0x0  }
0xd8: {  	s31 =	simm.s32 $0x1480;
	[sflag:s23] =	ssyncadd.s32 $0xFFFFC180  }
0xd9: {  	[spmem:s2] =	stream.indirect.scatter.add.f32 [tilespmem:s21], [sflag:$0x3], $0x80, s31, s19, $0xb8;
	[tilespmem:$0x1E800] =	vst v63  }
0xda: {  	_ =	swait.ge [sflag:s17], $0x3E80  }
0xdb: {  	s30 =	simm.s32 $0x800;
	s29 =	simm.s32 $0x100;
	[sflag:s17] =	ssyncset.done $0x0  }
.LBB2_8:
0xdc: {  	s0 =	sadd.s32 $0x80, s29  }
0xdd: {  	[sflag:s17] =	ssyncadd.s32 $0xFFFFC180;
	s1 =	smov.u32 s30;
	s31 =	sadd.s32 $0x400, s30  }
0xde: {  	[tilespmem:s21], [sflag:$0x2] =	stream.indirect.gather [hbm4b:s6+s19], $0x80, s0, s19, $0xb8;
	[tilespmem:$0x1E800] =	vst v63  }
0xdf: {  	p1 =	sne.s32 s30, $0x4800;
	_ =	swait.ge [sflag:s22], $0x3E80  }
0xe0: {  	[sflag:s22] =	ssyncset.done $0x0  }
0xe1: {  	s0 =	sadd.s32 $0x1400, s29;
	[sflag:s22] =	ssyncadd.s32 $0xFFFFC180  }
0xe2: {  	[spmem:s2] =	stream.indirect.scatter.add.f32 [tilespmem:s20], [sflag:$0x3], $0x80, s0, s19, $0xb8;
	[tilespmem:$0x1E800] =	vst v63  }
0xe3: {  	_ =	swait.ge [sflag:s17], $0x3E80  }
0xe4: {  	[sflag:s17] =	ssyncset.done $0x0  }
0xe5: {  	s0 =	sadd.s32 $0x100, s29;
	[sflag:s17] =	ssyncadd.s32 $0xFFFFC180  }
0xe6: {  	[tilespmem:s20], [sflag:$0x1] =	stream.indirect.gather [hbm4b:s6+s19], $0x80, s0, s19, $0xb8;
	[tilespmem:$0x1E800] =	vst v63  }
0xe7: {  	_ =	swait.ge [sflag:s23], $0x3E80  }
.Ltmp6:
0xe8: {  	[sflag:s23] =	ssyncset.done $0x0;
	(pc) =	sbr.rel @p1 .LBB2_8-.Ltmp6, $4  }
0xe9: {  	s0 =	sadd.s32 $0x1480, s29;
	[sflag:s23] =	ssyncadd.s32 $0xFFFFC180  }
0xea: {  	[spmem:s2] =	stream.indirect.scatter.add.f32 [tilespmem:s21], [sflag:$0x3], $0x80, s0, s19, $0xb8;
	[tilespmem:$0x1E800] =	vst v63  }
0xeb: {  	_ =	swait.ge [sflag:s17], $0x3E80  }
0xec: {  	s30 =	smov.u32 s31;
	s29 =	sshra.s32 s1, $0x2;
	[sflag:s17] =	ssyncset.done $0x0  }
0xed: {  	s0 =	sadd.s32 $0x80, s29;
	[sflag:s17] =	ssyncadd.s32 $0xFFFFC180  }
0xee: {  	[tilespmem:s21], [sflag:$0x2] =	stream.indirect.gather [hbm4b:s6+s19], $0x80, s0, s19, $0xb8;
	[tilespmem:$0x1E800] =	vst v63  }
0xef: {  	_ =	swait.ge [sflag:s22], $0x3E80  }
0xf0: {  	[sflag:s22] =	ssyncset.done $0x0  }
0xf1: {  	s1 =	sadd.s32 $0x1400, s29;
	[sflag:s22] =	ssyncadd.s32 $0xFFFFC180  }
0xf2: {  	[spmem:s2] =	stream.indirect.scatter.add.f32 [tilespmem:s20], [sflag:$0x3], $0x80, s1, s19, $0xb8;
	[tilespmem:$0x1E800] =	vst v63  }
0xf3: {  	_ =	swait.ge [sflag:s17], $0x3E80  }
0xf4: {  	[sflag:s17] =	ssyncset.done $0x0  }
0xf5: {  	s31 =	sadd.s32 $0x100, s29;
	[sflag:s17] =	ssyncadd.s32 $0xFFFFC180  }
0xf6: {  	[tilespmem:s20], [sflag:$0x1] =	stream.indirect.gather [hbm4b:s6+s19], $0x80, s31, s19, $0xb8;
	[tilespmem:$0x1E800] =	vst v63  }
0xf7: {  	_ =	swait.ge [sflag:s23], $0x3E80  }
0xf8: {  	[sflag:s23] =	ssyncset.done $0x0  }
0xf9: {  	s1 =	sadd.s32 $0x1480, s29;
	[sflag:s23] =	ssyncadd.s32 $0xFFFFC180  }
0xfa: {  	[spmem:s2] =	stream.indirect.scatter.add.f32 [tilespmem:s21], [sflag:$0x3], $0x80, s1, s19, $0xb8;
	[tilespmem:$0x1E800] =	vst v63  }
0xfb: {  	_ =	swait.ge [sflag:s17], $0x3E80  }
0xfc: {  	[sflag:s17] =	ssyncset.done $0x0  }
0xfd: {  	[sflag:s17] =	ssyncadd.s32 $0xFFFFC180  }
0xfe: {  	[tilespmem:s21], [sflag:$0x2] =	stream.indirect.gather [hbm4b:s6+s19], $0x80, s24, s19, $0xb8;
	[tilespmem:$0x1E800] =	vst v63  }
0xff: {  	_ =	swait.ge [sflag:s22], $0x3E80  }
0x100: {  	[sflag:s22] =	ssyncset.done $0x0  }
0x101: {  	[sflag:s22] =	ssyncadd.s32 $0xFFFFC180  }
0x102: {  	[spmem:s2] =	stream.indirect.scatter.add.f32 [tilespmem:s20], [sflag:$0x3], $0x80, s25, s19, $0xb8;
	[tilespmem:$0x1E800] =	vst v63  }
0x103: {  	_ =	swait.ge [sflag:s17], $0x3E80  }
0x104: {  	[sflag:s17] =	ssyncset.done $0x0  }
0x105: {  	s31 =	simm.s32 $0x0;
	[sflag:s17] =	ssyncadd.s32 $0xFFFFC180  }
0x106: {  	[tilespmem:s20], [sflag:$0x1] =	stream.indirect.gather [hbm4b:s6+s19], $0x80, s31, s19, $0xb8;
	[tilespmem:$0x1E800] =	vst v63  }
0x107: {  	_ =	swait.ge [sflag:s23], $0x3E80  }
0x108: {  	[sflag:s23] =	ssyncset.done $0x0  }
0x109: {  	[sflag:s23] =	ssyncadd.s32 $0xFFFFC180  }
0x10a: {  	[spmem:s2] =	stream.indirect.scatter.add.f32 [tilespmem:s21], [sflag:$0x3], $0x80, s26, s19, $0xb8;
	[tilespmem:$0x1E800] =	vst v63  }
0x10b: {  	_ =	swait.ge [sflag:s17], $0x3E80  }
0x10c: {  	[sflag:s17] =	ssyncset.done $0x0  }
0x10d: {  	[sflag:s17] =	ssyncadd.s32 $0xFFFFC180  }
0x10e: {  	_ =	swait.ge [sflag:s22], $0x3E80  }
0x10f: {  	[sflag:s22] =	ssyncset.done $0x0  }
0x110: {  	[sflag:s22] =	ssyncadd.s32 $0xFFFFC180  }
0x111: {  	[tilespmem:s31], [sflag:$0x3] =	stream.linear.gather [hbm4b:s13+s31], $0x1400, $0x38;
	[tilespmem:$0x1E800] =	vst v63  }
0x112: {  	_ =	swait.ge [sflag:s17], $0x1400  }
0x113: {  	[sflag:s17] =	ssyncset.done $0x0  }
0x114: {  	[sflag:s17] =	ssyncadd.s32 $0xFFFFEC00  }
0x115: {  	[tilespmem:s18], [sflag:$0x3] =	stream.linear.gather [hbm4b:s14+s31], $0x1400, $0x38;
	[tilespmem:$0x1E800] =	vst v63  }
0x116: {  	_ =	swait.ge [sflag:s17], $0x1400  }
0x117: {  	[sflag:s17] =	ssyncset.done $0x0  }
0x118: {  	[sflag:s17] =	ssyncadd.s32 $0xFFFFEC00  }
0x119: {  	[tilespmem:s20], [sflag:$0x1] =	stream.indirect.gather [hbm4b:s6+s19], $0x80, s31, s19, $0xb8;
	[tilespmem:$0x1E800] =	vst v63  }
0x11a: {  	s1 =	simm.s32 $0x80  }
0x11b: {  	[tilespmem:s21], [sflag:$0x2] =	stream.indirect.gather [hbm4b:s6+s19], $0x80, s1, s19, $0xb8;
	[tilespmem:$0x1E800] =	vst v63  }
0x11c: {  	_ =	swait.ge [sflag:s22], $0x3E80  }
0x11d: {  	[sflag:s22] =	ssyncset.done $0x0  }
0x11e: {  	s31 =	simm.s32 $0x1400;
	[sflag:s22] =	ssyncadd.s32 $0xFFFFC180  }
0x11f: {  	[spmem:s2] =	stream.indirect.scatter.add.f32 [tilespmem:s20], [sflag:$0x3], $0x80, s31, s19, $0xb8;
	[tilespmem:$0x1E800] =	vst v63  }
0x120: {  	_ =	swait.ge [sflag:s17], $0x3E80  }
0x121: {  	[sflag:s17] =	ssyncset.done $0x0  }
0x122: {  	s1 =	simm.s32 $0x100;
	[sflag:s17] =	ssyncadd.s32 $0xFFFFC180  }
0x123: {  	[tilespmem:s20], [sflag:$0x1] =	stream.indirect.gather [hbm4b:s6+s19], $0x80, s1, s19, $0xb8;
	[tilespmem:$0x1E800] =	vst v63  }
0x124: {  	_ =	swait.ge [sflag:s23], $0x3E80  }
0x125: {  	[sflag:s23] =	ssyncset.done $0x0  }
0x126: {  	s31 =	simm.s32 $0x1480;
	[sflag:s23] =	ssyncadd.s32 $0xFFFFC180  }
0x127: {  	[spmem:s2] =	stream.indirect.scatter.add.f32 [tilespmem:s21], [sflag:$0x3], $0x80, s31, s19, $0xb8;
	[tilespmem:$0x1E800] =	vst v63  }
0x128: {  	_ =	swait.ge [sflag:s17], $0x3E80  }
0x129: {  	s30 =	simm.s32 $0x800;
	s29 =	simm.s32 $0x100;
	[sflag:s17] =	ssyncset.done $0x0  }
.LBB2_10:
0x12a: {  	s0 =	sadd.s32 $0x80, s29  }
0x12b: {  	[sflag:s17] =	ssyncadd.s32 $0xFFFFC180;
	s1 =	smov.u32 s30;
	s31 =	sadd.s32 $0x400, s30  }
0x12c: {  	[tilespmem:s21], [sflag:$0x2] =	stream.indirect.gather [hbm4b:s6+s19], $0x80, s0, s19, $0xb8;
	[tilespmem:$0x1E800] =	vst v63  }
0x12d: {  	p1 =	sne.s32 s30, $0x4800;
	_ =	swait.ge [sflag:s22], $0x3E80  }
0x12e: {  	[sflag:s22] =	ssyncset.done $0x0  }
0x12f: {  	s0 =	sadd.s32 $0x1400, s29;
	[sflag:s22] =	ssyncadd.s32 $0xFFFFC180  }
0x130: {  	[spmem:s2] =	stream.indirect.scatter.add.f32 [tilespmem:s20], [sflag:$0x3], $0x80, s0, s19, $0xb8;
	[tilespmem:$0x1E800] =	vst v63  }
0x131: {  	_ =	swait.ge [sflag:s17], $0x3E80  }
0x132: {  	[sflag:s17] =	ssyncset.done $0x0  }
0x133: {  	s0 =	sadd.s32 $0x100, s29;
	[sflag:s17] =	ssyncadd.s32 $0xFFFFC180  }
0x134: {  	[tilespmem:s20], [sflag:$0x1] =	stream.indirect.gather [hbm4b:s6+s19], $0x80, s0, s19, $0xb8;
	[tilespmem:$0x1E800] =	vst v63  }
0x135: {  	_ =	swait.ge [sflag:s23], $0x3E80  }
.Ltmp7:
0x136: {  	[sflag:s23] =	ssyncset.done $0x0;
	(pc) =	sbr.rel @p1 .LBB2_10-.Ltmp7, $4  }
0x137: {  	s0 =	sadd.s32 $0x1480, s29;
	[sflag:s23] =	ssyncadd.s32 $0xFFFFC180  }
0x138: {  	[spmem:s2] =	stream.indirect.scatter.add.f32 [tilespmem:s21], [sflag:$0x3], $0x80, s0, s19, $0xb8;
	[tilespmem:$0x1E800] =	vst v63  }
0x139: {  	_ =	swait.ge [sflag:s17], $0x3E80  }
0x13a: {  	s30 =	smov.u32 s31;
	s29 =	sshra.s32 s1, $0x2;
	[sflag:s17] =	ssyncset.done $0x0  }
.Ltmp8:
0x13b: {  	_ = 	snop;
	(pc) =	sbr.rel .LBB2_11-.Ltmp8, $1  }
0x13c: {  	_ =	sdelay $0x3  }
.LBB2_13:
0x13d: {  	_ =	sfence.sel $0x180000  }
0x13e: {  	[bflag:$0x0] =	sbarrier.arrive $0xFFFF  }
0x13f: {  	_ =	strace $0x9000004D  }
0x140: {  	s0 =	stileid.u32;
	[bflag:$0x2] =	sbarrier.arrive $0xFFFF  }
0x141: {  	p0 =	sne.s32 s0, $0x0;
	s0 =	rddreg [dreg:$0x2]  }
0x142: {  	s0 =	sadd.s32 @!p0 $0x100000, s0  }
0x143: {  	[sflag:s0] =	ssyncadd.tile.s32 @!p0 $0x1;
	_ =	shalt  }
.Lfunc_end2:
_tile_overlayer_lowered:
.L_overlay_start_2:
0x144: {  	(tag) =	ssettag $0x2  }
0x145: {  	s0 =	rddreg [dreg:$0x0];
	s2 =	stileid.u32  }
0x146: {  	s1 =	rddreg [dreg:$0x1];
	p0 =	sne.s32 s2, $0x0  }
0x147: {  	s3 =	rddreg [dreg:$0x2];
	[bflag:$0x3] =	sbarrier.arrive $0xFFFF;
	s2 =	simm.s32 @!p0 $0x1C03  }
0x148: {  	[timem:s3], [sflag:s2] =	dma.local @!p0 [hbm:s0], s1  }
0x149: {  	s0 =	simm.s32 @!p0 $0x3  }
0x14a: {  	_ =	swait.ge @!p0 [sflag:s0], s1  }
0x14b: {  	s1 =	ssub.s32 @!p0 $0x0, s1;
	[sflag:s0] =	ssyncset.done @!p0 $0x0  }
0x14c: {  	[sflag:s0] =	ssyncadd.s32 @!p0 s1  }
0x14d: {  	[bflag:$0x3] =	sbarrier.arrive $0xFFFF  }
0x14e: {  	_ =	shalt  }

// kernel: kernel.19.cloned.1.call-start
scs
__scs_entry_jumppad:
0x0: {  	(pc) =	sbr.rel $0x88, $3  }
0x1: {  	(tag) =	ssettag $0x0;
	lr =	simm.s32 $0x1  }
0x2: {  	[smem:$0x3F97] =	sst lr;
	_ =	strace $0xD0000000  }
0x3: {  	_ = 	snop  }
0x4: {  	_ = 	snop  }
0x5: {  	_ = 	snop  }
0x6: {  	_ = 	snop  }
0x7: {  	_ = 	snop  }
__scs_overlays_trampoline_lowered:
0x8: {  	[smem:$0x3FA6] =	sst s0  }
0x9: {  	[smem:$0x3FA7] =	sst s1  }
0xa: {  	[smem:$0x3FA8] =	sst s2  }
0xb: {  	[smem:$0x3FA9] =	sst s3  }
0xc: {  	[smem:$0x3FAA] =	sst s4  }
0xd: {  	[smem:$0x3FAB] =	sst s5  }
0xe: {  	[smem:$0x3FAC] =	sst s6  }
0xf: {  	[smem:$0x3FAD] =	sst s7  }
0x10: {  	[smem:$0x3FAE] =	sst s8  }
0x11: {  	[smem:$0x3FAF] =	sst s9;
	s0 =	simm.s32 @!p0 $0x0  }
0x12: {  	s1 =	sld [smem:$0x3F95];
	s0 =	simm.s32 @p0 $0x1  }
0x13: {  	[smem:$0x3FB0] =	sst s0;
	s0 =	simm.s32 @!p1 $0x0  }
0x14: {  	s2 =	sld [smem:$0x3F94];
	s0 =	simm.s32 @p1 $0x1  }
0x15: {  	[smem:$0x3FB1] =	sst s0;
	s0 =	simm.s32 @!p2 $0x0  }
0x16: {  	s3 =	sld [smem:$0x3FDB];
	s0 =	simm.s32 @p2 $0x1  }
0x17: {  	s4 =	simm.s32 $0x1BF5;
	[smem:$0x3FB3] =	sst s0  }
0x18: {  	s0 =	sld [smem:$0x3F96];
	_ =	swait.ge [sflag:s4], $0x0  }
0x19: {  	s7 =	sld [smem:$0x3F97]  }
0x1a: {  	s8 =	sadd.s32 $0xFFFFE003, lr  }
0x1b: {  	s9 =	sadd.s32 $0xFFFFFEF7, lr;
	s5 =	simm.s32 $0xFFFFFFFF;
	p2 =	slt.u32 s8, $0xFFFFF086  }
0x1c: {  	p1 =	slt.u32 s9, $0xF7A;
	s5 =	simm.s32 @!p2 $0x0  }
0x1d: {  	s5 =	simm.s32 @p1 $0x1;
	p0 =	seq.s32 s7, s2  }
0x1e: {  	s7 =	smul.u32 @!p0 $0xF7A, s2;
	p2 =	seq.s32 @!p0 s5, $0x0  }
0x1f: {  	s9 =	smul.u32 $0xF7A, s1;
	s8 =	simm.s32 @!p0 $0x1BF5;
	p2 =	por !p2, p0  }
0x20: {  	[sflag:s8] =	ssyncset.s32 @!p0 $0xFFFFF086;
	s6 =	sadd.s32 @!p0 s3, s7;
	s7 =	simm.s32 @!p0 $0x108  }
0x21: {  	s3 =	sadd.s32 s3, s9;
	s6 =	sadd.s32 @!p0 $0x88, s6;
	s7 =	simm.s32 @p2 $0x1082  }
0x22: {  	[simem:s7], [sflag:s8] =	dma.local @!p0 [hbm:s6], $0xF7A  }
0x23: {  	s9 =	sor.u32 $0xD0000000, s2;
	s6 =	simm.s32 $0x108;
	_ =	swait.ge @!p0 [sflag:s8], $0x0  }
0x24: {  	s3 =	sadd.s32 $0x88, s3;
	s6 =	simm.s32 @!p1 $0x1082;
	[sflag:s4] =	ssyncset.s32 $0xFFFFF086  }
0x25: {  	[simem:s6], [sflag:s4] =	dma.local [hbm:s3], $0xF7A  }
0x26: {  	[smem:$0x3F97] =	sst s1;
	(tag) =	ssettag s2;
	_ =	strace s9  }
0x27: {  	s1 =	sld [smem:$0x3FA7]  }
0x28: {  	s2 =	sld [smem:$0x3FA8]  }
0x29: {  	s4 =	sld [smem:$0x3FAA]  }
0x2a: {  	p0 =	seq.s32 s5, $0x0;
	s5 =	sld [smem:$0x3FAB]  }
0x2b: {  	s6 =	sld [smem:$0x3FAC]  }
0x2c: {  	s7 =	sld [smem:$0x3FAD]  }
0x2d: {  	s3 =	simm.s32 $0x108;
	s8 =	sld [smem:$0x3FAE]  }
0x2e: {  	s3 =	simm.s32 @!p0 $0x1082;
	s9 =	sld [smem:$0x3FAF]  }
0x2f: {  	lr =	sadd.s32 s0, s3;
	s0 =	sld [smem:$0x3FA6]  }
0x30: {  	s3 =	sld [smem:$0x3FA9]  }
0x31: {  	[smem:$0x3FB2] =	sst s10  }
0x32: {  	s10 =	sld [smem:$0x3FB0];
	_ =	sdelay $0x3  }
0x33: {  	p0 =	seq.s32 s10, $0x1;
	s10 =	sld [smem:$0x3FB2];
	_ =	sdelay $0x3  }
0x34: {  	[smem:$0x3FB2] =	sst s10  }
0x35: {  	s10 =	sld [smem:$0x3FB1];
	_ =	sdelay $0x3  }
0x36: {  	p1 =	seq.s32 s10, $0x1;
	s10 =	sld [smem:$0x3FB2];
	_ =	sdelay $0x3  }
0x37: {  	[smem:$0x3FB2] =	sst s10  }
0x38: {  	s10 =	sld [smem:$0x3FB3]  }
0x39: {  	_ = 	snop;
	(pc) =	sbr.ind lr, $3  }
0x3a: {  	_ = 	snop  }
0x3b: {  	_ = 	snop  }
0x3c: {  	p2 =	seq.s32 s10, $0x1;
	s10 =	sld [smem:$0x3FB2]  }
0x3d: {  	_ =	shalt  }
0x3e: {  	_ =	shalt  }
0x3f: {  	_ =	shalt  }
0x40: {  	_ =	shalt  }
0x41: {  	_ =	shalt  }
0x42: {  	_ =	shalt  }
0x43: {  	_ =	shalt  }
0x44: {  	_ =	shalt  }
0x45: {  	_ =	shalt  }
0x46: {  	_ =	shalt  }
0x47: {  	_ =	shalt  }
0x48: {  	_ =	shalt  }
0x49: {  	_ =	shalt  }
0x4a: {  	_ =	shalt  }
0x4b: {  	_ =	shalt  }
0x4c: {  	_ =	shalt  }
0x4d: {  	_ =	shalt  }
0x4e: {  	_ =	shalt  }
0x4f: {  	_ =	shalt  }
0x50: {  	_ =	shalt  }
0x51: {  	_ =	shalt  }
0x52: {  	_ =	shalt  }
0x53: {  	_ =	shalt  }
0x54: {  	_ =	shalt  }
0x55: {  	_ =	shalt  }
0x56: {  	_ =	shalt  }
0x57: {  	_ =	shalt  }
0x58: {  	_ =	shalt  }
0x59: {  	_ =	shalt  }
0x5a: {  	_ =	shalt  }
0x5b: {  	_ =	shalt  }
0x5c: {  	_ =	shalt  }
0x5d: {  	_ =	shalt  }
0x5e: {  	_ =	shalt  }
0x5f: {  	_ =	shalt  }
0x60: {  	_ =	shalt  }
0x61: {  	_ =	shalt  }
0x62: {  	_ =	shalt  }
0x63: {  	_ =	shalt  }
0x64: {  	_ =	shalt  }
0x65: {  	_ =	shalt  }
0x66: {  	_ =	shalt  }
0x67: {  	_ =	shalt  }
0x68: {  	_ =	shalt  }
0x69: {  	_ =	shalt  }
0x6a: {  	_ =	shalt  }
0x6b: {  	_ =	shalt  }
0x6c: {  	_ =	shalt  }
0x6d: {  	_ =	shalt  }
0x6e: {  	_ =	shalt  }
0x6f: {  	_ =	shalt  }
0x70: {  	_ =	shalt  }
0x71: {  	_ =	shalt  }
0x72: {  	_ =	shalt  }
0x73: {  	_ =	shalt  }
0x74: {  	_ =	shalt  }
0x75: {  	_ =	shalt  }
0x76: {  	_ =	shalt  }
0x77: {  	_ =	shalt  }
0x78: {  	_ =	shalt  }
0x79: {  	_ =	shalt  }
0x7a: {  	_ =	shalt  }
0x7b: {  	_ =	shalt  }
0x7c: {  	_ =	shalt  }
0x7d: {  	_ =	shalt  }
0x7e: {  	_ =	shalt  }
0x7f: {  	_ =	shalt  }
0x80: {  	_ =	shalt  }
0x81: {  	_ =	shalt  }
0x82: {  	_ =	shalt  }
0x83: {  	_ =	shalt  }
0x84: {  	_ =	shalt  }
0x85: {  	_ =	shalt  }
0x86: {  	_ =	shalt  }
0x87: {  	_ =	shalt  }
.Lfunc_end0:
.L_simem_size_0:
called_computation.3_lowered:
.L_overlay_start_0:
0x88: {  	s2 =	sld [smem:$0x3FD9]  }
0x89: {  	s3 =	sld [smem:$0x3FFE];
	_ =	sdelay $0x1  }
0x8a: {  	s1 =	srdreg.scid  }
0x8b: {  	s0 =	sand.u32 $0x1, s1  }
0x8c: {  	s16 =	sshll.u32 s0, $0xA;
	s2 =	sadd.s32 s3, s2  }
0x8d: {  	s2 =	sadd.s32 s2, s16  }
0x8e: {  	[smem:$0x3FBE] =	sst s2  }
0x8f: {  	_ = 	snop  }
0x90: {  	(tm) =	ssettm $0x1  }
0x91: {  	s17 =	sld [smem:$0x3FFB];
	_ =	sdelay $0x3  }
0x92: {  	_ =	strace s17  }
0x93: {  	s2 =	sld [smem:$0x3FFC];
	_ =	sdelay $0x3  }
0x94: {  	_ =	strace s2  }
0x95: {  	s2 =	sld [smem:$0x3FFD];
	_ =	sdelay $0x3  }
0x96: {  	_ =	strace s2  }
0x97: {  	_ =	strace $0x8FFFFFFF  }
0x98: {  	s18 =	sld [smem:$0x3FDB];
	_ =	sdelay $0x1  }
0x99: {  	s19 =	simm.s32 $_scs_section_size  }
0x9a: {  	s4 =	simm.s32 $_size__tile_overlayer_lowered;
	s5 =	simm.s32 $_tile_overlayer_lowered  }
0x9b: {  	s22 =	simm.s32 $0x1BFF;
	s21 =	sshll.u32 s5, $0x1;
	s2 =	sadd.s32 s19, s18  }
0x9c: {  	s6 =	simm.s32 $0x0;
	s20 =	sshll.u32 s4, $0x1;
	s4 =	sadd.s32 s21, s2  }
0x9d: {  	[timem:s6], [sflag:s22] =	dma.local [hbm:s4], s20  }
0x9e: {  	_ =	swait.ge [sflag:s22], s20  }
0x9f: {  	s3 =	ssub.s32 $0x0, s20;
	[sflag:s22] =	ssyncset.done $0x0  }
0xa0: {  	[sflag:s22] =	ssyncadd.s32 s3;
	_ =	sdelay $0x1  }
0xa1: {  	s23 =	simm.s32 $0x1B8B  }
0xa2: {  	_ =	swait.ge [sflag:s23], $0x1  }
0xa3: {  	[sflag:s23] =	ssyncset.done $0x0  }
0xa4: {  	s25 =	simm.s32 $0x1B8E;
	s24 =	sld [smem:$0x3FFE];
	[sflag:s23] =	ssyncadd.s32 $0xFFFFFFFF  }
0xa5: {  	s26 =	simm.s32 $execute0_lowered;
	[smem:$0x3FD2] =	sst s25  }
0xa6: {  	s4 =	sshll.u32 s26, $0x1;
	_ =	strace $0x8000004F;
	[dreg:$0x1] =	wrdreg $0xFFFFFFFF  }
0xa7: {  	s28 =	simm.s32 $_size_execute0_lowered;
	s2 =	sadd.s32 s2, s4;
	[dreg:$0x0] =	wrdreg $0x0  }
0xa8: {  	s4 =	sshll.u32 s28, $0x1;
	[dreg:$0x2] =	wrdreg s2  }
0xa9: {  	[dreg:$0x3] =	wrdreg s4  }
0xaa: {  	[dreg:$0x4] =	wrdreg $0xC0  }
0xab: {  	_ =	task [dreg:s6], $0x5FFFF  }
0xac: {  	[dreg:$0x1] =	wrdreg $0xFFFFFFFF  }
0xad: {  	[dreg:$0x0] =	wrdreg $0x60  }
0xae: {  	[dreg:$0x2] =	wrdreg s24  }
0xaf: {  	[dreg:$0x3] =	wrdreg $0xA8000  }
0xb0: {  	[dreg:$0x4] =	wrdreg $0x9  }
0xb1: {  	_ =	task.clear_ibuf [dreg:s6], $0x5FFFF;
	_ =	strace $0x9000004F  }
0xb2: {  	s29 =	simm.s32 $0x9;
	_ =	strace $0x80000051  }
0xb3: {  	_ =	swait.ge [sflag:s29], $0x1  }
0xb4: {  	[sflag:s29] =	ssyncadd.s32 $0xFFFFFFFF  }
0xb5: {  	_ =	strace $0x90000051  }
0xb6: {  	_ =	sfence  }
0xb7: {  	s30 =	sld [smem:$0x0];
	_ =	sdelay $0x2  }
0xb8: {  	s31 =	sshll.u32 s1, $0xD;
	s1 =	sshrl.u32 s1, $0x2  }
0xb9: {  	s3 =	sand.u32 $0x4000, s31;
	s1 =	sadd.s32 s1, s30  }
0xba: {  	s0 =	sor.u32 s3, s0;
	s1 =	sshll.u32 s1, $0x11  }
0xbb: {  	s0 =	sor.u32 s1, s0  }
0xbc: {  	s0 =	sadd.s32 $0x8F2B, s0  }
0xbd: {  	[sflag:s0] =	ssyncadd.remote.s32 $0x1  }
0xbe: {  	_ =	sfence.sel $0xFFFF  }
0xbf: {  	[dreg:$0x0] =	wrdreg $0xFFFFFFFF;
	(pc) =	sbr.abs _section_cstart, $3  }
0xc0: {  	[dreg:$0x1] =	wrdreg $0xFFFFFFFF  }
0xc1: {  	_ =	task.clear_ibuf [dreg:s6], $0x2FFFF;
	_ =	strace $0x9FFFFFFF  }
0xc2: {  	(tm) =	ssettm $0x7FFFFFFF  }
0xc3: {  	_ =	shalt  }
tec
execute0_lowered:
.L_overlay_start_1:
0x0: {  	(tag) =	ssettag $0x1  }
0x1: {  	s9 =	rddreg [dreg:$0x0]  }
0x2: {  	s0 =	stileid.u32;
	s2 =	rddreg [dreg:$0x1];
	s4 =	simm.s32 $0x0  }
0x3: {  	s8 =	srdreg.scid;
	s18 =	simm.s32 $0x1400;
	s19 =	simm.s32 $0x7D  }
0x4: {  	s20 =	simm.s32 $0x2800;
	s21 =	simm.s32 $0x6800;
	s22 =	simm.s32 $0x1  }
0x5: {  	s23 =	simm.s32 $0x2;
	s24 =	simm.s32 $0x1380;
	s25 =	simm.s32 $0x2700  }
0x6: {  	s26 =	simm.s32 $0x2780;
	s28 =	simm.s32 $0x0;
	s3 =	smul.u32 $0x2800, s0  }
0x7: {  	[smem:$0x7FF] =	sst s4;
	s6 =	sadd.s32 $0x3AA00, s9;
	s7 =	sadd.s32 $0x10200, s9  }
0x8: {  	s16 =	sand.u32 $0x1, s8;
	s10 =	smul.u32 $0x50000, s0;
	s8 =	sadd.s32 $0x62A00, s9  }
0x9: {  	s13 =	sshll.u32 s0, $0x6;
	_ =	strace $0x80000050;
	s11 =	ssub.s32 $0x2, s16  }
0xa: {  	p0 =	sne.s32 s16, $0x0;
	s5 =	sshrl.u32 s3, $0x3;
	s12 =	sshrl.u32 s11, $0x1  }
.Ltmp0:
0xb: {  	s10 =	sshrl.u32 s10, $0x2;
	s14 =	sadd.s32 s5, s9;
	(pc) =	sbr.rel .LBB2_1-.Ltmp0, $4  }
0xc: {  	s5 =	sadd.s32 $0x12A00, s9;
	s9 =	sadd.s32 $0x8AA00, s9;
	s15 =	ssub.s32 s11, s12  }
0xd: {  	s17 =	sadd.s32 s10, s2;
	s10 =	sor.u32 $0x1C03, s13;
	s11 =	sadd.s32 $0x6200, s14  }
0xe: {  	s12 =	sadd.s32 $0xB200, s14;
	s13 =	sadd.s32 $0x6480, s14;
	s14 =	sadd.s32 $0xB480, s14  }
0xf: {  	s15 =	smax.u32 s15, $0x1;
	s16 =	sshrl.u32 s17, $0x3;
	s17 =	simm.s32 $0x3  }
.LBB2_11:
0x10: {  	s0 =	sadd.s32 $0x80, s29;
	[sflag:s17] =	ssyncadd.s32 $0xFFFFC180  }
0x11: {  	[tilespmem:s21], [sflag:$0x2] =	stream.indirect.gather [hbm4b:s6+s19], $0x80, s0, s19, $0xb8;
	[tilespmem:$0x1E800] =	vst v63  }
0x12: {  	_ =	swait.ge [sflag:s22], $0x3E80  }
0x13: {  	[sflag:s22] =	ssyncset.done $0x0  }
0x14: {  	s31 =	sadd.s32 $0x1400, s29;
	[sflag:s22] =	ssyncadd.s32 $0xFFFFC180  }
0x15: {  	[spmem:s2] =	stream.indirect.scatter.add.f32 [tilespmem:s20], [sflag:$0x3], $0x80, s31, s19, $0xb8;
	[tilespmem:$0x1E800] =	vst v63  }
0x16: {  	_ =	swait.ge [sflag:s17], $0x3E80  }
0x17: {  	[sflag:s17] =	ssyncset.done $0x0  }
0x18: {  	s1 =	sadd.s32 $0x100, s29;
	[sflag:s17] =	ssyncadd.s32 $0xFFFFC180  }
0x19: {  	[tilespmem:s20], [sflag:$0x1] =	stream.indirect.gather [hbm4b:s6+s19], $0x80, s1, s19, $0xb8;
	[tilespmem:$0x1E800] =	vst v63  }
0x1a: {  	_ =	swait.ge [sflag:s23], $0x3E80  }
0x1b: {  	[sflag:s23] =	ssyncset.done $0x0  }
0x1c: {  	s31 =	sadd.s32 $0x1480, s29;
	[sflag:s23] =	ssyncadd.s32 $0xFFFFC180  }
0x1d: {  	[spmem:s2] =	stream.indirect.scatter.add.f32 [tilespmem:s21], [sflag:$0x3], $0x80, s31, s19, $0xb8;
	[tilespmem:$0x1E800] =	vst v63  }
0x1e: {  	_ =	swait.ge [sflag:s17], $0x3E80  }
0x1f: {  	[sflag:s17] =	ssyncset.done $0x0  }
0x20: {  	s30 =	smov.u32 s6;
	s29 =	smov.u32 s9;
	[sflag:s17] =	ssyncadd.s32 $0xFFFFC180  }
0x21: {  	[tilespmem:s21], [sflag:$0x2] =	stream.indirect.gather [hbm4b:s6+s19], $0x80, s24, s19, $0xb8;
	[tilespmem:$0x1E800] =	vst v63  }
.LBB2_12:
0x22: {  	_ =	swait.ge [sflag:s22], $0x3E80  }
0x23: {  	[sflag:s22] =	ssyncset.done $0x0  }
0x24: {  	[sflag:s22] =	ssyncadd.s32 $0xFFFFC180  }
0x25: {  	[spmem:s2] =	stream.indirect.scatter.add.f32 [tilespmem:s20], [sflag:$0x3], $0x80, s25, s19, $0xb8;
	[tilespmem:$0x1E800] =	vst v63  }
0x26: {  	_ =	swait.ge [sflag:s17], $0x3E80  }
0x27: {  	[sflag:s17] =	ssyncset.done $0x0  }
0x28: {  	[sflag:s17] =	ssyncadd.s32 $0xFFFFC180  }
0x29: {  	[tilespmem:s20], [sflag:$0x1] =	stream.indirect.gather [hbm4b:s30+s19], $0x80, s4, s19, $0xb8;
	[tilespmem:$0x1E800] =	vst v63  }
0x2a: {  	_ =	swait.ge [sflag:s23], $0x3E80  }
0x2b: {  	[sflag:s23] =	ssyncset.done $0x0  }
0x2c: {  	[sflag:s23] =	ssyncadd.s32 $0xFFFFC180  }
0x2d: {  	[spmem:s2] =	stream.indirect.scatter.add.f32 [tilespmem:s21], [sflag:$0x3], $0x80, s26, s19, $0xb8;
	[tilespmem:$0x1E800] =	vst v63  }
0x2e: {  	_ =	swait.ge [sflag:s17], $0x3E80  }
0x2f: {  	[sflag:s17] =	ssyncset.done $0x0  }
0x30: {  	[sflag:s17] =	ssyncadd.s32 $0xFFFFC180  }
0x31: {  	_ =	swait.ge [sflag:s22], $0x3E80  }
0x32: {  	s28 =	sadd.s32 $0x1, s28;
	[sflag:s22] =	ssyncset.done $0x0  }
0x33: {  	p1 =	sne.s32 s28, s15;
	[sflag:s22] =	ssyncadd.s32 $0xFFFFC180  }
.Ltmp1:
0x34: {  	s0 =	sadd.s32 s29, s3;
	[bflag:$0x0] =	sbarrier.arrive $0xFFFF;
	(pc) =	sbr.rel @!p1 .LBB2_13-.Ltmp1, $4  }
0x35: {  	[hbm:s0], [sflag:s10] =	dma.local [spmem:s16], $0x2800  }
0x36: {  	_ =	swait.ge [sflag:s17], $0x2800  }
0x37: {  	[sflag:s17] =	ssyncset.done $0x0  }
0x38: {  	[sflag:s17] =	ssyncadd.s32 $0xFFFFD800  }
.LBB2_1:
0x39: {  	[spmem:s16], [sflag:s10] =	dma.local [hbm:s7], $0x2800  }
0x3a: {  	_ =	swait.ge [sflag:s17], $0x2800  }
0x3b: {  	[sflag:s17] =	ssyncset.done $0x0  }
0x3c: {  	[sflag:s17] =	ssyncadd.s32 $0xFFFFD800  }
0x3d: {  	[bflag:$0x0] =	sbarrier.arrive $0xFFFF  }
0x3e: {  	[tilespmem:s4], [sflag:$0x3] =	stream.linear.gather [hbm4b:s11+s4], $0x1400, $0x38;
	[tilespmem:$0x1E800] =	vst v63  }
0x3f: {  	_ =	swait.ge [sflag:s17], $0x1400  }
0x40: {  	[sflag:s17] =	ssyncset.done $0x0  }
.Ltmp2:
0x41: {  	[sflag:s17] =	ssyncadd.s32 $0xFFFFEC00;
	(pc) =	sbr.rel @p0 .LBB2_7-.Ltmp2, $4  }
0x42: {  	[tilespmem:s18], [sflag:$0x3] =	stream.linear.gather [hbm4b:s12+s4], $0x1400, $0x38;
	[tilespmem:$0x1E800] =	vst v63  }
0x43: {  	_ =	swait.ge [sflag:s17], $0x1400  }
0x44: {  	[sflag:s17] =	ssyncset.done $0x0  }
0x45: {  	[sflag:s17] =	ssyncadd.s32 $0xFFFFEC00  }
0x46: {  	s29 =	simm.s32 $0x0  }
0x47: {  	[tilespmem:s20], [sflag:$0x1] =	stream.indirect.gather [hbm4b:s5+s19], $0x80, s29, s19, $0xb8;
	[tilespmem:$0x1E800] =	vst v63  }
0x48: {  	s29 =	simm.s32 $0x80  }
0x49: {  	[tilespmem:s21], [sflag:$0x2] =	stream.indirect.gather [hbm4b:s5+s19], $0x80, s29, s19, $0xb8;
	[tilespmem:$0x1E800] =	vst v63  }
0x4a: {  	_ =	swait.ge [sflag:s22], $0x3E80  }
0x4b: {  	[sflag:s22] =	ssyncset.done $0x0  }
0x4c: {  	s29 =	simm.s32 $0x1400;
	[sflag:s22] =	ssyncadd.s32 $0xFFFFC180  }
0x4d: {  	[spmem:s2] =	stream.indirect.scatter.add.f32 [tilespmem:s20], [sflag:$0x3], $0x80, s29, s19, $0xb8;
	[tilespmem:$0x1E800] =	vst v63  }
0x4e: {  	_ =	swait.ge [sflag:s17], $0x3E80  }
0x4f: {  	[sflag:s17] =	ssyncset.done $0x0  }
0x50: {  	s29 =	simm.s32 $0x100;
	[sflag:s17] =	ssyncadd.s32 $0xFFFFC180  }
0x51: {  	[tilespmem:s20], [sflag:$0x1] =	stream.indirect.gather [hbm4b:s5+s19], $0x80, s29, s19, $0xb8;
	[tilespmem:$0x1E800] =	vst v63  }
0x52: {  	_ =	swait.ge [sflag:s23], $0x3E80  }
0x53: {  	[sflag:s23] =	ssyncset.done $0x0  }
0x54: {  	s29 =	simm.s32 $0x1480;
	[sflag:s23] =	ssyncadd.s32 $0xFFFFC180  }
0x55: {  	[spmem:s2] =	stream.indirect.scatter.add.f32 [tilespmem:s21], [sflag:$0x3], $0x80, s29, s19, $0xb8;
	[tilespmem:$0x1E800] =	vst v63  }
0x56: {  	_ =	swait.ge [sflag:s17], $0x3E80  }
0x57: {  	s30 =	simm.s32 $0x800;
	s29 =	simm.s32 $0x100;
	[sflag:s17] =	ssyncset.done $0x0  }
.LBB2_3:
0x58: {  	s31 =	sadd.s32 $0x80, s29  }
0x59: {  	[sflag:s17] =	ssyncadd.s32 $0xFFFFC180;
	s1 =	smov.u32 s30;
	s0 =	sadd.s32 $0x400, s30  }
0x5a: {  	[tilespmem:s21], [sflag:$0x2] =	stream.indirect.gather [hbm4b:s5+s19], $0x80, s31, s19, $0xb8;
	[tilespmem:$0x1E800] =	vst v63  }
0x5b: {  	p1 =	sne.s32 s30, $0x4800;
	_ =	swait.ge [sflag:s22], $0x3E80  }
0x5c: {  	[sflag:s22] =	ssyncset.done $0x0  }
0x5d: {  	s30 =	sadd.s32 $0x1400, s29;
	[sflag:s22] =	ssyncadd.s32 $0xFFFFC180  }
0x5e: {  	[spmem:s2] =	stream.indirect.scatter.add.f32 [tilespmem:s20], [sflag:$0x3], $0x80, s30, s19, $0xb8;
	[tilespmem:$0x1E800] =	vst v63  }
0x5f: {  	_ =	swait.ge [sflag:s17], $0x3E80  }
0x60: {  	[sflag:s17] =	ssyncset.done $0x0  }
0x61: {  	s30 =	sadd.s32 $0x100, s29;
	[sflag:s17] =	ssyncadd.s32 $0xFFFFC180  }
0x62: {  	[tilespmem:s20], [sflag:$0x1] =	stream.indirect.gather [hbm4b:s5+s19], $0x80, s30, s19, $0xb8;
	[tilespmem:$0x1E800] =	vst v63  }
0x63: {  	_ =	swait.ge [sflag:s23], $0x3E80  }
.Ltmp3:
0x64: {  	[sflag:s23] =	ssyncset.done $0x0;
	(pc) =	sbr.rel @p1 .LBB2_3-.Ltmp3, $4  }
0x65: {  	s29 =	sadd.s32 $0x1480, s29;
	[sflag:s23] =	ssyncadd.s32 $0xFFFFC180  }
0x66: {  	[spmem:s2] =	stream.indirect.scatter.add.f32 [tilespmem:s21], [sflag:$0x3], $0x80, s29, s19, $0xb8;
	[tilespmem:$0x1E800] =	vst v63  }
0x67: {  	_ =	swait.ge [sflag:s17], $0x3E80  }
0x68: {  	s30 =	smov.u32 s0;
	s29 =	sshra.s32 s1, $0x2;
	[sflag:s17] =	ssyncset.done $0x0  }
0x69: {  	s0 =	sadd.s32 $0x80, s29;
	[sflag:s17] =	ssyncadd.s32 $0xFFFFC180  }
0x6a: {  	[tilespmem:s21], [sflag:$0x2] =	stream.indirect.gather [hbm4b:s5+s19], $0x80, s0, s19, $0xb8;
	[tilespmem:$0x1E800] =	vst v63  }
0x6b: {  	_ =	swait.ge [sflag:s22], $0x3E80  }
0x6c: {  	[sflag:s22] =	ssyncset.done $0x0  }
0x6d: {  	s1 =	sadd.s32 $0x1400, s29;
	[sflag:s22] =	ssyncadd.s32 $0xFFFFC180  }
0x6e: {  	[spmem:s2] =	stream.indirect.scatter.add.f32 [tilespmem:s20], [sflag:$0x3], $0x80, s1, s19, $0xb8;
	[tilespmem:$0x1E800] =	vst v63  }
0x6f: {  	_ =	swait.ge [sflag:s17], $0x3E80  }
0x70: {  	[sflag:s17] =	ssyncset.done $0x0  }
0x71: {  	s31 =	sadd.s32 $0x100, s29;
	[sflag:s17] =	ssyncadd.s32 $0xFFFFC180  }
0x72: {  	[tilespmem:s20], [sflag:$0x1] =	stream.indirect.gather [hbm4b:s5+s19], $0x80, s31, s19, $0xb8;
	[tilespmem:$0x1E800] =	vst v63  }
0x73: {  	_ =	swait.ge [sflag:s23], $0x3E80  }
0x74: {  	[sflag:s23] =	ssyncset.done $0x0  }
0x75: {  	s1 =	sadd.s32 $0x1480, s29;
	[sflag:s23] =	ssyncadd.s32 $0xFFFFC180  }
0x76: {  	[spmem:s2] =	stream.indirect.scatter.add.f32 [tilespmem:s21], [sflag:$0x3], $0x80, s1, s19, $0xb8;
	[tilespmem:$0x1E800] =	vst v63  }
0x77: {  	_ =	swait.ge [sflag:s17], $0x3E80  }
0x78: {  	[sflag:s17] =	ssyncset.done $0x0  }
0x79: {  	[sflag:s17] =	ssyncadd.s32 $0xFFFFC180  }
0x7a: {  	[tilespmem:s21], [sflag:$0x2] =	stream.indirect.gather [hbm4b:s5+s19], $0x80, s24, s19, $0xb8;
	[tilespmem:$0x1E800] =	vst v63  }
0x7b: {  	_ =	swait.ge [sflag:s22], $0x3E80  }
0x7c: {  	[sflag:s22] =	ssyncset.done $0x0  }
0x7d: {  	[sflag:s22] =	ssyncadd.s32 $0xFFFFC180  }
0x7e: {  	[spmem:s2] =	stream.indirect.scatter.add.f32 [tilespmem:s20], [sflag:$0x3], $0x80, s25, s19, $0xb8;
	[tilespmem:$0x1E800] =	vst v63  }
0x7f: {  	_ =	swait.ge [sflag:s17], $0x3E80  }
0x80: {  	[sflag:s17] =	ssyncset.done $0x0  }
0x81: {  	s31 =	simm.s32 $0x0;
	[sflag:s17] =	ssyncadd.s32 $0xFFFFC180  }
0x82: {  	[tilespmem:s20], [sflag:$0x1] =	stream.indirect.gather [hbm4b:s5+s19], $0x80, s31, s19, $0xb8;
	[tilespmem:$0x1E800] =	vst v63  }
0x83: {  	_ =	swait.ge [sflag:s23], $0x3E80  }
0x84: {  	[sflag:s23] =	ssyncset.done $0x0  }
0x85: {  	[sflag:s23] =	ssyncadd.s32 $0xFFFFC180  }
0x86: {  	[spmem:s2] =	stream.indirect.scatter.add.f32 [tilespmem:s21], [sflag:$0x3], $0x80, s26, s19, $0xb8;
	[tilespmem:$0x1E800] =	vst v63  }
0x87: {  	_ =	swait.ge [sflag:s17], $0x3E80  }
0x88: {  	[sflag:s17] =	ssyncset.done $0x0  }
0x89: {  	[sflag:s17] =	ssyncadd.s32 $0xFFFFC180  }
0x8a: {  	_ =	swait.ge [sflag:s22], $0x3E80  }
0x8b: {  	[sflag:s22] =	ssyncset.done $0x0  }
0x8c: {  	[sflag:s22] =	ssyncadd.s32 $0xFFFFC180  }
0x8d: {  	[tilespmem:s31], [sflag:$0x3] =	stream.linear.gather [hbm4b:s13+s31], $0x1400, $0x38;
	[tilespmem:$0x1E800] =	vst v63  }
0x8e: {  	_ =	swait.ge [sflag:s17], $0x1400  }
0x8f: {  	[sflag:s17] =	ssyncset.done $0x0  }
0x90: {  	[sflag:s17] =	ssyncadd.s32 $0xFFFFEC00  }
0x91: {  	[tilespmem:s18], [sflag:$0x3] =	stream.linear.gather [hbm4b:s14+s31], $0x1400, $0x38;
	[tilespmem:$0x1E800] =	vst v63  }
0x92: {  	_ =	swait.ge [sflag:s17], $0x1400  }
0x93: {  	[sflag:s17] =	ssyncset.done $0x0  }
0x94: {  	[sflag:s17] =	ssyncadd.s32 $0xFFFFEC00  }
0x95: {  	[tilespmem:s20], [sflag:$0x1] =	stream.indirect.gather [hbm4b:s5+s19], $0x80, s31, s19, $0xb8;
	[tilespmem:$0x1E800] =	vst v63  }
0x96: {  	s1 =	simm.s32 $0x80  }
0x97: {  	[tilespmem:s21], [sflag:$0x2] =	stream.indirect.gather [hbm4b:s5+s19], $0x80, s1, s19, $0xb8;
	[tilespmem:$0x1E800] =	vst v63  }
0x98: {  	_ =	swait.ge [sflag:s22], $0x3E80  }
0x99: {  	[sflag:s22] =	ssyncset.done $0x0  }
0x9a: {  	s31 =	simm.s32 $0x1400;
	[sflag:s22] =	ssyncadd.s32 $0xFFFFC180  }
0x9b: {  	[spmem:s2] =	stream.indirect.scatter.add.f32 [tilespmem:s20], [sflag:$0x3], $0x80, s31, s19, $0xb8;
	[tilespmem:$0x1E800] =	vst v63  }
0x9c: {  	_ =	swait.ge [sflag:s17], $0x3E80  }
0x9d: {  	[sflag:s17] =	ssyncset.done $0x0  }
0x9e: {  	s1 =	simm.s32 $0x100;
	[sflag:s17] =	ssyncadd.s32 $0xFFFFC180  }
0x9f: {  	[tilespmem:s20], [sflag:$0x1] =	stream.indirect.gather [hbm4b:s5+s19], $0x80, s1, s19, $0xb8;
	[tilespmem:$0x1E800] =	vst v63  }
0xa0: {  	_ =	swait.ge [sflag:s23], $0x3E80  }
0xa1: {  	[sflag:s23] =	ssyncset.done $0x0  }
0xa2: {  	s31 =	simm.s32 $0x1480;
	[sflag:s23] =	ssyncadd.s32 $0xFFFFC180  }
0xa3: {  	[spmem:s2] =	stream.indirect.scatter.add.f32 [tilespmem:s21], [sflag:$0x3], $0x80, s31, s19, $0xb8;
	[tilespmem:$0x1E800] =	vst v63  }
0xa4: {  	_ =	swait.ge [sflag:s17], $0x3E80  }
0xa5: {  	s30 =	simm.s32 $0x800;
	s29 =	simm.s32 $0x100;
	[sflag:s17] =	ssyncset.done $0x0  }
.LBB2_5:
0xa6: {  	s0 =	sadd.s32 $0x80, s29  }
0xa7: {  	[sflag:s17] =	ssyncadd.s32 $0xFFFFC180;
	s1 =	smov.u32 s30;
	s31 =	sadd.s32 $0x400, s30  }
0xa8: {  	[tilespmem:s21], [sflag:$0x2] =	stream.indirect.gather [hbm4b:s5+s19], $0x80, s0, s19, $0xb8;
	[tilespmem:$0x1E800] =	vst v63  }
0xa9: {  	p1 =	sne.s32 s30, $0x4800;
	_ =	swait.ge [sflag:s22], $0x3E80  }
0xaa: {  	[sflag:s22] =	ssyncset.done $0x0  }
0xab: {  	s0 =	sadd.s32 $0x1400, s29;
	[sflag:s22] =	ssyncadd.s32 $0xFFFFC180  }
0xac: {  	[spmem:s2] =	stream.indirect.scatter.add.f32 [tilespmem:s20], [sflag:$0x3], $0x80, s0, s19, $0xb8;
	[tilespmem:$0x1E800] =	vst v63  }
0xad: {  	_ =	swait.ge [sflag:s17], $0x3E80  }
0xae: {  	[sflag:s17] =	ssyncset.done $0x0  }
0xaf: {  	s0 =	sadd.s32 $0x100, s29;
	[sflag:s17] =	ssyncadd.s32 $0xFFFFC180  }
0xb0: {  	[tilespmem:s20], [sflag:$0x1] =	stream.indirect.gather [hbm4b:s5+s19], $0x80, s0, s19, $0xb8;
	[tilespmem:$0x1E800] =	vst v63  }
0xb1: {  	_ =	swait.ge [sflag:s23], $0x3E80  }
.Ltmp4:
0xb2: {  	[sflag:s23] =	ssyncset.done $0x0;
	(pc) =	sbr.rel @p1 .LBB2_5-.Ltmp4, $4  }
0xb3: {  	s0 =	sadd.s32 $0x1480, s29;
	[sflag:s23] =	ssyncadd.s32 $0xFFFFC180  }
0xb4: {  	[spmem:s2] =	stream.indirect.scatter.add.f32 [tilespmem:s21], [sflag:$0x3], $0x80, s0, s19, $0xb8;
	[tilespmem:$0x1E800] =	vst v63  }
0xb5: {  	_ =	swait.ge [sflag:s17], $0x3E80  }
0xb6: {  	s30 =	smov.u32 s31;
	s29 =	sshra.s32 s1, $0x2;
	[sflag:s17] =	ssyncset.done $0x0  }
0xb7: {  	s0 =	sadd.s32 $0x80, s29;
	[sflag:s17] =	ssyncadd.s32 $0xFFFFC180  }
0xb8: {  	[tilespmem:s21], [sflag:$0x2] =	stream.indirect.gather [hbm4b:s5+s19], $0x80, s0, s19, $0xb8;
	[tilespmem:$0x1E800] =	vst v63  }
0xb9: {  	_ =	swait.ge [sflag:s22], $0x3E80  }
0xba: {  	[sflag:s22] =	ssyncset.done $0x0  }
0xbb: {  	s31 =	sadd.s32 $0x1400, s29;
	[sflag:s22] =	ssyncadd.s32 $0xFFFFC180  }
0xbc: {  	[spmem:s2] =	stream.indirect.scatter.add.f32 [tilespmem:s20], [sflag:$0x3], $0x80, s31, s19, $0xb8;
	[tilespmem:$0x1E800] =	vst v63  }
0xbd: {  	_ =	swait.ge [sflag:s17], $0x3E80  }
0xbe: {  	[sflag:s17] =	ssyncset.done $0x0  }
0xbf: {  	s1 =	sadd.s32 $0x100, s29;
	[sflag:s17] =	ssyncadd.s32 $0xFFFFC180  }
0xc0: {  	[tilespmem:s20], [sflag:$0x1] =	stream.indirect.gather [hbm4b:s5+s19], $0x80, s1, s19, $0xb8;
	[tilespmem:$0x1E800] =	vst v63  }
0xc1: {  	_ =	swait.ge [sflag:s23], $0x3E80  }
0xc2: {  	[sflag:s23] =	ssyncset.done $0x0  }
0xc3: {  	s31 =	sadd.s32 $0x1480, s29;
	[sflag:s23] =	ssyncadd.s32 $0xFFFFC180  }
0xc4: {  	[spmem:s2] =	stream.indirect.scatter.add.f32 [tilespmem:s21], [sflag:$0x3], $0x80, s31, s19, $0xb8;
	[tilespmem:$0x1E800] =	vst v63  }
.Ltmp5:
0xc5: {  	_ = 	snop;
	(pc) =	sbr.rel .LBB2_12-.Ltmp5, $4  }
0xc6: {  	_ =	swait.ge [sflag:s17], $0x3E80  }
0xc7: {  	[sflag:s17] =	ssyncset.done $0x0  }
0xc8: {  	s30 =	smov.u32 s5;
	s29 =	smov.u32 s8;
	[sflag:s17] =	ssyncadd.s32 $0xFFFFC180  }
0xc9: {  	[tilespmem:s21], [sflag:$0x2] =	stream.indirect.gather [hbm4b:s5+s19], $0x80, s24, s19, $0xb8;
	[tilespmem:$0x1E800] =	vst v63  }
.LBB2_7:
0xca: {  	s0 =	simm.s32 $0x0  }
0xcb: {  	[tilespmem:s20], [sflag:$0x1] =	stream.indirect.gather [hbm4b:s6+s19], $0x80, s0, s19, $0xb8;
	[tilespmem:$0x1E800] =	vst v63  }
0xcc: {  	s1 =	simm.s32 $0x80  }
0xcd: {  	[tilespmem:s21], [sflag:$0x2] =	stream.indirect.gather [hbm4b:s6+s19], $0x80, s1, s19, $0xb8;
	[tilespmem:$0x1E800] =	vst v63  }
0xce: {  	_ =	swait.ge [sflag:s22], $0x3E80  }
0xcf: {  	[sflag:s22] =	ssyncset.done $0x0  }
0xd0: {  	s31 =	simm.s32 $0x1400;
	[sflag:s22] =	ssyncadd.s32 $0xFFFFC180  }
0xd1: {  	[spmem:s2] =	stream.indirect.scatter.add.f32 [tilespmem:s20], [sflag:$0x3], $0x80, s31, s19, $0xb8;
	[tilespmem:$0x1E800] =	vst v63  }
0xd2: {  	_ =	swait.ge [sflag:s17], $0x3E80  }
0xd3: {  	[sflag:s17] =	ssyncset.done $0x0  }
0xd4: {  	s1 =	simm.s32 $0x100;
	[sflag:s17] =	ssyncadd.s32 $0xFFFFC180  }
0xd5: {  	[tilespmem:s20], [sflag:$0x1] =	stream.indirect.gather [hbm4b:s6+s19], $0x80, s1, s19, $0xb8;
	[tilespmem:$0x1E800] =	vst v63  }
0xd6: {  	_ =	swait.ge [sflag:s23], $0x3E80  }
0xd7: {  	[sflag:s23] =	ssyncset.done $0x0  }
0xd8: {  	s31 =	simm.s32 $0x1480;
	[sflag:s23] =	ssyncadd.s32 $0xFFFFC180  }
0xd9: {  	[spmem:s2] =	stream.indirect.scatter.add.f32 [tilespmem:s21], [sflag:$0x3], $0x80, s31, s19, $0xb8;
	[tilespmem:$0x1E800] =	vst v63  }
0xda: {  	_ =	swait.ge [sflag:s17], $0x3E80  }
0xdb: {  	s30 =	simm.s32 $0x800;
	s29 =	simm.s32 $0x100;
	[sflag:s17] =	ssyncset.done $0x0  }
.LBB2_8:
0xdc: {  	s0 =	sadd.s32 $0x80, s29  }
0xdd: {  	[sflag:s17] =	ssyncadd.s32 $0xFFFFC180;
	s1 =	smov.u32 s30;
	s31 =	sadd.s32 $0x400, s30  }
0xde: {  	[tilespmem:s21], [sflag:$0x2] =	stream.indirect.gather [hbm4b:s6+s19], $0x80, s0, s19, $0xb8;
	[tilespmem:$0x1E800] =	vst v63  }
0xdf: {  	p1 =	sne.s32 s30, $0x4800;
	_ =	swait.ge [sflag:s22], $0x3E80  }
0xe0: {  	[sflag:s22] =	ssyncset.done $0x0  }
0xe1: {  	s0 =	sadd.s32 $0x1400, s29;
	[sflag:s22] =	ssyncadd.s32 $0xFFFFC180  }
0xe2: {  	[spmem:s2] =	stream.indirect.scatter.add.f32 [tilespmem:s20], [sflag:$0x3], $0x80, s0, s19, $0xb8;
	[tilespmem:$0x1E800] =	vst v63  }
0xe3: {  	_ =	swait.ge [sflag:s17], $0x3E80  }
0xe4: {  	[sflag:s17] =	ssyncset.done $0x0  }
0xe5: {  	s0 =	sadd.s32 $0x100, s29;
	[sflag:s17] =	ssyncadd.s32 $0xFFFFC180  }
0xe6: {  	[tilespmem:s20], [sflag:$0x1] =	stream.indirect.gather [hbm4b:s6+s19], $0x80, s0, s19, $0xb8;
	[tilespmem:$0x1E800] =	vst v63  }
0xe7: {  	_ =	swait.ge [sflag:s23], $0x3E80  }
.Ltmp6:
0xe8: {  	[sflag:s23] =	ssyncset.done $0x0;
	(pc) =	sbr.rel @p1 .LBB2_8-.Ltmp6, $4  }
0xe9: {  	s0 =	sadd.s32 $0x1480, s29;
	[sflag:s23] =	ssyncadd.s32 $0xFFFFC180  }
0xea: {  	[spmem:s2] =	stream.indirect.scatter.add.f32 [tilespmem:s21], [sflag:$0x3], $0x80, s0, s19, $0xb8;
	[tilespmem:$0x1E800] =	vst v63  }
0xeb: {  	_ =	swait.ge [sflag:s17], $0x3E80  }
0xec: {  	s30 =	smov.u32 s31;
	s29 =	sshra.s32 s1, $0x2;
	[sflag:s17] =	ssyncset.done $0x0  }
0xed: {  	s0 =	sadd.s32 $0x80, s29;
	[sflag:s17] =	ssyncadd.s32 $0xFFFFC180  }
0xee: {  	[tilespmem:s21], [sflag:$0x2] =	stream.indirect.gather [hbm4b:s6+s19], $0x80, s0, s19, $0xb8;
	[tilespmem:$0x1E800] =	vst v63  }
0xef: {  	_ =	swait.ge [sflag:s22], $0x3E80  }
0xf0: {  	[sflag:s22] =	ssyncset.done $0x0  }
0xf1: {  	s1 =	sadd.s32 $0x1400, s29;
	[sflag:s22] =	ssyncadd.s32 $0xFFFFC180  }
0xf2: {  	[spmem:s2] =	stream.indirect.scatter.add.f32 [tilespmem:s20], [sflag:$0x3], $0x80, s1, s19, $0xb8;
	[tilespmem:$0x1E800] =	vst v63  }
0xf3: {  	_ =	swait.ge [sflag:s17], $0x3E80  }
0xf4: {  	[sflag:s17] =	ssyncset.done $0x0  }
0xf5: {  	s31 =	sadd.s32 $0x100, s29;
	[sflag:s17] =	ssyncadd.s32 $0xFFFFC180  }
0xf6: {  	[tilespmem:s20], [sflag:$0x1] =	stream.indirect.gather [hbm4b:s6+s19], $0x80, s31, s19, $0xb8;
	[tilespmem:$0x1E800] =	vst v63  }
0xf7: {  	_ =	swait.ge [sflag:s23], $0x3E80  }
0xf8: {  	[sflag:s23] =	ssyncset.done $0x0  }
0xf9: {  	s1 =	sadd.s32 $0x1480, s29;
	[sflag:s23] =	ssyncadd.s32 $0xFFFFC180  }
0xfa: {  	[spmem:s2] =	stream.indirect.scatter.add.f32 [tilespmem:s21], [sflag:$0x3], $0x80, s1, s19, $0xb8;
	[tilespmem:$0x1E800] =	vst v63  }
0xfb: {  	_ =	swait.ge [sflag:s17], $0x3E80  }
0xfc: {  	[sflag:s17] =	ssyncset.done $0x0  }
0xfd: {  	[sflag:s17] =	ssyncadd.s32 $0xFFFFC180  }
0xfe: {  	[tilespmem:s21], [sflag:$0x2] =	stream.indirect.gather [hbm4b:s6+s19], $0x80, s24, s19, $0xb8;
	[tilespmem:$0x1E800] =	vst v63  }
0xff: {  	_ =	swait.ge [sflag:s22], $0x3E80  }
0x100: {  	[sflag:s22] =	ssyncset.done $0x0  }
0x101: {  	[sflag:s22] =	ssyncadd.s32 $0xFFFFC180  }
0x102: {  	[spmem:s2] =	stream.indirect.scatter.add.f32 [tilespmem:s20], [sflag:$0x3], $0x80, s25, s19, $0xb8;
	[tilespmem:$0x1E800] =	vst v63  }
0x103: {  	_ =	swait.ge [sflag:s17], $0x3E80  }
0x104: {  	[sflag:s17] =	ssyncset.done $0x0  }
0x105: {  	s31 =	simm.s32 $0x0;
	[sflag:s17] =	ssyncadd.s32 $0xFFFFC180  }
0x106: {  	[tilespmem:s20], [sflag:$0x1] =	stream.indirect.gather [hbm4b:s6+s19], $0x80, s31, s19, $0xb8;
	[tilespmem:$0x1E800] =	vst v63  }
0x107: {  	_ =	swait.ge [sflag:s23], $0x3E80  }
0x108: {  	[sflag:s23] =	ssyncset.done $0x0  }
0x109: {  	[sflag:s23] =	ssyncadd.s32 $0xFFFFC180  }
0x10a: {  	[spmem:s2] =	stream.indirect.scatter.add.f32 [tilespmem:s21], [sflag:$0x3], $0x80, s26, s19, $0xb8;
	[tilespmem:$0x1E800] =	vst v63  }
0x10b: {  	_ =	swait.ge [sflag:s17], $0x3E80  }
0x10c: {  	[sflag:s17] =	ssyncset.done $0x0  }
0x10d: {  	[sflag:s17] =	ssyncadd.s32 $0xFFFFC180  }
0x10e: {  	_ =	swait.ge [sflag:s22], $0x3E80  }
0x10f: {  	[sflag:s22] =	ssyncset.done $0x0  }
0x110: {  	[sflag:s22] =	ssyncadd.s32 $0xFFFFC180  }
0x111: {  	[tilespmem:s31], [sflag:$0x3] =	stream.linear.gather [hbm4b:s13+s31], $0x1400, $0x38;
	[tilespmem:$0x1E800] =	vst v63  }
0x112: {  	_ =	swait.ge [sflag:s17], $0x1400  }
0x113: {  	[sflag:s17] =	ssyncset.done $0x0  }
0x114: {  	[sflag:s17] =	ssyncadd.s32 $0xFFFFEC00  }
0x115: {  	[tilespmem:s18], [sflag:$0x3] =	stream.linear.gather [hbm4b:s14+s31], $0x1400, $0x38;
	[tilespmem:$0x1E800] =	vst v63  }
0x116: {  	_ =	swait.ge [sflag:s17], $0x1400  }
0x117: {  	[sflag:s17] =	ssyncset.done $0x0  }
0x118: {  	[sflag:s17] =	ssyncadd.s32 $0xFFFFEC00  }
0x119: {  	[tilespmem:s20], [sflag:$0x1] =	stream.indirect.gather [hbm4b:s6+s19], $0x80, s31, s19, $0xb8;
	[tilespmem:$0x1E800] =	vst v63  }
0x11a: {  	s1 =	simm.s32 $0x80  }
0x11b: {  	[tilespmem:s21], [sflag:$0x2] =	stream.indirect.gather [hbm4b:s6+s19], $0x80, s1, s19, $0xb8;
	[tilespmem:$0x1E800] =	vst v63  }
0x11c: {  	_ =	swait.ge [sflag:s22], $0x3E80  }
0x11d: {  	[sflag:s22] =	ssyncset.done $0x0  }
0x11e: {  	s31 =	simm.s32 $0x1400;
	[sflag:s22] =	ssyncadd.s32 $0xFFFFC180  }
0x11f: {  	[spmem:s2] =	stream.indirect.scatter.add.f32 [tilespmem:s20], [sflag:$0x3], $0x80, s31, s19, $0xb8;
	[tilespmem:$0x1E800] =	vst v63  }
0x120: {  	_ =	swait.ge [sflag:s17], $0x3E80  }
0x121: {  	[sflag:s17] =	ssyncset.done $0x0  }
0x122: {  	s1 =	simm.s32 $0x100;
	[sflag:s17] =	ssyncadd.s32 $0xFFFFC180  }
0x123: {  	[tilespmem:s20], [sflag:$0x1] =	stream.indirect.gather [hbm4b:s6+s19], $0x80, s1, s19, $0xb8;
	[tilespmem:$0x1E800] =	vst v63  }
0x124: {  	_ =	swait.ge [sflag:s23], $0x3E80  }
0x125: {  	[sflag:s23] =	ssyncset.done $0x0  }
0x126: {  	s31 =	simm.s32 $0x1480;
	[sflag:s23] =	ssyncadd.s32 $0xFFFFC180  }
0x127: {  	[spmem:s2] =	stream.indirect.scatter.add.f32 [tilespmem:s21], [sflag:$0x3], $0x80, s31, s19, $0xb8;
	[tilespmem:$0x1E800] =	vst v63  }
0x128: {  	_ =	swait.ge [sflag:s17], $0x3E80  }
0x129: {  	s30 =	simm.s32 $0x800;
	s29 =	simm.s32 $0x100;
	[sflag:s17] =	ssyncset.done $0x0  }
.LBB2_10:
0x12a: {  	s0 =	sadd.s32 $0x80, s29  }
0x12b: {  	[sflag:s17] =	ssyncadd.s32 $0xFFFFC180;
	s1 =	smov.u32 s30;
	s31 =	sadd.s32 $0x400, s30  }
0x12c: {  	[tilespmem:s21], [sflag:$0x2] =	stream.indirect.gather [hbm4b:s6+s19], $0x80, s0, s19, $0xb8;
	[tilespmem:$0x1E800] =	vst v63  }
0x12d: {  	p1 =	sne.s32 s30, $0x4800;
	_ =	swait.ge [sflag:s22], $0x3E80  }
0x12e: {  	[sflag:s22] =	ssyncset.done $0x0  }
0x12f: {  	s0 =	sadd.s32 $0x1400, s29;
	[sflag:s22] =	ssyncadd.s32 $0xFFFFC180  }
0x130: {  	[spmem:s2] =	stream.indirect.scatter.add.f32 [tilespmem:s20], [sflag:$0x3], $0x80, s0, s19, $0xb8;
	[tilespmem:$0x1E800] =	vst v63  }
0x131: {  	_ =	swait.ge [sflag:s17], $0x3E80  }
0x132: {  	[sflag:s17] =	ssyncset.done $0x0  }
0x133: {  	s0 =	sadd.s32 $0x100, s29;
	[sflag:s17] =	ssyncadd.s32 $0xFFFFC180  }
0x134: {  	[tilespmem:s20], [sflag:$0x1] =	stream.indirect.gather [hbm4b:s6+s19], $0x80, s0, s19, $0xb8;
	[tilespmem:$0x1E800] =	vst v63  }
0x135: {  	_ =	swait.ge [sflag:s23], $0x3E80  }
.Ltmp7:
0x136: {  	[sflag:s23] =	ssyncset.done $0x0;
	(pc) =	sbr.rel @p1 .LBB2_10-.Ltmp7, $4  }
0x137: {  	s0 =	sadd.s32 $0x1480, s29;
	[sflag:s23] =	ssyncadd.s32 $0xFFFFC180  }
0x138: {  	[spmem:s2] =	stream.indirect.scatter.add.f32 [tilespmem:s21], [sflag:$0x3], $0x80, s0, s19, $0xb8;
	[tilespmem:$0x1E800] =	vst v63  }
0x139: {  	_ =	swait.ge [sflag:s17], $0x3E80  }
0x13a: {  	s30 =	smov.u32 s31;
	s29 =	sshra.s32 s1, $0x2;
	[sflag:s17] =	ssyncset.done $0x0  }
.Ltmp8:
0x13b: {  	_ = 	snop;
	(pc) =	sbr.rel .LBB2_11-.Ltmp8, $1  }
0x13c: {  	_ =	sdelay $0x3  }
.LBB2_13:
0x13d: {  	_ =	sfence.sel $0x180000  }
0x13e: {  	[bflag:$0x0] =	sbarrier.arrive $0xFFFF  }
0x13f: {  	_ =	strace $0x90000050  }
0x140: {  	s0 =	stileid.u32;
	[bflag:$0x2] =	sbarrier.arrive $0xFFFF  }
0x141: {  	p0 =	sne.s32 s0, $0x0;
	s0 =	rddreg [dreg:$0x2]  }
0x142: {  	s0 =	sadd.s32 @!p0 $0x100000, s0  }
0x143: {  	[sflag:s0] =	ssyncadd.tile.s32 @!p0 $0x1;
	_ =	shalt  }
.Lfunc_end2:
_tile_overlayer_lowered:
.L_overlay_start_2:
0x144: {  	(tag) =	ssettag $0x2  }
0x145: {  	s0 =	rddreg [dreg:$0x0];
	s2 =	stileid.u32  }
0x146: {  	s1 =	rddreg [dreg:$0x1];
	p0 =	sne.s32 s2, $0x0  }
0x147: {  	s3 =	rddreg [dreg:$0x2];
	[bflag:$0x3] =	sbarrier.arrive $0xFFFF;
	s2 =	simm.s32 @!p0 $0x1C03  }
0x148: {  	[timem:s3], [sflag:s2] =	dma.local @!p0 [hbm:s0], s1  }
0x149: {  	s0 =	simm.s32 @!p0 $0x3  }
0x14a: {  	_ =	swait.ge @!p0 [sflag:s0], s1  }
0x14b: {  	s1 =	ssub.s32 @!p0 $0x0, s1;
	[sflag:s0] =	ssyncset.done @!p0 $0x0  }
0x14c: {  	[sflag:s0] =	ssyncadd.s32 @!p0 s1  }
0x14d: {  	[bflag:$0x3] =	sbarrier.arrive $0xFFFF  }
0x14e: {  	_ =	shalt  }

</sc_bundles>
